<compile_context>
chip_gen: v7x
topology: tpu7x:2x2x1
jax: 0.10.2.dev20260603
libtpu: 0.0.44.dev20260713+nightly
codegen_flags: <defaults>
</compile_context>

<pallas_src>
import jax
import jax.numpy as jnp
from jax import lax
from jax.experimental import pallas as pl
from jax.experimental.pallas import tpu as pltpu
from jax.experimental.pallas import tpu_sc as plsc

N0 = 20000
N1 = 20000
D = 128
E = 320000
OUT = 128

NC = 2
NS = 16
HALF = N0 // NC
ACC_ROWS = HALF + 8
RCH = 80
NCH = HALF // RCH
EB = 128
NB = 160
SEG = 32
EPT = NB * EB
EPAD = NS * EPT


NB1 = EPAD // (NC * NS * EB)


def _spill_body(x_hbm, src_hbm, spill_hbm, src_v, buf0, buf1, g0, g1, s0, s1):
    c = lax.axis_index("c")
    s = lax.axis_index("s")
    row0 = (c * NS + s) * NB1 * EB

    pltpu.sync_copy(src_hbm.at[c, s], src_v)
    pltpu.async_copy(x_hbm.at[src_v.at[0]], buf0, g0)

    @pl.loop(0, NB1 // 2)
    def _(h):
        b0 = 2 * h
        b1 = b0 + 1
        pltpu.make_async_copy(x_hbm.at[src_v.at[b0]], buf0, g0).wait()

        @pl.when(h >= 1)
        def _():
            pltpu.make_async_copy(
                buf1, spill_hbm.at[pl.ds(row0 + (b1 - 2) * EB, EB)],
                s1).wait()

        pltpu.async_copy(x_hbm.at[src_v.at[b1]], buf1, g1)
        pltpu.async_copy(buf0, spill_hbm.at[pl.ds(row0 + b0 * EB, EB)], s0)
        pltpu.make_async_copy(x_hbm.at[src_v.at[b1]], buf1, g1).wait()
        pltpu.make_async_copy(buf0, spill_hbm.at[pl.ds(row0 + b0 * EB, EB)],
                              s0).wait()

        @pl.when(h + 1 < NB1 // 2)
        def _():
            pltpu.async_copy(x_hbm.at[src_v.at[b0 + 2]], buf0, g0)

        pltpu.async_copy(buf1, spill_hbm.at[pl.ds(row0 + b1 * EB, EB)], s1)

    pltpu.make_async_copy(
        buf1, spill_hbm.at[pl.ds(row0 + (NB1 - 1) * EB, EB)], s1).wait()


def _reduce_body(spill_hbm, dst_hbm, out_hbm,
                 acc, off_v, buf0, buf1, g0, g1, s0, s1):
    c = lax.axis_index("c")
    s = lax.axis_index("s")
    base = c * HALF
    row0 = s * NB * EB

    zero16 = jnp.zeros((16,), jnp.float32)

    @pl.loop(0, EB)
    def _(i):
        for j in range(8):
            buf0[i, pl.ds(j * 16, 16)] = zero16

    @pl.loop(0, 8)
    def _(k):
        cid = s + k * NS

        @pl.when(cid < NCH)
        def _():
            pltpu.sync_copy(buf0.at[pl.ds(0, RCH)],
                            acc.at[pl.ds(cid * RCH, RCH)])

    plsc.subcore_barrier()

    @pl.loop(0, NB // SEG)
    def _(seg):
        pltpu.sync_copy(dst_hbm.at[s, pl.ds(seg * SEG, SEG)], off_v)

        @pl.loop(0, SEG)
        def _(i):
            for j in range(8):
                d = off_v[i, pl.ds(j * 16, 16)]
                off = d - base
                ok = (off >= 0) & (off < HALF)
                off_v[i, pl.ds(j * 16, 16)] = jnp.where(ok, off, HALF)

        sbase = row0 + seg * SEG * EB
        pltpu.async_copy(spill_hbm.at[pl.ds(sbase, EB)], buf0, g0)

        @pl.loop(0, SEG // 2)
        def _(h):
            b0 = 2 * h
            b1 = b0 + 1
            pltpu.make_async_copy(spill_hbm.at[pl.ds(sbase + b0 * EB, EB)],
                                  buf0, g0).wait()

            @pl.when(h >= 1)
            def _():
                pltpu.make_async_copy(buf1, acc.at[off_v.at[b1 - 2]],
                                      s1).wait()

            pltpu.async_copy(spill_hbm.at[pl.ds(sbase + b1 * EB, EB)],
                             buf1, g1)
            pltpu.async_copy(buf0, acc.at[off_v.at[b0]], s0, add=True)
            pltpu.make_async_copy(spill_hbm.at[pl.ds(sbase + b1 * EB, EB)],
                                  buf1, g1).wait()
            pltpu.make_async_copy(buf0, acc.at[off_v.at[b0]], s0).wait()

            @pl.when(h + 1 < SEG // 2)
            def _():
                pltpu.async_copy(spill_hbm.at[pl.ds(sbase + (b0 + 2) * EB,
                                                    EB)], buf0, g0)

            pltpu.async_copy(buf1, acc.at[off_v.at[b1]], s1, add=True)

        pltpu.make_async_copy(buf1, acc.at[off_v.at[SEG - 1]], s1).wait()

    plsc.subcore_barrier()

    @pl.loop(0, 8)
    def _(k):
        cid = s + k * NS

        @pl.when(cid < NCH)
        def _():
            pltpu.sync_copy(acc.at[pl.ds(cid * RCH, RCH)],
                            buf0.at[pl.ds(0, RCH)])
            pltpu.sync_copy(buf0.at[pl.ds(0, RCH)],
                            out_hbm.at[pl.ds(base + cid * RCH, RCH)])


def _seg_sum(x, src4, dst3, n_dst):
    mesh = plsc.VectorSubcoreMesh(core_axis_name="c", subcore_axis_name="s",
                                  num_cores=NC, num_subcores=NS)
    spill = pl.kernel(
        _spill_body,
        out_type=jax.ShapeDtypeStruct((EPAD, D), jnp.float32),
        mesh=mesh,
        scratch_types=[
            pltpu.VMEM((NB1, EB), jnp.int32),
            pltpu.VMEM((EB, D), jnp.float32),
            pltpu.VMEM((EB, D), jnp.float32),
            pltpu.SemaphoreType.DMA,
            pltpu.SemaphoreType.DMA,
            pltpu.SemaphoreType.DMA,
            pltpu.SemaphoreType.DMA,
        ],
    )(x, src4)
    return pl.kernel(
        _reduce_body,
        out_type=jax.ShapeDtypeStruct((n_dst, D), jnp.float32),
        mesh=mesh,
        scratch_types=[
            pltpu.VMEM_SHARED((ACC_ROWS, D), jnp.float32),
            pltpu.VMEM((SEG, EB), jnp.int32),
            pltpu.VMEM((EB, D), jnp.float32),
            pltpu.VMEM((EB, D), jnp.float32),
            pltpu.SemaphoreType.DMA,
            pltpu.SemaphoreType.DMA,
            pltpu.SemaphoreType.DMA,
            pltpu.SemaphoreType.DMA,
        ],
    )(spill, dst3)


BR = 2000
NBLK = N0 // BR


def _conv_relu_body(agg_ref, x_ref, wr_ref, b_ref, wo_ref, o_ref):
    y = (jnp.dot(agg_ref[...], wr_ref[...], preferred_element_type=jnp.float32)
         + jnp.dot(x_ref[...], wo_ref[...], preferred_element_type=jnp.float32)
         + b_ref[...])
    o_ref[...] = jnp.maximum(y, 0.0)


def _conv_relu(agg, x, w_rel, b, w_root):
    return pl.pallas_call(
        _conv_relu_body,
        grid=(NBLK,),
        in_specs=[
            pl.BlockSpec((BR, D), lambda i: (i, 0)),
            pl.BlockSpec((BR, D), lambda i: (i, 0)),
            pl.BlockSpec((D, OUT), lambda i: (0, 0)),
            pl.BlockSpec((1, OUT), lambda i: (0, 0)),
            pl.BlockSpec((D, OUT), lambda i: (0, 0)),
        ],
        out_specs=pl.BlockSpec((BR, OUT), lambda i: (i, 0)),
        out_shape=jax.ShapeDtypeStruct((N0, OUT), jnp.float32),
    )(agg, x, w_rel, b.reshape(1, OUT), w_root)


def _conv_loss_body(agg_ref, h_ref, wr_ref, b_ref, wo_ref, y_ref, o_ref):
    g = (jnp.dot(agg_ref[...], wr_ref[...], preferred_element_type=jnp.float32)
         + jnp.dot(h_ref[...], wo_ref[...], preferred_element_type=jnp.float32)
         + b_ref[...])
    m = jnp.max(g, axis=1, keepdims=True)
    lse = m[:, 0] + jnp.log(jnp.sum(jnp.exp(g - m), axis=1))
    yv = y_ref[0, 0, :]
    onehot = lax.broadcasted_iota(jnp.int32, (BR, OUT), 1) == yv[:, None]
    ylogit = jnp.sum(jnp.where(onehot, g, 0.0), axis=1)
    partial = jnp.sum(lse - ylogit)

    @pl.when(pl.program_id(0) == 0)
    def _():
        o_ref[...] = jnp.zeros((1, 1), jnp.float32)

    o_ref[...] += jnp.full((1, 1), partial * (1.0 / N0), jnp.float32)


def _conv_loss(agg, h, w_rel, b, w_root, y3):
    return pl.pallas_call(
        _conv_loss_body,
        grid=(NBLK,),
        in_specs=[
            pl.BlockSpec((BR, OUT), lambda i: (i, 0)),
            pl.BlockSpec((BR, OUT), lambda i: (i, 0)),
            pl.BlockSpec((OUT, OUT), lambda i: (0, 0)),
            pl.BlockSpec((1, OUT), lambda i: (0, 0)),
            pl.BlockSpec((OUT, OUT), lambda i: (0, 0)),
            pl.BlockSpec((1, 1, BR), lambda i: (i, 0, 0)),
        ],
        out_specs=pl.BlockSpec((1, 1), lambda i: (0, 0)),
        out_shape=jax.ShapeDtypeStruct((1, 1), jnp.float32),
    )(agg, h, w_rel, b.reshape(1, OUT), w_root, y3)


def _prep_edges(edge_index):
    src = edge_index[0].astype(jnp.int32)
    dst = edge_index[1].astype(jnp.int32)
    pad = EPAD - E
    src4 = jnp.concatenate(
        [src, jnp.zeros((pad,), jnp.int32)]).reshape(NC, NS, NB1, EB)
    dst3 = jnp.concatenate(
        [dst, jnp.full((pad,), 2 ** 28, jnp.int32)]).reshape(NS, NB, EB)
    return src4, dst3


def kernel(x_n0, x_n1, edge_index_e0, edge_index_e1, y_n0,
           w1e0_rel, b1e0, w1e0_root, w1e1_rel, b1e1, w1e1_root,
           w2e0_rel, b2e0, w2e0_root, w2e1_rel, b2e1, w2e1_root):
    src0, dst0 = _prep_edges(edge_index_e0)
    src1, dst1 = _prep_edges(edge_index_e1)

    agg_e0 = _seg_sum(x_n0, src0, dst0, N1)
    agg_e1 = _seg_sum(x_n1, src1, dst1, N0)
    h_n1 = _conv_relu(agg_e0, x_n1, w1e0_rel, b1e0, w1e0_root)
    h_n0 = _conv_relu(agg_e1, x_n0, w1e1_rel, b1e1, w1e1_root)

    agg2 = _seg_sum(h_n1, src1, dst1, N0)
    y3 = y_n0.astype(jnp.int32).reshape(NBLK, 1, BR)
    loss = _conv_loss(agg2, h_n0, w2e1_rel, b2e1, w2e1_root, y3)
    return loss[0, 0]

# --- scband reference (transcript-rebuilt; emitter-appended) ---
"""Pipeline reference for scband-test-module-65085934404074 (READ-ONLY COPY).

The authoritative reference and input builder live on the scoring server;
editing this copy changes nothing except your own understanding.
"""

import jax, jax.numpy as jnp
import numpy as np

N0 = 20000
N1 = 20000
D = 128
E = 320000
OUT = 128


def setup_inputs(seed: int = 0) -> dict:
    key = jax.random.key(seed)
    ks = jax.random.split(key, 24)
    inp = {}
    inp["x_n0"] = jax.random.normal(ks[0], (N0, D), dtype=jnp.float32)
    inp["x_n1"] = jax.random.normal(ks[1], (N1, D), dtype=jnp.float32)
    inp["edge_index_e0"] = jax.random.randint(ks[2], (2, E), 0, N0, dtype=jnp.int64)
    inp["edge_index_e1"] = jax.random.randint(ks[3], (2, E), 0, N1, dtype=jnp.int64)
    inp["y_n0"] = jax.random.randint(ks[4], (N0,), 0, OUT, dtype=jnp.int64)
    # layer 1 GraphConv params for edge type e0: n0 -> n1
    inp["w1e0_rel"] = jax.random.normal(ks[5], (D, OUT), dtype=jnp.float32) * 0.05
    inp["b1e0"] = jnp.zeros((OUT,), dtype=jnp.float32)
    inp["w1e0_root"] = jax.random.normal(ks[6], (D, OUT), dtype=jnp.float32) * 0.05
    # layer 1 GraphConv params for edge type e1: n1 -> n0
    inp["w1e1_rel"] = jax.random.normal(ks[7], (D, OUT), dtype=jnp.float32) * 0.05
    inp["b1e1"] = jnp.zeros((OUT,), dtype=jnp.float32)
    inp["w1e1_root"] = jax.random.normal(ks[8], (D, OUT), dtype=jnp.float32) * 0.05
    # layer 2 params
    inp["w2e0_rel"] = jax.random.normal(ks[9], (OUT, OUT), dtype=jnp.float32) * 0.05
    inp["b2e0"] = jnp.zeros((OUT,), dtype=jnp.float32)
    inp["w2e0_root"] = jax.random.normal(ks[10], (OUT, OUT), dtype=jnp.float32) * 0.05
    inp["w2e1_rel"] = jax.random.normal(ks[11], (OUT, OUT), dtype=jnp.float32) * 0.05
    inp["b2e1"] = jnp.zeros((OUT,), dtype=jnp.float32)
    inp["w2e1_root"] = jax.random.normal(ks[12], (OUT, OUT), dtype=jnp.float32) * 0.05
    return inp


def _graph_conv(x_src, x_dst, edge_index, n_dst, w_rel, b_rel, w_root):
    # PyG GraphConv: out = lin_rel(sum_{j->i} x_j) + lin_root(x_i)
    msgs = jnp.take(x_src, edge_index[0], axis=0)
    agg = jax.ops.segment_sum(msgs, edge_index[1], num_segments=n_dst)
    return agg @ w_rel + b_rel + x_dst @ w_root


def reference(x_n0, x_n1, edge_index_e0, edge_index_e1, y_n0,
              w1e0_rel, b1e0, w1e0_root, w1e1_rel, b1e1, w1e1_root,
              w2e0_rel, b2e0, w2e0_root, w2e1_rel, b2e1, w2e1_root):
    # HeteroConv layer 1 (each dst type has exactly one incoming relation)
    h_n1 = jax.nn.relu(_graph_conv(x_n0, x_n1, edge_index_e0, N1, w1e0_rel, b1e0, w1e0_root))
    h_n0 = jax.nn.relu(_graph_conv(x_n1, x_n0, edge_index_e1, N0, w1e1_rel, b1e1, w1e1_root))
    # HeteroConv layer 2
    g_n1 = _graph_conv(h_n0, h_n1, edge_index_e0, N1, w2e0_rel, b2e0, w2e0_root)
    g_n0 = _graph_conv(h_n1, h_n0, edge_index_e1, N0, w2e1_rel, b2e1, w2e1_root)
    # CrossEntropyLoss on labeled node type n0
    logp = jax.nn.log_softmax(g_n0, axis=-1)
    loss = -jnp.mean(jnp.take_along_axis(logp, y_n0[:, None], axis=1))
    return loss

if __name__ == "__main__":
    import jax
    _d = setup_inputs()
    print(jax.jit(kernel)(*tuple(_d.values())))

</pallas_src>

<mosaic_0001>
#map = affine_map<(d0, d1) -> (0, 0)>
#map1 = affine_map<(d0, d1) -> (0, 0, 0, 0)>
module attributes {stable_mosaic.version = 14 : i64} {
  func.func @_spill_body(%arg0: i32, %arg1: i32, %arg2: memref<20000x128xf32, #tpu.memory_space<hbm>>, %arg3: memref<2x16x80x128xi32, #tpu.memory_space<hbm>>, %arg4: memref<327680x128xf32, #tpu.memory_space<hbm>>, %arg5: memref<80x128xi32, #tpu.memory_space<vmem>>, %arg6: memref<128x128xf32, #tpu.memory_space<vmem>>, %arg7: memref<128x128xf32, #tpu.memory_space<vmem>>, %arg8: memref<!tpu.dma_semaphore, #tpu.memory_space<semaphore_mem>>, %arg9: memref<!tpu.dma_semaphore, #tpu.memory_space<semaphore_mem>>, %arg10: memref<!tpu.dma_semaphore, #tpu.memory_space<semaphore_mem>>, %arg11: memref<!tpu.dma_semaphore, #tpu.memory_space<semaphore_mem>>) attributes {dimension_semantics = [#tpu.dimension_semantics<core_parallel>, #tpu.dimension_semantics<subcore_parallel>], iteration_bounds = array<i64: 2, 16>, scalar_prefetch = 0 : i64, scratch_operands = 7 : i64, tpu.core_type = #tpu.core_type<sc_vector_subcore>, window_params = [{transform_indices = #map}, {transform_indices = #map1}, {transform_indices = #map}]} {
    %mul3A = arith.constant 16 : i32
    %mul3A_0 = arith.muli %arg0, %mul3A : i32
    %add3A = arith.addi %mul3A_0, %arg1 : i32
    %mul3A_1 = arith.constant 80 : i32
    %mul3A_2 = arith.muli %add3A, %mul3A_1 : i32
    %mul3A_3 = arith.constant 128 : i32
    %mul3A_4 = arith.muli %mul3A_2, %mul3A_3 : i32
    "tpu.region"() ({
      %run_scoped3A = tpu.sem_alloc : memref<!tpu.dma_semaphore, #tpu.memory_space<semaphore_mem>>
      %dma_start3A_20 = arith.constant 0 : i32
      %dma_start3A_21 = arith.constant 0 : i32
      %dma_start3A_22 = tpu.memref_slice %arg3[%arg0, %arg1, %dma_start3A_20, %dma_start3A_21] : memref<2x16x80x128xi32, #tpu.memory_space<hbm>> -> memref<1x1x80x128xi32, #tpu.memory_space<hbm>>
      %dma_start3A_23 = tpu.memref_squeeze %dma_start3A_22 : memref<1x1x80x128xi32, #tpu.memory_space<hbm>> -> memref<80x128xi32, #tpu.memory_space<hbm>>
      %dma_start3A_24 = arith.constant 0 : i32
      %dma_start3A_25 = arith.constant 0 : i32
      %dma_start3A_26 = tpu.memref_slice %arg3[%arg0, %arg1, %dma_start3A_24, %dma_start3A_25] : memref<2x16x80x128xi32, #tpu.memory_space<hbm>> -> memref<1x1x80x128xi32, #tpu.memory_space<hbm>>
      %dma_start3A_27 = tpu.memref_squeeze %dma_start3A_26 : memref<1x1x80x128xi32, #tpu.memory_space<hbm>> -> memref<80x128xi32, #tpu.memory_space<hbm>>
      tpu.enqueue_dma source(%dma_start3A_27 : memref<80x128xi32, #tpu.memory_space<hbm>>) target(%arg5 : memref<80x128xi32, #tpu.memory_space<vmem>>) target_semaphore(%run_scoped3A : memref<!tpu.dma_semaphore, #tpu.memory_space<semaphore_mem>>)
      %dma_wait3A_28 = arith.constant 0 : i32
      %dma_wait3A_29 = arith.constant 0 : i32
      %dma_wait3A_30 = tpu.memref_slice %arg3[%arg0, %arg1, %dma_wait3A_28, %dma_wait3A_29] : memref<2x16x80x128xi32, #tpu.memory_space<hbm>> -> memref<1x1x80x128xi32, #tpu.memory_space<hbm>>
      %dma_wait3A_31 = tpu.memref_squeeze %dma_wait3A_30 : memref<1x1x80x128xi32, #tpu.memory_space<hbm>> -> memref<80x128xi32, #tpu.memory_space<hbm>>
      %dma_wait3A_32 = arith.constant 0 : i32
      %dma_wait3A_33 = arith.constant 0 : i32
      %dma_wait3A_34 = tpu.memref_slice %arg3[%arg0, %arg1, %dma_wait3A_32, %dma_wait3A_33] : memref<2x16x80x128xi32, #tpu.memory_space<hbm>> -> memref<1x1x80x128xi32, #tpu.memory_space<hbm>>
      %dma_wait3A_35 = tpu.memref_squeeze %dma_wait3A_34 : memref<1x1x80x128xi32, #tpu.memory_space<hbm>> -> memref<80x128xi32, #tpu.memory_space<hbm>>
      tpu.wait_dma2 semaphore(%run_scoped3A : memref<!tpu.dma_semaphore, #tpu.memory_space<semaphore_mem>>) src(%dma_wait3A_35 : memref<80x128xi32, #tpu.memory_space<hbm>>) dst(%arg5 : memref<80x128xi32, #tpu.memory_space<vmem>>)
      tpu.yield
    }) : () -> ()
    %dma_start3A = arith.constant 0 : i32
    %dma_start3A_5 = arith.constant 0 : i32
    %dma_start3A_6 = tpu.memref_slice %arg5[%dma_start3A, %dma_start3A_5] : memref<80x128xi32, #tpu.memory_space<vmem>> -> memref<1x128xi32, #tpu.memory_space<vmem>>
    %dma_start3A_7 = tpu.memref_squeeze %dma_start3A_6 : memref<1x128xi32, #tpu.memory_space<vmem>> -> memref<128xi32, #tpu.memory_space<vmem>>
    %dma_start3A_8 = arith.constant 0 : i32
    %dma_start3A_9 = arith.constant 0 : i32
    %dma_start3A_10 = tpu.memref_slice %arg2[%dma_start3A_8, %dma_start3A_9] : memref<20000x128xf32, #tpu.memory_space<hbm>> -> memref<20000x128xf32, #tpu.memory_space<hbm>>
    tpu.enqueue_indirect_dma source(%dma_start3A_10 : memref<20000x128xf32, #tpu.memory_space<hbm>>) target(%arg6 : memref<128x128xf32, #tpu.memory_space<vmem>>) offsets(%dma_start3A_7 : memref<128xi32, #tpu.memory_space<vmem>>) semaphore(%arg8 : memref<!tpu.dma_semaphore, #tpu.memory_space<semaphore_mem>>)
    %scan3A = arith.constant 0 : i32
    %scan3A_11 = arith.constant 40 : i32
    %scan3A_12 = arith.addi %scan3A, %scan3A_11 : i32
    %scan3A_13 = arith.constant 1 : i32
    scf.for %scan3A_20 = %scan3A to %scan3A_12 step %scan3A_13  : i32 {
      %mul3A_21 = arith.constant 1 : i32
      %mul3A_22 = arith.muli %scan3A_20, %mul3A_21 : i32
      %add3A_23 = arith.constant 0 : i32
      %add3A_24 = arith.addi %add3A_23, %mul3A_22 : i32
      %mul3A_25 = arith.constant 2 : i32
      %mul3A_26 = arith.muli %mul3A_25, %add3A_24 : i32
      %add3A_27 = arith.constant 1 : i32
      %add3A_28 = arith.addi %mul3A_26, %add3A_27 : i32
      %dma_wait3A_29 = arith.constant 0 : i32
      %dma_wait3A_30 = tpu.memref_slice %arg5[%mul3A_26, %dma_wait3A_29] : memref<80x128xi32, #tpu.memory_space<vmem>> -> memref<1x128xi32, #tpu.memory_space<vmem>>
      %dma_wait3A_31 = tpu.memref_squeeze %dma_wait3A_30 : memref<1x128xi32, #tpu.memory_space<vmem>> -> memref<128xi32, #tpu.memory_space<vmem>>
      %dma_wait3A_32 = arith.constant 0 : i32
      %dma_wait3A_33 = arith.constant 0 : i32
      %dma_wait3A_34 = tpu.memref_slice %arg2[%dma_wait3A_32, %dma_wait3A_33] : memref<20000x128xf32, #tpu.memory_space<hbm>> -> memref<20000x128xf32, #tpu.memory_space<hbm>>
      tpu.wait_indirect_dma semaphore(%arg8 : memref<!tpu.dma_semaphore, #tpu.memory_space<semaphore_mem>>) src(%dma_wait3A_34 : memref<20000x128xf32, #tpu.memory_space<hbm>>) dst(%arg6 : memref<128x128xf32, #tpu.memory_space<vmem>>)
      %ge3A = arith.constant 1 : i32
      %ge3A_35 = arith.cmpi sge, %add3A_24, %ge3A : i32
      %convert_element_type3A = arith.extui %ge3A_35 : i1 to i32
      %cond3A = arith.constant 0 : i32
      %cond3A_36 = arith.cmpi ne, %convert_element_type3A, %cond3A : i32
      scf.if %cond3A_36 {
        %sub3A = arith.constant 2 : i32
        %sub3A_76 = arith.subi %add3A_28, %sub3A : i32
        %mul3A_77 = arith.constant 128 : i32
        %mul3A_78 = arith.muli %sub3A_76, %mul3A_77 : i32
        %add3A_79 = arith.addi %mul3A_4, %mul3A_78 : i32
        %dma_wait3A_80 = arith.constant 0 : i32
        %dma_wait3A_81 = tpu.memref_slice %arg4[%add3A_79, %dma_wait3A_80] : memref<327680x128xf32, #tpu.memory_space<hbm>> -> memref<128x128xf32, #tpu.memory_space<hbm>>
        %dma_wait3A_82 = arith.constant 0 : i32
        %dma_wait3A_83 = tpu.memref_slice %arg4[%add3A_79, %dma_wait3A_82] : memref<327680x128xf32, #tpu.memory_space<hbm>> -> memref<128x128xf32, #tpu.memory_space<hbm>>
        tpu.wait_dma2 semaphore(%arg11 : memref<!tpu.dma_semaphore, #tpu.memory_space<semaphore_mem>>) src(%arg7 : memref<128x128xf32, #tpu.memory_space<vmem>>) dst(%dma_wait3A_83 : memref<128x128xf32, #tpu.memory_space<hbm>>)
      } else {
      }
      %dma_start3A_37 = arith.constant 0 : i32
      %dma_start3A_38 = tpu.memref_slice %arg5[%add3A_28, %dma_start3A_37] : memref<80x128xi32, #tpu.memory_space<vmem>> -> memref<1x128xi32, #tpu.memory_space<vmem>>
      %dma_start3A_39 = tpu.memref_squeeze %dma_start3A_38 : memref<1x128xi32, #tpu.memory_space<vmem>> -> memref<128xi32, #tpu.memory_space<vmem>>
      %dma_start3A_40 = arith.constant 0 : i32
      %dma_start3A_41 = arith.constant 0 : i32
      %dma_start3A_42 = tpu.memref_slice %arg2[%dma_start3A_40, %dma_start3A_41] : memref<20000x128xf32, #tpu.memory_space<hbm>> -> memref<20000x128xf32, #tpu.memory_space<hbm>>
      tpu.enqueue_indirect_dma source(%dma_start3A_42 : memref<20000x128xf32, #tpu.memory_space<hbm>>) target(%arg7 : memref<128x128xf32, #tpu.memory_space<vmem>>) offsets(%dma_start3A_39 : memref<128xi32, #tpu.memory_space<vmem>>) semaphore(%arg9 : memref<!tpu.dma_semaphore, #tpu.memory_space<semaphore_mem>>)
      %mul3A_43 = arith.constant 128 : i32
      %mul3A_44 = arith.muli %mul3A_26, %mul3A_43 : i32
      %add3A_45 = arith.addi %mul3A_4, %mul3A_44 : i32
      %dma_start3A_46 = arith.constant 0 : i32
      %dma_start3A_47 = tpu.memref_slice %arg4[%add3A_45, %dma_start3A_46] : memref<327680x128xf32, #tpu.memory_space<hbm>> -> memref<128x128xf32, #tpu.memory_space<hbm>>
      %dma_start3A_48 = arith.constant 0 : i32
      %dma_start3A_49 = tpu.memref_slice %arg4[%add3A_45, %dma_start3A_48] : memref<327680x128xf32, #tpu.memory_space<hbm>> -> memref<128x128xf32, #tpu.memory_space<hbm>>
      tpu.enqueue_dma source(%arg6 : memref<128x128xf32, #tpu.memory_space<vmem>>) target(%dma_start3A_49 : memref<128x128xf32, #tpu.memory_space<hbm>>) target_semaphore(%arg10 : memref<!tpu.dma_semaphore, #tpu.memory_space<semaphore_mem>>)
      %dma_wait3A_50 = arith.constant 0 : i32
      %dma_wait3A_51 = tpu.memref_slice %arg5[%add3A_28, %dma_wait3A_50] : memref<80x128xi32, #tpu.memory_space<vmem>> -> memref<1x128xi32, #tpu.memory_space<vmem>>
      %dma_wait3A_52 = tpu.memref_squeeze %dma_wait3A_51 : memref<1x128xi32, #tpu.memory_space<vmem>> -> memref<128xi32, #tpu.memory_space<vmem>>
      %dma_wait3A_53 = arith.constant 0 : i32
      %dma_wait3A_54 = arith.constant 0 : i32
      %dma_wait3A_55 = tpu.memref_slice %arg2[%dma_wait3A_53, %dma_wait3A_54] : memref<20000x128xf32, #tpu.memory_space<hbm>> -> memref<20000x128xf32, #tpu.memory_space<hbm>>
      tpu.wait_indirect_dma semaphore(%arg9 : memref<!tpu.dma_semaphore, #tpu.memory_space<semaphore_mem>>) src(%dma_wait3A_55 : memref<20000x128xf32, #tpu.memory_space<hbm>>) dst(%arg7 : memref<128x128xf32, #tpu.memory_space<vmem>>)
      %mul3A_56 = arith.constant 128 : i32
      %mul3A_57 = arith.muli %mul3A_26, %mul3A_56 : i32
      %add3A_58 = arith.addi %mul3A_4, %mul3A_57 : i32
      %dma_wait3A_59 = arith.constant 0 : i32
      %dma_wait3A_60 = tpu.memref_slice %arg4[%add3A_58, %dma_wait3A_59] : memref<327680x128xf32, #tpu.memory_space<hbm>> -> memref<128x128xf32, #tpu.memory_space<hbm>>
      %dma_wait3A_61 = arith.constant 0 : i32
      %dma_wait3A_62 = tpu.memref_slice %arg4[%add3A_58, %dma_wait3A_61] : memref<327680x128xf32, #tpu.memory_space<hbm>> -> memref<128x128xf32, #tpu.memory_space<hbm>>
      tpu.wait_dma2 semaphore(%arg10 : memref<!tpu.dma_semaphore, #tpu.memory_space<semaphore_mem>>) src(%arg6 : memref<128x128xf32, #tpu.memory_space<vmem>>) dst(%dma_wait3A_62 : memref<128x128xf32, #tpu.memory_space<hbm>>)
      %add3A_63 = arith.constant 1 : i32
      %add3A_64 = arith.addi %add3A_24, %add3A_63 : i32
      %lt3A = arith.constant 40 : i32
      %lt3A_65 = arith.cmpi slt, %add3A_64, %lt3A : i32
      %convert_element_type3A_66 = arith.extui %lt3A_65 : i1 to i32
      %cond3A_67 = arith.constant 0 : i32
      %cond3A_68 = arith.cmpi ne, %convert_element_type3A_66, %cond3A_67 : i32
      scf.if %cond3A_68 {
        %add3A_76 = arith.constant 2 : i32
        %add3A_77 = arith.addi %mul3A_26, %add3A_76 : i32
        %dma_start3A_78 = arith.constant 0 : i32
        %dma_start3A_79 = tpu.memref_slice %arg5[%add3A_77, %dma_start3A_78] : memref<80x128xi32, #tpu.memory_space<vmem>> -> memref<1x128xi32, #tpu.memory_space<vmem>>
        %dma_start3A_80 = tpu.memref_squeeze %dma_start3A_79 : memref<1x128xi32, #tpu.memory_space<vmem>> -> memref<128xi32, #tpu.memory_space<vmem>>
        %dma_start3A_81 = arith.constant 0 : i32
        %dma_start3A_82 = arith.constant 0 : i32
        %dma_start3A_83 = tpu.memref_slice %arg2[%dma_start3A_81, %dma_start3A_82] : memref<20000x128xf32, #tpu.memory_space<hbm>> -> memref<20000x128xf32, #tpu.memory_space<hbm>>
        tpu.enqueue_indirect_dma source(%dma_start3A_83 : memref<20000x128xf32, #tpu.memory_space<hbm>>) target(%arg6 : memref<128x128xf32, #tpu.memory_space<vmem>>) offsets(%dma_start3A_80 : memref<128xi32, #tpu.memory_space<vmem>>) semaphore(%arg8 : memref<!tpu.dma_semaphore, #tpu.memory_space<semaphore_mem>>)
      } else {
      }
      %mul3A_69 = arith.constant 128 : i32
      %mul3A_70 = arith.muli %add3A_28, %mul3A_69 : i32
      %add3A_71 = arith.addi %mul3A_4, %mul3A_70 : i32
      %dma_start3A_72 = arith.constant 0 : i32
      %dma_start3A_73 = tpu.memref_slice %arg4[%add3A_71, %dma_start3A_72] : memref<327680x128xf32, #tpu.memory_space<hbm>> -> memref<128x128xf32, #tpu.memory_space<hbm>>
      %dma_start3A_74 = arith.constant 0 : i32
      %dma_start3A_75 = tpu.memref_slice %arg4[%add3A_71, %dma_start3A_74] : memref<327680x128xf32, #tpu.memory_space<hbm>> -> memref<128x128xf32, #tpu.memory_space<hbm>>
      tpu.enqueue_dma source(%arg7 : memref<128x128xf32, #tpu.memory_space<vmem>>) target(%dma_start3A_75 : memref<128x128xf32, #tpu.memory_space<hbm>>) target_semaphore(%arg11 : memref<!tpu.dma_semaphore, #tpu.memory_space<semaphore_mem>>)
    }
    %scan3A_14 = arith.constant 40 : i32
    %add3A_15 = arith.constant 10112 : i32
    %add3A_16 = arith.addi %mul3A_4, %add3A_15 : i32
    %dma_wait3A = arith.constant 0 : i32
    %dma_wait3A_17 = tpu.memref_slice %arg4[%add3A_16, %dma_wait3A] : memref<327680x128xf32, #tpu.memory_space<hbm>> -> memref<128x128xf32, #tpu.memory_space<hbm>>
    %dma_wait3A_18 = arith.constant 0 : i32
    %dma_wait3A_19 = tpu.memref_slice %arg4[%add3A_16, %dma_wait3A_18] : memref<327680x128xf32, #tpu.memory_space<hbm>> -> memref<128x128xf32, #tpu.memory_space<hbm>>
    tpu.wait_dma2 semaphore(%arg11 : memref<!tpu.dma_semaphore, #tpu.memory_space<semaphore_mem>>) src(%arg7 : memref<128x128xf32, #tpu.memory_space<vmem>>) dst(%dma_wait3A_19 : memref<128x128xf32, #tpu.memory_space<hbm>>)
    return
  }
}

#map = affine_map<(d0, d1) -> (0, 0)>
#map1 = affine_map<(d0, d1) -> (0, 0, 0, 0)>
module attributes {stable_mosaic.version = 14 : i64} {
  func.func @_spill_body(%arg0: i32, %arg1: i32, %arg2: memref<20000x128xf32, #tpu.memory_space<hbm>>, %arg3: memref<2x16x80x128xi32, #tpu.memory_space<hbm>>, %arg4: memref<327680x128xf32, #tpu.memory_space<hbm>>, %arg5: memref<80x128xi32, #tpu.memory_space<vmem>>, %arg6: memref<128x128xf32, #tpu.memory_space<vmem>>, %arg7: memref<128x128xf32, #tpu.memory_space<vmem>>, %arg8: memref<!tpu.dma_semaphore, #tpu.memory_space<semaphore_mem>>, %arg9: memref<!tpu.dma_semaphore, #tpu.memory_space<semaphore_mem>>, %arg10: memref<!tpu.dma_semaphore, #tpu.memory_space<semaphore_mem>>, %arg11: memref<!tpu.dma_semaphore, #tpu.memory_space<semaphore_mem>>) attributes {dimension_semantics = [#tpu.dimension_semantics<core_parallel>, #tpu.dimension_semantics<subcore_parallel>], iteration_bounds = array<i64: 2, 16>, scalar_prefetch = 0 : i64, scratch_operands = 7 : i64, tpu.core_type = #tpu.core_type<sc_vector_subcore>, window_params = [{transform_indices = #map}, {transform_indices = #map1}, {transform_indices = #map}]} {
    %mul3A = arith.constant 16 : i32
    %mul3A_0 = arith.muli %arg0, %mul3A : i32
    %add3A = arith.addi %mul3A_0, %arg1 : i32
    %mul3A_1 = arith.constant 80 : i32
    %mul3A_2 = arith.muli %add3A, %mul3A_1 : i32
    %mul3A_3 = arith.constant 128 : i32
    %mul3A_4 = arith.muli %mul3A_2, %mul3A_3 : i32
    "tpu.region"() ({
      %run_scoped3A = tpu.sem_alloc : memref<!tpu.dma_semaphore, #tpu.memory_space<semaphore_mem>>
      %dma_start3A_20 = arith.constant 0 : i32
      %dma_start3A_21 = arith.constant 0 : i32
      %dma_start3A_22 = tpu.memref_slice %arg3[%arg0, %arg1, %dma_start3A_20, %dma_start3A_21] : memref<2x16x80x128xi32, #tpu.memory_space<hbm>> -> memref<1x1x80x128xi32, #tpu.memory_space<hbm>>
      %dma_start3A_23 = tpu.memref_squeeze %dma_start3A_22 : memref<1x1x80x128xi32, #tpu.memory_space<hbm>> -> memref<80x128xi32, #tpu.memory_space<hbm>>
      %dma_start3A_24 = arith.constant 0 : i32
      %dma_start3A_25 = arith.constant 0 : i32
      %dma_start3A_26 = tpu.memref_slice %arg3[%arg0, %arg1, %dma_start3A_24, %dma_start3A_25] : memref<2x16x80x128xi32, #tpu.memory_space<hbm>> -> memref<1x1x80x128xi32, #tpu.memory_space<hbm>>
      %dma_start3A_27 = tpu.memref_squeeze %dma_start3A_26 : memref<1x1x80x128xi32, #tpu.memory_space<hbm>> -> memref<80x128xi32, #tpu.memory_space<hbm>>
      tpu.enqueue_dma source(%dma_start3A_27 : memref<80x128xi32, #tpu.memory_space<hbm>>) target(%arg5 : memref<80x128xi32, #tpu.memory_space<vmem>>) target_semaphore(%run_scoped3A : memref<!tpu.dma_semaphore, #tpu.memory_space<semaphore_mem>>)
      %dma_wait3A_28 = arith.constant 0 : i32
      %dma_wait3A_29 = arith.constant 0 : i32
      %dma_wait3A_30 = tpu.memref_slice %arg3[%arg0, %arg1, %dma_wait3A_28, %dma_wait3A_29] : memref<2x16x80x128xi32, #tpu.memory_space<hbm>> -> memref<1x1x80x128xi32, #tpu.memory_space<hbm>>
      %dma_wait3A_31 = tpu.memref_squeeze %dma_wait3A_30 : memref<1x1x80x128xi32, #tpu.memory_space<hbm>> -> memref<80x128xi32, #tpu.memory_space<hbm>>
      %dma_wait3A_32 = arith.constant 0 : i32
      %dma_wait3A_33 = arith.constant 0 : i32
      %dma_wait3A_34 = tpu.memref_slice %arg3[%arg0, %arg1, %dma_wait3A_32, %dma_wait3A_33] : memref<2x16x80x128xi32, #tpu.memory_space<hbm>> -> memref<1x1x80x128xi32, #tpu.memory_space<hbm>>
      %dma_wait3A_35 = tpu.memref_squeeze %dma_wait3A_34 : memref<1x1x80x128xi32, #tpu.memory_space<hbm>> -> memref<80x128xi32, #tpu.memory_space<hbm>>
      tpu.wait_dma2 semaphore(%run_scoped3A : memref<!tpu.dma_semaphore, #tpu.memory_space<semaphore_mem>>) src(%dma_wait3A_35 : memref<80x128xi32, #tpu.memory_space<hbm>>) dst(%arg5 : memref<80x128xi32, #tpu.memory_space<vmem>>)
      tpu.yield
    }) : () -> ()
    %dma_start3A = arith.constant 0 : i32
    %dma_start3A_5 = arith.constant 0 : i32
    %dma_start3A_6 = tpu.memref_slice %arg5[%dma_start3A, %dma_start3A_5] : memref<80x128xi32, #tpu.memory_space<vmem>> -> memref<1x128xi32, #tpu.memory_space<vmem>>
    %dma_start3A_7 = tpu.memref_squeeze %dma_start3A_6 : memref<1x128xi32, #tpu.memory_space<vmem>> -> memref<128xi32, #tpu.memory_space<vmem>>
    %dma_start3A_8 = arith.constant 0 : i32
    %dma_start3A_9 = arith.constant 0 : i32
    %dma_start3A_10 = tpu.memref_slice %arg2[%dma_start3A_8, %dma_start3A_9] : memref<20000x128xf32, #tpu.memory_space<hbm>> -> memref<20000x128xf32, #tpu.memory_space<hbm>>
    tpu.enqueue_indirect_dma source(%dma_start3A_10 : memref<20000x128xf32, #tpu.memory_space<hbm>>) target(%arg6 : memref<128x128xf32, #tpu.memory_space<vmem>>) offsets(%dma_start3A_7 : memref<128xi32, #tpu.memory_space<vmem>>) semaphore(%arg8 : memref<!tpu.dma_semaphore, #tpu.memory_space<semaphore_mem>>)
    %scan3A = arith.constant 0 : i32
    %scan3A_11 = arith.constant 40 : i32
    %scan3A_12 = arith.addi %scan3A, %scan3A_11 : i32
    %scan3A_13 = arith.constant 1 : i32
    scf.for %scan3A_20 = %scan3A to %scan3A_12 step %scan3A_13  : i32 {
      %mul3A_21 = arith.constant 1 : i32
      %mul3A_22 = arith.muli %scan3A_20, %mul3A_21 : i32
      %add3A_23 = arith.constant 0 : i32
      %add3A_24 = arith.addi %add3A_23, %mul3A_22 : i32
      %mul3A_25 = arith.constant 2 : i32
      %mul3A_26 = arith.muli %mul3A_25, %add3A_24 : i32
      %add3A_27 = arith.constant 1 : i32
      %add3A_28 = arith.addi %mul3A_26, %add3A_27 : i32
      %dma_wait3A_29 = arith.constant 0 : i32
      %dma_wait3A_30 = tpu.memref_slice %arg5[%mul3A_26, %dma_wait3A_29] : memref<80x128xi32, #tpu.memory_space<vmem>> -> memref<1x128xi32, #tpu.memory_space<vmem>>
      %dma_wait3A_31 = tpu.memref_squeeze %dma_wait3A_30 : memref<1x128xi32, #tpu.memory_space<vmem>> -> memref<128xi32, #tpu.memory_space<vmem>>
      %dma_wait3A_32 = arith.constant 0 : i32
      %dma_wait3A_33 = arith.constant 0 : i32
      %dma_wait3A_34 = tpu.memref_slice %arg2[%dma_wait3A_32, %dma_wait3A_33] : memref<20000x128xf32, #tpu.memory_space<hbm>> -> memref<20000x128xf32, #tpu.memory_space<hbm>>
      tpu.wait_indirect_dma semaphore(%arg8 : memref<!tpu.dma_semaphore, #tpu.memory_space<semaphore_mem>>) src(%dma_wait3A_34 : memref<20000x128xf32, #tpu.memory_space<hbm>>) dst(%arg6 : memref<128x128xf32, #tpu.memory_space<vmem>>)
      %ge3A = arith.constant 1 : i32
      %ge3A_35 = arith.cmpi sge, %add3A_24, %ge3A : i32
      %convert_element_type3A = arith.extui %ge3A_35 : i1 to i32
      %cond3A = arith.constant 0 : i32
      %cond3A_36 = arith.cmpi ne, %convert_element_type3A, %cond3A : i32
      scf.if %cond3A_36 {
        %sub3A = arith.constant 2 : i32
        %sub3A_76 = arith.subi %add3A_28, %sub3A : i32
        %mul3A_77 = arith.constant 128 : i32
        %mul3A_78 = arith.muli %sub3A_76, %mul3A_77 : i32
        %add3A_79 = arith.addi %mul3A_4, %mul3A_78 : i32
        %dma_wait3A_80 = arith.constant 0 : i32
        %dma_wait3A_81 = tpu.memref_slice %arg4[%add3A_79, %dma_wait3A_80] : memref<327680x128xf32, #tpu.memory_space<hbm>> -> memref<128x128xf32, #tpu.memory_space<hbm>>
        %dma_wait3A_82 = arith.constant 0 : i32
        %dma_wait3A_83 = tpu.memref_slice %arg4[%add3A_79, %dma_wait3A_82] : memref<327680x128xf32, #tpu.memory_space<hbm>> -> memref<128x128xf32, #tpu.memory_space<hbm>>
        tpu.wait_dma2 semaphore(%arg11 : memref<!tpu.dma_semaphore, #tpu.memory_space<semaphore_mem>>) src(%arg7 : memref<128x128xf32, #tpu.memory_space<vmem>>) dst(%dma_wait3A_83 : memref<128x128xf32, #tpu.memory_space<hbm>>)
      } else {
      }
      %dma_start3A_37 = arith.constant 0 : i32
      %dma_start3A_38 = tpu.memref_slice %arg5[%add3A_28, %dma_start3A_37] : memref<80x128xi32, #tpu.memory_space<vmem>> -> memref<1x128xi32, #tpu.memory_space<vmem>>
      %dma_start3A_39 = tpu.memref_squeeze %dma_start3A_38 : memref<1x128xi32, #tpu.memory_space<vmem>> -> memref<128xi32, #tpu.memory_space<vmem>>
      %dma_start3A_40 = arith.constant 0 : i32
      %dma_start3A_41 = arith.constant 0 : i32
      %dma_start3A_42 = tpu.memref_slice %arg2[%dma_start3A_40, %dma_start3A_41] : memref<20000x128xf32, #tpu.memory_space<hbm>> -> memref<20000x128xf32, #tpu.memory_space<hbm>>
      tpu.enqueue_indirect_dma source(%dma_start3A_42 : memref<20000x128xf32, #tpu.memory_space<hbm>>) target(%arg7 : memref<128x128xf32, #tpu.memory_space<vmem>>) offsets(%dma_start3A_39 : memref<128xi32, #tpu.memory_space<vmem>>) semaphore(%arg9 : memref<!tpu.dma_semaphore, #tpu.memory_space<semaphore_mem>>)
      %mul3A_43 = arith.constant 128 : i32
      %mul3A_44 = arith.muli %mul3A_26, %mul3A_43 : i32
      %add3A_45 = arith.addi %mul3A_4, %mul3A_44 : i32
      %dma_start3A_46 = arith.constant 0 : i32
      %dma_start3A_47 = tpu.memref_slice %arg4[%add3A_45, %dma_start3A_46] : memref<327680x128xf32, #tpu.memory_space<hbm>> -> memref<128x128xf32, #tpu.memory_space<hbm>>
      %dma_start3A_48 = arith.constant 0 : i32
      %dma_start3A_49 = tpu.memref_slice %arg4[%add3A_45, %dma_start3A_48] : memref<327680x128xf32, #tpu.memory_space<hbm>> -> memref<128x128xf32, #tpu.memory_space<hbm>>
      tpu.enqueue_dma source(%arg6 : memref<128x128xf32, #tpu.memory_space<vmem>>) target(%dma_start3A_49 : memref<128x128xf32, #tpu.memory_space<hbm>>) target_semaphore(%arg10 : memref<!tpu.dma_semaphore, #tpu.memory_space<semaphore_mem>>)
      %dma_wait3A_50 = arith.constant 0 : i32
      %dma_wait3A_51 = tpu.memref_slice %arg5[%add3A_28, %dma_wait3A_50] : memref<80x128xi32, #tpu.memory_space<vmem>> -> memref<1x128xi32, #tpu.memory_space<vmem>>
      %dma_wait3A_52 = tpu.memref_squeeze %dma_wait3A_51 : memref<1x128xi32, #tpu.memory_space<vmem>> -> memref<128xi32, #tpu.memory_space<vmem>>
      %dma_wait3A_53 = arith.constant 0 : i32
      %dma_wait3A_54 = arith.constant 0 : i32
      %dma_wait3A_55 = tpu.memref_slice %arg2[%dma_wait3A_53, %dma_wait3A_54] : memref<20000x128xf32, #tpu.memory_space<hbm>> -> memref<20000x128xf32, #tpu.memory_space<hbm>>
      tpu.wait_indirect_dma semaphore(%arg9 : memref<!tpu.dma_semaphore, #tpu.memory_space<semaphore_mem>>) src(%dma_wait3A_55 : memref<20000x128xf32, #tpu.memory_space<hbm>>) dst(%arg7 : memref<128x128xf32, #tpu.memory_space<vmem>>)
      %mul3A_56 = arith.constant 128 : i32
      %mul3A_57 = arith.muli %mul3A_26, %mul3A_56 : i32
      %add3A_58 = arith.addi %mul3A_4, %mul3A_57 : i32
      %dma_wait3A_59 = arith.constant 0 : i32
      %dma_wait3A_60 = tpu.memref_slice %arg4[%add3A_58, %dma_wait3A_59] : memref<327680x128xf32, #tpu.memory_space<hbm>> -> memref<128x128xf32, #tpu.memory_space<hbm>>
      %dma_wait3A_61 = arith.constant 0 : i32
      %dma_wait3A_62 = tpu.memref_slice %arg4[%add3A_58, %dma_wait3A_61] : memref<327680x128xf32, #tpu.memory_space<hbm>> -> memref<128x128xf32, #tpu.memory_space<hbm>>
      tpu.wait_dma2 semaphore(%arg10 : memref<!tpu.dma_semaphore, #tpu.memory_space<semaphore_mem>>) src(%arg6 : memref<128x128xf32, #tpu.memory_space<vmem>>) dst(%dma_wait3A_62 : memref<128x128xf32, #tpu.memory_space<hbm>>)
      %add3A_63 = arith.constant 1 : i32
      %add3A_64 = arith.addi %add3A_24, %add3A_63 : i32
      %lt3A = arith.constant 40 : i32
      %lt3A_65 = arith.cmpi slt, %add3A_64, %lt3A : i32
      %convert_element_type3A_66 = arith.extui %lt3A_65 : i1 to i32
      %cond3A_67 = arith.constant 0 : i32
      %cond3A_68 = arith.cmpi ne, %convert_element_type3A_66, %cond3A_67 : i32
      scf.if %cond3A_68 {
        %add3A_76 = arith.constant 2 : i32
        %add3A_77 = arith.addi %mul3A_26, %add3A_76 : i32
        %dma_start3A_78 = arith.constant 0 : i32
        %dma_start3A_79 = tpu.memref_slice %arg5[%add3A_77, %dma_start3A_78] : memref<80x128xi32, #tpu.memory_space<vmem>> -> memref<1x128xi32, #tpu.memory_space<vmem>>
        %dma_start3A_80 = tpu.memref_squeeze %dma_start3A_79 : memref<1x128xi32, #tpu.memory_space<vmem>> -> memref<128xi32, #tpu.memory_space<vmem>>
        %dma_start3A_81 = arith.constant 0 : i32
        %dma_start3A_82 = arith.constant 0 : i32
        %dma_start3A_83 = tpu.memref_slice %arg2[%dma_start3A_81, %dma_start3A_82] : memref<20000x128xf32, #tpu.memory_space<hbm>> -> memref<20000x128xf32, #tpu.memory_space<hbm>>
        tpu.enqueue_indirect_dma source(%dma_start3A_83 : memref<20000x128xf32, #tpu.memory_space<hbm>>) target(%arg6 : memref<128x128xf32, #tpu.memory_space<vmem>>) offsets(%dma_start3A_80 : memref<128xi32, #tpu.memory_space<vmem>>) semaphore(%arg8 : memref<!tpu.dma_semaphore, #tpu.memory_space<semaphore_mem>>)
      } else {
      }
      %mul3A_69 = arith.constant 128 : i32
      %mul3A_70 = arith.muli %add3A_28, %mul3A_69 : i32
      %add3A_71 = arith.addi %mul3A_4, %mul3A_70 : i32
      %dma_start3A_72 = arith.constant 0 : i32
      %dma_start3A_73 = tpu.memref_slice %arg4[%add3A_71, %dma_start3A_72] : memref<327680x128xf32, #tpu.memory_space<hbm>> -> memref<128x128xf32, #tpu.memory_space<hbm>>
      %dma_start3A_74 = arith.constant 0 : i32
      %dma_start3A_75 = tpu.memref_slice %arg4[%add3A_71, %dma_start3A_74] : memref<327680x128xf32, #tpu.memory_space<hbm>> -> memref<128x128xf32, #tpu.memory_space<hbm>>
      tpu.enqueue_dma source(%arg7 : memref<128x128xf32, #tpu.memory_space<vmem>>) target(%dma_start3A_75 : memref<128x128xf32, #tpu.memory_space<hbm>>) target_semaphore(%arg11 : memref<!tpu.dma_semaphore, #tpu.memory_space<semaphore_mem>>)
    }
    %scan3A_14 = arith.constant 40 : i32
    %add3A_15 = arith.constant 10112 : i32
    %add3A_16 = arith.addi %mul3A_4, %add3A_15 : i32
    %dma_wait3A = arith.constant 0 : i32
    %dma_wait3A_17 = tpu.memref_slice %arg4[%add3A_16, %dma_wait3A] : memref<327680x128xf32, #tpu.memory_space<hbm>> -> memref<128x128xf32, #tpu.memory_space<hbm>>
    %dma_wait3A_18 = arith.constant 0 : i32
    %dma_wait3A_19 = tpu.memref_slice %arg4[%add3A_16, %dma_wait3A_18] : memref<327680x128xf32, #tpu.memory_space<hbm>> -> memref<128x128xf32, #tpu.memory_space<hbm>>
    tpu.wait_dma2 semaphore(%arg11 : memref<!tpu.dma_semaphore, #tpu.memory_space<semaphore_mem>>) src(%arg7 : memref<128x128xf32, #tpu.memory_space<vmem>>) dst(%dma_wait3A_19 : memref<128x128xf32, #tpu.memory_space<hbm>>)
    return
  }
}

#map = affine_map<(d0, d1) -> (0, 0)>
#map1 = affine_map<(d0, d1) -> (0, 0, 0, 0)>
module attributes {stable_mosaic.version = 14 : i64} {
  func.func @_spill_body(%arg0: i32, %arg1: i32, %arg2: memref<20000x128xf32, #tpu.memory_space<hbm>>, %arg3: memref<2x16x80x128xi32, #tpu.memory_space<hbm>>, %arg4: memref<327680x128xf32, #tpu.memory_space<hbm>>, %arg5: memref<80x128xi32, #tpu.memory_space<vmem>>, %arg6: memref<128x128xf32, #tpu.memory_space<vmem>>, %arg7: memref<128x128xf32, #tpu.memory_space<vmem>>, %arg8: memref<!tpu.dma_semaphore, #tpu.memory_space<semaphore_mem>>, %arg9: memref<!tpu.dma_semaphore, #tpu.memory_space<semaphore_mem>>, %arg10: memref<!tpu.dma_semaphore, #tpu.memory_space<semaphore_mem>>, %arg11: memref<!tpu.dma_semaphore, #tpu.memory_space<semaphore_mem>>) attributes {dimension_semantics = [#tpu.dimension_semantics<core_parallel>, #tpu.dimension_semantics<subcore_parallel>], iteration_bounds = array<i64: 2, 16>, scalar_prefetch = 0 : i64, scratch_operands = 7 : i64, tpu.core_type = #tpu.core_type<sc_vector_subcore>, window_params = [{transform_indices = #map}, {transform_indices = #map1}, {transform_indices = #map}]} {
    %mul3A = arith.constant 16 : i32
    %mul3A_0 = arith.muli %arg0, %mul3A : i32
    %add3A = arith.addi %mul3A_0, %arg1 : i32
    %mul3A_1 = arith.constant 80 : i32
    %mul3A_2 = arith.muli %add3A, %mul3A_1 : i32
    %mul3A_3 = arith.constant 128 : i32
    %mul3A_4 = arith.muli %mul3A_2, %mul3A_3 : i32
    "tpu.region"() ({
      %run_scoped3A = tpu.sem_alloc : memref<!tpu.dma_semaphore, #tpu.memory_space<semaphore_mem>>
      %dma_start3A_20 = arith.constant 0 : i32
      %dma_start3A_21 = arith.constant 0 : i32
      %dma_start3A_22 = tpu.memref_slice %arg3[%arg0, %arg1, %dma_start3A_20, %dma_start3A_21] : memref<2x16x80x128xi32, #tpu.memory_space<hbm>> -> memref<1x1x80x128xi32, #tpu.memory_space<hbm>>
      %dma_start3A_23 = tpu.memref_squeeze %dma_start3A_22 : memref<1x1x80x128xi32, #tpu.memory_space<hbm>> -> memref<80x128xi32, #tpu.memory_space<hbm>>
      %dma_start3A_24 = arith.constant 0 : i32
      %dma_start3A_25 = arith.constant 0 : i32
      %dma_start3A_26 = tpu.memref_slice %arg3[%arg0, %arg1, %dma_start3A_24, %dma_start3A_25] : memref<2x16x80x128xi32, #tpu.memory_space<hbm>> -> memref<1x1x80x128xi32, #tpu.memory_space<hbm>>
      %dma_start3A_27 = tpu.memref_squeeze %dma_start3A_26 : memref<1x1x80x128xi32, #tpu.memory_space<hbm>> -> memref<80x128xi32, #tpu.memory_space<hbm>>
      tpu.enqueue_dma source(%dma_start3A_27 : memref<80x128xi32, #tpu.memory_space<hbm>>) target(%arg5 : memref<80x128xi32, #tpu.memory_space<vmem>>) target_semaphore(%run_scoped3A : memref<!tpu.dma_semaphore, #tpu.memory_space<semaphore_mem>>)
      %dma_wait3A_28 = arith.constant 0 : i32
      %dma_wait3A_29 = arith.constant 0 : i32
      %dma_wait3A_30 = tpu.memref_slice %arg3[%arg0, %arg1, %dma_wait3A_28, %dma_wait3A_29] : memref<2x16x80x128xi32, #tpu.memory_space<hbm>> -> memref<1x1x80x128xi32, #tpu.memory_space<hbm>>
      %dma_wait3A_31 = tpu.memref_squeeze %dma_wait3A_30 : memref<1x1x80x128xi32, #tpu.memory_space<hbm>> -> memref<80x128xi32, #tpu.memory_space<hbm>>
      %dma_wait3A_32 = arith.constant 0 : i32
      %dma_wait3A_33 = arith.constant 0 : i32
      %dma_wait3A_34 = tpu.memref_slice %arg3[%arg0, %arg1, %dma_wait3A_32, %dma_wait3A_33] : memref<2x16x80x128xi32, #tpu.memory_space<hbm>> -> memref<1x1x80x128xi32, #tpu.memory_space<hbm>>
      %dma_wait3A_35 = tpu.memref_squeeze %dma_wait3A_34 : memref<1x1x80x128xi32, #tpu.memory_space<hbm>> -> memref<80x128xi32, #tpu.memory_space<hbm>>
      tpu.wait_dma2 semaphore(%run_scoped3A : memref<!tpu.dma_semaphore, #tpu.memory_space<semaphore_mem>>) src(%dma_wait3A_35 : memref<80x128xi32, #tpu.memory_space<hbm>>) dst(%arg5 : memref<80x128xi32, #tpu.memory_space<vmem>>)
      tpu.yield
    }) : () -> ()
    %dma_start3A = arith.constant 0 : i32
    %dma_start3A_5 = arith.constant 0 : i32
    %dma_start3A_6 = tpu.memref_slice %arg5[%dma_start3A, %dma_start3A_5] : memref<80x128xi32, #tpu.memory_space<vmem>> -> memref<1x128xi32, #tpu.memory_space<vmem>>
    %dma_start3A_7 = tpu.memref_squeeze %dma_start3A_6 : memref<1x128xi32, #tpu.memory_space<vmem>> -> memref<128xi32, #tpu.memory_space<vmem>>
    %dma_start3A_8 = arith.constant 0 : i32
    %dma_start3A_9 = arith.constant 0 : i32
    %dma_start3A_10 = tpu.memref_slice %arg2[%dma_start3A_8, %dma_start3A_9] : memref<20000x128xf32, #tpu.memory_space<hbm>> -> memref<20000x128xf32, #tpu.memory_space<hbm>>
    tpu.enqueue_indirect_dma source(%dma_start3A_10 : memref<20000x128xf32, #tpu.memory_space<hbm>>) target(%arg6 : memref<128x128xf32, #tpu.memory_space<vmem>>) offsets(%dma_start3A_7 : memref<128xi32, #tpu.memory_space<vmem>>) semaphore(%arg8 : memref<!tpu.dma_semaphore, #tpu.memory_space<semaphore_mem>>)
    %scan3A = arith.constant 0 : i32
    %scan3A_11 = arith.constant 40 : i32
    %scan3A_12 = arith.addi %scan3A, %scan3A_11 : i32
    %scan3A_13 = arith.constant 1 : i32
    scf.for %scan3A_20 = %scan3A to %scan3A_12 step %scan3A_13  : i32 {
      %mul3A_21 = arith.constant 1 : i32
      %mul3A_22 = arith.muli %scan3A_20, %mul3A_21 : i32
      %add3A_23 = arith.constant 0 : i32
      %add3A_24 = arith.addi %add3A_23, %mul3A_22 : i32
      %mul3A_25 = arith.constant 2 : i32
      %mul3A_26 = arith.muli %mul3A_25, %add3A_24 : i32
      %add3A_27 = arith.constant 1 : i32
      %add3A_28 = arith.addi %mul3A_26, %add3A_27 : i32
      %dma_wait3A_29 = arith.constant 0 : i32
      %dma_wait3A_30 = tpu.memref_slice %arg5[%mul3A_26, %dma_wait3A_29] : memref<80x128xi32, #tpu.memory_space<vmem>> -> memref<1x128xi32, #tpu.memory_space<vmem>>
      %dma_wait3A_31 = tpu.memref_squeeze %dma_wait3A_30 : memref<1x128xi32, #tpu.memory_space<vmem>> -> memref<128xi32, #tpu.memory_space<vmem>>
      %dma_wait3A_32 = arith.constant 0 : i32
      %dma_wait3A_33 = arith.constant 0 : i32
      %dma_wait3A_34 = tpu.memref_slice %arg2[%dma_wait3A_32, %dma_wait3A_33] : memref<20000x128xf32, #tpu.memory_space<hbm>> -> memref<20000x128xf32, #tpu.memory_space<hbm>>
      tpu.wait_indirect_dma semaphore(%arg8 : memref<!tpu.dma_semaphore, #tpu.memory_space<semaphore_mem>>) src(%dma_wait3A_34 : memref<20000x128xf32, #tpu.memory_space<hbm>>) dst(%arg6 : memref<128x128xf32, #tpu.memory_space<vmem>>)
      %ge3A = arith.constant 1 : i32
      %ge3A_35 = arith.cmpi sge, %add3A_24, %ge3A : i32
      %convert_element_type3A = arith.extui %ge3A_35 : i1 to i32
      %cond3A = arith.constant 0 : i32
      %cond3A_36 = arith.cmpi ne, %convert_element_type3A, %cond3A : i32
      scf.if %cond3A_36 {
        %sub3A = arith.constant 2 : i32
        %sub3A_76 = arith.subi %add3A_28, %sub3A : i32
        %mul3A_77 = arith.constant 128 : i32
        %mul3A_78 = arith.muli %sub3A_76, %mul3A_77 : i32
        %add3A_79 = arith.addi %mul3A_4, %mul3A_78 : i32
        %dma_wait3A_80 = arith.constant 0 : i32
        %dma_wait3A_81 = tpu.memref_slice %arg4[%add3A_79, %dma_wait3A_80] : memref<327680x128xf32, #tpu.memory_space<hbm>> -> memref<128x128xf32, #tpu.memory_space<hbm>>
        %dma_wait3A_82 = arith.constant 0 : i32
        %dma_wait3A_83 = tpu.memref_slice %arg4[%add3A_79, %dma_wait3A_82] : memref<327680x128xf32, #tpu.memory_space<hbm>> -> memref<128x128xf32, #tpu.memory_space<hbm>>
        tpu.wait_dma2 semaphore(%arg11 : memref<!tpu.dma_semaphore, #tpu.memory_space<semaphore_mem>>) src(%arg7 : memref<128x128xf32, #tpu.memory_space<vmem>>) dst(%dma_wait3A_83 : memref<128x128xf32, #tpu.memory_space<hbm>>)
      } else {
      }
      %dma_start3A_37 = arith.constant 0 : i32
      %dma_start3A_38 = tpu.memref_slice %arg5[%add3A_28, %dma_start3A_37] : memref<80x128xi32, #tpu.memory_space<vmem>> -> memref<1x128xi32, #tpu.memory_space<vmem>>
      %dma_start3A_39 = tpu.memref_squeeze %dma_start3A_38 : memref<1x128xi32, #tpu.memory_space<vmem>> -> memref<128xi32, #tpu.memory_space<vmem>>
      %dma_start3A_40 = arith.constant 0 : i32
      %dma_start3A_41 = arith.constant 0 : i32
      %dma_start3A_42 = tpu.memref_slice %arg2[%dma_start3A_40, %dma_start3A_41] : memref<20000x128xf32, #tpu.memory_space<hbm>> -> memref<20000x128xf32, #tpu.memory_space<hbm>>
      tpu.enqueue_indirect_dma source(%dma_start3A_42 : memref<20000x128xf32, #tpu.memory_space<hbm>>) target(%arg7 : memref<128x128xf32, #tpu.memory_space<vmem>>) offsets(%dma_start3A_39 : memref<128xi32, #tpu.memory_space<vmem>>) semaphore(%arg9 : memref<!tpu.dma_semaphore, #tpu.memory_space<semaphore_mem>>)
      %mul3A_43 = arith.constant 128 : i32
      %mul3A_44 = arith.muli %mul3A_26, %mul3A_43 : i32
      %add3A_45 = arith.addi %mul3A_4, %mul3A_44 : i32
      %dma_start3A_46 = arith.constant 0 : i32
      %dma_start3A_47 = tpu.memref_slice %arg4[%add3A_45, %dma_start3A_46] : memref<327680x128xf32, #tpu.memory_space<hbm>> -> memref<128x128xf32, #tpu.memory_space<hbm>>
      %dma_start3A_48 = arith.constant 0 : i32
      %dma_start3A_49 = tpu.memref_slice %arg4[%add3A_45, %dma_start3A_48] : memref<327680x128xf32, #tpu.memory_space<hbm>> -> memref<128x128xf32, #tpu.memory_space<hbm>>
      tpu.enqueue_dma source(%arg6 : memref<128x128xf32, #tpu.memory_space<vmem>>) target(%dma_start3A_49 : memref<128x128xf32, #tpu.memory_space<hbm>>) target_semaphore(%arg10 : memref<!tpu.dma_semaphore, #tpu.memory_space<semaphore_mem>>)
      %dma_wait3A_50 = arith.constant 0 : i32
      %dma_wait3A_51 = tpu.memref_slice %arg5[%add3A_28, %dma_wait3A_50] : memref<80x128xi32, #tpu.memory_space<vmem>> -> memref<1x128xi32, #tpu.memory_space<vmem>>
      %dma_wait3A_52 = tpu.memref_squeeze %dma_wait3A_51 : memref<1x128xi32, #tpu.memory_space<vmem>> -> memref<128xi32, #tpu.memory_space<vmem>>
      %dma_wait3A_53 = arith.constant 0 : i32
      %dma_wait3A_54 = arith.constant 0 : i32
      %dma_wait3A_55 = tpu.memref_slice %arg2[%dma_wait3A_53, %dma_wait3A_54] : memref<20000x128xf32, #tpu.memory_space<hbm>> -> memref<20000x128xf32, #tpu.memory_space<hbm>>
      tpu.wait_indirect_dma semaphore(%arg9 : memref<!tpu.dma_semaphore, #tpu.memory_space<semaphore_mem>>) src(%dma_wait3A_55 : memref<20000x128xf32, #tpu.memory_space<hbm>>) dst(%arg7 : memref<128x128xf32, #tpu.memory_space<vmem>>)
      %mul3A_56 = arith.constant 128 : i32
      %mul3A_57 = arith.muli %mul3A_26, %mul3A_56 : i32
      %add3A_58 = arith.addi %mul3A_4, %mul3A_57 : i32
      %dma_wait3A_59 = arith.constant 0 : i32
      %dma_wait3A_60 = tpu.memref_slice %arg4[%add3A_58, %dma_wait3A_59] : memref<327680x128xf32, #tpu.memory_space<hbm>> -> memref<128x128xf32, #tpu.memory_space<hbm>>
      %dma_wait3A_61 = arith.constant 0 : i32
      %dma_wait3A_62 = tpu.memref_slice %arg4[%add3A_58, %dma_wait3A_61] : memref<327680x128xf32, #tpu.memory_space<hbm>> -> memref<128x128xf32, #tpu.memory_space<hbm>>
      tpu.wait_dma2 semaphore(%arg10 : memref<!tpu.dma_semaphore, #tpu.memory_space<semaphore_mem>>) src(%arg6 : memref<128x128xf32, #tpu.memory_space<vmem>>) dst(%dma_wait3A_62 : memref<128x128xf32, #tpu.memory_space<hbm>>)
      %add3A_63 = arith.constant 1 : i32
      %add3A_64 = arith.addi %add3A_24, %add3A_63 : i32
      %lt3A = arith.constant 40 : i32
      %lt3A_65 = arith.cmpi slt, %add3A_64, %lt3A : i32
      %convert_element_type3A_66 = arith.extui %lt3A_65 : i1 to i32
      %cond3A_67 = arith.constant 0 : i32
      %cond3A_68 = arith.cmpi ne, %convert_element_type3A_66, %cond3A_67 : i32
      scf.if %cond3A_68 {
        %add3A_76 = arith.constant 2 : i32
        %add3A_77 = arith.addi %mul3A_26, %add3A_76 : i32
        %dma_start3A_78 = arith.constant 0 : i32
        %dma_start3A_79 = tpu.memref_slice %arg5[%add3A_77, %dma_start3A_78] : memref<80x128xi32, #tpu.memory_space<vmem>> -> memref<1x128xi32, #tpu.memory_space<vmem>>
        %dma_start3A_80 = tpu.memref_squeeze %dma_start3A_79 : memref<1x128xi32, #tpu.memory_space<vmem>> -> memref<128xi32, #tpu.memory_space<vmem>>
        %dma_start3A_81 = arith.constant 0 : i32
        %dma_start3A_82 = arith.constant 0 : i32
        %dma_start3A_83 = tpu.memref_slice %arg2[%dma_start3A_81, %dma_start3A_82] : memref<20000x128xf32, #tpu.memory_space<hbm>> -> memref<20000x128xf32, #tpu.memory_space<hbm>>
        tpu.enqueue_indirect_dma source(%dma_start3A_83 : memref<20000x128xf32, #tpu.memory_space<hbm>>) target(%arg6 : memref<128x128xf32, #tpu.memory_space<vmem>>) offsets(%dma_start3A_80 : memref<128xi32, #tpu.memory_space<vmem>>) semaphore(%arg8 : memref<!tpu.dma_semaphore, #tpu.memory_space<semaphore_mem>>)
      } else {
      }
      %mul3A_69 = arith.constant 128 : i32
      %mul3A_70 = arith.muli %add3A_28, %mul3A_69 : i32
      %add3A_71 = arith.addi %mul3A_4, %mul3A_70 : i32
      %dma_start3A_72 = arith.constant 0 : i32
      %dma_start3A_73 = tpu.memref_slice %arg4[%add3A_71, %dma_start3A_72] : memref<327680x128xf32, #tpu.memory_space<hbm>> -> memref<128x128xf32, #tpu.memory_space<hbm>>
      %dma_start3A_74 = arith.constant 0 : i32
      %dma_start3A_75 = tpu.memref_slice %arg4[%add3A_71, %dma_start3A_74] : memref<327680x128xf32, #tpu.memory_space<hbm>> -> memref<128x128xf32, #tpu.memory_space<hbm>>
      tpu.enqueue_dma source(%arg7 : memref<128x128xf32, #tpu.memory_space<vmem>>) target(%dma_start3A_75 : memref<128x128xf32, #tpu.memory_space<hbm>>) target_semaphore(%arg11 : memref<!tpu.dma_semaphore, #tpu.memory_space<semaphore_mem>>)
    }
    %scan3A_14 = arith.constant 40 : i32
    %add3A_15 = arith.constant 10112 : i32
    %add3A_16 = arith.addi %mul3A_4, %add3A_15 : i32
    %dma_wait3A = arith.constant 0 : i32
    %dma_wait3A_17 = tpu.memref_slice %arg4[%add3A_16, %dma_wait3A] : memref<327680x128xf32, #tpu.memory_space<hbm>> -> memref<128x128xf32, #tpu.memory_space<hbm>>
    %dma_wait3A_18 = arith.constant 0 : i32
    %dma_wait3A_19 = tpu.memref_slice %arg4[%add3A_16, %dma_wait3A_18] : memref<327680x128xf32, #tpu.memory_space<hbm>> -> memref<128x128xf32, #tpu.memory_space<hbm>>
    tpu.wait_dma2 semaphore(%arg11 : memref<!tpu.dma_semaphore, #tpu.memory_space<semaphore_mem>>) src(%arg7 : memref<128x128xf32, #tpu.memory_space<vmem>>) dst(%dma_wait3A_19 : memref<128x128xf32, #tpu.memory_space<hbm>>)
    return
  }
}

#map = affine_map<(d0, d1) -> (0, 0)>
#map1 = affine_map<(d0, d1) -> (0, 0, 0)>
module attributes {stable_mosaic.version = 14 : i64} {
  func.func @_reduce_body(%arg0: i32, %arg1: i32, %arg2: memref<327680x128xf32, #tpu.memory_space<hbm>>, %arg3: memref<16x160x128xi32, #tpu.memory_space<hbm>>, %arg4: memref<20000x128xf32, #tpu.memory_space<hbm>>, %arg5: memref<10008x128xf32, #tpu.memory_space<vmem_shared>>, %arg6: memref<32x128xi32, #tpu.memory_space<vmem>>, %arg7: memref<128x128xf32, #tpu.memory_space<vmem>>, %arg8: memref<128x128xf32, #tpu.memory_space<vmem>>, %arg9: memref<!tpu.dma_semaphore, #tpu.memory_space<semaphore_mem>>, %arg10: memref<!tpu.dma_semaphore, #tpu.memory_space<semaphore_mem>>, %arg11: memref<!tpu.dma_semaphore, #tpu.memory_space<semaphore_mem>>, %arg12: memref<!tpu.dma_semaphore, #tpu.memory_space<semaphore_mem>>) attributes {dimension_semantics = [#tpu.dimension_semantics<core_parallel>, #tpu.dimension_semantics<subcore_parallel>], iteration_bounds = array<i64: 2, 16>, scalar_prefetch = 0 : i64, scratch_operands = 8 : i64, tpu.core_type = #tpu.core_type<sc_vector_subcore>, window_params = [{transform_indices = #map}, {transform_indices = #map1}, {transform_indices = #map}]} {
    %mul3A = arith.constant 10000 : i32
    %mul3A_0 = arith.muli %arg0, %mul3A : i32
    %mul3A_1 = arith.constant 160 : i32
    %mul3A_2 = arith.muli %arg1, %mul3A_1 : i32
    %mul3A_3 = arith.constant 128 : i32
    %mul3A_4 = arith.muli %mul3A_2, %mul3A_3 : i32
    %broadcast_in_dim3A = arith.constant 0.000000e+00 : f32
    %broadcast_in_dim3A_5 = vector.broadcast %broadcast_in_dim3A : f32 to vector<16xf32>
    %scan3A = arith.constant 0 : i32
    %scan3A_6 = arith.constant 128 : i32
    %scan3A_7 = arith.addi %scan3A, %scan3A_6 : i32
    %scan3A_8 = arith.constant 1 : i32
    scf.for %scan3A_26 = %scan3A to %scan3A_7 step %scan3A_8  : i32 {
      %mul3A_27 = arith.constant 1 : i32
      %mul3A_28 = arith.muli %scan3A_26, %mul3A_27 : i32
      %add3A = arith.constant 0 : i32
      %add3A_29 = arith.addi %add3A, %mul3A_28 : i32
      %swap3A = arith.index_cast %add3A_29 : i32 to index
      %swap3A_30 = arith.constant 0 : index
      %swap3A_31 = tpu.vector_load %arg7[%swap3A, %swap3A_30] {strides = array<i32>} : memref<128x128xf32, #tpu.memory_space<vmem>>, vector<1x16xf32>,
      %swap3A_32 = vector.shape_cast %swap3A_31 : vector<1x16xf32> to vector<16xf32>
      %swap3A_33 = vector.shape_cast %broadcast_in_dim3A_5 : vector<16xf32> to vector<1x16xf32>
      tpu.vector_store %arg7[%swap3A, %swap3A_30], %swap3A_33 {strides = array<i32>} : memref<128x128xf32, #tpu.memory_space<vmem>>, vector<1x16xf32>,
      %swap3A_34 = arith.index_cast %add3A_29 : i32 to index
      %swap3A_35 = arith.constant 16 : index
      %swap3A_36 = tpu.vector_load %arg7[%swap3A_34, %swap3A_35] {strides = array<i32>} : memref<128x128xf32, #tpu.memory_space<vmem>>, vector<1x16xf32>,
      %swap3A_37 = vector.shape_cast %swap3A_36 : vector<1x16xf32> to vector<16xf32>
      %swap3A_38 = vector.shape_cast %broadcast_in_dim3A_5 : vector<16xf32> to vector<1x16xf32>
      tpu.vector_store %arg7[%swap3A_34, %swap3A_35], %swap3A_38 {strides = array<i32>} : memref<128x128xf32, #tpu.memory_space<vmem>>, vector<1x16xf32>,
      %swap3A_39 = arith.index_cast %add3A_29 : i32 to index
      %swap3A_40 = arith.constant 32 : index
      %swap3A_41 = tpu.vector_load %arg7[%swap3A_39, %swap3A_40] {strides = array<i32>} : memref<128x128xf32, #tpu.memory_space<vmem>>, vector<1x16xf32>,
      %swap3A_42 = vector.shape_cast %swap3A_41 : vector<1x16xf32> to vector<16xf32>
      %swap3A_43 = vector.shape_cast %broadcast_in_dim3A_5 : vector<16xf32> to vector<1x16xf32>
      tpu.vector_store %arg7[%swap3A_39, %swap3A_40], %swap3A_43 {strides = array<i32>} : memref<128x128xf32, #tpu.memory_space<vmem>>, vector<1x16xf32>,
      %swap3A_44 = arith.index_cast %add3A_29 : i32 to index
      %swap3A_45 = arith.constant 48 : index
      %swap3A_46 = tpu.vector_load %arg7[%swap3A_44, %swap3A_45] {strides = array<i32>} : memref<128x128xf32, #tpu.memory_space<vmem>>, vector<1x16xf32>,
      %swap3A_47 = vector.shape_cast %swap3A_46 : vector<1x16xf32> to vector<16xf32>
      %swap3A_48 = vector.shape_cast %broadcast_in_dim3A_5 : vector<16xf32> to vector<1x16xf32>
      tpu.vector_store %arg7[%swap3A_44, %swap3A_45], %swap3A_48 {strides = array<i32>} : memref<128x128xf32, #tpu.memory_space<vmem>>, vector<1x16xf32>,
      %swap3A_49 = arith.index_cast %add3A_29 : i32 to index
      %swap3A_50 = arith.constant 64 : index
      %swap3A_51 = tpu.vector_load %arg7[%swap3A_49, %swap3A_50] {strides = array<i32>} : memref<128x128xf32, #tpu.memory_space<vmem>>, vector<1x16xf32>,
      %swap3A_52 = vector.shape_cast %swap3A_51 : vector<1x16xf32> to vector<16xf32>
      %swap3A_53 = vector.shape_cast %broadcast_in_dim3A_5 : vector<16xf32> to vector<1x16xf32>
      tpu.vector_store %arg7[%swap3A_49, %swap3A_50], %swap3A_53 {strides = array<i32>} : memref<128x128xf32, #tpu.memory_space<vmem>>, vector<1x16xf32>,
      %swap3A_54 = arith.index_cast %add3A_29 : i32 to index
      %swap3A_55 = arith.constant 80 : index
      %swap3A_56 = tpu.vector_load %arg7[%swap3A_54, %swap3A_55] {strides = array<i32>} : memref<128x128xf32, #tpu.memory_space<vmem>>, vector<1x16xf32>,
      %swap3A_57 = vector.shape_cast %swap3A_56 : vector<1x16xf32> to vector<16xf32>
      %swap3A_58 = vector.shape_cast %broadcast_in_dim3A_5 : vector<16xf32> to vector<1x16xf32>
      tpu.vector_store %arg7[%swap3A_54, %swap3A_55], %swap3A_58 {strides = array<i32>} : memref<128x128xf32, #tpu.memory_space<vmem>>, vector<1x16xf32>,
      %swap3A_59 = arith.index_cast %add3A_29 : i32 to index
      %swap3A_60 = arith.constant 96 : index
      %swap3A_61 = tpu.vector_load %arg7[%swap3A_59, %swap3A_60] {strides = array<i32>} : memref<128x128xf32, #tpu.memory_space<vmem>>, vector<1x16xf32>,
      %swap3A_62 = vector.shape_cast %swap3A_61 : vector<1x16xf32> to vector<16xf32>
      %swap3A_63 = vector.shape_cast %broadcast_in_dim3A_5 : vector<16xf32> to vector<1x16xf32>
      tpu.vector_store %arg7[%swap3A_59, %swap3A_60], %swap3A_63 {strides = array<i32>} : memref<128x128xf32, #tpu.memory_space<vmem>>, vector<1x16xf32>,
      %swap3A_64 = arith.index_cast %add3A_29 : i32 to index
      %swap3A_65 = arith.constant 112 : index
      %swap3A_66 = tpu.vector_load %arg7[%swap3A_64, %swap3A_65] {strides = array<i32>} : memref<128x128xf32, #tpu.memory_space<vmem>>, vector<1x16xf32>,
      %swap3A_67 = vector.shape_cast %swap3A_66 : vector<1x16xf32> to vector<16xf32>
      %swap3A_68 = vector.shape_cast %broadcast_in_dim3A_5 : vector<16xf32> to vector<1x16xf32>
      tpu.vector_store %arg7[%swap3A_64, %swap3A_65], %swap3A_68 {strides = array<i32>} : memref<128x128xf32, #tpu.memory_space<vmem>>, vector<1x16xf32>,
    }
    %scan3A_9 = arith.constant 128 : i32
    %scan3A_10 = arith.constant 0 : i32
    %scan3A_11 = arith.constant 8 : i32
    %scan3A_12 = arith.addi %scan3A_10, %scan3A_11 : i32
    %scan3A_13 = arith.constant 1 : i32
    scf.for %scan3A_26 = %scan3A_10 to %scan3A_12 step %scan3A_13  : i32 {
      %mul3A_27 = arith.constant 1 : i32
      %mul3A_28 = arith.muli %scan3A_26, %mul3A_27 : i32
      %add3A = arith.constant 0 : i32
      %add3A_29 = arith.addi %add3A, %mul3A_28 : i32
      %mul3A_30 = arith.constant 16 : i32
      %mul3A_31 = arith.muli %add3A_29, %mul3A_30 : i32
      %add3A_32 = arith.addi %arg1, %mul3A_31 : i32
      %lt3A = arith.constant 125 : i32
      %lt3A_33 = arith.cmpi slt, %add3A_32, %lt3A : i32
      %convert_element_type3A = arith.extui %lt3A_33 : i1 to i32
      %cond3A = arith.constant 0 : i32
      %cond3A_34 = arith.cmpi ne, %convert_element_type3A, %cond3A : i32
      scf.if %cond3A_34 {
        %mul3A_35 = arith.constant 80 : i32
        %mul3A_36 = arith.muli %add3A_32, %mul3A_35 : i32
        "tpu.region"() ({
          %run_scoped3A = tpu.sem_alloc : memref<!tpu.dma_semaphore, #tpu.memory_space<semaphore_mem>>
          %dma_start3A = arith.constant 0 : i32
          %dma_start3A_37 = arith.constant 0 : i32
          %dma_start3A_38 = tpu.memref_slice %arg7[%dma_start3A, %dma_start3A_37] : memref<128x128xf32, #tpu.memory_space<vmem>> -> memref<80x128xf32, #tpu.memory_space<vmem>>
          %dma_start3A_39 = arith.constant 0 : i32
          %dma_start3A_40 = tpu.memref_slice %arg5[%mul3A_36, %dma_start3A_39] : memref<10008x128xf32, #tpu.memory_space<vmem_shared>> -> memref<80x128xf32, #tpu.memory_space<vmem_shared>>
          %dma_start3A_41 = arith.constant 0 : i32
          %dma_start3A_42 = tpu.memref_slice %arg5[%mul3A_36, %dma_start3A_41] : memref<10008x128xf32, #tpu.memory_space<vmem_shared>> -> memref<80x128xf32, #tpu.memory_space<vmem_shared>>
          %dma_start3A_43 = arith.constant 0 : i32
          %dma_start3A_44 = arith.constant 0 : i32
          %dma_start3A_45 = tpu.memref_slice %arg7[%dma_start3A_43, %dma_start3A_44] : memref<128x128xf32, #tpu.memory_space<vmem>> -> memref<80x128xf32, #tpu.memory_space<vmem>>
          tpu.enqueue_dma source(%dma_start3A_45 : memref<80x128xf32, #tpu.memory_space<vmem>>) target(%dma_start3A_42 : memref<80x128xf32, #tpu.memory_space<vmem_shared>>) target_semaphore(%run_scoped3A : memref<!tpu.dma_semaphore, #tpu.memory_space<semaphore_mem>>)
          %dma_wait3A = arith.constant 0 : i32
          %dma_wait3A_46 = arith.constant 0 : i32
          %dma_wait3A_47 = tpu.memref_slice %arg7[%dma_wait3A, %dma_wait3A_46] : memref<128x128xf32, #tpu.memory_space<vmem>> -> memref<80x128xf32, #tpu.memory_space<vmem>>
          %dma_wait3A_48 = arith.constant 0 : i32
          %dma_wait3A_49 = tpu.memref_slice %arg5[%mul3A_36, %dma_wait3A_48] : memref<10008x128xf32, #tpu.memory_space<vmem_shared>> -> memref<80x128xf32, #tpu.memory_space<vmem_shared>>
          %dma_wait3A_50 = arith.constant 0 : i32
          %dma_wait3A_51 = tpu.memref_slice %arg5[%mul3A_36, %dma_wait3A_50] : memref<10008x128xf32, #tpu.memory_space<vmem_shared>> -> memref<80x128xf32, #tpu.memory_space<vmem_shared>>
          %dma_wait3A_52 = arith.constant 0 : i32
          %dma_wait3A_53 = arith.constant 0 : i32
          %dma_wait3A_54 = tpu.memref_slice %arg7[%dma_wait3A_52, %dma_wait3A_53] : memref<128x128xf32, #tpu.memory_space<vmem>> -> memref<80x128xf32, #tpu.memory_space<vmem>>
          tpu.wait_dma2 semaphore(%run_scoped3A : memref<!tpu.dma_semaphore, #tpu.memory_space<semaphore_mem>>) src(%dma_wait3A_54 : memref<80x128xf32, #tpu.memory_space<vmem>>) dst(%dma_wait3A_51 : memref<80x128xf32, #tpu.memory_space<vmem_shared>>)
          tpu.yield
        }) : () -> ()
      } else {
      }
    }
    %scan3A_14 = arith.constant 8 : i32
    %barrier3A = arith.constant 0 : index
    tpu.barrier barrier_id(%barrier3A)
    %scan3A_15 = arith.constant 0 : i32
    %scan3A_16 = arith.constant 5 : i32
    %scan3A_17 = arith.addi %scan3A_15, %scan3A_16 : i32
    %scan3A_18 = arith.constant 1 : i32
    scf.for %scan3A_26 = %scan3A_15 to %scan3A_17 step %scan3A_18  : i32 {
      %mul3A_27 = arith.constant 1 : i32
      %mul3A_28 = arith.muli %scan3A_26, %mul3A_27 : i32
      %add3A = arith.constant 0 : i32
      %add3A_29 = arith.addi %add3A, %mul3A_28 : i32
      %mul3A_30 = arith.constant 32 : i32
      %mul3A_31 = arith.muli %add3A_29, %mul3A_30 : i32
      "tpu.region"() ({
        %run_scoped3A = tpu.sem_alloc : memref<!tpu.dma_semaphore, #tpu.memory_space<semaphore_mem>>
        %dma_start3A_56 = arith.constant 0 : i32
        %dma_start3A_57 = tpu.memref_slice %arg3[%arg1, %mul3A_31, %dma_start3A_56] : memref<16x160x128xi32, #tpu.memory_space<hbm>> -> memref<1x32x128xi32, #tpu.memory_space<hbm>>
        %dma_start3A_58 = tpu.memref_squeeze %dma_start3A_57 : memref<1x32x128xi32, #tpu.memory_space<hbm>> -> memref<32x128xi32, #tpu.memory_space<hbm>>
        %dma_start3A_59 = arith.constant 0 : i32
        %dma_start3A_60 = tpu.memref_slice %arg3[%arg1, %mul3A_31, %dma_start3A_59] : memref<16x160x128xi32, #tpu.memory_space<hbm>> -> memref<1x32x128xi32, #tpu.memory_space<hbm>>
        %dma_start3A_61 = tpu.memref_squeeze %dma_start3A_60 : memref<1x32x128xi32, #tpu.memory_space<hbm>> -> memref<32x128xi32, #tpu.memory_space<hbm>>
        tpu.enqueue_dma source(%dma_start3A_61 : memref<32x128xi32, #tpu.memory_space<hbm>>) target(%arg6 : memref<32x128xi32, #tpu.memory_space<vmem>>) target_semaphore(%run_scoped3A : memref<!tpu.dma_semaphore, #tpu.memory_space<semaphore_mem>>)
        %dma_wait3A_62 = arith.constant 0 : i32
        %dma_wait3A_63 = tpu.memref_slice %arg3[%arg1, %mul3A_31, %dma_wait3A_62] : memref<16x160x128xi32, #tpu.memory_space<hbm>> -> memref<1x32x128xi32, #tpu.memory_space<hbm>>
        %dma_wait3A_64 = tpu.memref_squeeze %dma_wait3A_63 : memref<1x32x128xi32, #tpu.memory_space<hbm>> -> memref<32x128xi32, #tpu.memory_space<hbm>>
        %dma_wait3A_65 = arith.constant 0 : i32
        %dma_wait3A_66 = tpu.memref_slice %arg3[%arg1, %mul3A_31, %dma_wait3A_65] : memref<16x160x128xi32, #tpu.memory_space<hbm>> -> memref<1x32x128xi32, #tpu.memory_space<hbm>>
        %dma_wait3A_67 = tpu.memref_squeeze %dma_wait3A_66 : memref<1x32x128xi32, #tpu.memory_space<hbm>> -> memref<32x128xi32, #tpu.memory_space<hbm>>
        tpu.wait_dma2 semaphore(%run_scoped3A : memref<!tpu.dma_semaphore, #tpu.memory_space<semaphore_mem>>) src(%dma_wait3A_67 : memref<32x128xi32, #tpu.memory_space<hbm>>) dst(%arg6 : memref<32x128xi32, #tpu.memory_space<vmem>>)
        tpu.yield
      }) : () -> ()
      %scan3A_32 = arith.constant 0 : i32
      %scan3A_33 = arith.constant 32 : i32
      %scan3A_34 = arith.addi %scan3A_32, %scan3A_33 : i32
      %scan3A_35 = arith.constant 1 : i32
      scf.for %scan3A_56 = %scan3A_32 to %scan3A_34 step %scan3A_35  : i32 {
        %mul3A_57 = arith.constant 1 : i32
        %mul3A_58 = arith.muli %scan3A_56, %mul3A_57 : i32
        %add3A_59 = arith.constant 0 : i32
        %add3A_60 = arith.addi %add3A_59, %mul3A_58 : i32
        %get3A = arith.index_cast %add3A_60 : i32 to index
        %get3A_61 = arith.constant 0 : index
        %get3A_62 = tpu.vector_load %arg6[%get3A, %get3A_61] {strides = array<i32>} : memref<32x128xi32, #tpu.memory_space<vmem>>, vector<1x16xi32>,
        %get3A_63 = vector.shape_cast %get3A_62 : vector<1x16xi32> to vector<16xi32>
        %sub3A = vector.broadcast %mul3A_0 : i32 to vector<16xi32>
        %sub3A_64 = arith.subi %get3A_63, %sub3A : vector<16xi32>
        %ge3A = arith.constant 0 : i32
        %ge3A_65 = vector.broadcast %ge3A : i32 to vector<16xi32>
        %ge3A_66 = arith.cmpi sge, %sub3A_64, %ge3A_65 : vector<16xi32>
        %lt3A = arith.constant 10000 : i32
        %lt3A_67 = vector.broadcast %lt3A : i32 to vector<16xi32>
        %lt3A_68 = arith.cmpi slt, %sub3A_64, %lt3A_67 : vector<16xi32>
        %and3A = arith.andi %ge3A_66, %lt3A_68 : vector<16xi1>
        %jit3A = arith.constant 10000 : i32
        %broadcast_in_dim3A_69 = vector.broadcast %jit3A : i32 to vector<16xi32>
        %select_n3A = arith.select %and3A, %sub3A_64, %broadcast_in_dim3A_69 : vector<16xi1>, vector<16xi32>
        %swap3A = arith.index_cast %add3A_60 : i32 to index
        %swap3A_70 = arith.constant 0 : index
        %swap3A_71 = tpu.vector_load %arg6[%swap3A, %swap3A_70] {strides = array<i32>} : memref<32x128xi32, #tpu.memory_space<vmem>>, vector<1x16xi32>,
        %swap3A_72 = vector.shape_cast %swap3A_71 : vector<1x16xi32> to vector<16xi32>
        %swap3A_73 = vector.shape_cast %select_n3A : vector<16xi32> to vector<1x16xi32>
        tpu.vector_store %arg6[%swap3A, %swap3A_70], %swap3A_73 {strides = array<i32>} : memref<32x128xi32, #tpu.memory_space<vmem>>, vector<1x16xi32>,
        %get3A_74 = arith.index_cast %add3A_60 : i32 to index
        %get3A_75 = arith.constant 16 : index
        %get3A_76 = tpu.vector_load %arg6[%get3A_74, %get3A_75] {strides = array<i32>} : memref<32x128xi32, #tpu.memory_space<vmem>>, vector<1x16xi32>,
        %get3A_77 = vector.shape_cast %get3A_76 : vector<1x16xi32> to vector<16xi32>
        %sub3A_78 = vector.broadcast %mul3A_0 : i32 to vector<16xi32>
        %sub3A_79 = arith.subi %get3A_77, %sub3A_78 : vector<16xi32>
        %ge3A_80 = arith.constant 0 : i32
        %ge3A_81 = vector.broadcast %ge3A_80 : i32 to vector<16xi32>
        %ge3A_82 = arith.cmpi sge, %sub3A_79, %ge3A_81 : vector<16xi32>
        %lt3A_83 = arith.constant 10000 : i32
        %lt3A_84 = vector.broadcast %lt3A_83 : i32 to vector<16xi32>
        %lt3A_85 = arith.cmpi slt, %sub3A_79, %lt3A_84 : vector<16xi32>
        %and3A_86 = arith.andi %ge3A_82, %lt3A_85 : vector<16xi1>
        %jit3A_87 = arith.constant 10000 : i32
        %broadcast_in_dim3A_88 = vector.broadcast %jit3A_87 : i32 to vector<16xi32>
        %select_n3A_89 = arith.select %and3A_86, %sub3A_79, %broadcast_in_dim3A_88 : vector<16xi1>, vector<16xi32>
        %swap3A_90 = arith.index_cast %add3A_60 : i32 to index
        %swap3A_91 = arith.constant 16 : index
        %swap3A_92 = tpu.vector_load %arg6[%swap3A_90, %swap3A_91] {strides = array<i32>} : memref<32x128xi32, #tpu.memory_space<vmem>>, vector<1x16xi32>,
        %swap3A_93 = vector.shape_cast %swap3A_92 : vector<1x16xi32> to vector<16xi32>
        %swap3A_94 = vector.shape_cast %select_n3A_89 : vector<16xi32> to vector<1x16xi32>
        tpu.vector_store %arg6[%swap3A_90, %swap3A_91], %swap3A_94 {strides = array<i32>} : memref<32x128xi32, #tpu.memory_space<vmem>>, vector<1x16xi32>,
        %get3A_95 = arith.index_cast %add3A_60 : i32 to index
        %get3A_96 = arith.constant 32 : index
        %get3A_97 = tpu.vector_load %arg6[%get3A_95, %get3A_96] {strides = array<i32>} : memref<32x128xi32, #tpu.memory_space<vmem>>, vector<1x16xi32>,
        %get3A_98 = vector.shape_cast %get3A_97 : vector<1x16xi32> to vector<16xi32>
        %sub3A_99 = vector.broadcast %mul3A_0 : i32 to vector<16xi32>
        %sub3A_100 = arith.subi %get3A_98, %sub3A_99 : vector<16xi32>
        %ge3A_101 = arith.constant 0 : i32
        %ge3A_102 = vector.broadcast %ge3A_101 : i32 to vector<16xi32>
        %ge3A_103 = arith.cmpi sge, %sub3A_100, %ge3A_102 : vector<16xi32>
        %lt3A_104 = arith.constant 10000 : i32
        %lt3A_105 = vector.broadcast %lt3A_104 : i32 to vector<16xi32>
        %lt3A_106 = arith.cmpi slt, %sub3A_100, %lt3A_105 : vector<16xi32>
        %and3A_107 = arith.andi %ge3A_103, %lt3A_106 : vector<16xi1>
        %jit3A_108 = arith.constant 10000 : i32
        %broadcast_in_dim3A_109 = vector.broadcast %jit3A_108 : i32 to vector<16xi32>
        %select_n3A_110 = arith.select %and3A_107, %sub3A_100, %broadcast_in_dim3A_109 : vector<16xi1>, vector<16xi32>
        %swap3A_111 = arith.index_cast %add3A_60 : i32 to index
        %swap3A_112 = arith.constant 32 : index
        %swap3A_113 = tpu.vector_load %arg6[%swap3A_111, %swap3A_112] {strides = array<i32>} : memref<32x128xi32, #tpu.memory_space<vmem>>, vector<1x16xi32>,
        %swap3A_114 = vector.shape_cast %swap3A_113 : vector<1x16xi32> to vector<16xi32>
        %swap3A_115 = vector.shape_cast %select_n3A_110 : vector<16xi32> to vector<1x16xi32>
        tpu.vector_store %arg6[%swap3A_111, %swap3A_112], %swap3A_115 {strides = array<i32>} : memref<32x128xi32, #tpu.memory_space<vmem>>, vector<1x16xi32>,
        %get3A_116 = arith.index_cast %add3A_60 : i32 to index
        %get3A_117 = arith.constant 48 : index
        %get3A_118 = tpu.vector_load %arg6[%get3A_116, %get3A_117] {strides = array<i32>} : memref<32x128xi32, #tpu.memory_space<vmem>>, vector<1x16xi32>,
        %get3A_119 = vector.shape_cast %get3A_118 : vector<1x16xi32> to vector<16xi32>
        %sub3A_120 = vector.broadcast %mul3A_0 : i32 to vector<16xi32>
        %sub3A_121 = arith.subi %get3A_119, %sub3A_120 : vector<16xi32>
        %ge3A_122 = arith.constant 0 : i32
        %ge3A_123 = vector.broadcast %ge3A_122 : i32 to vector<16xi32>
        %ge3A_124 = arith.cmpi sge, %sub3A_121, %ge3A_123 : vector<16xi32>
        %lt3A_125 = arith.constant 10000 : i32
        %lt3A_126 = vector.broadcast %lt3A_125 : i32 to vector<16xi32>
        %lt3A_127 = arith.cmpi slt, %sub3A_121, %lt3A_126 : vector<16xi32>
        %and3A_128 = arith.andi %ge3A_124, %lt3A_127 : vector<16xi1>
        %jit3A_129 = arith.constant 10000 : i32
        %broadcast_in_dim3A_130 = vector.broadcast %jit3A_129 : i32 to vector<16xi32>
        %select_n3A_131 = arith.select %and3A_128, %sub3A_121, %broadcast_in_dim3A_130 : vector<16xi1>, vector<16xi32>
        %swap3A_132 = arith.index_cast %add3A_60 : i32 to index
        %swap3A_133 = arith.constant 48 : index
        %swap3A_134 = tpu.vector_load %arg6[%swap3A_132, %swap3A_133] {strides = array<i32>} : memref<32x128xi32, #tpu.memory_space<vmem>>, vector<1x16xi32>,
        %swap3A_135 = vector.shape_cast %swap3A_134 : vector<1x16xi32> to vector<16xi32>
        %swap3A_136 = vector.shape_cast %select_n3A_131 : vector<16xi32> to vector<1x16xi32>
        tpu.vector_store %arg6[%swap3A_132, %swap3A_133], %swap3A_136 {strides = array<i32>} : memref<32x128xi32, #tpu.memory_space<vmem>>, vector<1x16xi32>,
        %get3A_137 = arith.index_cast %add3A_60 : i32 to index
        %get3A_138 = arith.constant 64 : index
        %get3A_139 = tpu.vector_load %arg6[%get3A_137, %get3A_138] {strides = array<i32>} : memref<32x128xi32, #tpu.memory_space<vmem>>, vector<1x16xi32>,
        %get3A_140 = vector.shape_cast %get3A_139 : vector<1x16xi32> to vector<16xi32>
        %sub3A_141 = vector.broadcast %mul3A_0 : i32 to vector<16xi32>
        %sub3A_142 = arith.subi %get3A_140, %sub3A_141 : vector<16xi32>
        %ge3A_143 = arith.constant 0 : i32
        %ge3A_144 = vector.broadcast %ge3A_143 : i32 to vector<16xi32>
        %ge3A_145 = arith.cmpi sge, %sub3A_142, %ge3A_144 : vector<16xi32>
        %lt3A_146 = arith.constant 10000 : i32
        %lt3A_147 = vector.broadcast %lt3A_146 : i32 to vector<16xi32>
        %lt3A_148 = arith.cmpi slt, %sub3A_142, %lt3A_147 : vector<16xi32>
        %and3A_149 = arith.andi %ge3A_145, %lt3A_148 : vector<16xi1>
        %jit3A_150 = arith.constant 10000 : i32
        %broadcast_in_dim3A_151 = vector.broadcast %jit3A_150 : i32 to vector<16xi32>
        %select_n3A_152 = arith.select %and3A_149, %sub3A_142, %broadcast_in_dim3A_151 : vector<16xi1>, vector<16xi32>
        %swap3A_153 = arith.index_cast %add3A_60 : i32 to index
        %swap3A_154 = arith.constant 64 : index
        %swap3A_155 = tpu.vector_load %arg6[%swap3A_153, %swap3A_154] {strides = array<i32>} : memref<32x128xi32, #tpu.memory_space<vmem>>, vector<1x16xi32>,
        %swap3A_156 = vector.shape_cast %swap3A_155 : vector<1x16xi32> to vector<16xi32>
        %swap3A_157 = vector.shape_cast %select_n3A_152 : vector<16xi32> to vector<1x16xi32>
        tpu.vector_store %arg6[%swap3A_153, %swap3A_154], %swap3A_157 {strides = array<i32>} : memref<32x128xi32, #tpu.memory_space<vmem>>, vector<1x16xi32>,
        %get3A_158 = arith.index_cast %add3A_60 : i32 to index
        %get3A_159 = arith.constant 80 : index
        %get3A_160 = tpu.vector_load %arg6[%get3A_158, %get3A_159] {strides = array<i32>} : memref<32x128xi32, #tpu.memory_space<vmem>>, vector<1x16xi32>,
        %get3A_161 = vector.shape_cast %get3A_160 : vector<1x16xi32> to vector<16xi32>
        %sub3A_162 = vector.broadcast %mul3A_0 : i32 to vector<16xi32>
        %sub3A_163 = arith.subi %get3A_161, %sub3A_162 : vector<16xi32>
        %ge3A_164 = arith.constant 0 : i32
        %ge3A_165 = vector.broadcast %ge3A_164 : i32 to vector<16xi32>
        %ge3A_166 = arith.cmpi sge, %sub3A_163, %ge3A_165 : vector<16xi32>
        %lt3A_167 = arith.constant 10000 : i32
        %lt3A_168 = vector.broadcast %lt3A_167 : i32 to vector<16xi32>
        %lt3A_169 = arith.cmpi slt, %sub3A_163, %lt3A_168 : vector<16xi32>
        %and3A_170 = arith.andi %ge3A_166, %lt3A_169 : vector<16xi1>
        %jit3A_171 = arith.constant 10000 : i32
        %broadcast_in_dim3A_172 = vector.broadcast %jit3A_171 : i32 to vector<16xi32>
        %select_n3A_173 = arith.select %and3A_170, %sub3A_163, %broadcast_in_dim3A_172 : vector<16xi1>, vector<16xi32>
        %swap3A_174 = arith.index_cast %add3A_60 : i32 to index
        %swap3A_175 = arith.constant 80 : index
        %swap3A_176 = tpu.vector_load %arg6[%swap3A_174, %swap3A_175] {strides = array<i32>} : memref<32x128xi32, #tpu.memory_space<vmem>>, vector<1x16xi32>,
        %swap3A_177 = vector.shape_cast %swap3A_176 : vector<1x16xi32> to vector<16xi32>
        %swap3A_178 = vector.shape_cast %select_n3A_173 : vector<16xi32> to vector<1x16xi32>
        tpu.vector_store %arg6[%swap3A_174, %swap3A_175], %swap3A_178 {strides = array<i32>} : memref<32x128xi32, #tpu.memory_space<vmem>>, vector<1x16xi32>,
        %get3A_179 = arith.index_cast %add3A_60 : i32 to index
        %get3A_180 = arith.constant 96 : index
        %get3A_181 = tpu.vector_load %arg6[%get3A_179, %get3A_180] {strides = array<i32>} : memref<32x128xi32, #tpu.memory_space<vmem>>, vector<1x16xi32>,
        %get3A_182 = vector.shape_cast %get3A_181 : vector<1x16xi32> to vector<16xi32>
        %sub3A_183 = vector.broadcast %mul3A_0 : i32 to vector<16xi32>
        %sub3A_184 = arith.subi %get3A_182, %sub3A_183 : vector<16xi32>
        %ge3A_185 = arith.constant 0 : i32
        %ge3A_186 = vector.broadcast %ge3A_185 : i32 to vector<16xi32>
        %ge3A_187 = arith.cmpi sge, %sub3A_184, %ge3A_186 : vector<16xi32>
        %lt3A_188 = arith.constant 10000 : i32
        %lt3A_189 = vector.broadcast %lt3A_188 : i32 to vector<16xi32>
        %lt3A_190 = arith.cmpi slt, %sub3A_184, %lt3A_189 : vector<16xi32>
        %and3A_191 = arith.andi %ge3A_187, %lt3A_190 : vector<16xi1>
        %jit3A_192 = arith.constant 10000 : i32
        %broadcast_in_dim3A_193 = vector.broadcast %jit3A_192 : i32 to vector<16xi32>
        %select_n3A_194 = arith.select %and3A_191, %sub3A_184, %broadcast_in_dim3A_193 : vector<16xi1>, vector<16xi32>
        %swap3A_195 = arith.index_cast %add3A_60 : i32 to index
        %swap3A_196 = arith.constant 96 : index
        %swap3A_197 = tpu.vector_load %arg6[%swap3A_195, %swap3A_196] {strides = array<i32>} : memref<32x128xi32, #tpu.memory_space<vmem>>, vector<1x16xi32>,
        %swap3A_198 = vector.shape_cast %swap3A_197 : vector<1x16xi32> to vector<16xi32>
        %swap3A_199 = vector.shape_cast %select_n3A_194 : vector<16xi32> to vector<1x16xi32>
        tpu.vector_store %arg6[%swap3A_195, %swap3A_196], %swap3A_199 {strides = array<i32>} : memref<32x128xi32, #tpu.memory_space<vmem>>, vector<1x16xi32>,
        %get3A_200 = arith.index_cast %add3A_60 : i32 to index
        %get3A_201 = arith.constant 112 : index
        %get3A_202 = tpu.vector_load %arg6[%get3A_200, %get3A_201] {strides = array<i32>} : memref<32x128xi32, #tpu.memory_space<vmem>>, vector<1x16xi32>,
        %get3A_203 = vector.shape_cast %get3A_202 : vector<1x16xi32> to vector<16xi32>
        %sub3A_204 = vector.broadcast %mul3A_0 : i32 to vector<16xi32>
        %sub3A_205 = arith.subi %get3A_203, %sub3A_204 : vector<16xi32>
        %ge3A_206 = arith.constant 0 : i32
        %ge3A_207 = vector.broadcast %ge3A_206 : i32 to vector<16xi32>
        %ge3A_208 = arith.cmpi sge, %sub3A_205, %ge3A_207 : vector<16xi32>
        %lt3A_209 = arith.constant 10000 : i32
        %lt3A_210 = vector.broadcast %lt3A_209 : i32 to vector<16xi32>
        %lt3A_211 = arith.cmpi slt, %sub3A_205, %lt3A_210 : vector<16xi32>
        %and3A_212 = arith.andi %ge3A_208, %lt3A_211 : vector<16xi1>
        %jit3A_213 = arith.constant 10000 : i32
        %broadcast_in_dim3A_214 = vector.broadcast %jit3A_213 : i32 to vector<16xi32>
        %select_n3A_215 = arith.select %and3A_212, %sub3A_205, %broadcast_in_dim3A_214 : vector<16xi1>, vector<16xi32>
        %swap3A_216 = arith.index_cast %add3A_60 : i32 to index
        %swap3A_217 = arith.constant 112 : index
        %swap3A_218 = tpu.vector_load %arg6[%swap3A_216, %swap3A_217] {strides = array<i32>} : memref<32x128xi32, #tpu.memory_space<vmem>>, vector<1x16xi32>,
        %swap3A_219 = vector.shape_cast %swap3A_218 : vector<1x16xi32> to vector<16xi32>
        %swap3A_220 = vector.shape_cast %select_n3A_215 : vector<16xi32> to vector<1x16xi32>
        tpu.vector_store %arg6[%swap3A_216, %swap3A_217], %swap3A_220 {strides = array<i32>} : memref<32x128xi32, #tpu.memory_space<vmem>>, vector<1x16xi32>,
      }
      %scan3A_36 = arith.constant 32 : i32
      %mul3A_37 = arith.constant 32 : i32
      %mul3A_38 = arith.muli %add3A_29, %mul3A_37 : i32
      %mul3A_39 = arith.constant 128 : i32
      %mul3A_40 = arith.muli %mul3A_38, %mul3A_39 : i32
      %add3A_41 = arith.addi %mul3A_4, %mul3A_40 : i32
      %dma_start3A = arith.constant 0 : i32
      %dma_start3A_42 = tpu.memref_slice %arg2[%add3A_41, %dma_start3A] : memref<327680x128xf32, #tpu.memory_space<hbm>> -> memref<128x128xf32, #tpu.memory_space<hbm>>
      %dma_start3A_43 = arith.constant 0 : i32
      %dma_start3A_44 = tpu.memref_slice %arg2[%add3A_41, %dma_start3A_43] : memref<327680x128xf32, #tpu.memory_space<hbm>> -> memref<128x128xf32, #tpu.memory_space<hbm>>
      tpu.enqueue_dma source(%dma_start3A_44 : memref<128x128xf32, #tpu.memory_space<hbm>>) target(%arg7 : memref<128x128xf32, #tpu.memory_space<vmem>>) target_semaphore(%arg9 : memref<!tpu.dma_semaphore, #tpu.memory_space<semaphore_mem>>)
      %scan3A_45 = arith.constant 0 : i32
      %scan3A_46 = arith.constant 16 : i32
      %scan3A_47 = arith.addi %scan3A_45, %scan3A_46 : i32
      %scan3A_48 = arith.constant 1 : i32
      scf.for %scan3A_56 = %scan3A_45 to %scan3A_47 step %scan3A_48  : i32 {
        %mul3A_57 = arith.constant 1 : i32
        %mul3A_58 = arith.muli %scan3A_56, %mul3A_57 : i32
        %add3A_59 = arith.constant 0 : i32
        %add3A_60 = arith.addi %add3A_59, %mul3A_58 : i32
        %mul3A_61 = arith.constant 2 : i32
        %mul3A_62 = arith.muli %mul3A_61, %add3A_60 : i32
        %add3A_63 = arith.constant 1 : i32
        %add3A_64 = arith.addi %mul3A_62, %add3A_63 : i32
        %mul3A_65 = arith.constant 128 : i32
        %mul3A_66 = arith.muli %mul3A_62, %mul3A_65 : i32
        %add3A_67 = arith.addi %add3A_41, %mul3A_66 : i32
        %dma_wait3A_68 = arith.constant 0 : i32
        %dma_wait3A_69 = tpu.memref_slice %arg2[%add3A_67, %dma_wait3A_68] : memref<327680x128xf32, #tpu.memory_space<hbm>> -> memref<128x128xf32, #tpu.memory_space<hbm>>
        %dma_wait3A_70 = arith.constant 0 : i32
        %dma_wait3A_71 = tpu.memref_slice %arg2[%add3A_67, %dma_wait3A_70] : memref<327680x128xf32, #tpu.memory_space<hbm>> -> memref<128x128xf32, #tpu.memory_space<hbm>>
        tpu.wait_dma2 semaphore(%arg9 : memref<!tpu.dma_semaphore, #tpu.memory_space<semaphore_mem>>) src(%dma_wait3A_71 : memref<128x128xf32, #tpu.memory_space<hbm>>) dst(%arg7 : memref<128x128xf32, #tpu.memory_space<vmem>>)
        %ge3A = arith.constant 1 : i32
        %ge3A_72 = arith.cmpi sge, %add3A_60, %ge3A : i32
        %convert_element_type3A = arith.extui %ge3A_72 : i1 to i32
        %cond3A = arith.constant 0 : i32
        %cond3A_73 = arith.cmpi ne, %convert_element_type3A, %cond3A : i32
        scf.if %cond3A_73 {
          %sub3A = arith.constant 2 : i32
          %sub3A_112 = arith.subi %add3A_64, %sub3A : i32
          %dma_wait3A_113 = arith.constant 0 : i32
          %dma_wait3A_114 = tpu.memref_slice %arg6[%sub3A_112, %dma_wait3A_113] : memref<32x128xi32, #tpu.memory_space<vmem>> -> memref<1x128xi32, #tpu.memory_space<vmem>>
          %dma_wait3A_115 = tpu.memref_squeeze %dma_wait3A_114 : memref<1x128xi32, #tpu.memory_space<vmem>> -> memref<128xi32, #tpu.memory_space<vmem>>
          %dma_wait3A_116 = arith.constant 0 : i32
          %dma_wait3A_117 = arith.constant 0 : i32
          %dma_wait3A_118 = tpu.memref_slice %arg5[%dma_wait3A_116, %dma_wait3A_117] : memref<10008x128xf32, #tpu.memory_space<vmem_shared>> -> memref<10008x128xf32, #tpu.memory_space<vmem_shared>>
          tpu.wait_indirect_dma semaphore(%arg12 : memref<!tpu.dma_semaphore, #tpu.memory_space<semaphore_mem>>) src(%arg8 : memref<128x128xf32, #tpu.memory_space<vmem>>) dst(%dma_wait3A_118 : memref<10008x128xf32, #tpu.memory_space<vmem_shared>>)
        } else {
        }
        %mul3A_74 = arith.constant 128 : i32
        %mul3A_75 = arith.muli %add3A_64, %mul3A_74 : i32
        %add3A_76 = arith.addi %add3A_41, %mul3A_75 : i32
        %dma_start3A_77 = arith.constant 0 : i32
        %dma_start3A_78 = tpu.memref_slice %arg2[%add3A_76, %dma_start3A_77] : memref<327680x128xf32, #tpu.memory_space<hbm>> -> memref<128x128xf32, #tpu.memory_space<hbm>>
        %dma_start3A_79 = arith.constant 0 : i32
        %dma_start3A_80 = tpu.memref_slice %arg2[%add3A_76, %dma_start3A_79] : memref<327680x128xf32, #tpu.memory_space<hbm>> -> memref<128x128xf32, #tpu.memory_space<hbm>>
        tpu.enqueue_dma source(%dma_start3A_80 : memref<128x128xf32, #tpu.memory_space<hbm>>) target(%arg8 : memref<128x128xf32, #tpu.memory_space<vmem>>) target_semaphore(%arg10 : memref<!tpu.dma_semaphore, #tpu.memory_space<semaphore_mem>>)
        %dma_start3A_81 = arith.constant 0 : i32
        %dma_start3A_82 = tpu.memref_slice %arg6[%mul3A_62, %dma_start3A_81] : memref<32x128xi32, #tpu.memory_space<vmem>> -> memref<1x128xi32, #tpu.memory_space<vmem>>
        %dma_start3A_83 = tpu.memref_squeeze %dma_start3A_82 : memref<1x128xi32, #tpu.memory_space<vmem>> -> memref<128xi32, #tpu.memory_space<vmem>>
        %dma_start3A_84 = arith.constant 0 : i32
        %dma_start3A_85 = arith.constant 0 : i32
        %dma_start3A_86 = tpu.memref_slice %arg5[%dma_start3A_84, %dma_start3A_85] : memref<10008x128xf32, #tpu.memory_space<vmem_shared>> -> memref<10008x128xf32, #tpu.memory_space<vmem_shared>>
        tpu.enqueue_indirect_dma source(%arg7 : memref<128x128xf32, #tpu.memory_space<vmem>>) target(%dma_start3A_86 : memref<10008x128xf32, #tpu.memory_space<vmem_shared>>) offsets(%dma_start3A_83 : memref<128xi32, #tpu.memory_space<vmem>>) semaphore(%arg11 : memref<!tpu.dma_semaphore, #tpu.memory_space<semaphore_mem>>) {add = true}
        %mul3A_87 = arith.constant 128 : i32
        %mul3A_88 = arith.muli %add3A_64, %mul3A_87 : i32
        %add3A_89 = arith.addi %add3A_41, %mul3A_88 : i32
        %dma_wait3A_90 = arith.constant 0 : i32
        %dma_wait3A_91 = tpu.memref_slice %arg2[%add3A_89, %dma_wait3A_90] : memref<327680x128xf32, #tpu.memory_space<hbm>> -> memref<128x128xf32, #tpu.memory_space<hbm>>
        %dma_wait3A_92 = arith.constant 0 : i32
        %dma_wait3A_93 = tpu.memref_slice %arg2[%add3A_89, %dma_wait3A_92] : memref<327680x128xf32, #tpu.memory_space<hbm>> -> memref<128x128xf32, #tpu.memory_space<hbm>>
        tpu.wait_dma2 semaphore(%arg10 : memref<!tpu.dma_semaphore, #tpu.memory_space<semaphore_mem>>) src(%dma_wait3A_93 : memref<128x128xf32, #tpu.memory_space<hbm>>) dst(%arg8 : memref<128x128xf32, #tpu.memory_space<vmem>>)
        %dma_wait3A_94 = arith.constant 0 : i32
        %dma_wait3A_95 = tpu.memref_slice %arg6[%mul3A_62, %dma_wait3A_94] : memref<32x128xi32, #tpu.memory_space<vmem>> -> memref<1x128xi32, #tpu.memory_space<vmem>>
        %dma_wait3A_96 = tpu.memref_squeeze %dma_wait3A_95 : memref<1x128xi32, #tpu.memory_space<vmem>> -> memref<128xi32, #tpu.memory_space<vmem>>
        %dma_wait3A_97 = arith.constant 0 : i32
        %dma_wait3A_98 = arith.constant 0 : i32
        %dma_wait3A_99 = tpu.memref_slice %arg5[%dma_wait3A_97, %dma_wait3A_98] : memref<10008x128xf32, #tpu.memory_space<vmem_shared>> -> memref<10008x128xf32, #tpu.memory_space<vmem_shared>>
        tpu.wait_indirect_dma semaphore(%arg11 : memref<!tpu.dma_semaphore, #tpu.memory_space<semaphore_mem>>) src(%arg7 : memref<128x128xf32, #tpu.memory_space<vmem>>) dst(%dma_wait3A_99 : memref<10008x128xf32, #tpu.memory_space<vmem_shared>>)
        %add3A_100 = arith.constant 1 : i32
        %add3A_101 = arith.addi %add3A_60, %add3A_100 : i32
        %lt3A = arith.constant 16 : i32
        %lt3A_102 = arith.cmpi slt, %add3A_101, %lt3A : i32
        %convert_element_type3A_103 = arith.extui %lt3A_102 : i1 to i32
        %cond3A_104 = arith.constant 0 : i32
        %cond3A_105 = arith.cmpi ne, %convert_element_type3A_103, %cond3A_104 : i32
        scf.if %cond3A_105 {
          %add3A_112 = arith.constant 2 : i32
          %add3A_113 = arith.addi %mul3A_62, %add3A_112 : i32
          %mul3A_114 = arith.constant 128 : i32
          %mul3A_115 = arith.muli %add3A_113, %mul3A_114 : i32
          %add3A_116 = arith.addi %add3A_41, %mul3A_115 : i32
          %dma_start3A_117 = arith.constant 0 : i32
          %dma_start3A_118 = tpu.memref_slice %arg2[%add3A_116, %dma_start3A_117] : memref<327680x128xf32, #tpu.memory_space<hbm>> -> memref<128x128xf32, #tpu.memory_space<hbm>>
          %dma_start3A_119 = arith.constant 0 : i32
          %dma_start3A_120 = tpu.memref_slice %arg2[%add3A_116, %dma_start3A_119] : memref<327680x128xf32, #tpu.memory_space<hbm>> -> memref<128x128xf32, #tpu.memory_space<hbm>>
          tpu.enqueue_dma source(%dma_start3A_120 : memref<128x128xf32, #tpu.memory_space<hbm>>) target(%arg7 : memref<128x128xf32, #tpu.memory_space<vmem>>) target_semaphore(%arg9 : memref<!tpu.dma_semaphore, #tpu.memory_space<semaphore_mem>>)
        } else {
        }
        %dma_start3A_106 = arith.constant 0 : i32
        %dma_start3A_107 = tpu.memref_slice %arg6[%add3A_64, %dma_start3A_106] : memref<32x128xi32, #tpu.memory_space<vmem>> -> memref<1x128xi32, #tpu.memory_space<vmem>>
        %dma_start3A_108 = tpu.memref_squeeze %dma_start3A_107 : memref<1x128xi32, #tpu.memory_space<vmem>> -> memref<128xi32, #tpu.memory_space<vmem>>
        %dma_start3A_109 = arith.constant 0 : i32
        %dma_start3A_110 = arith.constant 0 : i32
        %dma_start3A_111 = tpu.memref_slice %arg5[%dma_start3A_109, %dma_start3A_110] : memref<10008x128xf32, #tpu.memory_space<vmem_shared>> -> memref<10008x128xf32, #tpu.memory_space<vmem_shared>>
        tpu.enqueue_indirect_dma source(%arg8 : memref<128x128xf32, #tpu.memory_space<vmem>>) target(%dma_start3A_111 : memref<10008x128xf32, #tpu.memory_space<vmem_shared>>) offsets(%dma_start3A_108 : memref<128xi32, #tpu.memory_space<vmem>>) semaphore(%arg12 : memref<!tpu.dma_semaphore, #tpu.memory_space<semaphore_mem>>) {add = true}
      }
      %scan3A_49 = arith.constant 16 : i32
      %dma_wait3A = arith.constant 31 : i32
      %dma_wait3A_50 = arith.constant 0 : i32
      %dma_wait3A_51 = tpu.memref_slice %arg6[%dma_wait3A, %dma_wait3A_50] : memref<32x128xi32, #tpu.memory_space<vmem>> -> memref<1x128xi32, #tpu.memory_space<vmem>>
      %dma_wait3A_52 = tpu.memref_squeeze %dma_wait3A_51 : memref<1x128xi32, #tpu.memory_space<vmem>> -> memref<128xi32, #tpu.memory_space<vmem>>
      %dma_wait3A_53 = arith.constant 0 : i32
      %dma_wait3A_54 = arith.constant 0 : i32
      %dma_wait3A_55 = tpu.memref_slice %arg5[%dma_wait3A_53, %dma_wait3A_54] : memref<10008x128xf32, #tpu.memory_space<vmem_shared>> -> memref<10008x128xf32, #tpu.memory_space<vmem_shared>>
      tpu.wait_indirect_dma semaphore(%arg12 : memref<!tpu.dma_semaphore, #tpu.memory_space<semaphore_mem>>) src(%arg8 : memref<128x128xf32, #tpu.memory_space<vmem>>) dst(%dma_wait3A_55 : memref<10008x128xf32, #tpu.memory_space<vmem_shared>>)
    }
    %scan3A_19 = arith.constant 5 : i32
    %barrier3A_20 = arith.constant 0 : index
    tpu.barrier barrier_id(%barrier3A_20)
    %scan3A_21 = arith.constant 0 : i32
    %scan3A_22 = arith.constant 8 : i32
    %scan3A_23 = arith.addi %scan3A_21, %scan3A_22 : i32
    %scan3A_24 = arith.constant 1 : i32
    scf.for %scan3A_26 = %scan3A_21 to %scan3A_23 step %scan3A_24  : i32 {
      %mul3A_27 = arith.constant 1 : i32
      %mul3A_28 = arith.muli %scan3A_26, %mul3A_27 : i32
      %add3A = arith.constant 0 : i32
      %add3A_29 = arith.addi %add3A, %mul3A_28 : i32
      %mul3A_30 = arith.constant 16 : i32
      %mul3A_31 = arith.muli %add3A_29, %mul3A_30 : i32
      %add3A_32 = arith.addi %arg1, %mul3A_31 : i32
      %lt3A = arith.constant 125 : i32
      %lt3A_33 = arith.cmpi slt, %add3A_32, %lt3A : i32
      %convert_element_type3A = arith.extui %lt3A_33 : i1 to i32
      %cond3A = arith.constant 0 : i32
      %cond3A_34 = arith.cmpi ne, %convert_element_type3A, %cond3A : i32
      scf.if %cond3A_34 {
        %mul3A_35 = arith.constant 80 : i32
        %mul3A_36 = arith.muli %add3A_32, %mul3A_35 : i32
        "tpu.region"() ({
          %run_scoped3A = tpu.sem_alloc : memref<!tpu.dma_semaphore, #tpu.memory_space<semaphore_mem>>
          %dma_start3A = arith.constant 0 : i32
          %dma_start3A_40 = arith.constant 0 : i32
          %dma_start3A_41 = tpu.memref_slice %arg7[%dma_start3A, %dma_start3A_40] : memref<128x128xf32, #tpu.memory_space<vmem>> -> memref<80x128xf32, #tpu.memory_space<vmem>>
          %dma_start3A_42 = arith.constant 0 : i32
          %dma_start3A_43 = tpu.memref_slice %arg5[%mul3A_36, %dma_start3A_42] : memref<10008x128xf32, #tpu.memory_space<vmem_shared>> -> memref<80x128xf32, #tpu.memory_space<vmem_shared>>
          %dma_start3A_44 = arith.constant 0 : i32
          %dma_start3A_45 = arith.constant 0 : i32
          %dma_start3A_46 = tpu.memref_slice %arg7[%dma_start3A_44, %dma_start3A_45] : memref<128x128xf32, #tpu.memory_space<vmem>> -> memref<80x128xf32, #tpu.memory_space<vmem>>
          %dma_start3A_47 = arith.constant 0 : i32
          %dma_start3A_48 = tpu.memref_slice %arg5[%mul3A_36, %dma_start3A_47] : memref<10008x128xf32, #tpu.memory_space<vmem_shared>> -> memref<80x128xf32, #tpu.memory_space<vmem_shared>>
          tpu.enqueue_dma source(%dma_start3A_48 : memref<80x128xf32, #tpu.memory_space<vmem_shared>>) target(%dma_start3A_46 : memref<80x128xf32, #tpu.memory_space<vmem>>) target_semaphore(%run_scoped3A : memref<!tpu.dma_semaphore, #tpu.memory_space<semaphore_mem>>)
          %dma_wait3A = arith.constant 0 : i32
          %dma_wait3A_49 = arith.constant 0 : i32
          %dma_wait3A_50 = tpu.memref_slice %arg7[%dma_wait3A, %dma_wait3A_49] : memref<128x128xf32, #tpu.memory_space<vmem>> -> memref<80x128xf32, #tpu.memory_space<vmem>>
          %dma_wait3A_51 = arith.constant 0 : i32
          %dma_wait3A_52 = tpu.memref_slice %arg5[%mul3A_36, %dma_wait3A_51] : memref<10008x128xf32, #tpu.memory_space<vmem_shared>> -> memref<80x128xf32, #tpu.memory_space<vmem_shared>>
          %dma_wait3A_53 = arith.constant 0 : i32
          %dma_wait3A_54 = arith.constant 0 : i32
          %dma_wait3A_55 = tpu.memref_slice %arg7[%dma_wait3A_53, %dma_wait3A_54] : memref<128x128xf32, #tpu.memory_space<vmem>> -> memref<80x128xf32, #tpu.memory_space<vmem>>
          %dma_wait3A_56 = arith.constant 0 : i32
          %dma_wait3A_57 = tpu.memref_slice %arg5[%mul3A_36, %dma_wait3A_56] : memref<10008x128xf32, #tpu.memory_space<vmem_shared>> -> memref<80x128xf32, #tpu.memory_space<vmem_shared>>
          tpu.wait_dma2 semaphore(%run_scoped3A : memref<!tpu.dma_semaphore, #tpu.memory_space<semaphore_mem>>) src(%dma_wait3A_57 : memref<80x128xf32, #tpu.memory_space<vmem_shared>>) dst(%dma_wait3A_55 : memref<80x128xf32, #tpu.memory_space<vmem>>)
          tpu.yield
        }) : () -> ()
        %mul3A_37 = arith.constant 80 : i32
        %mul3A_38 = arith.muli %add3A_32, %mul3A_37 : i32
        %add3A_39 = arith.addi %mul3A_0, %mul3A_38 : i32
        "tpu.region"() ({
          %run_scoped3A = tpu.sem_alloc : memref<!tpu.dma_semaphore, #tpu.memory_space<semaphore_mem>>
          %dma_start3A = arith.constant 0 : i32
          %dma_start3A_40 = arith.constant 0 : i32
          %dma_start3A_41 = tpu.memref_slice %arg7[%dma_start3A, %dma_start3A_40] : memref<128x128xf32, #tpu.memory_space<vmem>> -> memref<80x128xf32, #tpu.memory_space<vmem>>
          %dma_start3A_42 = arith.constant 0 : i32
          %dma_start3A_43 = tpu.memref_slice %arg4[%add3A_39, %dma_start3A_42] : memref<20000x128xf32, #tpu.memory_space<hbm>> -> memref<80x128xf32, #tpu.memory_space<hbm>>
          %dma_start3A_44 = arith.constant 0 : i32
          %dma_start3A_45 = tpu.memref_slice %arg4[%add3A_39, %dma_start3A_44] : memref<20000x128xf32, #tpu.memory_space<hbm>> -> memref<80x128xf32, #tpu.memory_space<hbm>>
          %dma_start3A_46 = arith.constant 0 : i32
          %dma_start3A_47 = arith.constant 0 : i32
          %dma_start3A_48 = tpu.memref_slice %arg7[%dma_start3A_46, %dma_start3A_47] : memref<128x128xf32, #tpu.memory_space<vmem>> -> memref<80x128xf32, #tpu.memory_space<vmem>>
          tpu.enqueue_dma source(%dma_start3A_48 : memref<80x128xf32, #tpu.memory_space<vmem>>) target(%dma_start3A_45 : memref<80x128xf32, #tpu.memory_space<hbm>>) target_semaphore(%run_scoped3A : memref<!tpu.dma_semaphore, #tpu.memory_space<semaphore_mem>>)
          %dma_wait3A = arith.constant 0 : i32
          %dma_wait3A_49 = arith.constant 0 : i32
          %dma_wait3A_50 = tpu.memref_slice %arg7[%dma_wait3A, %dma_wait3A_49] : memref<128x128xf32, #tpu.memory_space<vmem>> -> memref<80x128xf32, #tpu.memory_space<vmem>>
          %dma_wait3A_51 = arith.constant 0 : i32
          %dma_wait3A_52 = tpu.memref_slice %arg4[%add3A_39, %dma_wait3A_51] : memref<20000x128xf32, #tpu.memory_space<hbm>> -> memref<80x128xf32, #tpu.memory_space<hbm>>
          %dma_wait3A_53 = arith.constant 0 : i32
          %dma_wait3A_54 = tpu.memref_slice %arg4[%add3A_39, %dma_wait3A_53] : memref<20000x128xf32, #tpu.memory_space<hbm>> -> memref<80x128xf32, #tpu.memory_space<hbm>>
          %dma_wait3A_55 = arith.constant 0 : i32
          %dma_wait3A_56 = arith.constant 0 : i32
          %dma_wait3A_57 = tpu.memref_slice %arg7[%dma_wait3A_55, %dma_wait3A_56] : memref<128x128xf32, #tpu.memory_space<vmem>> -> memref<80x128xf32, #tpu.memory_space<vmem>>
          tpu.wait_dma2 semaphore(%run_scoped3A : memref<!tpu.dma_semaphore, #tpu.memory_space<semaphore_mem>>) src(%dma_wait3A_57 : memref<80x128xf32, #tpu.memory_space<vmem>>) dst(%dma_wait3A_54 : memref<80x128xf32, #tpu.memory_space<hbm>>)
          tpu.yield
        }) : () -> ()
      } else {
      }
    }
    %scan3A_25 = arith.constant 8 : i32
    return
  }
}

#map = affine_map<(d0, d1) -> (0, 0)>
#map1 = affine_map<(d0, d1) -> (0, 0, 0)>
module attributes {stable_mosaic.version = 14 : i64} {
  func.func @_reduce_body(%arg0: i32, %arg1: i32, %arg2: memref<327680x128xf32, #tpu.memory_space<hbm>>, %arg3: memref<16x160x128xi32, #tpu.memory_space<hbm>>, %arg4: memref<20000x128xf32, #tpu.memory_space<hbm>>, %arg5: memref<10008x128xf32, #tpu.memory_space<vmem_shared>>, %arg6: memref<32x128xi32, #tpu.memory_space<vmem>>, %arg7: memref<128x128xf32, #tpu.memory_space<vmem>>, %arg8: memref<128x128xf32, #tpu.memory_space<vmem>>, %arg9: memref<!tpu.dma_semaphore, #tpu.memory_space<semaphore_mem>>, %arg10: memref<!tpu.dma_semaphore, #tpu.memory_space<semaphore_mem>>, %arg11: memref<!tpu.dma_semaphore, #tpu.memory_space<semaphore_mem>>, %arg12: memref<!tpu.dma_semaphore, #tpu.memory_space<semaphore_mem>>) attributes {dimension_semantics = [#tpu.dimension_semantics<core_parallel>, #tpu.dimension_semantics<subcore_parallel>], iteration_bounds = array<i64: 2, 16>, scalar_prefetch = 0 : i64, scratch_operands = 8 : i64, tpu.core_type = #tpu.core_type<sc_vector_subcore>, window_params = [{transform_indices = #map}, {transform_indices = #map1}, {transform_indices = #map}]} {
    %mul3A = arith.constant 10000 : i32
    %mul3A_0 = arith.muli %arg0, %mul3A : i32
    %mul3A_1 = arith.constant 160 : i32
    %mul3A_2 = arith.muli %arg1, %mul3A_1 : i32
    %mul3A_3 = arith.constant 128 : i32
    %mul3A_4 = arith.muli %mul3A_2, %mul3A_3 : i32
    %broadcast_in_dim3A = arith.constant 0.000000e+00 : f32
    %broadcast_in_dim3A_5 = vector.broadcast %broadcast_in_dim3A : f32 to vector<16xf32>
    %scan3A = arith.constant 0 : i32
    %scan3A_6 = arith.constant 128 : i32
    %scan3A_7 = arith.addi %scan3A, %scan3A_6 : i32
    %scan3A_8 = arith.constant 1 : i32
    scf.for %scan3A_26 = %scan3A to %scan3A_7 step %scan3A_8  : i32 {
      %mul3A_27 = arith.constant 1 : i32
      %mul3A_28 = arith.muli %scan3A_26, %mul3A_27 : i32
      %add3A = arith.constant 0 : i32
      %add3A_29 = arith.addi %add3A, %mul3A_28 : i32
      %swap3A = arith.index_cast %add3A_29 : i32 to index
      %swap3A_30 = arith.constant 0 : index
      %swap3A_31 = tpu.vector_load %arg7[%swap3A, %swap3A_30] {strides = array<i32>} : memref<128x128xf32, #tpu.memory_space<vmem>>, vector<1x16xf32>,
      %swap3A_32 = vector.shape_cast %swap3A_31 : vector<1x16xf32> to vector<16xf32>
      %swap3A_33 = vector.shape_cast %broadcast_in_dim3A_5 : vector<16xf32> to vector<1x16xf32>
      tpu.vector_store %arg7[%swap3A, %swap3A_30], %swap3A_33 {strides = array<i32>} : memref<128x128xf32, #tpu.memory_space<vmem>>, vector<1x16xf32>,
      %swap3A_34 = arith.index_cast %add3A_29 : i32 to index
      %swap3A_35 = arith.constant 16 : index
      %swap3A_36 = tpu.vector_load %arg7[%swap3A_34, %swap3A_35] {strides = array<i32>} : memref<128x128xf32, #tpu.memory_space<vmem>>, vector<1x16xf32>,
      %swap3A_37 = vector.shape_cast %swap3A_36 : vector<1x16xf32> to vector<16xf32>
      %swap3A_38 = vector.shape_cast %broadcast_in_dim3A_5 : vector<16xf32> to vector<1x16xf32>
      tpu.vector_store %arg7[%swap3A_34, %swap3A_35], %swap3A_38 {strides = array<i32>} : memref<128x128xf32, #tpu.memory_space<vmem>>, vector<1x16xf32>,
      %swap3A_39 = arith.index_cast %add3A_29 : i32 to index
      %swap3A_40 = arith.constant 32 : index
      %swap3A_41 = tpu.vector_load %arg7[%swap3A_39, %swap3A_40] {strides = array<i32>} : memref<128x128xf32, #tpu.memory_space<vmem>>, vector<1x16xf32>,
      %swap3A_42 = vector.shape_cast %swap3A_41 : vector<1x16xf32> to vector<16xf32>
      %swap3A_43 = vector.shape_cast %broadcast_in_dim3A_5 : vector<16xf32> to vector<1x16xf32>
      tpu.vector_store %arg7[%swap3A_39, %swap3A_40], %swap3A_43 {strides = array<i32>} : memref<128x128xf32, #tpu.memory_space<vmem>>, vector<1x16xf32>,
      %swap3A_44 = arith.index_cast %add3A_29 : i32 to index
      %swap3A_45 = arith.constant 48 : index
      %swap3A_46 = tpu.vector_load %arg7[%swap3A_44, %swap3A_45] {strides = array<i32>} : memref<128x128xf32, #tpu.memory_space<vmem>>, vector<1x16xf32>,
      %swap3A_47 = vector.shape_cast %swap3A_46 : vector<1x16xf32> to vector<16xf32>
      %swap3A_48 = vector.shape_cast %broadcast_in_dim3A_5 : vector<16xf32> to vector<1x16xf32>
      tpu.vector_store %arg7[%swap3A_44, %swap3A_45], %swap3A_48 {strides = array<i32>} : memref<128x128xf32, #tpu.memory_space<vmem>>, vector<1x16xf32>,
      %swap3A_49 = arith.index_cast %add3A_29 : i32 to index
      %swap3A_50 = arith.constant 64 : index
      %swap3A_51 = tpu.vector_load %arg7[%swap3A_49, %swap3A_50] {strides = array<i32>} : memref<128x128xf32, #tpu.memory_space<vmem>>, vector<1x16xf32>,
      %swap3A_52 = vector.shape_cast %swap3A_51 : vector<1x16xf32> to vector<16xf32>
      %swap3A_53 = vector.shape_cast %broadcast_in_dim3A_5 : vector<16xf32> to vector<1x16xf32>
      tpu.vector_store %arg7[%swap3A_49, %swap3A_50], %swap3A_53 {strides = array<i32>} : memref<128x128xf32, #tpu.memory_space<vmem>>, vector<1x16xf32>,
      %swap3A_54 = arith.index_cast %add3A_29 : i32 to index
      %swap3A_55 = arith.constant 80 : index
      %swap3A_56 = tpu.vector_load %arg7[%swap3A_54, %swap3A_55] {strides = array<i32>} : memref<128x128xf32, #tpu.memory_space<vmem>>, vector<1x16xf32>,
      %swap3A_57 = vector.shape_cast %swap3A_56 : vector<1x16xf32> to vector<16xf32>
      %swap3A_58 = vector.shape_cast %broadcast_in_dim3A_5 : vector<16xf32> to vector<1x16xf32>
      tpu.vector_store %arg7[%swap3A_54, %swap3A_55], %swap3A_58 {strides = array<i32>} : memref<128x128xf32, #tpu.memory_space<vmem>>, vector<1x16xf32>,
      %swap3A_59 = arith.index_cast %add3A_29 : i32 to index
      %swap3A_60 = arith.constant 96 : index
      %swap3A_61 = tpu.vector_load %arg7[%swap3A_59, %swap3A_60] {strides = array<i32>} : memref<128x128xf32, #tpu.memory_space<vmem>>, vector<1x16xf32>,
      %swap3A_62 = vector.shape_cast %swap3A_61 : vector<1x16xf32> to vector<16xf32>
      %swap3A_63 = vector.shape_cast %broadcast_in_dim3A_5 : vector<16xf32> to vector<1x16xf32>
      tpu.vector_store %arg7[%swap3A_59, %swap3A_60], %swap3A_63 {strides = array<i32>} : memref<128x128xf32, #tpu.memory_space<vmem>>, vector<1x16xf32>,
      %swap3A_64 = arith.index_cast %add3A_29 : i32 to index
      %swap3A_65 = arith.constant 112 : index
      %swap3A_66 = tpu.vector_load %arg7[%swap3A_64, %swap3A_65] {strides = array<i32>} : memref<128x128xf32, #tpu.memory_space<vmem>>, vector<1x16xf32>,
      %swap3A_67 = vector.shape_cast %swap3A_66 : vector<1x16xf32> to vector<16xf32>
      %swap3A_68 = vector.shape_cast %broadcast_in_dim3A_5 : vector<16xf32> to vector<1x16xf32>
      tpu.vector_store %arg7[%swap3A_64, %swap3A_65], %swap3A_68 {strides = array<i32>} : memref<128x128xf32, #tpu.memory_space<vmem>>, vector<1x16xf32>,
    }
    %scan3A_9 = arith.constant 128 : i32
    %scan3A_10 = arith.constant 0 : i32
    %scan3A_11 = arith.constant 8 : i32
    %scan3A_12 = arith.addi %scan3A_10, %scan3A_11 : i32
    %scan3A_13 = arith.constant 1 : i32
    scf.for %scan3A_26 = %scan3A_10 to %scan3A_12 step %scan3A_13  : i32 {
      %mul3A_27 = arith.constant 1 : i32
      %mul3A_28 = arith.muli %scan3A_26, %mul3A_27 : i32
      %add3A = arith.constant 0 : i32
      %add3A_29 = arith.addi %add3A, %mul3A_28 : i32
      %mul3A_30 = arith.constant 16 : i32
      %mul3A_31 = arith.muli %add3A_29, %mul3A_30 : i32
      %add3A_32 = arith.addi %arg1, %mul3A_31 : i32
      %lt3A = arith.constant 125 : i32
      %lt3A_33 = arith.cmpi slt, %add3A_32, %lt3A : i32
      %convert_element_type3A = arith.extui %lt3A_33 : i1 to i32
      %cond3A = arith.constant 0 : i32
      %cond3A_34 = arith.cmpi ne, %convert_element_type3A, %cond3A : i32
      scf.if %cond3A_34 {
        %mul3A_35 = arith.constant 80 : i32
        %mul3A_36 = arith.muli %add3A_32, %mul3A_35 : i32
        "tpu.region"() ({
          %run_scoped3A = tpu.sem_alloc : memref<!tpu.dma_semaphore, #tpu.memory_space<semaphore_mem>>
          %dma_start3A = arith.constant 0 : i32
          %dma_start3A_37 = arith.constant 0 : i32
          %dma_start3A_38 = tpu.memref_slice %arg7[%dma_start3A, %dma_start3A_37] : memref<128x128xf32, #tpu.memory_space<vmem>> -> memref<80x128xf32, #tpu.memory_space<vmem>>
          %dma_start3A_39 = arith.constant 0 : i32
          %dma_start3A_40 = tpu.memref_slice %arg5[%mul3A_36, %dma_start3A_39] : memref<10008x128xf32, #tpu.memory_space<vmem_shared>> -> memref<80x128xf32, #tpu.memory_space<vmem_shared>>
          %dma_start3A_41 = arith.constant 0 : i32
          %dma_start3A_42 = tpu.memref_slice %arg5[%mul3A_36, %dma_start3A_41] : memref<10008x128xf32, #tpu.memory_space<vmem_shared>> -> memref<80x128xf32, #tpu.memory_space<vmem_shared>>
          %dma_start3A_43 = arith.constant 0 : i32
          %dma_start3A_44 = arith.constant 0 : i32
          %dma_start3A_45 = tpu.memref_slice %arg7[%dma_start3A_43, %dma_start3A_44] : memref<128x128xf32, #tpu.memory_space<vmem>> -> memref<80x128xf32, #tpu.memory_space<vmem>>
          tpu.enqueue_dma source(%dma_start3A_45 : memref<80x128xf32, #tpu.memory_space<vmem>>) target(%dma_start3A_42 : memref<80x128xf32, #tpu.memory_space<vmem_shared>>) target_semaphore(%run_scoped3A : memref<!tpu.dma_semaphore, #tpu.memory_space<semaphore_mem>>)
          %dma_wait3A = arith.constant 0 : i32
          %dma_wait3A_46 = arith.constant 0 : i32
          %dma_wait3A_47 = tpu.memref_slice %arg7[%dma_wait3A, %dma_wait3A_46] : memref<128x128xf32, #tpu.memory_space<vmem>> -> memref<80x128xf32, #tpu.memory_space<vmem>>
          %dma_wait3A_48 = arith.constant 0 : i32
          %dma_wait3A_49 = tpu.memref_slice %arg5[%mul3A_36, %dma_wait3A_48] : memref<10008x128xf32, #tpu.memory_space<vmem_shared>> -> memref<80x128xf32, #tpu.memory_space<vmem_shared>>
          %dma_wait3A_50 = arith.constant 0 : i32
          %dma_wait3A_51 = tpu.memref_slice %arg5[%mul3A_36, %dma_wait3A_50] : memref<10008x128xf32, #tpu.memory_space<vmem_shared>> -> memref<80x128xf32, #tpu.memory_space<vmem_shared>>
          %dma_wait3A_52 = arith.constant 0 : i32
          %dma_wait3A_53 = arith.constant 0 : i32
          %dma_wait3A_54 = tpu.memref_slice %arg7[%dma_wait3A_52, %dma_wait3A_53] : memref<128x128xf32, #tpu.memory_space<vmem>> -> memref<80x128xf32, #tpu.memory_space<vmem>>
          tpu.wait_dma2 semaphore(%run_scoped3A : memref<!tpu.dma_semaphore, #tpu.memory_space<semaphore_mem>>) src(%dma_wait3A_54 : memref<80x128xf32, #tpu.memory_space<vmem>>) dst(%dma_wait3A_51 : memref<80x128xf32, #tpu.memory_space<vmem_shared>>)
          tpu.yield
        }) : () -> ()
      } else {
      }
    }
    %scan3A_14 = arith.constant 8 : i32
    %barrier3A = arith.constant 0 : index
    tpu.barrier barrier_id(%barrier3A)
    %scan3A_15 = arith.constant 0 : i32
    %scan3A_16 = arith.constant 5 : i32
    %scan3A_17 = arith.addi %scan3A_15, %scan3A_16 : i32
    %scan3A_18 = arith.constant 1 : i32
    scf.for %scan3A_26 = %scan3A_15 to %scan3A_17 step %scan3A_18  : i32 {
      %mul3A_27 = arith.constant 1 : i32
      %mul3A_28 = arith.muli %scan3A_26, %mul3A_27 : i32
      %add3A = arith.constant 0 : i32
      %add3A_29 = arith.addi %add3A, %mul3A_28 : i32
      %mul3A_30 = arith.constant 32 : i32
      %mul3A_31 = arith.muli %add3A_29, %mul3A_30 : i32
      "tpu.region"() ({
        %run_scoped3A = tpu.sem_alloc : memref<!tpu.dma_semaphore, #tpu.memory_space<semaphore_mem>>
        %dma_start3A_56 = arith.constant 0 : i32
        %dma_start3A_57 = tpu.memref_slice %arg3[%arg1, %mul3A_31, %dma_start3A_56] : memref<16x160x128xi32, #tpu.memory_space<hbm>> -> memref<1x32x128xi32, #tpu.memory_space<hbm>>
        %dma_start3A_58 = tpu.memref_squeeze %dma_start3A_57 : memref<1x32x128xi32, #tpu.memory_space<hbm>> -> memref<32x128xi32, #tpu.memory_space<hbm>>
        %dma_start3A_59 = arith.constant 0 : i32
        %dma_start3A_60 = tpu.memref_slice %arg3[%arg1, %mul3A_31, %dma_start3A_59] : memref<16x160x128xi32, #tpu.memory_space<hbm>> -> memref<1x32x128xi32, #tpu.memory_space<hbm>>
        %dma_start3A_61 = tpu.memref_squeeze %dma_start3A_60 : memref<1x32x128xi32, #tpu.memory_space<hbm>> -> memref<32x128xi32, #tpu.memory_space<hbm>>
        tpu.enqueue_dma source(%dma_start3A_61 : memref<32x128xi32, #tpu.memory_space<hbm>>) target(%arg6 : memref<32x128xi32, #tpu.memory_space<vmem>>) target_semaphore(%run_scoped3A : memref<!tpu.dma_semaphore, #tpu.memory_space<semaphore_mem>>)
        %dma_wait3A_62 = arith.constant 0 : i32
        %dma_wait3A_63 = tpu.memref_slice %arg3[%arg1, %mul3A_31, %dma_wait3A_62] : memref<16x160x128xi32, #tpu.memory_space<hbm>> -> memref<1x32x128xi32, #tpu.memory_space<hbm>>
        %dma_wait3A_64 = tpu.memref_squeeze %dma_wait3A_63 : memref<1x32x128xi32, #tpu.memory_space<hbm>> -> memref<32x128xi32, #tpu.memory_space<hbm>>
        %dma_wait3A_65 = arith.constant 0 : i32
        %dma_wait3A_66 = tpu.memref_slice %arg3[%arg1, %mul3A_31, %dma_wait3A_65] : memref<16x160x128xi32, #tpu.memory_space<hbm>> -> memref<1x32x128xi32, #tpu.memory_space<hbm>>
        %dma_wait3A_67 = tpu.memref_squeeze %dma_wait3A_66 : memref<1x32x128xi32, #tpu.memory_space<hbm>> -> memref<32x128xi32, #tpu.memory_space<hbm>>
        tpu.wait_dma2 semaphore(%run_scoped3A : memref<!tpu.dma_semaphore, #tpu.memory_space<semaphore_mem>>) src(%dma_wait3A_67 : memref<32x128xi32, #tpu.memory_space<hbm>>) dst(%arg6 : memref<32x128xi32, #tpu.memory_space<vmem>>)
        tpu.yield
      }) : () -> ()
      %scan3A_32 = arith.constant 0 : i32
      %scan3A_33 = arith.constant 32 : i32
      %scan3A_34 = arith.addi %scan3A_32, %scan3A_33 : i32
      %scan3A_35 = arith.constant 1 : i32
      scf.for %scan3A_56 = %scan3A_32 to %scan3A_34 step %scan3A_35  : i32 {
        %mul3A_57 = arith.constant 1 : i32
        %mul3A_58 = arith.muli %scan3A_56, %mul3A_57 : i32
        %add3A_59 = arith.constant 0 : i32
        %add3A_60 = arith.addi %add3A_59, %mul3A_58 : i32
        %get3A = arith.index_cast %add3A_60 : i32 to index
        %get3A_61 = arith.constant 0 : index
        %get3A_62 = tpu.vector_load %arg6[%get3A, %get3A_61] {strides = array<i32>} : memref<32x128xi32, #tpu.memory_space<vmem>>, vector<1x16xi32>,
        %get3A_63 = vector.shape_cast %get3A_62 : vector<1x16xi32> to vector<16xi32>
        %sub3A = vector.broadcast %mul3A_0 : i32 to vector<16xi32>
        %sub3A_64 = arith.subi %get3A_63, %sub3A : vector<16xi32>
        %ge3A = arith.constant 0 : i32
        %ge3A_65 = vector.broadcast %ge3A : i32 to vector<16xi32>
        %ge3A_66 = arith.cmpi sge, %sub3A_64, %ge3A_65 : vector<16xi32>
        %lt3A = arith.constant 10000 : i32
        %lt3A_67 = vector.broadcast %lt3A : i32 to vector<16xi32>
        %lt3A_68 = arith.cmpi slt, %sub3A_64, %lt3A_67 : vector<16xi32>
        %and3A = arith.andi %ge3A_66, %lt3A_68 : vector<16xi1>
        %jit3A = arith.constant 10000 : i32
        %broadcast_in_dim3A_69 = vector.broadcast %jit3A : i32 to vector<16xi32>
        %select_n3A = arith.select %and3A, %sub3A_64, %broadcast_in_dim3A_69 : vector<16xi1>, vector<16xi32>
        %swap3A = arith.index_cast %add3A_60 : i32 to index
        %swap3A_70 = arith.constant 0 : index
        %swap3A_71 = tpu.vector_load %arg6[%swap3A, %swap3A_70] {strides = array<i32>} : memref<32x128xi32, #tpu.memory_space<vmem>>, vector<1x16xi32>,
        %swap3A_72 = vector.shape_cast %swap3A_71 : vector<1x16xi32> to vector<16xi32>
        %swap3A_73 = vector.shape_cast %select_n3A : vector<16xi32> to vector<1x16xi32>
        tpu.vector_store %arg6[%swap3A, %swap3A_70], %swap3A_73 {strides = array<i32>} : memref<32x128xi32, #tpu.memory_space<vmem>>, vector<1x16xi32>,
        %get3A_74 = arith.index_cast %add3A_60 : i32 to index
        %get3A_75 = arith.constant 16 : index
        %get3A_76 = tpu.vector_load %arg6[%get3A_74, %get3A_75] {strides = array<i32>} : memref<32x128xi32, #tpu.memory_space<vmem>>, vector<1x16xi32>,
        %get3A_77 = vector.shape_cast %get3A_76 : vector<1x16xi32> to vector<16xi32>
        %sub3A_78 = vector.broadcast %mul3A_0 : i32 to vector<16xi32>
        %sub3A_79 = arith.subi %get3A_77, %sub3A_78 : vector<16xi32>
        %ge3A_80 = arith.constant 0 : i32
        %ge3A_81 = vector.broadcast %ge3A_80 : i32 to vector<16xi32>
        %ge3A_82 = arith.cmpi sge, %sub3A_79, %ge3A_81 : vector<16xi32>
        %lt3A_83 = arith.constant 10000 : i32
        %lt3A_84 = vector.broadcast %lt3A_83 : i32 to vector<16xi32>
        %lt3A_85 = arith.cmpi slt, %sub3A_79, %lt3A_84 : vector<16xi32>
        %and3A_86 = arith.andi %ge3A_82, %lt3A_85 : vector<16xi1>
        %jit3A_87 = arith.constant 10000 : i32
        %broadcast_in_dim3A_88 = vector.broadcast %jit3A_87 : i32 to vector<16xi32>
        %select_n3A_89 = arith.select %and3A_86, %sub3A_79, %broadcast_in_dim3A_88 : vector<16xi1>, vector<16xi32>
        %swap3A_90 = arith.index_cast %add3A_60 : i32 to index
        %swap3A_91 = arith.constant 16 : index
        %swap3A_92 = tpu.vector_load %arg6[%swap3A_90, %swap3A_91] {strides = array<i32>} : memref<32x128xi32, #tpu.memory_space<vmem>>, vector<1x16xi32>,
        %swap3A_93 = vector.shape_cast %swap3A_92 : vector<1x16xi32> to vector<16xi32>
        %swap3A_94 = vector.shape_cast %select_n3A_89 : vector<16xi32> to vector<1x16xi32>
        tpu.vector_store %arg6[%swap3A_90, %swap3A_91], %swap3A_94 {strides = array<i32>} : memref<32x128xi32, #tpu.memory_space<vmem>>, vector<1x16xi32>,
        %get3A_95 = arith.index_cast %add3A_60 : i32 to index
        %get3A_96 = arith.constant 32 : index
        %get3A_97 = tpu.vector_load %arg6[%get3A_95, %get3A_96] {strides = array<i32>} : memref<32x128xi32, #tpu.memory_space<vmem>>, vector<1x16xi32>,
        %get3A_98 = vector.shape_cast %get3A_97 : vector<1x16xi32> to vector<16xi32>
        %sub3A_99 = vector.broadcast %mul3A_0 : i32 to vector<16xi32>
        %sub3A_100 = arith.subi %get3A_98, %sub3A_99 : vector<16xi32>
        %ge3A_101 = arith.constant 0 : i32
        %ge3A_102 = vector.broadcast %ge3A_101 : i32 to vector<16xi32>
        %ge3A_103 = arith.cmpi sge, %sub3A_100, %ge3A_102 : vector<16xi32>
        %lt3A_104 = arith.constant 10000 : i32
        %lt3A_105 = vector.broadcast %lt3A_104 : i32 to vector<16xi32>
        %lt3A_106 = arith.cmpi slt, %sub3A_100, %lt3A_105 : vector<16xi32>
        %and3A_107 = arith.andi %ge3A_103, %lt3A_106 : vector<16xi1>
        %jit3A_108 = arith.constant 10000 : i32
        %broadcast_in_dim3A_109 = vector.broadcast %jit3A_108 : i32 to vector<16xi32>
        %select_n3A_110 = arith.select %and3A_107, %sub3A_100, %broadcast_in_dim3A_109 : vector<16xi1>, vector<16xi32>
        %swap3A_111 = arith.index_cast %add3A_60 : i32 to index
        %swap3A_112 = arith.constant 32 : index
        %swap3A_113 = tpu.vector_load %arg6[%swap3A_111, %swap3A_112] {strides = array<i32>} : memref<32x128xi32, #tpu.memory_space<vmem>>, vector<1x16xi32>,
        %swap3A_114 = vector.shape_cast %swap3A_113 : vector<1x16xi32> to vector<16xi32>
        %swap3A_115 = vector.shape_cast %select_n3A_110 : vector<16xi32> to vector<1x16xi32>
        tpu.vector_store %arg6[%swap3A_111, %swap3A_112], %swap3A_115 {strides = array<i32>} : memref<32x128xi32, #tpu.memory_space<vmem>>, vector<1x16xi32>,
        %get3A_116 = arith.index_cast %add3A_60 : i32 to index
        %get3A_117 = arith.constant 48 : index
        %get3A_118 = tpu.vector_load %arg6[%get3A_116, %get3A_117] {strides = array<i32>} : memref<32x128xi32, #tpu.memory_space<vmem>>, vector<1x16xi32>,
        %get3A_119 = vector.shape_cast %get3A_118 : vector<1x16xi32> to vector<16xi32>
        %sub3A_120 = vector.broadcast %mul3A_0 : i32 to vector<16xi32>
        %sub3A_121 = arith.subi %get3A_119, %sub3A_120 : vector<16xi32>
        %ge3A_122 = arith.constant 0 : i32
        %ge3A_123 = vector.broadcast %ge3A_122 : i32 to vector<16xi32>
        %ge3A_124 = arith.cmpi sge, %sub3A_121, %ge3A_123 : vector<16xi32>
        %lt3A_125 = arith.constant 10000 : i32
        %lt3A_126 = vector.broadcast %lt3A_125 : i32 to vector<16xi32>
        %lt3A_127 = arith.cmpi slt, %sub3A_121, %lt3A_126 : vector<16xi32>
        %and3A_128 = arith.andi %ge3A_124, %lt3A_127 : vector<16xi1>
        %jit3A_129 = arith.constant 10000 : i32
        %broadcast_in_dim3A_130 = vector.broadcast %jit3A_129 : i32 to vector<16xi32>
        %select_n3A_131 = arith.select %and3A_128, %sub3A_121, %broadcast_in_dim3A_130 : vector<16xi1>, vector<16xi32>
        %swap3A_132 = arith.index_cast %add3A_60 : i32 to index
        %swap3A_133 = arith.constant 48 : index
        %swap3A_134 = tpu.vector_load %arg6[%swap3A_132, %swap3A_133] {strides = array<i32>} : memref<32x128xi32, #tpu.memory_space<vmem>>, vector<1x16xi32>,
        %swap3A_135 = vector.shape_cast %swap3A_134 : vector<1x16xi32> to vector<16xi32>
        %swap3A_136 = vector.shape_cast %select_n3A_131 : vector<16xi32> to vector<1x16xi32>
        tpu.vector_store %arg6[%swap3A_132, %swap3A_133], %swap3A_136 {strides = array<i32>} : memref<32x128xi32, #tpu.memory_space<vmem>>, vector<1x16xi32>,
        %get3A_137 = arith.index_cast %add3A_60 : i32 to index
        %get3A_138 = arith.constant 64 : index
        %get3A_139 = tpu.vector_load %arg6[%get3A_137, %get3A_138] {strides = array<i32>} : memref<32x128xi32, #tpu.memory_space<vmem>>, vector<1x16xi32>,
        %get3A_140 = vector.shape_cast %get3A_139 : vector<1x16xi32> to vector<16xi32>
        %sub3A_141 = vector.broadcast %mul3A_0 : i32 to vector<16xi32>
        %sub3A_142 = arith.subi %get3A_140, %sub3A_141 : vector<16xi32>
        %ge3A_143 = arith.constant 0 : i32
        %ge3A_144 = vector.broadcast %ge3A_143 : i32 to vector<16xi32>
        %ge3A_145 = arith.cmpi sge, %sub3A_142, %ge3A_144 : vector<16xi32>
        %lt3A_146 = arith.constant 10000 : i32
        %lt3A_147 = vector.broadcast %lt3A_146 : i32 to vector<16xi32>
        %lt3A_148 = arith.cmpi slt, %sub3A_142, %lt3A_147 : vector<16xi32>
        %and3A_149 = arith.andi %ge3A_145, %lt3A_148 : vector<16xi1>
        %jit3A_150 = arith.constant 10000 : i32
        %broadcast_in_dim3A_151 = vector.broadcast %jit3A_150 : i32 to vector<16xi32>
        %select_n3A_152 = arith.select %and3A_149, %sub3A_142, %broadcast_in_dim3A_151 : vector<16xi1>, vector<16xi32>
        %swap3A_153 = arith.index_cast %add3A_60 : i32 to index
        %swap3A_154 = arith.constant 64 : index
        %swap3A_155 = tpu.vector_load %arg6[%swap3A_153, %swap3A_154] {strides = array<i32>} : memref<32x128xi32, #tpu.memory_space<vmem>>, vector<1x16xi32>,
        %swap3A_156 = vector.shape_cast %swap3A_155 : vector<1x16xi32> to vector<16xi32>
        %swap3A_157 = vector.shape_cast %select_n3A_152 : vector<16xi32> to vector<1x16xi32>
        tpu.vector_store %arg6[%swap3A_153, %swap3A_154], %swap3A_157 {strides = array<i32>} : memref<32x128xi32, #tpu.memory_space<vmem>>, vector<1x16xi32>,
        %get3A_158 = arith.index_cast %add3A_60 : i32 to index
        %get3A_159 = arith.constant 80 : index
        %get3A_160 = tpu.vector_load %arg6[%get3A_158, %get3A_159] {strides = array<i32>} : memref<32x128xi32, #tpu.memory_space<vmem>>, vector<1x16xi32>,
        %get3A_161 = vector.shape_cast %get3A_160 : vector<1x16xi32> to vector<16xi32>
        %sub3A_162 = vector.broadcast %mul3A_0 : i32 to vector<16xi32>
        %sub3A_163 = arith.subi %get3A_161, %sub3A_162 : vector<16xi32>
        %ge3A_164 = arith.constant 0 : i32
        %ge3A_165 = vector.broadcast %ge3A_164 : i32 to vector<16xi32>
        %ge3A_166 = arith.cmpi sge, %sub3A_163, %ge3A_165 : vector<16xi32>
        %lt3A_167 = arith.constant 10000 : i32
        %lt3A_168 = vector.broadcast %lt3A_167 : i32 to vector<16xi32>
        %lt3A_169 = arith.cmpi slt, %sub3A_163, %lt3A_168 : vector<16xi32>
        %and3A_170 = arith.andi %ge3A_166, %lt3A_169 : vector<16xi1>
        %jit3A_171 = arith.constant 10000 : i32
        %broadcast_in_dim3A_172 = vector.broadcast %jit3A_171 : i32 to vector<16xi32>
        %select_n3A_173 = arith.select %and3A_170, %sub3A_163, %broadcast_in_dim3A_172 : vector<16xi1>, vector<16xi32>
        %swap3A_174 = arith.index_cast %add3A_60 : i32 to index
        %swap3A_175 = arith.constant 80 : index
        %swap3A_176 = tpu.vector_load %arg6[%swap3A_174, %swap3A_175] {strides = array<i32>} : memref<32x128xi32, #tpu.memory_space<vmem>>, vector<1x16xi32>,
        %swap3A_177 = vector.shape_cast %swap3A_176 : vector<1x16xi32> to vector<16xi32>
        %swap3A_178 = vector.shape_cast %select_n3A_173 : vector<16xi32> to vector<1x16xi32>
        tpu.vector_store %arg6[%swap3A_174, %swap3A_175], %swap3A_178 {strides = array<i32>} : memref<32x128xi32, #tpu.memory_space<vmem>>, vector<1x16xi32>,
        %get3A_179 = arith.index_cast %add3A_60 : i32 to index
        %get3A_180 = arith.constant 96 : index
        %get3A_181 = tpu.vector_load %arg6[%get3A_179, %get3A_180] {strides = array<i32>} : memref<32x128xi32, #tpu.memory_space<vmem>>, vector<1x16xi32>,
        %get3A_182 = vector.shape_cast %get3A_181 : vector<1x16xi32> to vector<16xi32>
        %sub3A_183 = vector.broadcast %mul3A_0 : i32 to vector<16xi32>
        %sub3A_184 = arith.subi %get3A_182, %sub3A_183 : vector<16xi32>
        %ge3A_185 = arith.constant 0 : i32
        %ge3A_186 = vector.broadcast %ge3A_185 : i32 to vector<16xi32>
        %ge3A_187 = arith.cmpi sge, %sub3A_184, %ge3A_186 : vector<16xi32>
        %lt3A_188 = arith.constant 10000 : i32
        %lt3A_189 = vector.broadcast %lt3A_188 : i32 to vector<16xi32>
        %lt3A_190 = arith.cmpi slt, %sub3A_184, %lt3A_189 : vector<16xi32>
        %and3A_191 = arith.andi %ge3A_187, %lt3A_190 : vector<16xi1>
        %jit3A_192 = arith.constant 10000 : i32
        %broadcast_in_dim3A_193 = vector.broadcast %jit3A_192 : i32 to vector<16xi32>
        %select_n3A_194 = arith.select %and3A_191, %sub3A_184, %broadcast_in_dim3A_193 : vector<16xi1>, vector<16xi32>
        %swap3A_195 = arith.index_cast %add3A_60 : i32 to index
        %swap3A_196 = arith.constant 96 : index
        %swap3A_197 = tpu.vector_load %arg6[%swap3A_195, %swap3A_196] {strides = array<i32>} : memref<32x128xi32, #tpu.memory_space<vmem>>, vector<1x16xi32>,
        %swap3A_198 = vector.shape_cast %swap3A_197 : vector<1x16xi32> to vector<16xi32>
        %swap3A_199 = vector.shape_cast %select_n3A_194 : vector<16xi32> to vector<1x16xi32>
        tpu.vector_store %arg6[%swap3A_195, %swap3A_196], %swap3A_199 {strides = array<i32>} : memref<32x128xi32, #tpu.memory_space<vmem>>, vector<1x16xi32>,
        %get3A_200 = arith.index_cast %add3A_60 : i32 to index
        %get3A_201 = arith.constant 112 : index
        %get3A_202 = tpu.vector_load %arg6[%get3A_200, %get3A_201] {strides = array<i32>} : memref<32x128xi32, #tpu.memory_space<vmem>>, vector<1x16xi32>,
        %get3A_203 = vector.shape_cast %get3A_202 : vector<1x16xi32> to vector<16xi32>
        %sub3A_204 = vector.broadcast %mul3A_0 : i32 to vector<16xi32>
        %sub3A_205 = arith.subi %get3A_203, %sub3A_204 : vector<16xi32>
        %ge3A_206 = arith.constant 0 : i32
        %ge3A_207 = vector.broadcast %ge3A_206 : i32 to vector<16xi32>
        %ge3A_208 = arith.cmpi sge, %sub3A_205, %ge3A_207 : vector<16xi32>
        %lt3A_209 = arith.constant 10000 : i32
        %lt3A_210 = vector.broadcast %lt3A_209 : i32 to vector<16xi32>
        %lt3A_211 = arith.cmpi slt, %sub3A_205, %lt3A_210 : vector<16xi32>
        %and3A_212 = arith.andi %ge3A_208, %lt3A_211 : vector<16xi1>
        %jit3A_213 = arith.constant 10000 : i32
        %broadcast_in_dim3A_214 = vector.broadcast %jit3A_213 : i32 to vector<16xi32>
        %select_n3A_215 = arith.select %and3A_212, %sub3A_205, %broadcast_in_dim3A_214 : vector<16xi1>, vector<16xi32>
        %swap3A_216 = arith.index_cast %add3A_60 : i32 to index
        %swap3A_217 = arith.constant 112 : index
        %swap3A_218 = tpu.vector_load %arg6[%swap3A_216, %swap3A_217] {strides = array<i32>} : memref<32x128xi32, #tpu.memory_space<vmem>>, vector<1x16xi32>,
        %swap3A_219 = vector.shape_cast %swap3A_218 : vector<1x16xi32> to vector<16xi32>
        %swap3A_220 = vector.shape_cast %select_n3A_215 : vector<16xi32> to vector<1x16xi32>
        tpu.vector_store %arg6[%swap3A_216, %swap3A_217], %swap3A_220 {strides = array<i32>} : memref<32x128xi32, #tpu.memory_space<vmem>>, vector<1x16xi32>,
      }
      %scan3A_36 = arith.constant 32 : i32
      %mul3A_37 = arith.constant 32 : i32
      %mul3A_38 = arith.muli %add3A_29, %mul3A_37 : i32
      %mul3A_39 = arith.constant 128 : i32
      %mul3A_40 = arith.muli %mul3A_38, %mul3A_39 : i32
      %add3A_41 = arith.addi %mul3A_4, %mul3A_40 : i32
      %dma_start3A = arith.constant 0 : i32
      %dma_start3A_42 = tpu.memref_slice %arg2[%add3A_41, %dma_start3A] : memref<327680x128xf32, #tpu.memory_space<hbm>> -> memref<128x128xf32, #tpu.memory_space<hbm>>
      %dma_start3A_43 = arith.constant 0 : i32
      %dma_start3A_44 = tpu.memref_slice %arg2[%add3A_41, %dma_start3A_43] : memref<327680x128xf32, #tpu.memory_space<hbm>> -> memref<128x128xf32, #tpu.memory_space<hbm>>
      tpu.enqueue_dma source(%dma_start3A_44 : memref<128x128xf32, #tpu.memory_space<hbm>>) target(%arg7 : memref<128x128xf32, #tpu.memory_space<vmem>>) target_semaphore(%arg9 : memref<!tpu.dma_semaphore, #tpu.memory_space<semaphore_mem>>)
      %scan3A_45 = arith.constant 0 : i32
      %scan3A_46 = arith.constant 16 : i32
      %scan3A_47 = arith.addi %scan3A_45, %scan3A_46 : i32
      %scan3A_48 = arith.constant 1 : i32
      scf.for %scan3A_56 = %scan3A_45 to %scan3A_47 step %scan3A_48  : i32 {
        %mul3A_57 = arith.constant 1 : i32
        %mul3A_58 = arith.muli %scan3A_56, %mul3A_57 : i32
        %add3A_59 = arith.constant 0 : i32
        %add3A_60 = arith.addi %add3A_59, %mul3A_58 : i32
        %mul3A_61 = arith.constant 2 : i32
        %mul3A_62 = arith.muli %mul3A_61, %add3A_60 : i32
        %add3A_63 = arith.constant 1 : i32
        %add3A_64 = arith.addi %mul3A_62, %add3A_63 : i32
        %mul3A_65 = arith.constant 128 : i32
        %mul3A_66 = arith.muli %mul3A_62, %mul3A_65 : i32
        %add3A_67 = arith.addi %add3A_41, %mul3A_66 : i32
        %dma_wait3A_68 = arith.constant 0 : i32
        %dma_wait3A_69 = tpu.memref_slice %arg2[%add3A_67, %dma_wait3A_68] : memref<327680x128xf32, #tpu.memory_space<hbm>> -> memref<128x128xf32, #tpu.memory_space<hbm>>
        %dma_wait3A_70 = arith.constant 0 : i32
        %dma_wait3A_71 = tpu.memref_slice %arg2[%add3A_67, %dma_wait3A_70] : memref<327680x128xf32, #tpu.memory_space<hbm>> -> memref<128x128xf32, #tpu.memory_space<hbm>>
        tpu.wait_dma2 semaphore(%arg9 : memref<!tpu.dma_semaphore, #tpu.memory_space<semaphore_mem>>) src(%dma_wait3A_71 : memref<128x128xf32, #tpu.memory_space<hbm>>) dst(%arg7 : memref<128x128xf32, #tpu.memory_space<vmem>>)
        %ge3A = arith.constant 1 : i32
        %ge3A_72 = arith.cmpi sge, %add3A_60, %ge3A : i32
        %convert_element_type3A = arith.extui %ge3A_72 : i1 to i32
        %cond3A = arith.constant 0 : i32
        %cond3A_73 = arith.cmpi ne, %convert_element_type3A, %cond3A : i32
        scf.if %cond3A_73 {
          %sub3A = arith.constant 2 : i32
          %sub3A_112 = arith.subi %add3A_64, %sub3A : i32
          %dma_wait3A_113 = arith.constant 0 : i32
          %dma_wait3A_114 = tpu.memref_slice %arg6[%sub3A_112, %dma_wait3A_113] : memref<32x128xi32, #tpu.memory_space<vmem>> -> memref<1x128xi32, #tpu.memory_space<vmem>>
          %dma_wait3A_115 = tpu.memref_squeeze %dma_wait3A_114 : memref<1x128xi32, #tpu.memory_space<vmem>> -> memref<128xi32, #tpu.memory_space<vmem>>
          %dma_wait3A_116 = arith.constant 0 : i32
          %dma_wait3A_117 = arith.constant 0 : i32
          %dma_wait3A_118 = tpu.memref_slice %arg5[%dma_wait3A_116, %dma_wait3A_117] : memref<10008x128xf32, #tpu.memory_space<vmem_shared>> -> memref<10008x128xf32, #tpu.memory_space<vmem_shared>>
          tpu.wait_indirect_dma semaphore(%arg12 : memref<!tpu.dma_semaphore, #tpu.memory_space<semaphore_mem>>) src(%arg8 : memref<128x128xf32, #tpu.memory_space<vmem>>) dst(%dma_wait3A_118 : memref<10008x128xf32, #tpu.memory_space<vmem_shared>>)
        } else {
        }
        %mul3A_74 = arith.constant 128 : i32
        %mul3A_75 = arith.muli %add3A_64, %mul3A_74 : i32
        %add3A_76 = arith.addi %add3A_41, %mul3A_75 : i32
        %dma_start3A_77 = arith.constant 0 : i32
        %dma_start3A_78 = tpu.memref_slice %arg2[%add3A_76, %dma_start3A_77] : memref<327680x128xf32, #tpu.memory_space<hbm>> -> memref<128x128xf32, #tpu.memory_space<hbm>>
        %dma_start3A_79 = arith.constant 0 : i32
        %dma_start3A_80 = tpu.memref_slice %arg2[%add3A_76, %dma_start3A_79] : memref<327680x128xf32, #tpu.memory_space<hbm>> -> memref<128x128xf32, #tpu.memory_space<hbm>>
        tpu.enqueue_dma source(%dma_start3A_80 : memref<128x128xf32, #tpu.memory_space<hbm>>) target(%arg8 : memref<128x128xf32, #tpu.memory_space<vmem>>) target_semaphore(%arg10 : memref<!tpu.dma_semaphore, #tpu.memory_space<semaphore_mem>>)
        %dma_start3A_81 = arith.constant 0 : i32
        %dma_start3A_82 = tpu.memref_slice %arg6[%mul3A_62, %dma_start3A_81] : memref<32x128xi32, #tpu.memory_space<vmem>> -> memref<1x128xi32, #tpu.memory_space<vmem>>
        %dma_start3A_83 = tpu.memref_squeeze %dma_start3A_82 : memref<1x128xi32, #tpu.memory_space<vmem>> -> memref<128xi32, #tpu.memory_space<vmem>>
        %dma_start3A_84 = arith.constant 0 : i32
        %dma_start3A_85 = arith.constant 0 : i32
        %dma_start3A_86 = tpu.memref_slice %arg5[%dma_start3A_84, %dma_start3A_85] : memref<10008x128xf32, #tpu.memory_space<vmem_shared>> -> memref<10008x128xf32, #tpu.memory_space<vmem_shared>>
        tpu.enqueue_indirect_dma source(%arg7 : memref<128x128xf32, #tpu.memory_space<vmem>>) target(%dma_start3A_86 : memref<10008x128xf32, #tpu.memory_space<vmem_shared>>) offsets(%dma_start3A_83 : memref<128xi32, #tpu.memory_space<vmem>>) semaphore(%arg11 : memref<!tpu.dma_semaphore, #tpu.memory_space<semaphore_mem>>) {add = true}
        %mul3A_87 = arith.constant 128 : i32
        %mul3A_88 = arith.muli %add3A_64, %mul3A_87 : i32
        %add3A_89 = arith.addi %add3A_41, %mul3A_88 : i32
        %dma_wait3A_90 = arith.constant 0 : i32
        %dma_wait3A_91 = tpu.memref_slice %arg2[%add3A_89, %dma_wait3A_90] : memref<327680x128xf32, #tpu.memory_space<hbm>> -> memref<128x128xf32, #tpu.memory_space<hbm>>
        %dma_wait3A_92 = arith.constant 0 : i32
        %dma_wait3A_93 = tpu.memref_slice %arg2[%add3A_89, %dma_wait3A_92] : memref<327680x128xf32, #tpu.memory_space<hbm>> -> memref<128x128xf32, #tpu.memory_space<hbm>>
        tpu.wait_dma2 semaphore(%arg10 : memref<!tpu.dma_semaphore, #tpu.memory_space<semaphore_mem>>) src(%dma_wait3A_93 : memref<128x128xf32, #tpu.memory_space<hbm>>) dst(%arg8 : memref<128x128xf32, #tpu.memory_space<vmem>>)
        %dma_wait3A_94 = arith.constant 0 : i32
        %dma_wait3A_95 = tpu.memref_slice %arg6[%mul3A_62, %dma_wait3A_94] : memref<32x128xi32, #tpu.memory_space<vmem>> -> memref<1x128xi32, #tpu.memory_space<vmem>>
        %dma_wait3A_96 = tpu.memref_squeeze %dma_wait3A_95 : memref<1x128xi32, #tpu.memory_space<vmem>> -> memref<128xi32, #tpu.memory_space<vmem>>
        %dma_wait3A_97 = arith.constant 0 : i32
        %dma_wait3A_98 = arith.constant 0 : i32
        %dma_wait3A_99 = tpu.memref_slice %arg5[%dma_wait3A_97, %dma_wait3A_98] : memref<10008x128xf32, #tpu.memory_space<vmem_shared>> -> memref<10008x128xf32, #tpu.memory_space<vmem_shared>>
        tpu.wait_indirect_dma semaphore(%arg11 : memref<!tpu.dma_semaphore, #tpu.memory_space<semaphore_mem>>) src(%arg7 : memref<128x128xf32, #tpu.memory_space<vmem>>) dst(%dma_wait3A_99 : memref<10008x128xf32, #tpu.memory_space<vmem_shared>>)
        %add3A_100 = arith.constant 1 : i32
        %add3A_101 = arith.addi %add3A_60, %add3A_100 : i32
        %lt3A = arith.constant 16 : i32
        %lt3A_102 = arith.cmpi slt, %add3A_101, %lt3A : i32
        %convert_element_type3A_103 = arith.extui %lt3A_102 : i1 to i32
        %cond3A_104 = arith.constant 0 : i32
        %cond3A_105 = arith.cmpi ne, %convert_element_type3A_103, %cond3A_104 : i32
        scf.if %cond3A_105 {
          %add3A_112 = arith.constant 2 : i32
          %add3A_113 = arith.addi %mul3A_62, %add3A_112 : i32
          %mul3A_114 = arith.constant 128 : i32
          %mul3A_115 = arith.muli %add3A_113, %mul3A_114 : i32
          %add3A_116 = arith.addi %add3A_41, %mul3A_115 : i32
          %dma_start3A_117 = arith.constant 0 : i32
          %dma_start3A_118 = tpu.memref_slice %arg2[%add3A_116, %dma_start3A_117] : memref<327680x128xf32, #tpu.memory_space<hbm>> -> memref<128x128xf32, #tpu.memory_space<hbm>>
          %dma_start3A_119 = arith.constant 0 : i32
          %dma_start3A_120 = tpu.memref_slice %arg2[%add3A_116, %dma_start3A_119] : memref<327680x128xf32, #tpu.memory_space<hbm>> -> memref<128x128xf32, #tpu.memory_space<hbm>>
          tpu.enqueue_dma source(%dma_start3A_120 : memref<128x128xf32, #tpu.memory_space<hbm>>) target(%arg7 : memref<128x128xf32, #tpu.memory_space<vmem>>) target_semaphore(%arg9 : memref<!tpu.dma_semaphore, #tpu.memory_space<semaphore_mem>>)
        } else {
        }
        %dma_start3A_106 = arith.constant 0 : i32
        %dma_start3A_107 = tpu.memref_slice %arg6[%add3A_64, %dma_start3A_106] : memref<32x128xi32, #tpu.memory_space<vmem>> -> memref<1x128xi32, #tpu.memory_space<vmem>>
        %dma_start3A_108 = tpu.memref_squeeze %dma_start3A_107 : memref<1x128xi32, #tpu.memory_space<vmem>> -> memref<128xi32, #tpu.memory_space<vmem>>
        %dma_start3A_109 = arith.constant 0 : i32
        %dma_start3A_110 = arith.constant 0 : i32
        %dma_start3A_111 = tpu.memref_slice %arg5[%dma_start3A_109, %dma_start3A_110] : memref<10008x128xf32, #tpu.memory_space<vmem_shared>> -> memref<10008x128xf32, #tpu.memory_space<vmem_shared>>
        tpu.enqueue_indirect_dma source(%arg8 : memref<128x128xf32, #tpu.memory_space<vmem>>) target(%dma_start3A_111 : memref<10008x128xf32, #tpu.memory_space<vmem_shared>>) offsets(%dma_start3A_108 : memref<128xi32, #tpu.memory_space<vmem>>) semaphore(%arg12 : memref<!tpu.dma_semaphore, #tpu.memory_space<semaphore_mem>>) {add = true}
      }
      %scan3A_49 = arith.constant 16 : i32
      %dma_wait3A = arith.constant 31 : i32
      %dma_wait3A_50 = arith.constant 0 : i32
      %dma_wait3A_51 = tpu.memref_slice %arg6[%dma_wait3A, %dma_wait3A_50] : memref<32x128xi32, #tpu.memory_space<vmem>> -> memref<1x128xi32, #tpu.memory_space<vmem>>
      %dma_wait3A_52 = tpu.memref_squeeze %dma_wait3A_51 : memref<1x128xi32, #tpu.memory_space<vmem>> -> memref<128xi32, #tpu.memory_space<vmem>>
      %dma_wait3A_53 = arith.constant 0 : i32
      %dma_wait3A_54 = arith.constant 0 : i32
      %dma_wait3A_55 = tpu.memref_slice %arg5[%dma_wait3A_53, %dma_wait3A_54] : memref<10008x128xf32, #tpu.memory_space<vmem_shared>> -> memref<10008x128xf32, #tpu.memory_space<vmem_shared>>
      tpu.wait_indirect_dma semaphore(%arg12 : memref<!tpu.dma_semaphore, #tpu.memory_space<semaphore_mem>>) src(%arg8 : memref<128x128xf32, #tpu.memory_space<vmem>>) dst(%dma_wait3A_55 : memref<10008x128xf32, #tpu.memory_space<vmem_shared>>)
    }
    %scan3A_19 = arith.constant 5 : i32
    %barrier3A_20 = arith.constant 0 : index
    tpu.barrier barrier_id(%barrier3A_20)
    %scan3A_21 = arith.constant 0 : i32
    %scan3A_22 = arith.constant 8 : i32
    %scan3A_23 = arith.addi %scan3A_21, %scan3A_22 : i32
    %scan3A_24 = arith.constant 1 : i32
    scf.for %scan3A_26 = %scan3A_21 to %scan3A_23 step %scan3A_24  : i32 {
      %mul3A_27 = arith.constant 1 : i32
      %mul3A_28 = arith.muli %scan3A_26, %mul3A_27 : i32
      %add3A = arith.constant 0 : i32
      %add3A_29 = arith.addi %add3A, %mul3A_28 : i32
      %mul3A_30 = arith.constant 16 : i32
      %mul3A_31 = arith.muli %add3A_29, %mul3A_30 : i32
      %add3A_32 = arith.addi %arg1, %mul3A_31 : i32
      %lt3A = arith.constant 125 : i32
      %lt3A_33 = arith.cmpi slt, %add3A_32, %lt3A : i32
      %convert_element_type3A = arith.extui %lt3A_33 : i1 to i32
      %cond3A = arith.constant 0 : i32
      %cond3A_34 = arith.cmpi ne, %convert_element_type3A, %cond3A : i32
      scf.if %cond3A_34 {
        %mul3A_35 = arith.constant 80 : i32
        %mul3A_36 = arith.muli %add3A_32, %mul3A_35 : i32
        "tpu.region"() ({
          %run_scoped3A = tpu.sem_alloc : memref<!tpu.dma_semaphore, #tpu.memory_space<semaphore_mem>>
          %dma_start3A = arith.constant 0 : i32
          %dma_start3A_40 = arith.constant 0 : i32
          %dma_start3A_41 = tpu.memref_slice %arg7[%dma_start3A, %dma_start3A_40] : memref<128x128xf32, #tpu.memory_space<vmem>> -> memref<80x128xf32, #tpu.memory_space<vmem>>
          %dma_start3A_42 = arith.constant 0 : i32
          %dma_start3A_43 = tpu.memref_slice %arg5[%mul3A_36, %dma_start3A_42] : memref<10008x128xf32, #tpu.memory_space<vmem_shared>> -> memref<80x128xf32, #tpu.memory_space<vmem_shared>>
          %dma_start3A_44 = arith.constant 0 : i32
          %dma_start3A_45 = arith.constant 0 : i32
          %dma_start3A_46 = tpu.memref_slice %arg7[%dma_start3A_44, %dma_start3A_45] : memref<128x128xf32, #tpu.memory_space<vmem>> -> memref<80x128xf32, #tpu.memory_space<vmem>>
          %dma_start3A_47 = arith.constant 0 : i32
          %dma_start3A_48 = tpu.memref_slice %arg5[%mul3A_36, %dma_start3A_47] : memref<10008x128xf32, #tpu.memory_space<vmem_shared>> -> memref<80x128xf32, #tpu.memory_space<vmem_shared>>
          tpu.enqueue_dma source(%dma_start3A_48 : memref<80x128xf32, #tpu.memory_space<vmem_shared>>) target(%dma_start3A_46 : memref<80x128xf32, #tpu.memory_space<vmem>>) target_semaphore(%run_scoped3A : memref<!tpu.dma_semaphore, #tpu.memory_space<semaphore_mem>>)
          %dma_wait3A = arith.constant 0 : i32
          %dma_wait3A_49 = arith.constant 0 : i32
          %dma_wait3A_50 = tpu.memref_slice %arg7[%dma_wait3A, %dma_wait3A_49] : memref<128x128xf32, #tpu.memory_space<vmem>> -> memref<80x128xf32, #tpu.memory_space<vmem>>
          %dma_wait3A_51 = arith.constant 0 : i32
          %dma_wait3A_52 = tpu.memref_slice %arg5[%mul3A_36, %dma_wait3A_51] : memref<10008x128xf32, #tpu.memory_space<vmem_shared>> -> memref<80x128xf32, #tpu.memory_space<vmem_shared>>
          %dma_wait3A_53 = arith.constant 0 : i32
          %dma_wait3A_54 = arith.constant 0 : i32
          %dma_wait3A_55 = tpu.memref_slice %arg7[%dma_wait3A_53, %dma_wait3A_54] : memref<128x128xf32, #tpu.memory_space<vmem>> -> memref<80x128xf32, #tpu.memory_space<vmem>>
          %dma_wait3A_56 = arith.constant 0 : i32
          %dma_wait3A_57 = tpu.memref_slice %arg5[%mul3A_36, %dma_wait3A_56] : memref<10008x128xf32, #tpu.memory_space<vmem_shared>> -> memref<80x128xf32, #tpu.memory_space<vmem_shared>>
          tpu.wait_dma2 semaphore(%run_scoped3A : memref<!tpu.dma_semaphore, #tpu.memory_space<semaphore_mem>>) src(%dma_wait3A_57 : memref<80x128xf32, #tpu.memory_space<vmem_shared>>) dst(%dma_wait3A_55 : memref<80x128xf32, #tpu.memory_space<vmem>>)
          tpu.yield
        }) : () -> ()
        %mul3A_37 = arith.constant 80 : i32
        %mul3A_38 = arith.muli %add3A_32, %mul3A_37 : i32
        %add3A_39 = arith.addi %mul3A_0, %mul3A_38 : i32
        "tpu.region"() ({
          %run_scoped3A = tpu.sem_alloc : memref<!tpu.dma_semaphore, #tpu.memory_space<semaphore_mem>>
          %dma_start3A = arith.constant 0 : i32
          %dma_start3A_40 = arith.constant 0 : i32
          %dma_start3A_41 = tpu.memref_slice %arg7[%dma_start3A, %dma_start3A_40] : memref<128x128xf32, #tpu.memory_space<vmem>> -> memref<80x128xf32, #tpu.memory_space<vmem>>
          %dma_start3A_42 = arith.constant 0 : i32
          %dma_start3A_43 = tpu.memref_slice %arg4[%add3A_39, %dma_start3A_42] : memref<20000x128xf32, #tpu.memory_space<hbm>> -> memref<80x128xf32, #tpu.memory_space<hbm>>
          %dma_start3A_44 = arith.constant 0 : i32
          %dma_start3A_45 = tpu.memref_slice %arg4[%add3A_39, %dma_start3A_44] : memref<20000x128xf32, #tpu.memory_space<hbm>> -> memref<80x128xf32, #tpu.memory_space<hbm>>
          %dma_start3A_46 = arith.constant 0 : i32
          %dma_start3A_47 = arith.constant 0 : i32
          %dma_start3A_48 = tpu.memref_slice %arg7[%dma_start3A_46, %dma_start3A_47] : memref<128x128xf32, #tpu.memory_space<vmem>> -> memref<80x128xf32, #tpu.memory_space<vmem>>
          tpu.enqueue_dma source(%dma_start3A_48 : memref<80x128xf32, #tpu.memory_space<vmem>>) target(%dma_start3A_45 : memref<80x128xf32, #tpu.memory_space<hbm>>) target_semaphore(%run_scoped3A : memref<!tpu.dma_semaphore, #tpu.memory_space<semaphore_mem>>)
          %dma_wait3A = arith.constant 0 : i32
          %dma_wait3A_49 = arith.constant 0 : i32
          %dma_wait3A_50 = tpu.memref_slice %arg7[%dma_wait3A, %dma_wait3A_49] : memref<128x128xf32, #tpu.memory_space<vmem>> -> memref<80x128xf32, #tpu.memory_space<vmem>>
          %dma_wait3A_51 = arith.constant 0 : i32
          %dma_wait3A_52 = tpu.memref_slice %arg4[%add3A_39, %dma_wait3A_51] : memref<20000x128xf32, #tpu.memory_space<hbm>> -> memref<80x128xf32, #tpu.memory_space<hbm>>
          %dma_wait3A_53 = arith.constant 0 : i32
          %dma_wait3A_54 = tpu.memref_slice %arg4[%add3A_39, %dma_wait3A_53] : memref<20000x128xf32, #tpu.memory_space<hbm>> -> memref<80x128xf32, #tpu.memory_space<hbm>>
          %dma_wait3A_55 = arith.constant 0 : i32
          %dma_wait3A_56 = arith.constant 0 : i32
          %dma_wait3A_57 = tpu.memref_slice %arg7[%dma_wait3A_55, %dma_wait3A_56] : memref<128x128xf32, #tpu.memory_space<vmem>> -> memref<80x128xf32, #tpu.memory_space<vmem>>
          tpu.wait_dma2 semaphore(%run_scoped3A : memref<!tpu.dma_semaphore, #tpu.memory_space<semaphore_mem>>) src(%dma_wait3A_57 : memref<80x128xf32, #tpu.memory_space<vmem>>) dst(%dma_wait3A_54 : memref<80x128xf32, #tpu.memory_space<hbm>>)
          tpu.yield
        }) : () -> ()
      } else {
      }
    }
    %scan3A_25 = arith.constant 8 : i32
    return
  }
}

#map = affine_map<(d0, d1) -> (0, 0)>
#map1 = affine_map<(d0, d1) -> (0, 0, 0)>
module attributes {stable_mosaic.version = 14 : i64} {
  func.func @_reduce_body(%arg0: i32, %arg1: i32, %arg2: memref<327680x128xf32, #tpu.memory_space<hbm>>, %arg3: memref<16x160x128xi32, #tpu.memory_space<hbm>>, %arg4: memref<20000x128xf32, #tpu.memory_space<hbm>>, %arg5: memref<10008x128xf32, #tpu.memory_space<vmem_shared>>, %arg6: memref<32x128xi32, #tpu.memory_space<vmem>>, %arg7: memref<128x128xf32, #tpu.memory_space<vmem>>, %arg8: memref<128x128xf32, #tpu.memory_space<vmem>>, %arg9: memref<!tpu.dma_semaphore, #tpu.memory_space<semaphore_mem>>, %arg10: memref<!tpu.dma_semaphore, #tpu.memory_space<semaphore_mem>>, %arg11: memref<!tpu.dma_semaphore, #tpu.memory_space<semaphore_mem>>, %arg12: memref<!tpu.dma_semaphore, #tpu.memory_space<semaphore_mem>>) attributes {dimension_semantics = [#tpu.dimension_semantics<core_parallel>, #tpu.dimension_semantics<subcore_parallel>], iteration_bounds = array<i64: 2, 16>, scalar_prefetch = 0 : i64, scratch_operands = 8 : i64, tpu.core_type = #tpu.core_type<sc_vector_subcore>, window_params = [{transform_indices = #map}, {transform_indices = #map1}, {transform_indices = #map}]} {
    %mul3A = arith.constant 10000 : i32
    %mul3A_0 = arith.muli %arg0, %mul3A : i32
    %mul3A_1 = arith.constant 160 : i32
    %mul3A_2 = arith.muli %arg1, %mul3A_1 : i32
    %mul3A_3 = arith.constant 128 : i32
    %mul3A_4 = arith.muli %mul3A_2, %mul3A_3 : i32
    %broadcast_in_dim3A = arith.constant 0.000000e+00 : f32
    %broadcast_in_dim3A_5 = vector.broadcast %broadcast_in_dim3A : f32 to vector<16xf32>
    %scan3A = arith.constant 0 : i32
    %scan3A_6 = arith.constant 128 : i32
    %scan3A_7 = arith.addi %scan3A, %scan3A_6 : i32
    %scan3A_8 = arith.constant 1 : i32
    scf.for %scan3A_26 = %scan3A to %scan3A_7 step %scan3A_8  : i32 {
      %mul3A_27 = arith.constant 1 : i32
      %mul3A_28 = arith.muli %scan3A_26, %mul3A_27 : i32
      %add3A = arith.constant 0 : i32
      %add3A_29 = arith.addi %add3A, %mul3A_28 : i32
      %swap3A = arith.index_cast %add3A_29 : i32 to index
      %swap3A_30 = arith.constant 0 : index
      %swap3A_31 = tpu.vector_load %arg7[%swap3A, %swap3A_30] {strides = array<i32>} : memref<128x128xf32, #tpu.memory_space<vmem>>, vector<1x16xf32>,
      %swap3A_32 = vector.shape_cast %swap3A_31 : vector<1x16xf32> to vector<16xf32>
      %swap3A_33 = vector.shape_cast %broadcast_in_dim3A_5 : vector<16xf32> to vector<1x16xf32>
      tpu.vector_store %arg7[%swap3A, %swap3A_30], %swap3A_33 {strides = array<i32>} : memref<128x128xf32, #tpu.memory_space<vmem>>, vector<1x16xf32>,
      %swap3A_34 = arith.index_cast %add3A_29 : i32 to index
      %swap3A_35 = arith.constant 16 : index
      %swap3A_36 = tpu.vector_load %arg7[%swap3A_34, %swap3A_35] {strides = array<i32>} : memref<128x128xf32, #tpu.memory_space<vmem>>, vector<1x16xf32>,
      %swap3A_37 = vector.shape_cast %swap3A_36 : vector<1x16xf32> to vector<16xf32>
      %swap3A_38 = vector.shape_cast %broadcast_in_dim3A_5 : vector<16xf32> to vector<1x16xf32>
      tpu.vector_store %arg7[%swap3A_34, %swap3A_35], %swap3A_38 {strides = array<i32>} : memref<128x128xf32, #tpu.memory_space<vmem>>, vector<1x16xf32>,
      %swap3A_39 = arith.index_cast %add3A_29 : i32 to index
      %swap3A_40 = arith.constant 32 : index
      %swap3A_41 = tpu.vector_load %arg7[%swap3A_39, %swap3A_40] {strides = array<i32>} : memref<128x128xf32, #tpu.memory_space<vmem>>, vector<1x16xf32>,
      %swap3A_42 = vector.shape_cast %swap3A_41 : vector<1x16xf32> to vector<16xf32>
      %swap3A_43 = vector.shape_cast %broadcast_in_dim3A_5 : vector<16xf32> to vector<1x16xf32>
      tpu.vector_store %arg7[%swap3A_39, %swap3A_40], %swap3A_43 {strides = array<i32>} : memref<128x128xf32, #tpu.memory_space<vmem>>, vector<1x16xf32>,
      %swap3A_44 = arith.index_cast %add3A_29 : i32 to index
      %swap3A_45 = arith.constant 48 : index
      %swap3A_46 = tpu.vector_load %arg7[%swap3A_44, %swap3A_45] {strides = array<i32>} : memref<128x128xf32, #tpu.memory_space<vmem>>, vector<1x16xf32>,
      %swap3A_47 = vector.shape_cast %swap3A_46 : vector<1x16xf32> to vector<16xf32>
      %swap3A_48 = vector.shape_cast %broadcast_in_dim3A_5 : vector<16xf32> to vector<1x16xf32>
      tpu.vector_store %arg7[%swap3A_44, %swap3A_45], %swap3A_48 {strides = array<i32>} : memref<128x128xf32, #tpu.memory_space<vmem>>, vector<1x16xf32>,
      %swap3A_49 = arith.index_cast %add3A_29 : i32 to index
      %swap3A_50 = arith.constant 64 : index
      %swap3A_51 = tpu.vector_load %arg7[%swap3A_49, %swap3A_50] {strides = array<i32>} : memref<128x128xf32, #tpu.memory_space<vmem>>, vector<1x16xf32>,
      %swap3A_52 = vector.shape_cast %swap3A_51 : vector<1x16xf32> to vector<16xf32>
      %swap3A_53 = vector.shape_cast %broadcast_in_dim3A_5 : vector<16xf32> to vector<1x16xf32>
      tpu.vector_store %arg7[%swap3A_49, %swap3A_50], %swap3A_53 {strides = array<i32>} : memref<128x128xf32, #tpu.memory_space<vmem>>, vector<1x16xf32>,
      %swap3A_54 = arith.index_cast %add3A_29 : i32 to index
      %swap3A_55 = arith.constant 80 : index
      %swap3A_56 = tpu.vector_load %arg7[%swap3A_54, %swap3A_55] {strides = array<i32>} : memref<128x128xf32, #tpu.memory_space<vmem>>, vector<1x16xf32>,
      %swap3A_57 = vector.shape_cast %swap3A_56 : vector<1x16xf32> to vector<16xf32>
      %swap3A_58 = vector.shape_cast %broadcast_in_dim3A_5 : vector<16xf32> to vector<1x16xf32>
      tpu.vector_store %arg7[%swap3A_54, %swap3A_55], %swap3A_58 {strides = array<i32>} : memref<128x128xf32, #tpu.memory_space<vmem>>, vector<1x16xf32>,
      %swap3A_59 = arith.index_cast %add3A_29 : i32 to index
      %swap3A_60 = arith.constant 96 : index
      %swap3A_61 = tpu.vector_load %arg7[%swap3A_59, %swap3A_60] {strides = array<i32>} : memref<128x128xf32, #tpu.memory_space<vmem>>, vector<1x16xf32>,
      %swap3A_62 = vector.shape_cast %swap3A_61 : vector<1x16xf32> to vector<16xf32>
      %swap3A_63 = vector.shape_cast %broadcast_in_dim3A_5 : vector<16xf32> to vector<1x16xf32>
      tpu.vector_store %arg7[%swap3A_59, %swap3A_60], %swap3A_63 {strides = array<i32>} : memref<128x128xf32, #tpu.memory_space<vmem>>, vector<1x16xf32>,
      %swap3A_64 = arith.index_cast %add3A_29 : i32 to index
      %swap3A_65 = arith.constant 112 : index
      %swap3A_66 = tpu.vector_load %arg7[%swap3A_64, %swap3A_65] {strides = array<i32>} : memref<128x128xf32, #tpu.memory_space<vmem>>, vector<1x16xf32>,
      %swap3A_67 = vector.shape_cast %swap3A_66 : vector<1x16xf32> to vector<16xf32>
      %swap3A_68 = vector.shape_cast %broadcast_in_dim3A_5 : vector<16xf32> to vector<1x16xf32>
      tpu.vector_store %arg7[%swap3A_64, %swap3A_65], %swap3A_68 {strides = array<i32>} : memref<128x128xf32, #tpu.memory_space<vmem>>, vector<1x16xf32>,
    }
    %scan3A_9 = arith.constant 128 : i32
    %scan3A_10 = arith.constant 0 : i32
    %scan3A_11 = arith.constant 8 : i32
    %scan3A_12 = arith.addi %scan3A_10, %scan3A_11 : i32
    %scan3A_13 = arith.constant 1 : i32
    scf.for %scan3A_26 = %scan3A_10 to %scan3A_12 step %scan3A_13  : i32 {
      %mul3A_27 = arith.constant 1 : i32
      %mul3A_28 = arith.muli %scan3A_26, %mul3A_27 : i32
      %add3A = arith.constant 0 : i32
      %add3A_29 = arith.addi %add3A, %mul3A_28 : i32
      %mul3A_30 = arith.constant 16 : i32
      %mul3A_31 = arith.muli %add3A_29, %mul3A_30 : i32
      %add3A_32 = arith.addi %arg1, %mul3A_31 : i32
      %lt3A = arith.constant 125 : i32
      %lt3A_33 = arith.cmpi slt, %add3A_32, %lt3A : i32
      %convert_element_type3A = arith.extui %lt3A_33 : i1 to i32
      %cond3A = arith.constant 0 : i32
      %cond3A_34 = arith.cmpi ne, %convert_element_type3A, %cond3A : i32
      scf.if %cond3A_34 {
        %mul3A_35 = arith.constant 80 : i32
        %mul3A_36 = arith.muli %add3A_32, %mul3A_35 : i32
        "tpu.region"() ({
          %run_scoped3A = tpu.sem_alloc : memref<!tpu.dma_semaphore, #tpu.memory_space<semaphore_mem>>
          %dma_start3A = arith.constant 0 : i32
          %dma_start3A_37 = arith.constant 0 : i32
          %dma_start3A_38 = tpu.memref_slice %arg7[%dma_start3A, %dma_start3A_37] : memref<128x128xf32, #tpu.memory_space<vmem>> -> memref<80x128xf32, #tpu.memory_space<vmem>>
          %dma_start3A_39 = arith.constant 0 : i32
          %dma_start3A_40 = tpu.memref_slice %arg5[%mul3A_36, %dma_start3A_39] : memref<10008x128xf32, #tpu.memory_space<vmem_shared>> -> memref<80x128xf32, #tpu.memory_space<vmem_shared>>
          %dma_start3A_41 = arith.constant 0 : i32
          %dma_start3A_42 = tpu.memref_slice %arg5[%mul3A_36, %dma_start3A_41] : memref<10008x128xf32, #tpu.memory_space<vmem_shared>> -> memref<80x128xf32, #tpu.memory_space<vmem_shared>>
          %dma_start3A_43 = arith.constant 0 : i32
          %dma_start3A_44 = arith.constant 0 : i32
          %dma_start3A_45 = tpu.memref_slice %arg7[%dma_start3A_43, %dma_start3A_44] : memref<128x128xf32, #tpu.memory_space<vmem>> -> memref<80x128xf32, #tpu.memory_space<vmem>>
          tpu.enqueue_dma source(%dma_start3A_45 : memref<80x128xf32, #tpu.memory_space<vmem>>) target(%dma_start3A_42 : memref<80x128xf32, #tpu.memory_space<vmem_shared>>) target_semaphore(%run_scoped3A : memref<!tpu.dma_semaphore, #tpu.memory_space<semaphore_mem>>)
          %dma_wait3A = arith.constant 0 : i32
          %dma_wait3A_46 = arith.constant 0 : i32
          %dma_wait3A_47 = tpu.memref_slice %arg7[%dma_wait3A, %dma_wait3A_46] : memref<128x128xf32, #tpu.memory_space<vmem>> -> memref<80x128xf32, #tpu.memory_space<vmem>>
          %dma_wait3A_48 = arith.constant 0 : i32
          %dma_wait3A_49 = tpu.memref_slice %arg5[%mul3A_36, %dma_wait3A_48] : memref<10008x128xf32, #tpu.memory_space<vmem_shared>> -> memref<80x128xf32, #tpu.memory_space<vmem_shared>>
          %dma_wait3A_50 = arith.constant 0 : i32
          %dma_wait3A_51 = tpu.memref_slice %arg5[%mul3A_36, %dma_wait3A_50] : memref<10008x128xf32, #tpu.memory_space<vmem_shared>> -> memref<80x128xf32, #tpu.memory_space<vmem_shared>>
          %dma_wait3A_52 = arith.constant 0 : i32
          %dma_wait3A_53 = arith.constant 0 : i32
          %dma_wait3A_54 = tpu.memref_slice %arg7[%dma_wait3A_52, %dma_wait3A_53] : memref<128x128xf32, #tpu.memory_space<vmem>> -> memref<80x128xf32, #tpu.memory_space<vmem>>
          tpu.wait_dma2 semaphore(%run_scoped3A : memref<!tpu.dma_semaphore, #tpu.memory_space<semaphore_mem>>) src(%dma_wait3A_54 : memref<80x128xf32, #tpu.memory_space<vmem>>) dst(%dma_wait3A_51 : memref<80x128xf32, #tpu.memory_space<vmem_shared>>)
          tpu.yield
        }) : () -> ()
      } else {
      }
    }
    %scan3A_14 = arith.constant 8 : i32
    %barrier3A = arith.constant 0 : index
    tpu.barrier barrier_id(%barrier3A)
    %scan3A_15 = arith.constant 0 : i32
    %scan3A_16 = arith.constant 5 : i32
    %scan3A_17 = arith.addi %scan3A_15, %scan3A_16 : i32
    %scan3A_18 = arith.constant 1 : i32
    scf.for %scan3A_26 = %scan3A_15 to %scan3A_17 step %scan3A_18  : i32 {
      %mul3A_27 = arith.constant 1 : i32
      %mul3A_28 = arith.muli %scan3A_26, %mul3A_27 : i32
      %add3A = arith.constant 0 : i32
      %add3A_29 = arith.addi %add3A, %mul3A_28 : i32
      %mul3A_30 = arith.constant 32 : i32
      %mul3A_31 = arith.muli %add3A_29, %mul3A_30 : i32
      "tpu.region"() ({
        %run_scoped3A = tpu.sem_alloc : memref<!tpu.dma_semaphore, #tpu.memory_space<semaphore_mem>>
        %dma_start3A_56 = arith.constant 0 : i32
        %dma_start3A_57 = tpu.memref_slice %arg3[%arg1, %mul3A_31, %dma_start3A_56] : memref<16x160x128xi32, #tpu.memory_space<hbm>> -> memref<1x32x128xi32, #tpu.memory_space<hbm>>
        %dma_start3A_58 = tpu.memref_squeeze %dma_start3A_57 : memref<1x32x128xi32, #tpu.memory_space<hbm>> -> memref<32x128xi32, #tpu.memory_space<hbm>>
        %dma_start3A_59 = arith.constant 0 : i32
        %dma_start3A_60 = tpu.memref_slice %arg3[%arg1, %mul3A_31, %dma_start3A_59] : memref<16x160x128xi32, #tpu.memory_space<hbm>> -> memref<1x32x128xi32, #tpu.memory_space<hbm>>
        %dma_start3A_61 = tpu.memref_squeeze %dma_start3A_60 : memref<1x32x128xi32, #tpu.memory_space<hbm>> -> memref<32x128xi32, #tpu.memory_space<hbm>>
        tpu.enqueue_dma source(%dma_start3A_61 : memref<32x128xi32, #tpu.memory_space<hbm>>) target(%arg6 : memref<32x128xi32, #tpu.memory_space<vmem>>) target_semaphore(%run_scoped3A : memref<!tpu.dma_semaphore, #tpu.memory_space<semaphore_mem>>)
        %dma_wait3A_62 = arith.constant 0 : i32
        %dma_wait3A_63 = tpu.memref_slice %arg3[%arg1, %mul3A_31, %dma_wait3A_62] : memref<16x160x128xi32, #tpu.memory_space<hbm>> -> memref<1x32x128xi32, #tpu.memory_space<hbm>>
        %dma_wait3A_64 = tpu.memref_squeeze %dma_wait3A_63 : memref<1x32x128xi32, #tpu.memory_space<hbm>> -> memref<32x128xi32, #tpu.memory_space<hbm>>
        %dma_wait3A_65 = arith.constant 0 : i32
        %dma_wait3A_66 = tpu.memref_slice %arg3[%arg1, %mul3A_31, %dma_wait3A_65] : memref<16x160x128xi32, #tpu.memory_space<hbm>> -> memref<1x32x128xi32, #tpu.memory_space<hbm>>
        %dma_wait3A_67 = tpu.memref_squeeze %dma_wait3A_66 : memref<1x32x128xi32, #tpu.memory_space<hbm>> -> memref<32x128xi32, #tpu.memory_space<hbm>>
        tpu.wait_dma2 semaphore(%run_scoped3A : memref<!tpu.dma_semaphore, #tpu.memory_space<semaphore_mem>>) src(%dma_wait3A_67 : memref<32x128xi32, #tpu.memory_space<hbm>>) dst(%arg6 : memref<32x128xi32, #tpu.memory_space<vmem>>)
        tpu.yield
      }) : () -> ()
      %scan3A_32 = arith.constant 0 : i32
      %scan3A_33 = arith.constant 32 : i32
      %scan3A_34 = arith.addi %scan3A_32, %scan3A_33 : i32
      %scan3A_35 = arith.constant 1 : i32
      scf.for %scan3A_56 = %scan3A_32 to %scan3A_34 step %scan3A_35  : i32 {
        %mul3A_57 = arith.constant 1 : i32
        %mul3A_58 = arith.muli %scan3A_56, %mul3A_57 : i32
        %add3A_59 = arith.constant 0 : i32
        %add3A_60 = arith.addi %add3A_59, %mul3A_58 : i32
        %get3A = arith.index_cast %add3A_60 : i32 to index
        %get3A_61 = arith.constant 0 : index
        %get3A_62 = tpu.vector_load %arg6[%get3A, %get3A_61] {strides = array<i32>} : memref<32x128xi32, #tpu.memory_space<vmem>>, vector<1x16xi32>,
        %get3A_63 = vector.shape_cast %get3A_62 : vector<1x16xi32> to vector<16xi32>
        %sub3A = vector.broadcast %mul3A_0 : i32 to vector<16xi32>
        %sub3A_64 = arith.subi %get3A_63, %sub3A : vector<16xi32>
        %ge3A = arith.constant 0 : i32
        %ge3A_65 = vector.broadcast %ge3A : i32 to vector<16xi32>
        %ge3A_66 = arith.cmpi sge, %sub3A_64, %ge3A_65 : vector<16xi32>
        %lt3A = arith.constant 10000 : i32
        %lt3A_67 = vector.broadcast %lt3A : i32 to vector<16xi32>
        %lt3A_68 = arith.cmpi slt, %sub3A_64, %lt3A_67 : vector<16xi32>
        %and3A = arith.andi %ge3A_66, %lt3A_68 : vector<16xi1>
        %jit3A = arith.constant 10000 : i32
        %broadcast_in_dim3A_69 = vector.broadcast %jit3A : i32 to vector<16xi32>
        %select_n3A = arith.select %and3A, %sub3A_64, %broadcast_in_dim3A_69 : vector<16xi1>, vector<16xi32>
        %swap3A = arith.index_cast %add3A_60 : i32 to index
        %swap3A_70 = arith.constant 0 : index
        %swap3A_71 = tpu.vector_load %arg6[%swap3A, %swap3A_70] {strides = array<i32>} : memref<32x128xi32, #tpu.memory_space<vmem>>, vector<1x16xi32>,
        %swap3A_72 = vector.shape_cast %swap3A_71 : vector<1x16xi32> to vector<16xi32>
        %swap3A_73 = vector.shape_cast %select_n3A : vector<16xi32> to vector<1x16xi32>
        tpu.vector_store %arg6[%swap3A, %swap3A_70], %swap3A_73 {strides = array<i32>} : memref<32x128xi32, #tpu.memory_space<vmem>>, vector<1x16xi32>,
        %get3A_74 = arith.index_cast %add3A_60 : i32 to index
        %get3A_75 = arith.constant 16 : index
        %get3A_76 = tpu.vector_load %arg6[%get3A_74, %get3A_75] {strides = array<i32>} : memref<32x128xi32, #tpu.memory_space<vmem>>, vector<1x16xi32>,
        %get3A_77 = vector.shape_cast %get3A_76 : vector<1x16xi32> to vector<16xi32>
        %sub3A_78 = vector.broadcast %mul3A_0 : i32 to vector<16xi32>
        %sub3A_79 = arith.subi %get3A_77, %sub3A_78 : vector<16xi32>
        %ge3A_80 = arith.constant 0 : i32
        %ge3A_81 = vector.broadcast %ge3A_80 : i32 to vector<16xi32>
        %ge3A_82 = arith.cmpi sge, %sub3A_79, %ge3A_81 : vector<16xi32>
        %lt3A_83 = arith.constant 10000 : i32
        %lt3A_84 = vector.broadcast %lt3A_83 : i32 to vector<16xi32>
        %lt3A_85 = arith.cmpi slt, %sub3A_79, %lt3A_84 : vector<16xi32>
        %and3A_86 = arith.andi %ge3A_82, %lt3A_85 : vector<16xi1>
        %jit3A_87 = arith.constant 10000 : i32
        %broadcast_in_dim3A_88 = vector.broadcast %jit3A_87 : i32 to vector<16xi32>
        %select_n3A_89 = arith.select %and3A_86, %sub3A_79, %broadcast_in_dim3A_88 : vector<16xi1>, vector<16xi32>
        %swap3A_90 = arith.index_cast %add3A_60 : i32 to index
        %swap3A_91 = arith.constant 16 : index
        %swap3A_92 = tpu.vector_load %arg6[%swap3A_90, %swap3A_91] {strides = array<i32>} : memref<32x128xi32, #tpu.memory_space<vmem>>, vector<1x16xi32>,
        %swap3A_93 = vector.shape_cast %swap3A_92 : vector<1x16xi32> to vector<16xi32>
        %swap3A_94 = vector.shape_cast %select_n3A_89 : vector<16xi32> to vector<1x16xi32>
        tpu.vector_store %arg6[%swap3A_90, %swap3A_91], %swap3A_94 {strides = array<i32>} : memref<32x128xi32, #tpu.memory_space<vmem>>, vector<1x16xi32>,
        %get3A_95 = arith.index_cast %add3A_60 : i32 to index
        %get3A_96 = arith.constant 32 : index
        %get3A_97 = tpu.vector_load %arg6[%get3A_95, %get3A_96] {strides = array<i32>} : memref<32x128xi32, #tpu.memory_space<vmem>>, vector<1x16xi32>,
        %get3A_98 = vector.shape_cast %get3A_97 : vector<1x16xi32> to vector<16xi32>
        %sub3A_99 = vector.broadcast %mul3A_0 : i32 to vector<16xi32>
        %sub3A_100 = arith.subi %get3A_98, %sub3A_99 : vector<16xi32>
        %ge3A_101 = arith.constant 0 : i32
        %ge3A_102 = vector.broadcast %ge3A_101 : i32 to vector<16xi32>
        %ge3A_103 = arith.cmpi sge, %sub3A_100, %ge3A_102 : vector<16xi32>
        %lt3A_104 = arith.constant 10000 : i32
        %lt3A_105 = vector.broadcast %lt3A_104 : i32 to vector<16xi32>
        %lt3A_106 = arith.cmpi slt, %sub3A_100, %lt3A_105 : vector<16xi32>
        %and3A_107 = arith.andi %ge3A_103, %lt3A_106 : vector<16xi1>
        %jit3A_108 = arith.constant 10000 : i32
        %broadcast_in_dim3A_109 = vector.broadcast %jit3A_108 : i32 to vector<16xi32>
        %select_n3A_110 = arith.select %and3A_107, %sub3A_100, %broadcast_in_dim3A_109 : vector<16xi1>, vector<16xi32>
        %swap3A_111 = arith.index_cast %add3A_60 : i32 to index
        %swap3A_112 = arith.constant 32 : index
        %swap3A_113 = tpu.vector_load %arg6[%swap3A_111, %swap3A_112] {strides = array<i32>} : memref<32x128xi32, #tpu.memory_space<vmem>>, vector<1x16xi32>,
        %swap3A_114 = vector.shape_cast %swap3A_113 : vector<1x16xi32> to vector<16xi32>
        %swap3A_115 = vector.shape_cast %select_n3A_110 : vector<16xi32> to vector<1x16xi32>
        tpu.vector_store %arg6[%swap3A_111, %swap3A_112], %swap3A_115 {strides = array<i32>} : memref<32x128xi32, #tpu.memory_space<vmem>>, vector<1x16xi32>,
        %get3A_116 = arith.index_cast %add3A_60 : i32 to index
        %get3A_117 = arith.constant 48 : index
        %get3A_118 = tpu.vector_load %arg6[%get3A_116, %get3A_117] {strides = array<i32>} : memref<32x128xi32, #tpu.memory_space<vmem>>, vector<1x16xi32>,
        %get3A_119 = vector.shape_cast %get3A_118 : vector<1x16xi32> to vector<16xi32>
        %sub3A_120 = vector.broadcast %mul3A_0 : i32 to vector<16xi32>
        %sub3A_121 = arith.subi %get3A_119, %sub3A_120 : vector<16xi32>
        %ge3A_122 = arith.constant 0 : i32
        %ge3A_123 = vector.broadcast %ge3A_122 : i32 to vector<16xi32>
        %ge3A_124 = arith.cmpi sge, %sub3A_121, %ge3A_123 : vector<16xi32>
        %lt3A_125 = arith.constant 10000 : i32
        %lt3A_126 = vector.broadcast %lt3A_125 : i32 to vector<16xi32>
        %lt3A_127 = arith.cmpi slt, %sub3A_121, %lt3A_126 : vector<16xi32>
        %and3A_128 = arith.andi %ge3A_124, %lt3A_127 : vector<16xi1>
        %jit3A_129 = arith.constant 10000 : i32
        %broadcast_in_dim3A_130 = vector.broadcast %jit3A_129 : i32 to vector<16xi32>
        %select_n3A_131 = arith.select %and3A_128, %sub3A_121, %broadcast_in_dim3A_130 : vector<16xi1>, vector<16xi32>
        %swap3A_132 = arith.index_cast %add3A_60 : i32 to index
        %swap3A_133 = arith.constant 48 : index
        %swap3A_134 = tpu.vector_load %arg6[%swap3A_132, %swap3A_133] {strides = array<i32>} : memref<32x128xi32, #tpu.memory_space<vmem>>, vector<1x16xi32>,
        %swap3A_135 = vector.shape_cast %swap3A_134 : vector<1x16xi32> to vector<16xi32>
        %swap3A_136 = vector.shape_cast %select_n3A_131 : vector<16xi32> to vector<1x16xi32>
        tpu.vector_store %arg6[%swap3A_132, %swap3A_133], %swap3A_136 {strides = array<i32>} : memref<32x128xi32, #tpu.memory_space<vmem>>, vector<1x16xi32>,
        %get3A_137 = arith.index_cast %add3A_60 : i32 to index
        %get3A_138 = arith.constant 64 : index
        %get3A_139 = tpu.vector_load %arg6[%get3A_137, %get3A_138] {strides = array<i32>} : memref<32x128xi32, #tpu.memory_space<vmem>>, vector<1x16xi32>,
        %get3A_140 = vector.shape_cast %get3A_139 : vector<1x16xi32> to vector<16xi32>
        %sub3A_141 = vector.broadcast %mul3A_0 : i32 to vector<16xi32>
        %sub3A_142 = arith.subi %get3A_140, %sub3A_141 : vector<16xi32>
        %ge3A_143 = arith.constant 0 : i32
        %ge3A_144 = vector.broadcast %ge3A_143 : i32 to vector<16xi32>
        %ge3A_145 = arith.cmpi sge, %sub3A_142, %ge3A_144 : vector<16xi32>
        %lt3A_146 = arith.constant 10000 : i32
        %lt3A_147 = vector.broadcast %lt3A_146 : i32 to vector<16xi32>
        %lt3A_148 = arith.cmpi slt, %sub3A_142, %lt3A_147 : vector<16xi32>
        %and3A_149 = arith.andi %ge3A_145, %lt3A_148 : vector<16xi1>
        %jit3A_150 = arith.constant 10000 : i32
        %broadcast_in_dim3A_151 = vector.broadcast %jit3A_150 : i32 to vector<16xi32>
        %select_n3A_152 = arith.select %and3A_149, %sub3A_142, %broadcast_in_dim3A_151 : vector<16xi1>, vector<16xi32>
        %swap3A_153 = arith.index_cast %add3A_60 : i32 to index
        %swap3A_154 = arith.constant 64 : index
        %swap3A_155 = tpu.vector_load %arg6[%swap3A_153, %swap3A_154] {strides = array<i32>} : memref<32x128xi32, #tpu.memory_space<vmem>>, vector<1x16xi32>,
        %swap3A_156 = vector.shape_cast %swap3A_155 : vector<1x16xi32> to vector<16xi32>
        %swap3A_157 = vector.shape_cast %select_n3A_152 : vector<16xi32> to vector<1x16xi32>
        tpu.vector_store %arg6[%swap3A_153, %swap3A_154], %swap3A_157 {strides = array<i32>} : memref<32x128xi32, #tpu.memory_space<vmem>>, vector<1x16xi32>,
        %get3A_158 = arith.index_cast %add3A_60 : i32 to index
        %get3A_159 = arith.constant 80 : index
        %get3A_160 = tpu.vector_load %arg6[%get3A_158, %get3A_159] {strides = array<i32>} : memref<32x128xi32, #tpu.memory_space<vmem>>, vector<1x16xi32>,
        %get3A_161 = vector.shape_cast %get3A_160 : vector<1x16xi32> to vector<16xi32>
        %sub3A_162 = vector.broadcast %mul3A_0 : i32 to vector<16xi32>
        %sub3A_163 = arith.subi %get3A_161, %sub3A_162 : vector<16xi32>
        %ge3A_164 = arith.constant 0 : i32
        %ge3A_165 = vector.broadcast %ge3A_164 : i32 to vector<16xi32>
        %ge3A_166 = arith.cmpi sge, %sub3A_163, %ge3A_165 : vector<16xi32>
        %lt3A_167 = arith.constant 10000 : i32
        %lt3A_168 = vector.broadcast %lt3A_167 : i32 to vector<16xi32>
        %lt3A_169 = arith.cmpi slt, %sub3A_163, %lt3A_168 : vector<16xi32>
        %and3A_170 = arith.andi %ge3A_166, %lt3A_169 : vector<16xi1>
        %jit3A_171 = arith.constant 10000 : i32
        %broadcast_in_dim3A_172 = vector.broadcast %jit3A_171 : i32 to vector<16xi32>
        %select_n3A_173 = arith.select %and3A_170, %sub3A_163, %broadcast_in_dim3A_172 : vector<16xi1>, vector<16xi32>
        %swap3A_174 = arith.index_cast %add3A_60 : i32 to index
        %swap3A_175 = arith.constant 80 : index
        %swap3A_176 = tpu.vector_load %arg6[%swap3A_174, %swap3A_175] {strides = array<i32>} : memref<32x128xi32, #tpu.memory_space<vmem>>, vector<1x16xi32>,
        %swap3A_177 = vector.shape_cast %swap3A_176 : vector<1x16xi32> to vector<16xi32>
        %swap3A_178 = vector.shape_cast %select_n3A_173 : vector<16xi32> to vector<1x16xi32>
        tpu.vector_store %arg6[%swap3A_174, %swap3A_175], %swap3A_178 {strides = array<i32>} : memref<32x128xi32, #tpu.memory_space<vmem>>, vector<1x16xi32>,
        %get3A_179 = arith.index_cast %add3A_60 : i32 to index
        %get3A_180 = arith.constant 96 : index
        %get3A_181 = tpu.vector_load %arg6[%get3A_179, %get3A_180] {strides = array<i32>} : memref<32x128xi32, #tpu.memory_space<vmem>>, vector<1x16xi32>,
        %get3A_182 = vector.shape_cast %get3A_181 : vector<1x16xi32> to vector<16xi32>
        %sub3A_183 = vector.broadcast %mul3A_0 : i32 to vector<16xi32>
        %sub3A_184 = arith.subi %get3A_182, %sub3A_183 : vector<16xi32>
        %ge3A_185 = arith.constant 0 : i32
        %ge3A_186 = vector.broadcast %ge3A_185 : i32 to vector<16xi32>
        %ge3A_187 = arith.cmpi sge, %sub3A_184, %ge3A_186 : vector<16xi32>
        %lt3A_188 = arith.constant 10000 : i32
        %lt3A_189 = vector.broadcast %lt3A_188 : i32 to vector<16xi32>
        %lt3A_190 = arith.cmpi slt, %sub3A_184, %lt3A_189 : vector<16xi32>
        %and3A_191 = arith.andi %ge3A_187, %lt3A_190 : vector<16xi1>
        %jit3A_192 = arith.constant 10000 : i32
        %broadcast_in_dim3A_193 = vector.broadcast %jit3A_192 : i32 to vector<16xi32>
        %select_n3A_194 = arith.select %and3A_191, %sub3A_184, %broadcast_in_dim3A_193 : vector<16xi1>, vector<16xi32>
        %swap3A_195 = arith.index_cast %add3A_60 : i32 to index
        %swap3A_196 = arith.constant 96 : index
        %swap3A_197 = tpu.vector_load %arg6[%swap3A_195, %swap3A_196] {strides = array<i32>} : memref<32x128xi32, #tpu.memory_space<vmem>>, vector<1x16xi32>,
        %swap3A_198 = vector.shape_cast %swap3A_197 : vector<1x16xi32> to vector<16xi32>
        %swap3A_199 = vector.shape_cast %select_n3A_194 : vector<16xi32> to vector<1x16xi32>
        tpu.vector_store %arg6[%swap3A_195, %swap3A_196], %swap3A_199 {strides = array<i32>} : memref<32x128xi32, #tpu.memory_space<vmem>>, vector<1x16xi32>,
        %get3A_200 = arith.index_cast %add3A_60 : i32 to index
        %get3A_201 = arith.constant 112 : index
        %get3A_202 = tpu.vector_load %arg6[%get3A_200, %get3A_201] {strides = array<i32>} : memref<32x128xi32, #tpu.memory_space<vmem>>, vector<1x16xi32>,
        %get3A_203 = vector.shape_cast %get3A_202 : vector<1x16xi32> to vector<16xi32>
        %sub3A_204 = vector.broadcast %mul3A_0 : i32 to vector<16xi32>
        %sub3A_205 = arith.subi %get3A_203, %sub3A_204 : vector<16xi32>
        %ge3A_206 = arith.constant 0 : i32
        %ge3A_207 = vector.broadcast %ge3A_206 : i32 to vector<16xi32>
        %ge3A_208 = arith.cmpi sge, %sub3A_205, %ge3A_207 : vector<16xi32>
        %lt3A_209 = arith.constant 10000 : i32
        %lt3A_210 = vector.broadcast %lt3A_209 : i32 to vector<16xi32>
        %lt3A_211 = arith.cmpi slt, %sub3A_205, %lt3A_210 : vector<16xi32>
        %and3A_212 = arith.andi %ge3A_208, %lt3A_211 : vector<16xi1>
        %jit3A_213 = arith.constant 10000 : i32
        %broadcast_in_dim3A_214 = vector.broadcast %jit3A_213 : i32 to vector<16xi32>
        %select_n3A_215 = arith.select %and3A_212, %sub3A_205, %broadcast_in_dim3A_214 : vector<16xi1>, vector<16xi32>
        %swap3A_216 = arith.index_cast %add3A_60 : i32 to index
        %swap3A_217 = arith.constant 112 : index
        %swap3A_218 = tpu.vector_load %arg6[%swap3A_216, %swap3A_217] {strides = array<i32>} : memref<32x128xi32, #tpu.memory_space<vmem>>, vector<1x16xi32>,
        %swap3A_219 = vector.shape_cast %swap3A_218 : vector<1x16xi32> to vector<16xi32>
        %swap3A_220 = vector.shape_cast %select_n3A_215 : vector<16xi32> to vector<1x16xi32>
        tpu.vector_store %arg6[%swap3A_216, %swap3A_217], %swap3A_220 {strides = array<i32>} : memref<32x128xi32, #tpu.memory_space<vmem>>, vector<1x16xi32>,
      }
      %scan3A_36 = arith.constant 32 : i32
      %mul3A_37 = arith.constant 32 : i32
      %mul3A_38 = arith.muli %add3A_29, %mul3A_37 : i32
      %mul3A_39 = arith.constant 128 : i32
      %mul3A_40 = arith.muli %mul3A_38, %mul3A_39 : i32
      %add3A_41 = arith.addi %mul3A_4, %mul3A_40 : i32
      %dma_start3A = arith.constant 0 : i32
      %dma_start3A_42 = tpu.memref_slice %arg2[%add3A_41, %dma_start3A] : memref<327680x128xf32, #tpu.memory_space<hbm>> -> memref<128x128xf32, #tpu.memory_space<hbm>>
      %dma_start3A_43 = arith.constant 0 : i32
      %dma_start3A_44 = tpu.memref_slice %arg2[%add3A_41, %dma_start3A_43] : memref<327680x128xf32, #tpu.memory_space<hbm>> -> memref<128x128xf32, #tpu.memory_space<hbm>>
      tpu.enqueue_dma source(%dma_start3A_44 : memref<128x128xf32, #tpu.memory_space<hbm>>) target(%arg7 : memref<128x128xf32, #tpu.memory_space<vmem>>) target_semaphore(%arg9 : memref<!tpu.dma_semaphore, #tpu.memory_space<semaphore_mem>>)
      %scan3A_45 = arith.constant 0 : i32
      %scan3A_46 = arith.constant 16 : i32
      %scan3A_47 = arith.addi %scan3A_45, %scan3A_46 : i32
      %scan3A_48 = arith.constant 1 : i32
      scf.for %scan3A_56 = %scan3A_45 to %scan3A_47 step %scan3A_48  : i32 {
        %mul3A_57 = arith.constant 1 : i32
        %mul3A_58 = arith.muli %scan3A_56, %mul3A_57 : i32
        %add3A_59 = arith.constant 0 : i32
        %add3A_60 = arith.addi %add3A_59, %mul3A_58 : i32
        %mul3A_61 = arith.constant 2 : i32
        %mul3A_62 = arith.muli %mul3A_61, %add3A_60 : i32
        %add3A_63 = arith.constant 1 : i32
        %add3A_64 = arith.addi %mul3A_62, %add3A_63 : i32
        %mul3A_65 = arith.constant 128 : i32
        %mul3A_66 = arith.muli %mul3A_62, %mul3A_65 : i32
        %add3A_67 = arith.addi %add3A_41, %mul3A_66 : i32
        %dma_wait3A_68 = arith.constant 0 : i32
        %dma_wait3A_69 = tpu.memref_slice %arg2[%add3A_67, %dma_wait3A_68] : memref<327680x128xf32, #tpu.memory_space<hbm>> -> memref<128x128xf32, #tpu.memory_space<hbm>>
        %dma_wait3A_70 = arith.constant 0 : i32
        %dma_wait3A_71 = tpu.memref_slice %arg2[%add3A_67, %dma_wait3A_70] : memref<327680x128xf32, #tpu.memory_space<hbm>> -> memref<128x128xf32, #tpu.memory_space<hbm>>
        tpu.wait_dma2 semaphore(%arg9 : memref<!tpu.dma_semaphore, #tpu.memory_space<semaphore_mem>>) src(%dma_wait3A_71 : memref<128x128xf32, #tpu.memory_space<hbm>>) dst(%arg7 : memref<128x128xf32, #tpu.memory_space<vmem>>)
        %ge3A = arith.constant 1 : i32
        %ge3A_72 = arith.cmpi sge, %add3A_60, %ge3A : i32
        %convert_element_type3A = arith.extui %ge3A_72 : i1 to i32
        %cond3A = arith.constant 0 : i32
        %cond3A_73 = arith.cmpi ne, %convert_element_type3A, %cond3A : i32
        scf.if %cond3A_73 {
          %sub3A = arith.constant 2 : i32
          %sub3A_112 = arith.subi %add3A_64, %sub3A : i32
          %dma_wait3A_113 = arith.constant 0 : i32
          %dma_wait3A_114 = tpu.memref_slice %arg6[%sub3A_112, %dma_wait3A_113] : memref<32x128xi32, #tpu.memory_space<vmem>> -> memref<1x128xi32, #tpu.memory_space<vmem>>
          %dma_wait3A_115 = tpu.memref_squeeze %dma_wait3A_114 : memref<1x128xi32, #tpu.memory_space<vmem>> -> memref<128xi32, #tpu.memory_space<vmem>>
          %dma_wait3A_116 = arith.constant 0 : i32
          %dma_wait3A_117 = arith.constant 0 : i32
          %dma_wait3A_118 = tpu.memref_slice %arg5[%dma_wait3A_116, %dma_wait3A_117] : memref<10008x128xf32, #tpu.memory_space<vmem_shared>> -> memref<10008x128xf32, #tpu.memory_space<vmem_shared>>
          tpu.wait_indirect_dma semaphore(%arg12 : memref<!tpu.dma_semaphore, #tpu.memory_space<semaphore_mem>>) src(%arg8 : memref<128x128xf32, #tpu.memory_space<vmem>>) dst(%dma_wait3A_118 : memref<10008x128xf32, #tpu.memory_space<vmem_shared>>)
        } else {
        }
        %mul3A_74 = arith.constant 128 : i32
        %mul3A_75 = arith.muli %add3A_64, %mul3A_74 : i32
        %add3A_76 = arith.addi %add3A_41, %mul3A_75 : i32
        %dma_start3A_77 = arith.constant 0 : i32
        %dma_start3A_78 = tpu.memref_slice %arg2[%add3A_76, %dma_start3A_77] : memref<327680x128xf32, #tpu.memory_space<hbm>> -> memref<128x128xf32, #tpu.memory_space<hbm>>
        %dma_start3A_79 = arith.constant 0 : i32
        %dma_start3A_80 = tpu.memref_slice %arg2[%add3A_76, %dma_start3A_79] : memref<327680x128xf32, #tpu.memory_space<hbm>> -> memref<128x128xf32, #tpu.memory_space<hbm>>
        tpu.enqueue_dma source(%dma_start3A_80 : memref<128x128xf32, #tpu.memory_space<hbm>>) target(%arg8 : memref<128x128xf32, #tpu.memory_space<vmem>>) target_semaphore(%arg10 : memref<!tpu.dma_semaphore, #tpu.memory_space<semaphore_mem>>)
        %dma_start3A_81 = arith.constant 0 : i32
        %dma_start3A_82 = tpu.memref_slice %arg6[%mul3A_62, %dma_start3A_81] : memref<32x128xi32, #tpu.memory_space<vmem>> -> memref<1x128xi32, #tpu.memory_space<vmem>>
        %dma_start3A_83 = tpu.memref_squeeze %dma_start3A_82 : memref<1x128xi32, #tpu.memory_space<vmem>> -> memref<128xi32, #tpu.memory_space<vmem>>
        %dma_start3A_84 = arith.constant 0 : i32
        %dma_start3A_85 = arith.constant 0 : i32
        %dma_start3A_86 = tpu.memref_slice %arg5[%dma_start3A_84, %dma_start3A_85] : memref<10008x128xf32, #tpu.memory_space<vmem_shared>> -> memref<10008x128xf32, #tpu.memory_space<vmem_shared>>
        tpu.enqueue_indirect_dma source(%arg7 : memref<128x128xf32, #tpu.memory_space<vmem>>) target(%dma_start3A_86 : memref<10008x128xf32, #tpu.memory_space<vmem_shared>>) offsets(%dma_start3A_83 : memref<128xi32, #tpu.memory_space<vmem>>) semaphore(%arg11 : memref<!tpu.dma_semaphore, #tpu.memory_space<semaphore_mem>>) {add = true}
        %mul3A_87 = arith.constant 128 : i32
        %mul3A_88 = arith.muli %add3A_64, %mul3A_87 : i32
        %add3A_89 = arith.addi %add3A_41, %mul3A_88 : i32
        %dma_wait3A_90 = arith.constant 0 : i32
        %dma_wait3A_91 = tpu.memref_slice %arg2[%add3A_89, %dma_wait3A_90] : memref<327680x128xf32, #tpu.memory_space<hbm>> -> memref<128x128xf32, #tpu.memory_space<hbm>>
        %dma_wait3A_92 = arith.constant 0 : i32
        %dma_wait3A_93 = tpu.memref_slice %arg2[%add3A_89, %dma_wait3A_92] : memref<327680x128xf32, #tpu.memory_space<hbm>> -> memref<128x128xf32, #tpu.memory_space<hbm>>
        tpu.wait_dma2 semaphore(%arg10 : memref<!tpu.dma_semaphore, #tpu.memory_space<semaphore_mem>>) src(%dma_wait3A_93 : memref<128x128xf32, #tpu.memory_space<hbm>>) dst(%arg8 : memref<128x128xf32, #tpu.memory_space<vmem>>)
        %dma_wait3A_94 = arith.constant 0 : i32
        %dma_wait3A_95 = tpu.memref_slice %arg6[%mul3A_62, %dma_wait3A_94] : memref<32x128xi32, #tpu.memory_space<vmem>> -> memref<1x128xi32, #tpu.memory_space<vmem>>
        %dma_wait3A_96 = tpu.memref_squeeze %dma_wait3A_95 : memref<1x128xi32, #tpu.memory_space<vmem>> -> memref<128xi32, #tpu.memory_space<vmem>>
        %dma_wait3A_97 = arith.constant 0 : i32
        %dma_wait3A_98 = arith.constant 0 : i32
        %dma_wait3A_99 = tpu.memref_slice %arg5[%dma_wait3A_97, %dma_wait3A_98] : memref<10008x128xf32, #tpu.memory_space<vmem_shared>> -> memref<10008x128xf32, #tpu.memory_space<vmem_shared>>
        tpu.wait_indirect_dma semaphore(%arg11 : memref<!tpu.dma_semaphore, #tpu.memory_space<semaphore_mem>>) src(%arg7 : memref<128x128xf32, #tpu.memory_space<vmem>>) dst(%dma_wait3A_99 : memref<10008x128xf32, #tpu.memory_space<vmem_shared>>)
        %add3A_100 = arith.constant 1 : i32
        %add3A_101 = arith.addi %add3A_60, %add3A_100 : i32
        %lt3A = arith.constant 16 : i32
        %lt3A_102 = arith.cmpi slt, %add3A_101, %lt3A : i32
        %convert_element_type3A_103 = arith.extui %lt3A_102 : i1 to i32
        %cond3A_104 = arith.constant 0 : i32
        %cond3A_105 = arith.cmpi ne, %convert_element_type3A_103, %cond3A_104 : i32
        scf.if %cond3A_105 {
          %add3A_112 = arith.constant 2 : i32
          %add3A_113 = arith.addi %mul3A_62, %add3A_112 : i32
          %mul3A_114 = arith.constant 128 : i32
          %mul3A_115 = arith.muli %add3A_113, %mul3A_114 : i32
          %add3A_116 = arith.addi %add3A_41, %mul3A_115 : i32
          %dma_start3A_117 = arith.constant 0 : i32
          %dma_start3A_118 = tpu.memref_slice %arg2[%add3A_116, %dma_start3A_117] : memref<327680x128xf32, #tpu.memory_space<hbm>> -> memref<128x128xf32, #tpu.memory_space<hbm>>
          %dma_start3A_119 = arith.constant 0 : i32
          %dma_start3A_120 = tpu.memref_slice %arg2[%add3A_116, %dma_start3A_119] : memref<327680x128xf32, #tpu.memory_space<hbm>> -> memref<128x128xf32, #tpu.memory_space<hbm>>
          tpu.enqueue_dma source(%dma_start3A_120 : memref<128x128xf32, #tpu.memory_space<hbm>>) target(%arg7 : memref<128x128xf32, #tpu.memory_space<vmem>>) target_semaphore(%arg9 : memref<!tpu.dma_semaphore, #tpu.memory_space<semaphore_mem>>)
        } else {
        }
        %dma_start3A_106 = arith.constant 0 : i32
        %dma_start3A_107 = tpu.memref_slice %arg6[%add3A_64, %dma_start3A_106] : memref<32x128xi32, #tpu.memory_space<vmem>> -> memref<1x128xi32, #tpu.memory_space<vmem>>
        %dma_start3A_108 = tpu.memref_squeeze %dma_start3A_107 : memref<1x128xi32, #tpu.memory_space<vmem>> -> memref<128xi32, #tpu.memory_space<vmem>>
        %dma_start3A_109 = arith.constant 0 : i32
        %dma_start3A_110 = arith.constant 0 : i32
        %dma_start3A_111 = tpu.memref_slice %arg5[%dma_start3A_109, %dma_start3A_110] : memref<10008x128xf32, #tpu.memory_space<vmem_shared>> -> memref<10008x128xf32, #tpu.memory_space<vmem_shared>>
        tpu.enqueue_indirect_dma source(%arg8 : memref<128x128xf32, #tpu.memory_space<vmem>>) target(%dma_start3A_111 : memref<10008x128xf32, #tpu.memory_space<vmem_shared>>) offsets(%dma_start3A_108 : memref<128xi32, #tpu.memory_space<vmem>>) semaphore(%arg12 : memref<!tpu.dma_semaphore, #tpu.memory_space<semaphore_mem>>) {add = true}
      }
      %scan3A_49 = arith.constant 16 : i32
      %dma_wait3A = arith.constant 31 : i32
      %dma_wait3A_50 = arith.constant 0 : i32
      %dma_wait3A_51 = tpu.memref_slice %arg6[%dma_wait3A, %dma_wait3A_50] : memref<32x128xi32, #tpu.memory_space<vmem>> -> memref<1x128xi32, #tpu.memory_space<vmem>>
      %dma_wait3A_52 = tpu.memref_squeeze %dma_wait3A_51 : memref<1x128xi32, #tpu.memory_space<vmem>> -> memref<128xi32, #tpu.memory_space<vmem>>
      %dma_wait3A_53 = arith.constant 0 : i32
      %dma_wait3A_54 = arith.constant 0 : i32
      %dma_wait3A_55 = tpu.memref_slice %arg5[%dma_wait3A_53, %dma_wait3A_54] : memref<10008x128xf32, #tpu.memory_space<vmem_shared>> -> memref<10008x128xf32, #tpu.memory_space<vmem_shared>>
      tpu.wait_indirect_dma semaphore(%arg12 : memref<!tpu.dma_semaphore, #tpu.memory_space<semaphore_mem>>) src(%arg8 : memref<128x128xf32, #tpu.memory_space<vmem>>) dst(%dma_wait3A_55 : memref<10008x128xf32, #tpu.memory_space<vmem_shared>>)
    }
    %scan3A_19 = arith.constant 5 : i32
    %barrier3A_20 = arith.constant 0 : index
    tpu.barrier barrier_id(%barrier3A_20)
    %scan3A_21 = arith.constant 0 : i32
    %scan3A_22 = arith.constant 8 : i32
    %scan3A_23 = arith.addi %scan3A_21, %scan3A_22 : i32
    %scan3A_24 = arith.constant 1 : i32
    scf.for %scan3A_26 = %scan3A_21 to %scan3A_23 step %scan3A_24  : i32 {
      %mul3A_27 = arith.constant 1 : i32
      %mul3A_28 = arith.muli %scan3A_26, %mul3A_27 : i32
      %add3A = arith.constant 0 : i32
      %add3A_29 = arith.addi %add3A, %mul3A_28 : i32
      %mul3A_30 = arith.constant 16 : i32
      %mul3A_31 = arith.muli %add3A_29, %mul3A_30 : i32
      %add3A_32 = arith.addi %arg1, %mul3A_31 : i32
      %lt3A = arith.constant 125 : i32
      %lt3A_33 = arith.cmpi slt, %add3A_32, %lt3A : i32
      %convert_element_type3A = arith.extui %lt3A_33 : i1 to i32
      %cond3A = arith.constant 0 : i32
      %cond3A_34 = arith.cmpi ne, %convert_element_type3A, %cond3A : i32
      scf.if %cond3A_34 {
        %mul3A_35 = arith.constant 80 : i32
        %mul3A_36 = arith.muli %add3A_32, %mul3A_35 : i32
        "tpu.region"() ({
          %run_scoped3A = tpu.sem_alloc : memref<!tpu.dma_semaphore, #tpu.memory_space<semaphore_mem>>
          %dma_start3A = arith.constant 0 : i32
          %dma_start3A_40 = arith.constant 0 : i32
          %dma_start3A_41 = tpu.memref_slice %arg7[%dma_start3A, %dma_start3A_40] : memref<128x128xf32, #tpu.memory_space<vmem>> -> memref<80x128xf32, #tpu.memory_space<vmem>>
          %dma_start3A_42 = arith.constant 0 : i32
          %dma_start3A_43 = tpu.memref_slice %arg5[%mul3A_36, %dma_start3A_42] : memref<10008x128xf32, #tpu.memory_space<vmem_shared>> -> memref<80x128xf32, #tpu.memory_space<vmem_shared>>
          %dma_start3A_44 = arith.constant 0 : i32
          %dma_start3A_45 = arith.constant 0 : i32
          %dma_start3A_46 = tpu.memref_slice %arg7[%dma_start3A_44, %dma_start3A_45] : memref<128x128xf32, #tpu.memory_space<vmem>> -> memref<80x128xf32, #tpu.memory_space<vmem>>
          %dma_start3A_47 = arith.constant 0 : i32
          %dma_start3A_48 = tpu.memref_slice %arg5[%mul3A_36, %dma_start3A_47] : memref<10008x128xf32, #tpu.memory_space<vmem_shared>> -> memref<80x128xf32, #tpu.memory_space<vmem_shared>>
          tpu.enqueue_dma source(%dma_start3A_48 : memref<80x128xf32, #tpu.memory_space<vmem_shared>>) target(%dma_start3A_46 : memref<80x128xf32, #tpu.memory_space<vmem>>) target_semaphore(%run_scoped3A : memref<!tpu.dma_semaphore, #tpu.memory_space<semaphore_mem>>)
          %dma_wait3A = arith.constant 0 : i32
          %dma_wait3A_49 = arith.constant 0 : i32
          %dma_wait3A_50 = tpu.memref_slice %arg7[%dma_wait3A, %dma_wait3A_49] : memref<128x128xf32, #tpu.memory_space<vmem>> -> memref<80x128xf32, #tpu.memory_space<vmem>>
          %dma_wait3A_51 = arith.constant 0 : i32
          %dma_wait3A_52 = tpu.memref_slice %arg5[%mul3A_36, %dma_wait3A_51] : memref<10008x128xf32, #tpu.memory_space<vmem_shared>> -> memref<80x128xf32, #tpu.memory_space<vmem_shared>>
          %dma_wait3A_53 = arith.constant 0 : i32
          %dma_wait3A_54 = arith.constant 0 : i32
          %dma_wait3A_55 = tpu.memref_slice %arg7[%dma_wait3A_53, %dma_wait3A_54] : memref<128x128xf32, #tpu.memory_space<vmem>> -> memref<80x128xf32, #tpu.memory_space<vmem>>
          %dma_wait3A_56 = arith.constant 0 : i32
          %dma_wait3A_57 = tpu.memref_slice %arg5[%mul3A_36, %dma_wait3A_56] : memref<10008x128xf32, #tpu.memory_space<vmem_shared>> -> memref<80x128xf32, #tpu.memory_space<vmem_shared>>
          tpu.wait_dma2 semaphore(%run_scoped3A : memref<!tpu.dma_semaphore, #tpu.memory_space<semaphore_mem>>) src(%dma_wait3A_57 : memref<80x128xf32, #tpu.memory_space<vmem_shared>>) dst(%dma_wait3A_55 : memref<80x128xf32, #tpu.memory_space<vmem>>)
          tpu.yield
        }) : () -> ()
        %mul3A_37 = arith.constant 80 : i32
        %mul3A_38 = arith.muli %add3A_32, %mul3A_37 : i32
        %add3A_39 = arith.addi %mul3A_0, %mul3A_38 : i32
        "tpu.region"() ({
          %run_scoped3A = tpu.sem_alloc : memref<!tpu.dma_semaphore, #tpu.memory_space<semaphore_mem>>
          %dma_start3A = arith.constant 0 : i32
          %dma_start3A_40 = arith.constant 0 : i32
          %dma_start3A_41 = tpu.memref_slice %arg7[%dma_start3A, %dma_start3A_40] : memref<128x128xf32, #tpu.memory_space<vmem>> -> memref<80x128xf32, #tpu.memory_space<vmem>>
          %dma_start3A_42 = arith.constant 0 : i32
          %dma_start3A_43 = tpu.memref_slice %arg4[%add3A_39, %dma_start3A_42] : memref<20000x128xf32, #tpu.memory_space<hbm>> -> memref<80x128xf32, #tpu.memory_space<hbm>>
          %dma_start3A_44 = arith.constant 0 : i32
          %dma_start3A_45 = tpu.memref_slice %arg4[%add3A_39, %dma_start3A_44] : memref<20000x128xf32, #tpu.memory_space<hbm>> -> memref<80x128xf32, #tpu.memory_space<hbm>>
          %dma_start3A_46 = arith.constant 0 : i32
          %dma_start3A_47 = arith.constant 0 : i32
          %dma_start3A_48 = tpu.memref_slice %arg7[%dma_start3A_46, %dma_start3A_47] : memref<128x128xf32, #tpu.memory_space<vmem>> -> memref<80x128xf32, #tpu.memory_space<vmem>>
          tpu.enqueue_dma source(%dma_start3A_48 : memref<80x128xf32, #tpu.memory_space<vmem>>) target(%dma_start3A_45 : memref<80x128xf32, #tpu.memory_space<hbm>>) target_semaphore(%run_scoped3A : memref<!tpu.dma_semaphore, #tpu.memory_space<semaphore_mem>>)
          %dma_wait3A = arith.constant 0 : i32
          %dma_wait3A_49 = arith.constant 0 : i32
          %dma_wait3A_50 = tpu.memref_slice %arg7[%dma_wait3A, %dma_wait3A_49] : memref<128x128xf32, #tpu.memory_space<vmem>> -> memref<80x128xf32, #tpu.memory_space<vmem>>
          %dma_wait3A_51 = arith.constant 0 : i32
          %dma_wait3A_52 = tpu.memref_slice %arg4[%add3A_39, %dma_wait3A_51] : memref<20000x128xf32, #tpu.memory_space<hbm>> -> memref<80x128xf32, #tpu.memory_space<hbm>>
          %dma_wait3A_53 = arith.constant 0 : i32
          %dma_wait3A_54 = tpu.memref_slice %arg4[%add3A_39, %dma_wait3A_53] : memref<20000x128xf32, #tpu.memory_space<hbm>> -> memref<80x128xf32, #tpu.memory_space<hbm>>
          %dma_wait3A_55 = arith.constant 0 : i32
          %dma_wait3A_56 = arith.constant 0 : i32
          %dma_wait3A_57 = tpu.memref_slice %arg7[%dma_wait3A_55, %dma_wait3A_56] : memref<128x128xf32, #tpu.memory_space<vmem>> -> memref<80x128xf32, #tpu.memory_space<vmem>>
          tpu.wait_dma2 semaphore(%run_scoped3A : memref<!tpu.dma_semaphore, #tpu.memory_space<semaphore_mem>>) src(%dma_wait3A_57 : memref<80x128xf32, #tpu.memory_space<vmem>>) dst(%dma_wait3A_54 : memref<80x128xf32, #tpu.memory_space<hbm>>)
          tpu.yield
        }) : () -> ()
      } else {
      }
    }
    %scan3A_25 = arith.constant 8 : i32
    return
  }
}

module attributes {stable_mosaic.version = 14 : i64} {
  func.func @_conv_relu_body(%arg0: i32, %arg1: memref<2000x128xf32, #tpu.memory_space<vmem>>, %arg2: memref<2000x128xf32, #tpu.memory_space<vmem>>, %arg3: memref<128x128xf32, #tpu.memory_space<vmem>>, %arg4: memref<1x128xf32, #tpu.memory_space<vmem>>, %arg5: memref<128x128xf32, #tpu.memory_space<vmem>>, %arg6: memref<2000x128xf32, #tpu.memory_space<vmem>>) attributes {dimension_semantics = [#tpu.dimension_semantics<arbitrary>], iteration_bounds = array<i64: 10>, scalar_prefetch = 0 : i64, scratch_operands = 0 : i64, tpu.core_type = #tpu.core_type<tc>, window_params = [{transform_indices = @transform_0, window_bounds = array<i64: 2000, 128>}, {transform_indices = @transform_1, window_bounds = array<i64: 2000, 128>}, {pipeline_mode = #tpu.pipeline_mode<synchronous>, transform_indices = @transform_2, window_bounds = array<i64: 128, 128>}, {pipeline_mode = #tpu.pipeline_mode<synchronous>, transform_indices = @transform_3, window_bounds = array<i64: 1, 128>}, {pipeline_mode = #tpu.pipeline_mode<synchronous>, transform_indices = @transform_4, window_bounds = array<i64: 128, 128>}, {transform_indices = @transform_5, window_bounds = array<i64: 2000, 128>}]} {
    %get3A = arith.constant 0 : index
    %get3A_0 = arith.constant 0 : index
    %get3A_1 = vector.load %arg1[%get3A, %get3A_0] : memref<2000x128xf32, #tpu.memory_space<vmem>>, vector<2000x128xf32>
    %get3A_2 = arith.constant 0 : index
    %get3A_3 = arith.constant 0 : index
    %get3A_4 = vector.load %arg3[%get3A_2, %get3A_3] : memref<128x128xf32, #tpu.memory_space<vmem>>, vector<128x128xf32>
    %dot_general3A = arith.constant dense<0.000000e+00> : vector<2000x128xf32>
    %dot_general3A_5 = tpu.matmul %get3A_1, %get3A_4, %dot_general3A {dimension_numbers = #tpu.dot_dimension_numbers<[1], [0], [0], [1], [0, 0, 1, 1], [], []>, transpose_lhs_hint = false} : vector<2000x128xf32>, vector<128x128xf32>, vector<2000x128xf32> -> vector<2000x128xf32>
    %get3A_6 = arith.constant 0 : index
    %get3A_7 = arith.constant 0 : index
    %get3A_8 = vector.load %arg2[%get3A_6, %get3A_7] : memref<2000x128xf32, #tpu.memory_space<vmem>>, vector<2000x128xf32>
    %get3A_9 = arith.constant 0 : index
    %get3A_10 = arith.constant 0 : index
    %get3A_11 = vector.load %arg5[%get3A_9, %get3A_10] : memref<128x128xf32, #tpu.memory_space<vmem>>, vector<128x128xf32>
    %dot_general3A_12 = arith.constant dense<0.000000e+00> : vector<2000x128xf32>
    %dot_general3A_13 = tpu.matmul %get3A_8, %get3A_11, %dot_general3A_12 {dimension_numbers = #tpu.dot_dimension_numbers<[1], [0], [0], [1], [0, 0, 1, 1], [], []>, transpose_lhs_hint = false} : vector<2000x128xf32>, vector<128x128xf32>, vector<2000x128xf32> -> vector<2000x128xf32>
    %add3A = arith.addf %dot_general3A_5, %dot_general3A_13 : vector<2000x128xf32>
    %get3A_14 = arith.constant 0 : index
    %get3A_15 = arith.constant 0 : index
    %get3A_16 = vector.load %arg4[%get3A_14, %get3A_15] : memref<1x128xf32, #tpu.memory_space<vmem>>, vector<1x128xf32>
    %add3A_17 = vector.broadcast %get3A_16 : vector<1x128xf32> to vector<2000x128xf32>
    %add3A_18 = arith.addf %add3A, %add3A_17 : vector<2000x128xf32>
    %max3A = arith.constant 0.000000e+00 : f32
    %max3A_19 = vector.broadcast %max3A : f32 to vector<2000x128xf32>
    %max3A_20 = arith.maximumf %add3A_18, %max3A_19 : vector<2000x128xf32>
    %swap3A = arith.constant 0 : index
    %swap3A_21 = arith.constant 0 : index
    %swap3A_22 = vector.load %arg6[%swap3A, %swap3A_21] : memref<2000x128xf32, #tpu.memory_space<vmem>>, vector<2000x128xf32>
    tpu.vector_store %arg6[%swap3A, %swap3A_21], %max3A_20 {strides = array<i32>} : memref<2000x128xf32, #tpu.memory_space<vmem>>, vector<2000x128xf32>,
    return
  }
  func.func @transform_0(%arg0: i32) -> (i32, i32) {
    %c0_i32 = arith.constant 0 : i32
    %c0_i32_0 = arith.constant 0 : i32
    return %arg0, %c0_i32 : i32, i32
  }
  func.func @transform_1(%arg0: i32) -> (i32, i32) {
    %c0_i32 = arith.constant 0 : i32
    %c0_i32_0 = arith.constant 0 : i32
    return %arg0, %c0_i32 : i32, i32
  }
  func.func @transform_2(%arg0: i32) -> (i32, i32) {
    %c0_i32 = arith.constant 0 : i32
    %c0_i32_0 = arith.constant 0 : i32
    %c0_i32_1 = arith.constant 0 : i32
    return %c0_i32, %c0_i32_0 : i32, i32
  }
  func.func @transform_3(%arg0: i32) -> (i32, i32) {
    %c0_i32 = arith.constant 0 : i32
    %c0_i32_0 = arith.constant 0 : i32
    %c0_i32_1 = arith.constant 0 : i32
    return %c0_i32, %c0_i32_0 : i32, i32
  }
  func.func @transform_4(%arg0: i32) -> (i32, i32) {
    %c0_i32 = arith.constant 0 : i32
    %c0_i32_0 = arith.constant 0 : i32
    %c0_i32_1 = arith.constant 0 : i32
    return %c0_i32, %c0_i32_0 : i32, i32
  }
  func.func @transform_5(%arg0: i32) -> (i32, i32) {
    %c0_i32 = arith.constant 0 : i32
    %c0_i32_0 = arith.constant 0 : i32
    return %arg0, %c0_i32 : i32, i32
  }
}

module attributes {stable_mosaic.version = 14 : i64} {
  func.func @_conv_loss_body(%arg0: i32, %arg1: memref<2000x128xf32, #tpu.memory_space<vmem>>, %arg2: memref<2000x128xf32, #tpu.memory_space<vmem>>, %arg3: memref<128x128xf32, #tpu.memory_space<vmem>>, %arg4: memref<1x128xf32, #tpu.memory_space<vmem>>, %arg5: memref<128x128xf32, #tpu.memory_space<vmem>>, %arg6: memref<1x1x2000xi32, #tpu.memory_space<vmem>>, %arg7: memref<1x1xf32, #tpu.memory_space<vmem>>) attributes {dimension_semantics = [#tpu.dimension_semantics<arbitrary>], iteration_bounds = array<i64: 10>, scalar_prefetch = 0 : i64, scratch_operands = 0 : i64, tpu.core_type = #tpu.core_type<tc>, window_params = [{transform_indices = @transform_0, window_bounds = array<i64: 2000, 128>}, {transform_indices = @transform_1, window_bounds = array<i64: 2000, 128>}, {pipeline_mode = #tpu.pipeline_mode<synchronous>, transform_indices = @transform_2, window_bounds = array<i64: 128, 128>}, {pipeline_mode = #tpu.pipeline_mode<synchronous>, transform_indices = @transform_3, window_bounds = array<i64: 1, 128>}, {pipeline_mode = #tpu.pipeline_mode<synchronous>, transform_indices = @transform_4, window_bounds = array<i64: 128, 128>}, {transform_indices = @transform_5, window_bounds = array<i64: 1, 1, 2000>}, {pipeline_mode = #tpu.pipeline_mode<synchronous>, transform_indices = @transform_6, window_bounds = array<i64: 1, 1>}]} {
    %get3A = arith.constant 0 : index
    %get3A_0 = arith.constant 0 : index
    %get3A_1 = vector.load %arg1[%get3A, %get3A_0] : memref<2000x128xf32, #tpu.memory_space<vmem>>, vector<2000x128xf32>
    %get3A_2 = arith.constant 0 : index
    %get3A_3 = arith.constant 0 : index
    %get3A_4 = vector.load %arg3[%get3A_2, %get3A_3] : memref<128x128xf32, #tpu.memory_space<vmem>>, vector<128x128xf32>
    %dot_general3A = arith.constant dense<0.000000e+00> : vector<2000x128xf32>
    %dot_general3A_5 = tpu.matmul %get3A_1, %get3A_4, %dot_general3A {dimension_numbers = #tpu.dot_dimension_numbers<[1], [0], [0], [1], [0, 0, 1, 1], [], []>, transpose_lhs_hint = false} : vector<2000x128xf32>, vector<128x128xf32>, vector<2000x128xf32> -> vector<2000x128xf32>
    %get3A_6 = arith.constant 0 : index
    %get3A_7 = arith.constant 0 : index
    %get3A_8 = vector.load %arg2[%get3A_6, %get3A_7] : memref<2000x128xf32, #tpu.memory_space<vmem>>, vector<2000x128xf32>
    %get3A_9 = arith.constant 0 : index
    %get3A_10 = arith.constant 0 : index
    %get3A_11 = vector.load %arg5[%get3A_9, %get3A_10] : memref<128x128xf32, #tpu.memory_space<vmem>>, vector<128x128xf32>
    %dot_general3A_12 = arith.constant dense<0.000000e+00> : vector<2000x128xf32>
    %dot_general3A_13 = tpu.matmul %get3A_8, %get3A_11, %dot_general3A_12 {dimension_numbers = #tpu.dot_dimension_numbers<[1], [0], [0], [1], [0, 0, 1, 1], [], []>, transpose_lhs_hint = false} : vector<2000x128xf32>, vector<128x128xf32>, vector<2000x128xf32> -> vector<2000x128xf32>
    %add3A = arith.addf %dot_general3A_5, %dot_general3A_13 : vector<2000x128xf32>
    %get3A_14 = arith.constant 0 : index
    %get3A_15 = arith.constant 0 : index
    %get3A_16 = vector.load %arg4[%get3A_14, %get3A_15] : memref<1x128xf32, #tpu.memory_space<vmem>>, vector<1x128xf32>
    %add3A_17 = vector.broadcast %get3A_16 : vector<1x128xf32> to vector<2000x128xf32>
    %add3A_18 = arith.addf %add3A, %add3A_17 : vector<2000x128xf32>
    %reduce_max3A = arith.constant dense<0xFF800000> : vector<2000xf32>
    %reduce_max3A_19 = vector.multi_reduction <maximumf>, %add3A_18, %reduce_max3A [1] : vector<2000x128xf32> to vector<2000xf32>
    %broadcast_in_dim3A = vector.shape_cast %reduce_max3A_19 : vector<2000xf32> to vector<2000x1xf32>
    %squeeze3A = vector.shape_cast %broadcast_in_dim3A : vector<2000x1xf32> to vector<2000xf32>
    %sub3A = vector.broadcast %broadcast_in_dim3A : vector<2000x1xf32> to vector<2000x128xf32>
    %sub3A_20 = arith.subf %add3A_18, %sub3A : vector<2000x128xf32>
    %exp3A = math.exp %sub3A_20 : vector<2000x128xf32>
    %reduce_sum3A = arith.constant dense<0.000000e+00> : vector<2000xf32>
    %reduce_sum3A_21 = vector.multi_reduction <add>, %exp3A, %reduce_sum3A [1] : vector<2000x128xf32> to vector<2000xf32>
    %log3A = math.log %reduce_sum3A_21 : vector<2000xf32>
    %add3A_22 = arith.addf %squeeze3A, %log3A : vector<2000xf32>
    %get3A_23 = arith.constant 0 : index
    %get3A_24 = arith.constant 0 : index
    %get3A_25 = arith.constant 0 : index
    %get3A_26 = vector.load %arg6[%get3A_23, %get3A_24, %get3A_25] : memref<1x1x2000xi32, #tpu.memory_space<vmem>>, vector<1x1x2000xi32>
    %get3A_27 = vector.shape_cast %get3A_26 : vector<1x1x2000xi32> to vector<2000xi32>
    %iota3A = tpu.iota {dimensions = array<i32: 1>} : vector<2000x128xi32>
    %broadcast_in_dim3A_28 = vector.shape_cast %get3A_27 : vector<2000xi32> to vector<2000x1xi32>
    %eq3A = vector.broadcast %broadcast_in_dim3A_28 : vector<2000x1xi32> to vector<2000x128xi32>
    %eq3A_29 = arith.cmpi eq, %iota3A, %eq3A : vector<2000x128xi32>
    %jit3A = arith.constant 0.000000e+00 : f32
    %broadcast_in_dim3A_30 = vector.broadcast %jit3A : f32 to vector<2000x128xf32>
    %select_n3A = arith.select %eq3A_29, %add3A_18, %broadcast_in_dim3A_30 : vector<2000x128xi1>, vector<2000x128xf32>
    %reduce_sum3A_31 = arith.constant dense<0.000000e+00> : vector<2000xf32>
    %reduce_sum3A_32 = vector.multi_reduction <add>, %select_n3A, %reduce_sum3A_31 [1] : vector<2000x128xf32> to vector<2000xf32>
    %sub3A_33 = arith.subf %add3A_22, %reduce_sum3A_32 : vector<2000xf32>
    %reduce_sum3A_34 = vector.shape_cast %sub3A_33 : vector<2000xf32> to vector<1x2000xf32>
    %reduce_sum3A_35 = arith.constant dense<0.000000e+00> : vector<1xf32>
    %reduce_sum3A_36 = vector.multi_reduction <add>, %reduce_sum3A_34, %reduce_sum3A_35 [1] : vector<1x2000xf32> to vector<1xf32>
    %reduce_sum3A_37 = vector.shape_cast %reduce_sum3A_36 : vector<1xf32> to vector<1x1xf32>
    %reduce_sum3A_38 = vector.extract %reduce_sum3A_37[0, 0] : f32 from vector<1x1xf32>
    %eq3A_39 = arith.constant 0 : i32
    %eq3A_40 = arith.cmpi eq, %arg0, %eq3A_39 : i32
    %convert_element_type3A = arith.extui %eq3A_40 : i1 to i32
    %cond3A = arith.constant 0 : i32
    %cond3A_41 = arith.cmpi ne, %convert_element_type3A, %cond3A : i32
    scf.if %cond3A_41 {
      %broadcast_in_dim3A_50 = arith.constant 0.000000e+00 : f32
      %broadcast_in_dim3A_51 = vector.broadcast %broadcast_in_dim3A_50 : f32 to vector<1x1xf32>
      %swap3A_52 = arith.constant 0 : index
      %swap3A_53 = arith.constant 0 : index
      %swap3A_54 = vector.load %arg7[%swap3A_52, %swap3A_53] : memref<1x1xf32, #tpu.memory_space<vmem>>, vector<1x1xf32>
      tpu.vector_store %arg7[%swap3A_52, %swap3A_53], %broadcast_in_dim3A_51 {strides = array<i32>} : memref<1x1xf32, #tpu.memory_space<vmem>>, vector<1x1xf32>,
    } else {
    }
    %get3A_42 = arith.constant 0 : index
    %get3A_43 = arith.constant 0 : index
    %get3A_44 = vector.load %arg7[%get3A_42, %get3A_43] : memref<1x1xf32, #tpu.memory_space<vmem>>, vector<1x1xf32>
    %mul3A = arith.constant 5.000000e-05 : f32
    %mul3A_45 = arith.mulf %reduce_sum3A_38, %mul3A : f32
    %broadcast_in_dim3A_46 = vector.broadcast %mul3A_45 : f32 to vector<1x1xf32>
    %add3A_47 = arith.addf %get3A_44, %broadcast_in_dim3A_46 : vector<1x1xf32>
    %swap3A = arith.constant 0 : index
    %swap3A_48 = arith.constant 0 : index
    %swap3A_49 = vector.load %arg7[%swap3A, %swap3A_48] : memref<1x1xf32, #tpu.memory_space<vmem>>, vector<1x1xf32>
    tpu.vector_store %arg7[%swap3A, %swap3A_48], %add3A_47 {strides = array<i32>} : memref<1x1xf32, #tpu.memory_space<vmem>>, vector<1x1xf32>,
    return
  }
  func.func @transform_0(%arg0: i32) -> (i32, i32) {
    %c0_i32 = arith.constant 0 : i32
    %c0_i32_0 = arith.constant 0 : i32
    return %arg0, %c0_i32 : i32, i32
  }
  func.func @transform_1(%arg0: i32) -> (i32, i32) {
    %c0_i32 = arith.constant 0 : i32
    %c0_i32_0 = arith.constant 0 : i32
    return %arg0, %c0_i32 : i32, i32
  }
  func.func @transform_2(%arg0: i32) -> (i32, i32) {
    %c0_i32 = arith.constant 0 : i32
    %c0_i32_0 = arith.constant 0 : i32
    %c0_i32_1 = arith.constant 0 : i32
    return %c0_i32, %c0_i32_0 : i32, i32
  }
  func.func @transform_3(%arg0: i32) -> (i32, i32) {
    %c0_i32 = arith.constant 0 : i32
    %c0_i32_0 = arith.constant 0 : i32
    %c0_i32_1 = arith.constant 0 : i32
    return %c0_i32, %c0_i32_0 : i32, i32
  }
  func.func @transform_4(%arg0: i32) -> (i32, i32) {
    %c0_i32 = arith.constant 0 : i32
    %c0_i32_0 = arith.constant 0 : i32
    %c0_i32_1 = arith.constant 0 : i32
    return %c0_i32, %c0_i32_0 : i32, i32
  }
  func.func @transform_5(%arg0: i32) -> (i32, i32, i32) {
    %c0_i32 = arith.constant 0 : i32
    %c0_i32_0 = arith.constant 0 : i32
    %c0_i32_1 = arith.constant 0 : i32
    return %arg0, %c0_i32, %c0_i32_0 : i32, i32, i32
  }
  func.func @transform_6(%arg0: i32) -> (i32, i32) {
    %c0_i32 = arith.constant 0 : i32
    %c0_i32_0 = arith.constant 0 : i32
    %c0_i32_1 = arith.constant 0 : i32
    return %c0_i32, %c0_i32_0 : i32, i32
  }
}

</mosaic_0001>

<sc_bundles>
// kernel: kernel.11.cloned.1.call-start
scs
__scs_entry_jumppad:
0x0: {  	(pc) =	sbr.rel $0x88, $3  }
0x1: {  	(tag) =	ssettag $0x0;
	lr =	simm.s32 $0x1  }
0x2: {  	[smem:$0x3F93] =	sst lr;
	_ =	strace $0xD0000000  }
0x3: {  	_ = 	snop  }
0x4: {  	_ = 	snop  }
0x5: {  	_ = 	snop  }
0x6: {  	_ = 	snop  }
0x7: {  	_ = 	snop  }
__scs_overlays_trampoline_lowered:
0x8: {  	[smem:$0x3FA2] =	sst s0  }
0x9: {  	[smem:$0x3FA3] =	sst s1  }
0xa: {  	[smem:$0x3FA4] =	sst s2  }
0xb: {  	[smem:$0x3FA5] =	sst s3  }
0xc: {  	[smem:$0x3FA6] =	sst s4  }
0xd: {  	[smem:$0x3FA7] =	sst s5  }
0xe: {  	[smem:$0x3FA8] =	sst s6  }
0xf: {  	[smem:$0x3FA9] =	sst s7  }
0x10: {  	[smem:$0x3FAA] =	sst s8  }
0x11: {  	[smem:$0x3FAB] =	sst s9;
	s0 =	simm.s32 @!p0 $0x0  }
0x12: {  	s1 =	sld [smem:$0x3F91];
	s0 =	simm.s32 @p0 $0x1  }
0x13: {  	[smem:$0x3FAC] =	sst s0;
	s0 =	simm.s32 @!p1 $0x0  }
0x14: {  	s2 =	sld [smem:$0x3F90];
	s0 =	simm.s32 @p1 $0x1  }
0x15: {  	[smem:$0x3FAD] =	sst s0;
	s0 =	simm.s32 @!p2 $0x0  }
0x16: {  	s3 =	sld [smem:$0x3FDB];
	s0 =	simm.s32 @p2 $0x1  }
0x17: {  	s4 =	simm.s32 $0x1BF5;
	[smem:$0x3FAF] =	sst s0  }
0x18: {  	s0 =	sld [smem:$0x3F92];
	_ =	swait.ge [sflag:s4], $0x0  }
0x19: {  	s7 =	sld [smem:$0x3F93]  }
0x1a: {  	s8 =	sadd.s32 $0xFFFFE003, lr  }
0x1b: {  	s9 =	sadd.s32 $0xFFFFFEF7, lr;
	s5 =	simm.s32 $0xFFFFFFFF;
	p2 =	slt.u32 s8, $0xFFFFF086  }
0x1c: {  	p1 =	slt.u32 s9, $0xF7A;
	s5 =	simm.s32 @!p2 $0x0  }
0x1d: {  	s5 =	simm.s32 @p1 $0x1;
	p0 =	seq.s32 s7, s2  }
0x1e: {  	s7 =	smul.u32 @!p0 $0xF7A, s2;
	p2 =	seq.s32 @!p0 s5, $0x0  }
0x1f: {  	s9 =	smul.u32 $0xF7A, s1;
	s8 =	simm.s32 @!p0 $0x1BF5;
	p2 =	por !p2, p0  }
0x20: {  	[sflag:s8] =	ssyncset.s32 @!p0 $0xFFFFF086;
	s6 =	sadd.s32 @!p0 s3, s7;
	s7 =	simm.s32 @!p0 $0x108  }
0x21: {  	s3 =	sadd.s32 s3, s9;
	s6 =	sadd.s32 @!p0 $0x88, s6;
	s7 =	simm.s32 @p2 $0x1082  }
0x22: {  	[simem:s7], [sflag:s8] =	dma.local @!p0 [hbm:s6], $0xF7A  }
0x23: {  	s9 =	sor.u32 $0xD0000000, s2;
	s6 =	simm.s32 $0x108;
	_ =	swait.ge @!p0 [sflag:s8], $0x0  }
0x24: {  	s3 =	sadd.s32 $0x88, s3;
	s6 =	simm.s32 @!p1 $0x1082;
	[sflag:s4] =	ssyncset.s32 $0xFFFFF086  }
0x25: {  	[simem:s6], [sflag:s4] =	dma.local [hbm:s3], $0xF7A  }
0x26: {  	[smem:$0x3F93] =	sst s1;
	(tag) =	ssettag s2;
	_ =	strace s9  }
0x27: {  	s1 =	sld [smem:$0x3FA3]  }
0x28: {  	s2 =	sld [smem:$0x3FA4]  }
0x29: {  	s4 =	sld [smem:$0x3FA6]  }
0x2a: {  	p0 =	seq.s32 s5, $0x0;
	s5 =	sld [smem:$0x3FA7]  }
0x2b: {  	s6 =	sld [smem:$0x3FA8]  }
0x2c: {  	s7 =	sld [smem:$0x3FA9]  }
0x2d: {  	s3 =	simm.s32 $0x108;
	s8 =	sld [smem:$0x3FAA]  }
0x2e: {  	s3 =	simm.s32 @!p0 $0x1082;
	s9 =	sld [smem:$0x3FAB]  }
0x2f: {  	lr =	sadd.s32 s0, s3;
	s0 =	sld [smem:$0x3FA2]  }
0x30: {  	s3 =	sld [smem:$0x3FA5]  }
0x31: {  	[smem:$0x3FAE] =	sst s10  }
0x32: {  	s10 =	sld [smem:$0x3FAC];
	_ =	sdelay $0x3  }
0x33: {  	p0 =	seq.s32 s10, $0x1;
	s10 =	sld [smem:$0x3FAE];
	_ =	sdelay $0x3  }
0x34: {  	[smem:$0x3FAE] =	sst s10  }
0x35: {  	s10 =	sld [smem:$0x3FAD];
	_ =	sdelay $0x3  }
0x36: {  	p1 =	seq.s32 s10, $0x1;
	s10 =	sld [smem:$0x3FAE];
	_ =	sdelay $0x3  }
0x37: {  	[smem:$0x3FAE] =	sst s10  }
0x38: {  	s10 =	sld [smem:$0x3FAF]  }
0x39: {  	_ = 	snop;
	(pc) =	sbr.ind lr, $3  }
0x3a: {  	_ = 	snop  }
0x3b: {  	_ = 	snop  }
0x3c: {  	p2 =	seq.s32 s10, $0x1;
	s10 =	sld [smem:$0x3FAE]  }
0x3d: {  	_ =	shalt  }
0x3e: {  	_ =	shalt  }
0x3f: {  	_ =	shalt  }
0x40: {  	_ =	shalt  }
0x41: {  	_ =	shalt  }
0x42: {  	_ =	shalt  }
0x43: {  	_ =	shalt  }
0x44: {  	_ =	shalt  }
0x45: {  	_ =	shalt  }
0x46: {  	_ =	shalt  }
0x47: {  	_ =	shalt  }
0x48: {  	_ =	shalt  }
0x49: {  	_ =	shalt  }
0x4a: {  	_ =	shalt  }
0x4b: {  	_ =	shalt  }
0x4c: {  	_ =	shalt  }
0x4d: {  	_ =	shalt  }
0x4e: {  	_ =	shalt  }
0x4f: {  	_ =	shalt  }
0x50: {  	_ =	shalt  }
0x51: {  	_ =	shalt  }
0x52: {  	_ =	shalt  }
0x53: {  	_ =	shalt  }
0x54: {  	_ =	shalt  }
0x55: {  	_ =	shalt  }
0x56: {  	_ =	shalt  }
0x57: {  	_ =	shalt  }
0x58: {  	_ =	shalt  }
0x59: {  	_ =	shalt  }
0x5a: {  	_ =	shalt  }
0x5b: {  	_ =	shalt  }
0x5c: {  	_ =	shalt  }
0x5d: {  	_ =	shalt  }
0x5e: {  	_ =	shalt  }
0x5f: {  	_ =	shalt  }
0x60: {  	_ =	shalt  }
0x61: {  	_ =	shalt  }
0x62: {  	_ =	shalt  }
0x63: {  	_ =	shalt  }
0x64: {  	_ =	shalt  }
0x65: {  	_ =	shalt  }
0x66: {  	_ =	shalt  }
0x67: {  	_ =	shalt  }
0x68: {  	_ =	shalt  }
0x69: {  	_ =	shalt  }
0x6a: {  	_ =	shalt  }
0x6b: {  	_ =	shalt  }
0x6c: {  	_ =	shalt  }
0x6d: {  	_ =	shalt  }
0x6e: {  	_ =	shalt  }
0x6f: {  	_ =	shalt  }
0x70: {  	_ =	shalt  }
0x71: {  	_ =	shalt  }
0x72: {  	_ =	shalt  }
0x73: {  	_ =	shalt  }
0x74: {  	_ =	shalt  }
0x75: {  	_ =	shalt  }
0x76: {  	_ =	shalt  }
0x77: {  	_ =	shalt  }
0x78: {  	_ =	shalt  }
0x79: {  	_ =	shalt  }
0x7a: {  	_ =	shalt  }
0x7b: {  	_ =	shalt  }
0x7c: {  	_ =	shalt  }
0x7d: {  	_ =	shalt  }
0x7e: {  	_ =	shalt  }
0x7f: {  	_ =	shalt  }
0x80: {  	_ =	shalt  }
0x81: {  	_ =	shalt  }
0x82: {  	_ =	shalt  }
0x83: {  	_ =	shalt  }
0x84: {  	_ =	shalt  }
0x85: {  	_ =	shalt  }
0x86: {  	_ =	shalt  }
0x87: {  	_ =	shalt  }
.Lfunc_end0:
.L_simem_size_0:
called_computation_lowered:
.L_overlay_start_0:
0x88: {  	s2 =	sld [smem:$0x3FD9]  }
0x89: {  	s3 =	sld [smem:$0x3FFE];
	_ =	sdelay $0x1  }
0x8a: {  	s1 =	srdreg.scid  }
0x8b: {  	s0 =	sand.u32 $0x1, s1  }
0x8c: {  	s17 =	sshll.u32 s0, $0xA;
	s2 =	sadd.s32 s3, s2  }
0x8d: {  	s2 =	sadd.s32 s2, s17  }
0x8e: {  	[smem:$0x3FBA] =	sst s2  }
0x8f: {  	_ = 	snop  }
0x90: {  	s2 =	sld [smem:$0x3FC9];
	(tm) =	ssettm $0x1  }
0x91: {  	s18 =	sld [smem:$0x3FFB];
	_ =	sdelay $0x3  }
0x92: {  	_ =	strace s18  }
0x93: {  	s3 =	sld [smem:$0x3FFC];
	_ =	sdelay $0x3  }
0x94: {  	_ =	strace s3  }
0x95: {  	s3 =	sld [smem:$0x3FFD];
	_ =	sdelay $0x3  }
0x96: {  	_ =	strace s3  }
0x97: {  	_ =	strace $0x8FFFFFFF  }
0x98: {  	s19 =	sld [smem:$0x3FDB];
	_ =	sdelay $0x1  }
0x99: {  	s4 =	simm.s32 $_scs_section_size  }
0x9a: {  	s5 =	simm.s32 $_size__tile_overlayer_lowered;
	s6 =	simm.s32 $_tile_overlayer_lowered  }
0x9b: {  	s22 =	simm.s32 $0x1BFF;
	s21 =	sshll.u32 s6, $0x1;
	s3 =	sadd.s32 s4, s19  }
0x9c: {  	s7 =	simm.s32 $0x0;
	s20 =	sshll.u32 s5, $0x1;
	s5 =	sadd.s32 s21, s3  }
0x9d: {  	[timem:s7], [sflag:s22] =	dma.local [hbm:s5], s20  }
0x9e: {  	_ =	swait.ge [sflag:s22], s20  }
0x9f: {  	s4 =	ssub.s32 $0x0, s20;
	[sflag:s22] =	ssyncset.done $0x0  }
0xa0: {  	[sflag:s22] =	ssyncadd.s32 s4;
	_ =	sdelay $0x1  }
0xa1: {  	s23 =	simm.s32 $0x1B8B  }
0xa2: {  	_ =	swait.ge [sflag:s23], $0x1  }
0xa3: {  	[sflag:s23] =	ssyncset.done $0x0  }
0xa4: {  	s25 =	simm.s32 $0x1B8E;
	s24 =	sld [smem:$0x3FFE];
	[sflag:s23] =	ssyncadd.s32 $0xFFFFFFFF  }
0xa5: {  	s26 =	simm.s32 $execute0_lowered;
	[smem:$0x3FD2] =	sst s25  }
0xa6: {  	s5 =	sshll.u32 s26, $0x1;
	_ =	strace $0x80000046;
	[dreg:$0x1] =	wrdreg $0xFFFFFFFF  }
0xa7: {  	s28 =	simm.s32 $_size_execute0_lowered;
	s3 =	sadd.s32 s3, s5;
	[dreg:$0x0] =	wrdreg $0x0  }
0xa8: {  	s5 =	sshll.u32 s28, $0x1;
	[dreg:$0x2] =	wrdreg s3  }
0xa9: {  	[dreg:$0x3] =	wrdreg s5  }
0xaa: {  	[dreg:$0x4] =	wrdreg $0xC0  }
0xab: {  	_ =	task [dreg:s7], $0x5FFFF  }
0xac: {  	[dreg:$0x1] =	wrdreg $0xFFFFFFFF  }
0xad: {  	[dreg:$0x0] =	wrdreg $0x60  }
0xae: {  	[dreg:$0x2] =	wrdreg s2  }
0xaf: {  	[dreg:$0x3] =	wrdreg s24  }
0xb0: {  	[dreg:$0x4] =	wrdreg $0x9  }
0xb1: {  	_ =	task.clear_ibuf [dreg:s7], $0x5FFFF;
	_ =	strace $0x90000046  }
0xb2: {  	s29 =	simm.s32 $0x9;
	_ =	strace $0x80000048  }
0xb3: {  	_ =	swait.ge [sflag:s29], $0x1  }
0xb4: {  	[sflag:s29] =	ssyncadd.s32 $0xFFFFFFFF  }
0xb5: {  	_ =	strace $0x90000048  }
0xb6: {  	_ =	sfence  }
0xb7: {  	s30 =	sld [smem:$0x0];
	_ =	sdelay $0x2  }
0xb8: {  	s31 =	sshll.u32 s1, $0xD;
	s1 =	sshrl.u32 s1, $0x2  }
0xb9: {  	s3 =	sand.u32 $0x4000, s31;
	s1 =	sadd.s32 s1, s30  }
0xba: {  	s0 =	sor.u32 s3, s0;
	s1 =	sshll.u32 s1, $0x11  }
0xbb: {  	s0 =	sor.u32 s1, s0  }
0xbc: {  	s0 =	sadd.s32 $0x8F2B, s0  }
0xbd: {  	[sflag:s0] =	ssyncadd.remote.s32 $0x1  }
0xbe: {  	_ =	sfence.sel $0xFFFF  }
0xbf: {  	[dreg:$0x0] =	wrdreg $0xFFFFFFFF;
	(pc) =	sbr.abs _section_cstart, $3  }
0xc0: {  	[dreg:$0x1] =	wrdreg $0xFFFFFFFF  }
0xc1: {  	_ =	task.clear_ibuf [dreg:s7], $0x2FFFF;
	_ =	strace $0x9FFFFFFF  }
0xc2: {  	(tm) =	ssettm $0x7FFFFFFF  }
0xc3: {  	_ =	shalt  }
tec
execute0_lowered:
.L_overlay_start_1:
0x0: {  	(tag) =	ssettag $0x1  }
0x1: {  	s2 =	rddreg [dreg:$0x0]  }
0x2: {  	s5 =	rddreg [dreg:$0x1]  }
0x3: {  	s0 =	srdreg.scid;
	s1 =	rddreg [dreg:$0x2]  }
0x4: {  	s3 =	simm.s32 $0x0;
	s15 =	simm.s32 $0x1;
	s16 =	simm.s32 $0x6800  }
0x5: {  	s17 =	simm.s32 $0x2;
	s18 =	simm.s32 $0x3;
	s7 =	sand.u32 $0x1, s0  }
0x6: {  	s19 =	simm.s32 $0x100;
	s0 =	stileid.u32;
	s4 =	smul.u32 $0x28000, s7  }
0x7: {  	s20 =	simm.s32 $0x4;
	s21 =	simm.s32 $0x2780;
	s6 =	smul.u32 $0x2800, s0  }
0x8: {  	s22 =	simm.s32 $0x0;
	[smem:$0x7FF] =	sst s3;
	s12 =	smul.u32 $0x1400000, s7  }
0x9: {  	s11 =	sadd.s32 $0x16400, s5;
	s8 =	sshll.u32 s7, $0x4;
	s28 =	smul.u32 $0x140000, s0  }
0xa: {  	_ =	strace $0x80000047;
	s9 =	ssub.s32 $0x2, s7;
	s30 =	smul.u32 $0x280000, s7  }
0xb: {  	s13 =	smul.u32 $0x28000, s0;
	s24 =	sor.u32 s0, s8;
	s25 =	sshrl.u32 s9, $0x1  }
0xc: {  	s4 =	sadd.s32 s6, s4;
	s8 =	smul.u32 $0x140000, s24;
	s14 =	sadd.s32 s30, s11  }
0xd: {  	s10 =	smul.u32 $0x28000, s24;
	s4 =	sshrl.u32 s4, $0x3;
	s31 =	sadd.s32 s13, s14  }
0xe: {  	s13 =	simm.s32 $0x80;
	s14 =	simm.s32 $0x2800;
	s4 =	sadd.s32 s4, s5  }
0xf: {  	s5 =	ssub.s32 s9, s25;
	s26 =	sshrl.u32 s8, $0x3;
	s29 =	sadd.s32 s11, s10  }
0x10: {  	s8 =	sadd.s32 s28, s12;
	s4 =	sadd.s32 $0xC400, s4;
	s5 =	smax.u32 s5, $0x1  }
0x11: {  	s6 =	sadd.s32 s11, s26;
	s7 =	sadd.s32 $0x800, s29;
	s12 =	sor.u32 $0x8000, s8  }
0x12: {  	s9 =	sadd.s32 $0x27800, s29;
	s8 =	sadd.s32 $0x27000, s6;
	s12 =	sshrl.u32 s12, $0x3  }
0x13: {  	s10 =	sadd.s32 s12, s11;
	s11 =	sadd.s32 $0x1800, s31;
	s12 =	simm.s32 $0x5  }
.LBB2_1:
0x14: {  	[tilespmem:s3], [sflag:$0x5] =	stream.linear.gather [hbm4b:s4+s3], $0x2800, $0x38;
	[tilespmem:$0xA800] =	vst v63  }
0x15: {  	_ =	swait.ge [sflag:s12], $0x2800  }
0x16: {  	[sflag:s12] =	ssyncset.done $0x0  }
0x17: {  	[sflag:s12] =	ssyncadd.s32 $0xFFFFD800  }
0x18: {  	[tilespmem:s14], [sflag:$0x1] =	stream.indirect.gather [hbm4b:s2+s13], $0x80, s3, s13, $0xb8;
	[tilespmem:$0xA800] =	vst v63  }
0x19: {  	_ =	swait.ge [sflag:s15], $0x4000  }
0x1a: {  	[sflag:s15] =	ssyncset.done $0x0  }
0x1b: {  	[sflag:s15] =	ssyncadd.s32 $0xFFFFC000  }
0x1c: {  	[tilespmem:s16], [sflag:$0x2] =	stream.indirect.gather [hbm4b:s2+s13], $0x80, s13, s13, $0xb8;
	[tilespmem:$0xA800] =	vst v63  }
0x1d: {  	_ = 	snop  }
0x1e: {  	[hbm4b:s6+s3] =	stream.linear.scatter [tilespmem:s14], [sflag:$0x3], $0x4000, $0x38;
	[tilespmem:$0xA800] =	vst v63  }
0x1f: {  	_ =	swait.ge [sflag:s17], $0x4000  }
0x20: {  	[sflag:s17] =	ssyncset.done $0x0  }
0x21: {  	[sflag:s17] =	ssyncadd.s32 $0xFFFFC000  }
0x22: {  	_ =	swait.ge [sflag:s18], $0x4000  }
0x23: {  	[sflag:s18] =	ssyncset.done $0x0  }
0x24: {  	[sflag:s18] =	ssyncadd.s32 $0xFFFFC000  }
0x25: {  	[tilespmem:s14], [sflag:$0x1] =	stream.indirect.gather [hbm4b:s2+s13], $0x80, s19, s13, $0xb8;
	[tilespmem:$0xA800] =	vst v63  }
0x26: {  	_ = 	snop  }
0x27: {  	[hbm4b:s7+s3] =	stream.linear.scatter [tilespmem:s16], [sflag:$0x4], $0x4000, $0x38;
	[tilespmem:$0xA800] =	vst v63  }
0x28: {  	_ =	swait.ge [sflag:s15], $0x4000  }
0x29: {  	[sflag:s15] =	ssyncset.done $0x0  }
0x2a: {  	[sflag:s15] =	ssyncadd.s32 $0xFFFFC000  }
0x2b: {  	_ =	swait.ge [sflag:s20], $0x4000  }
0x2c: {  	[sflag:s20] =	ssyncset.done $0x0  }
0x2d: {  	s23 =	simm.s32 $0x180;
	[sflag:s20] =	ssyncadd.s32 $0xFFFFC000  }
0x2e: {  	[tilespmem:s16], [sflag:$0x2] =	stream.indirect.gather [hbm4b:s2+s13], $0x80, s23, s13, $0xb8;
	[tilespmem:$0xA800] =	vst v63  }
0x2f: {  	s30 =	sadd.s32 $0x0, s10  }
0x30: {  	[hbm4b:s30+s3] =	stream.linear.scatter [tilespmem:s14], [sflag:$0x3], $0x4000, $0x38;
	[tilespmem:$0xA800] =	vst v63  }
0x31: {  	_ =	swait.ge [sflag:s17], $0x4000  }
0x32: {  	[sflag:s17] =	ssyncset.done $0x0  }
0x33: {  	[sflag:s17] =	ssyncadd.s32 $0xFFFFC000  }
0x34: {  	_ =	swait.ge [sflag:s18], $0x4000  }
0x35: {  	s31 =	simm.s32 $0x200;
	s25 =	sadd.s32 $0x0, s11;
	[sflag:s18] =	ssyncset.done $0x0  }
0x36: {  	s24 =	simm.s32 $0x300;
	s23 =	simm.s32 $0x1000;
	[sflag:s18] =	ssyncadd.s32 $0xFFFFC000  }
0x37: {  	[tilespmem:s14], [sflag:$0x1] =	stream.indirect.gather [hbm4b:s2+s13], $0x80, s31, s13, $0xb8;
	[tilespmem:$0xA800] =	vst v63  }
.LBB2_2:
0x38: {  	[hbm4b:s25+s3] =	stream.linear.scatter [tilespmem:s16], [sflag:$0x4], $0x4000, $0x38;
	[tilespmem:$0xA800] =	vst v63  }
0x39: {  	s25 =	smov.u32 s23  }
0x3a: {  	p0 =	sne.s32 s23, $0x25000;
	s23 =	sadd.s32 $0x1000, s23;
	_ =	swait.ge [sflag:s15], $0x4000  }
0x3b: {  	[sflag:s15] =	ssyncset.done $0x0  }
0x3c: {  	[sflag:s15] =	ssyncadd.s32 $0xFFFFC000  }
0x3d: {  	_ =	swait.ge [sflag:s20], $0x4000  }
0x3e: {  	[sflag:s20] =	ssyncset.done $0x0  }
0x3f: {  	s26 =	sadd.s32 $0xFFFFFF80, s24;
	[sflag:s20] =	ssyncadd.s32 $0xFFFFC000  }
0x40: {  	[tilespmem:s16], [sflag:$0x2] =	stream.indirect.gather [hbm4b:s2+s13], $0x80, s26, s13, $0xb8;
	[tilespmem:$0xA800] =	vst v63  }
0x41: {  	s26 =	sadd.s32 s25, s10  }
0x42: {  	[hbm4b:s26+s3] =	stream.linear.scatter [tilespmem:s14], [sflag:$0x3], $0x4000, $0x38;
	[tilespmem:$0xA800] =	vst v63  }
0x43: {  	_ =	swait.ge [sflag:s17], $0x4000  }
0x44: {  	[sflag:s17] =	ssyncset.done $0x0  }
0x45: {  	[sflag:s17] =	ssyncadd.s32 $0xFFFFC000  }
.Ltmp0:
0x46: {  	_ =	swait.ge [sflag:s18], $0x4000;
	(pc) =	sbr.rel @p0 .LBB2_2-.Ltmp0, $4  }
0x47: {  	[sflag:s18] =	ssyncset.done $0x0  }
0x48: {  	[sflag:s18] =	ssyncadd.s32 $0xFFFFC000  }
0x49: {  	[tilespmem:s14], [sflag:$0x1] =	stream.indirect.gather [hbm4b:s2+s13], $0x80, s24, s13, $0xb8;
	[tilespmem:$0xA800] =	vst v63  }
0x4a: {  	s25 =	sadd.s32 s25, s11;
	s24 =	sadd.s32 $0x100, s24  }
0x4b: {  	[hbm4b:s25+s3] =	stream.linear.scatter [tilespmem:s16], [sflag:$0x4], $0x4000, $0x38;
	[tilespmem:$0xA800] =	vst v63  }
0x4c: {  	_ =	swait.ge [sflag:s15], $0x4000  }
0x4d: {  	[sflag:s15] =	ssyncset.done $0x0  }
0x4e: {  	[sflag:s15] =	ssyncadd.s32 $0xFFFFC000  }
0x4f: {  	_ =	swait.ge [sflag:s20], $0x4000  }
0x50: {  	[sflag:s20] =	ssyncset.done $0x0  }
0x51: {  	[sflag:s20] =	ssyncadd.s32 $0xFFFFC000  }
0x52: {  	[tilespmem:s16], [sflag:$0x2] =	stream.indirect.gather [hbm4b:s2+s13], $0x80, s21, s13, $0xb8;
	[tilespmem:$0xA800] =	vst v63  }
0x53: {  	_ = 	snop  }
0x54: {  	[hbm4b:s8+s3] =	stream.linear.scatter [tilespmem:s14], [sflag:$0x3], $0x4000, $0x38;
	[tilespmem:$0xA800] =	vst v63  }
0x55: {  	_ =	swait.ge [sflag:s17], $0x4000  }
0x56: {  	[sflag:s17] =	ssyncset.done $0x0  }
0x57: {  	[sflag:s17] =	ssyncadd.s32 $0xFFFFC000  }
0x58: {  	s22 =	sadd.s32 $0x1, s22;
	_ =	swait.ge [sflag:s18], $0x4000  }
0x59: {  	p0 =	sne.s32 s22, s5;
	[sflag:s18] =	ssyncset.done $0x0  }
.Ltmp1:
0x5a: {  	[sflag:s18] =	ssyncadd.s32 $0xFFFFC000;
	(pc) =	sbr.rel @p0 .LBB2_1-.Ltmp1, $4  }
0x5b: {  	[hbm4b:s9+s3] =	stream.linear.scatter [tilespmem:s16], [sflag:$0x4], $0x4000, $0x38;
	[tilespmem:$0xA800] =	vst v63  }
0x5c: {  	_ =	swait.ge [sflag:s20], $0x4000  }
0x5d: {  	[sflag:s20] =	ssyncset.done $0x0  }
0x5e: {  	[sflag:s20] =	ssyncadd.s32 $0xFFFFC000  }
0x5f: {  	_ =	sfence.sel $0x180000  }
0x60: {  	[bflag:$0x0] =	sbarrier.arrive $0xFFFF  }
0x61: {  	p0 =	sne.s32 s0, $0x0;
	_ =	strace $0x90000047  }
0x62: {  	s0 =	sadd.s32 @!p0 $0x100000, s1;
	[bflag:$0x2] =	sbarrier.arrive $0xFFFF  }
0x63: {  	[sflag:s0] =	ssyncadd.tile.s32 @!p0 $0x1;
	_ =	shalt  }
.Lfunc_end2:
_tile_overlayer_lowered:
.L_overlay_start_2:
0x64: {  	(tag) =	ssettag $0x2  }
0x65: {  	s0 =	rddreg [dreg:$0x0];
	s2 =	stileid.u32  }
0x66: {  	s1 =	rddreg [dreg:$0x1];
	p0 =	sne.s32 s2, $0x0  }
0x67: {  	s3 =	rddreg [dreg:$0x2];
	[bflag:$0x3] =	sbarrier.arrive $0xFFFF;
	s2 =	simm.s32 @!p0 $0x1C05  }
0x68: {  	[timem:s3], [sflag:s2] =	dma.local @!p0 [hbm:s0], s1  }
0x69: {  	s0 =	simm.s32 @!p0 $0x5  }
0x6a: {  	_ =	swait.ge @!p0 [sflag:s0], s1  }
0x6b: {  	s1 =	ssub.s32 @!p0 $0x0, s1;
	[sflag:s0] =	ssyncset.done @!p0 $0x0  }
0x6c: {  	[sflag:s0] =	ssyncadd.s32 @!p0 s1  }
0x6d: {  	[bflag:$0x3] =	sbarrier.arrive $0xFFFF  }
0x6e: {  	_ =	shalt  }

// kernel: kernel.14.cloned.1.call-start
scs
__scs_entry_jumppad:
0x0: {  	(pc) =	sbr.rel $0x88, $3  }
0x1: {  	(tag) =	ssettag $0x0;
	lr =	simm.s32 $0x1  }
0x2: {  	[smem:$0x3F93] =	sst lr;
	_ =	strace $0xD0000000  }
0x3: {  	_ = 	snop  }
0x4: {  	_ = 	snop  }
0x5: {  	_ = 	snop  }
0x6: {  	_ = 	snop  }
0x7: {  	_ = 	snop  }
__scs_overlays_trampoline_lowered:
0x8: {  	[smem:$0x3FA2] =	sst s0  }
0x9: {  	[smem:$0x3FA3] =	sst s1  }
0xa: {  	[smem:$0x3FA4] =	sst s2  }
0xb: {  	[smem:$0x3FA5] =	sst s3  }
0xc: {  	[smem:$0x3FA6] =	sst s4  }
0xd: {  	[smem:$0x3FA7] =	sst s5  }
0xe: {  	[smem:$0x3FA8] =	sst s6  }
0xf: {  	[smem:$0x3FA9] =	sst s7  }
0x10: {  	[smem:$0x3FAA] =	sst s8  }
0x11: {  	[smem:$0x3FAB] =	sst s9;
	s0 =	simm.s32 @!p0 $0x0  }
0x12: {  	s1 =	sld [smem:$0x3F91];
	s0 =	simm.s32 @p0 $0x1  }
0x13: {  	[smem:$0x3FAC] =	sst s0;
	s0 =	simm.s32 @!p1 $0x0  }
0x14: {  	s2 =	sld [smem:$0x3F90];
	s0 =	simm.s32 @p1 $0x1  }
0x15: {  	[smem:$0x3FAD] =	sst s0;
	s0 =	simm.s32 @!p2 $0x0  }
0x16: {  	s3 =	sld [smem:$0x3FDB];
	s0 =	simm.s32 @p2 $0x1  }
0x17: {  	s4 =	simm.s32 $0x1BF5;
	[smem:$0x3FAF] =	sst s0  }
0x18: {  	s0 =	sld [smem:$0x3F92];
	_ =	swait.ge [sflag:s4], $0x0  }
0x19: {  	s7 =	sld [smem:$0x3F93]  }
0x1a: {  	s8 =	sadd.s32 $0xFFFFE003, lr  }
0x1b: {  	s9 =	sadd.s32 $0xFFFFFEF7, lr;
	s5 =	simm.s32 $0xFFFFFFFF;
	p2 =	slt.u32 s8, $0xFFFFF086  }
0x1c: {  	p1 =	slt.u32 s9, $0xF7A;
	s5 =	simm.s32 @!p2 $0x0  }
0x1d: {  	s5 =	simm.s32 @p1 $0x1;
	p0 =	seq.s32 s7, s2  }
0x1e: {  	s7 =	smul.u32 @!p0 $0xF7A, s2;
	p2 =	seq.s32 @!p0 s5, $0x0  }
0x1f: {  	s9 =	smul.u32 $0xF7A, s1;
	s8 =	simm.s32 @!p0 $0x1BF5;
	p2 =	por !p2, p0  }
0x20: {  	[sflag:s8] =	ssyncset.s32 @!p0 $0xFFFFF086;
	s6 =	sadd.s32 @!p0 s3, s7;
	s7 =	simm.s32 @!p0 $0x108  }
0x21: {  	s3 =	sadd.s32 s3, s9;
	s6 =	sadd.s32 @!p0 $0x88, s6;
	s7 =	simm.s32 @p2 $0x1082  }
0x22: {  	[simem:s7], [sflag:s8] =	dma.local @!p0 [hbm:s6], $0xF7A  }
0x23: {  	s9 =	sor.u32 $0xD0000000, s2;
	s6 =	simm.s32 $0x108;
	_ =	swait.ge @!p0 [sflag:s8], $0x0  }
0x24: {  	s3 =	sadd.s32 $0x88, s3;
	s6 =	simm.s32 @!p1 $0x1082;
	[sflag:s4] =	ssyncset.s32 $0xFFFFF086  }
0x25: {  	[simem:s6], [sflag:s4] =	dma.local [hbm:s3], $0xF7A  }
0x26: {  	[smem:$0x3F93] =	sst s1;
	(tag) =	ssettag s2;
	_ =	strace s9  }
0x27: {  	s1 =	sld [smem:$0x3FA3]  }
0x28: {  	s2 =	sld [smem:$0x3FA4]  }
0x29: {  	s4 =	sld [smem:$0x3FA6]  }
0x2a: {  	p0 =	seq.s32 s5, $0x0;
	s5 =	sld [smem:$0x3FA7]  }
0x2b: {  	s6 =	sld [smem:$0x3FA8]  }
0x2c: {  	s7 =	sld [smem:$0x3FA9]  }
0x2d: {  	s3 =	simm.s32 $0x108;
	s8 =	sld [smem:$0x3FAA]  }
0x2e: {  	s3 =	simm.s32 @!p0 $0x1082;
	s9 =	sld [smem:$0x3FAB]  }
0x2f: {  	lr =	sadd.s32 s0, s3;
	s0 =	sld [smem:$0x3FA2]  }
0x30: {  	s3 =	sld [smem:$0x3FA5]  }
0x31: {  	[smem:$0x3FAE] =	sst s10  }
0x32: {  	s10 =	sld [smem:$0x3FAC];
	_ =	sdelay $0x3  }
0x33: {  	p0 =	seq.s32 s10, $0x1;
	s10 =	sld [smem:$0x3FAE];
	_ =	sdelay $0x3  }
0x34: {  	[smem:$0x3FAE] =	sst s10  }
0x35: {  	s10 =	sld [smem:$0x3FAD];
	_ =	sdelay $0x3  }
0x36: {  	p1 =	seq.s32 s10, $0x1;
	s10 =	sld [smem:$0x3FAE];
	_ =	sdelay $0x3  }
0x37: {  	[smem:$0x3FAE] =	sst s10  }
0x38: {  	s10 =	sld [smem:$0x3FAF]  }
0x39: {  	_ = 	snop;
	(pc) =	sbr.ind lr, $3  }
0x3a: {  	_ = 	snop  }
0x3b: {  	_ = 	snop  }
0x3c: {  	p2 =	seq.s32 s10, $0x1;
	s10 =	sld [smem:$0x3FAE]  }
0x3d: {  	_ =	shalt  }
0x3e: {  	_ =	shalt  }
0x3f: {  	_ =	shalt  }
0x40: {  	_ =	shalt  }
0x41: {  	_ =	shalt  }
0x42: {  	_ =	shalt  }
0x43: {  	_ =	shalt  }
0x44: {  	_ =	shalt  }
0x45: {  	_ =	shalt  }
0x46: {  	_ =	shalt  }
0x47: {  	_ =	shalt  }
0x48: {  	_ =	shalt  }
0x49: {  	_ =	shalt  }
0x4a: {  	_ =	shalt  }
0x4b: {  	_ =	shalt  }
0x4c: {  	_ =	shalt  }
0x4d: {  	_ =	shalt  }
0x4e: {  	_ =	shalt  }
0x4f: {  	_ =	shalt  }
0x50: {  	_ =	shalt  }
0x51: {  	_ =	shalt  }
0x52: {  	_ =	shalt  }
0x53: {  	_ =	shalt  }
0x54: {  	_ =	shalt  }
0x55: {  	_ =	shalt  }
0x56: {  	_ =	shalt  }
0x57: {  	_ =	shalt  }
0x58: {  	_ =	shalt  }
0x59: {  	_ =	shalt  }
0x5a: {  	_ =	shalt  }
0x5b: {  	_ =	shalt  }
0x5c: {  	_ =	shalt  }
0x5d: {  	_ =	shalt  }
0x5e: {  	_ =	shalt  }
0x5f: {  	_ =	shalt  }
0x60: {  	_ =	shalt  }
0x61: {  	_ =	shalt  }
0x62: {  	_ =	shalt  }
0x63: {  	_ =	shalt  }
0x64: {  	_ =	shalt  }
0x65: {  	_ =	shalt  }
0x66: {  	_ =	shalt  }
0x67: {  	_ =	shalt  }
0x68: {  	_ =	shalt  }
0x69: {  	_ =	shalt  }
0x6a: {  	_ =	shalt  }
0x6b: {  	_ =	shalt  }
0x6c: {  	_ =	shalt  }
0x6d: {  	_ =	shalt  }
0x6e: {  	_ =	shalt  }
0x6f: {  	_ =	shalt  }
0x70: {  	_ =	shalt  }
0x71: {  	_ =	shalt  }
0x72: {  	_ =	shalt  }
0x73: {  	_ =	shalt  }
0x74: {  	_ =	shalt  }
0x75: {  	_ =	shalt  }
0x76: {  	_ =	shalt  }
0x77: {  	_ =	shalt  }
0x78: {  	_ =	shalt  }
0x79: {  	_ =	shalt  }
0x7a: {  	_ =	shalt  }
0x7b: {  	_ =	shalt  }
0x7c: {  	_ =	shalt  }
0x7d: {  	_ =	shalt  }
0x7e: {  	_ =	shalt  }
0x7f: {  	_ =	shalt  }
0x80: {  	_ =	shalt  }
0x81: {  	_ =	shalt  }
0x82: {  	_ =	shalt  }
0x83: {  	_ =	shalt  }
0x84: {  	_ =	shalt  }
0x85: {  	_ =	shalt  }
0x86: {  	_ =	shalt  }
0x87: {  	_ =	shalt  }
.Lfunc_end0:
.L_simem_size_0:
called_computation.1_lowered:
.L_overlay_start_0:
0x88: {  	s2 =	sld [smem:$0x3FD9]  }
0x89: {  	s3 =	sld [smem:$0x3FFE];
	_ =	sdelay $0x1  }
0x8a: {  	s1 =	srdreg.scid  }
0x8b: {  	s0 =	sand.u32 $0x1, s1  }
0x8c: {  	s16 =	sshll.u32 s0, $0xA;
	s2 =	sadd.s32 s3, s2  }
0x8d: {  	s2 =	sadd.s32 s2, s16  }
0x8e: {  	[smem:$0x3FBA] =	sst s2  }
0x8f: {  	_ = 	snop  }
0x90: {  	(tm) =	ssettm $0x1  }
0x91: {  	s17 =	sld [smem:$0x3FFB];
	_ =	sdelay $0x3  }
0x92: {  	_ =	strace s17  }
0x93: {  	s2 =	sld [smem:$0x3FFC];
	_ =	sdelay $0x3  }
0x94: {  	_ =	strace s2  }
0x95: {  	s2 =	sld [smem:$0x3FFD];
	_ =	sdelay $0x3  }
0x96: {  	_ =	strace s2  }
0x97: {  	_ =	strace $0x8FFFFFFF  }
0x98: {  	s18 =	sld [smem:$0x3FDB];
	_ =	sdelay $0x1  }
0x99: {  	s19 =	simm.s32 $_scs_section_size  }
0x9a: {  	s4 =	simm.s32 $_size__tile_overlayer_lowered;
	s5 =	simm.s32 $_tile_overlayer_lowered  }
0x9b: {  	s22 =	simm.s32 $0x1BFF;
	s21 =	sshll.u32 s5, $0x1;
	s2 =	sadd.s32 s19, s18  }
0x9c: {  	s6 =	simm.s32 $0x0;
	s20 =	sshll.u32 s4, $0x1;
	s4 =	sadd.s32 s21, s2  }
0x9d: {  	[timem:s6], [sflag:s22] =	dma.local [hbm:s4], s20  }
0x9e: {  	_ =	swait.ge [sflag:s22], s20  }
0x9f: {  	s3 =	ssub.s32 $0x0, s20;
	[sflag:s22] =	ssyncset.done $0x0  }
0xa0: {  	[sflag:s22] =	ssyncadd.s32 s3;
	_ =	sdelay $0x1  }
0xa1: {  	s23 =	simm.s32 $0x1B8B  }
0xa2: {  	_ =	swait.ge [sflag:s23], $0x1  }
0xa3: {  	[sflag:s23] =	ssyncset.done $0x0  }
0xa4: {  	s25 =	simm.s32 $0x1B8E;
	s24 =	sld [smem:$0x3FFE];
	[sflag:s23] =	ssyncadd.s32 $0xFFFFFFFF  }
0xa5: {  	s26 =	simm.s32 $execute0_lowered;
	[smem:$0x3FD2] =	sst s25  }
0xa6: {  	s4 =	sshll.u32 s26, $0x1;
	_ =	strace $0x80000049;
	[dreg:$0x1] =	wrdreg $0xFFFFFFFF  }
0xa7: {  	s28 =	simm.s32 $_size_execute0_lowered;
	s2 =	sadd.s32 s2, s4;
	[dreg:$0x0] =	wrdreg $0x0  }
0xa8: {  	s4 =	sshll.u32 s28, $0x1;
	[dreg:$0x2] =	wrdreg s2  }
0xa9: {  	[dreg:$0x3] =	wrdreg s4  }
0xaa: {  	[dreg:$0x4] =	wrdreg $0xC0  }
0xab: {  	_ =	task [dreg:s6], $0x5FFFF  }
0xac: {  	[dreg:$0x1] =	wrdreg $0xFFFFFFFF  }
0xad: {  	[dreg:$0x0] =	wrdreg $0x60  }
0xae: {  	[dreg:$0x2] =	wrdreg s24  }
0xaf: {  	[dreg:$0x3] =	wrdreg $0x0  }
0xb0: {  	[dreg:$0x4] =	wrdreg $0xA  }
0xb1: {  	_ =	task.clear_ibuf [dreg:s6], $0x5FFFF;
	_ =	strace $0x90000049  }
0xb2: {  	s29 =	simm.s32 $0xA;
	_ =	strace $0x8000004B  }
0xb3: {  	_ =	swait.ge [sflag:s29], $0x1  }
0xb4: {  	[sflag:s29] =	ssyncadd.s32 $0xFFFFFFFF  }
0xb5: {  	_ =	strace $0x9000004B  }
0xb6: {  	_ =	sfence  }
0xb7: {  	s30 =	sld [smem:$0x0];
	_ =	sdelay $0x2  }
0xb8: {  	s31 =	sshll.u32 s1, $0xD;
	s1 =	sshrl.u32 s1, $0x2  }
0xb9: {  	s3 =	sand.u32 $0x4000, s31;
	s1 =	sadd.s32 s1, s30  }
0xba: {  	s0 =	sor.u32 s3, s0;
	s1 =	sshll.u32 s1, $0x11  }
0xbb: {  	s0 =	sor.u32 s1, s0  }
0xbc: {  	s0 =	sadd.s32 $0x8F2B, s0  }
0xbd: {  	[sflag:s0] =	ssyncadd.remote.s32 $0x1  }
0xbe: {  	_ =	sfence.sel $0xFFFF  }
0xbf: {  	[dreg:$0x0] =	wrdreg $0xFFFFFFFF;
	(pc) =	sbr.abs _section_cstart, $3  }
0xc0: {  	[dreg:$0x1] =	wrdreg $0xFFFFFFFF  }
0xc1: {  	_ =	task.clear_ibuf [dreg:s6], $0x2FFFF;
	_ =	strace $0x9FFFFFFF  }
0xc2: {  	(tm) =	ssettm $0x7FFFFFFF  }
0xc3: {  	_ =	shalt  }
tec
execute0_lowered:
.L_overlay_start_1:
0x0: {  	(tag) =	ssettag $0x1  }
0x1: {  	s0 =	rddreg [dreg:$0x0];
	s8 =	stileid.u32  }
0x2: {  	s1 =	rddreg [dreg:$0x1];
	s6 =	smul.u32 $0x5000, s8  }
0x3: {  	s3 =	srdreg.scid;
	s25 =	smul.u32 $0xA000, s8  }
0x4: {  	s2 =	simm.s32 $0x0;
	s3 =	sand.u32 $0x1, s3;
	s18 =	smul.u32 $0x50, s8  }
0x5: {  	s28 =	simm.s32 $0x138C0;
	s12 =	sor.u32 $0x10, s8;
	s11 =	smul.u32 $0x2710, s3  }
0x6: {  	s29 =	simm.s32 $0x1;
	s13 =	sor.u32 $0x20, s8;
	s26 =	smul.u32 $0xA000, s12  }
0x7: {  	s30 =	simm.s32 $0x188C0;
	s14 =	sor.u32 $0x30, s8;
	s10 =	smul.u32 $0xA000, s13  }
0x8: {  	s31 =	simm.s32 $0x80;
	s16 =	sor.u32 $0x40, s8;
	s15 =	smul.u32 $0xA000, s14  }
0x9: {  	[smem:$0x7FF] =	sst s2;
	s5 =	sadd.s32 $0x516400, s0;
	s9 =	smul.u32 $0xA000, s16  }
0xa: {  	s4 =	sadd.s32 $0x16400, s0;
	s0 =	sadd.s32 $0x520400, s0;
	s12 =	smul.u32 $0x50, s12  }
0xb: {  	s17 =	sor.u32 $0x50, s8;
	s19 =	sor.u32 $0x60, s8;
	s13 =	smul.u32 $0x50, s13  }
0xc: {  	s20 =	sor.u32 $0x70, s8;
	s7 =	ssub.s32 $0x2, s3;
	s22 =	smul.u32 $0xA000, s19  }
0xd: {  	_ =	strace $0x8000004A;
	s14 =	smul.u32 $0x50, s14;
	s24 =	sshrl.u32 s7, $0x1  }
0xe: {  	s16 =	smul.u32 $0x50, s16;
	p0 =	sgt.u32 s20, $0x7C;
	s3 =	ssub.s32 s7, s24  }
0xf: {  	s7 =	sshrl.u32 s25, $0x2;
	s10 =	sshrl.u32 s10, $0x2;
	s18 =	sadd.s32 s11, s18  }
0x10: {  	s12 =	sadd.s32 s11, s12;
	s13 =	sadd.s32 s11, s13;
	s25 =	smul.u32 $0x50, s19  }
0x11: {  	s21 =	sadd.s32 s11, s14;
	s23 =	sadd.s32 s11, s16;
	s16 =	smul.u32 $0xA000, s20  }
0x12: {  	s3 =	smax.u32 s3, $0x1;
	s24 =	sadd.s32 s7, s1;
	s10 =	sadd.s32 s10, s1  }
0x13: {  	s7 =	sshrl.u32 s15, $0x2;
	s15 =	smul.u32 $0xA000, s17;
	s18 =	sshll.u32 s18, $0x4  }
0x14: {  	s12 =	sshll.u32 s12, $0x4;
	s13 =	sshll.u32 s13, $0x4;
	s17 =	smul.u32 $0x50, s17  }
0x15: {  	s14 =	sshll.u32 s23, $0x4;
	[dreg:$0x3] =	wrdreg s3;
	s3 =	sshrl.u32 s26, $0x2  }
0x16: {  	s12 =	sadd.s32 s0, s12;
	s13 =	sadd.s32 s0, s13;
	s26 =	smul.u32 $0x50, s20  }
0x17: {  	s19 =	sadd.s32 s11, s25;
	s3 =	sadd.s32 s3, s1;
	[dreg:$0x6] =	wrdreg s12  }
0x18: {  	[dreg:$0x7] =	wrdreg s13;
	s13 =	sshll.u32 s21, $0x4;
	s12 =	sadd.s32 s11, s17  }
0x19: {  	s25 =	sshll.u32 s19, $0x4;
	s17 =	sshrl.u32 s15, $0x2;
	s19 =	sadd.s32 s7, s1  }
0x1a: {  	s7 =	simm.s32 $0x13940;
	[dreg:$0x4] =	wrdreg s3;
	s3 =	sshrl.u32 s9, $0x2  }
0x1b: {  	s9 =	sadd.s32 s0, s18;
	s13 =	sadd.s32 s0, s13;
	s18 =	sadd.s32 s0, s14  }
0x1c: {  	s12 =	sshll.u32 s12, $0x4;
	s21 =	sadd.s32 s11, s26;
	[dreg:$0x5] =	wrdreg s9  }
0x1d: {  	v0 =	vmov s11;
	s14 =	sadd.s32 s0, s25;
	s11 =	simm.s32 $0x4;
	[dreg:$0x8] =	wrdreg s13  }
0x1e: {  	[dreg:$0x9] =	wrdreg s18;
	s23 =	sadd.s32 s0, s12;
	s26 =	sshll.u32 s21, $0x4  }
0x1f: {  	[dreg:$0xb] =	wrdreg s14;
	s18 =	smul.u32 $0x50000, s8;
	s20 =	sadd.s32 s3, s1  }
0x20: {  	s21 =	sadd.s32 s17, s1;
	s3 =	simm.s32 $0x3;
	s12 =	simm.s32 $0x6  }
.Ltmp0:
0x21: {  	[dreg:$0xa] =	wrdreg s23;
	s0 =	sadd.s32 s0, s26;
	(pc) =	sbr.rel .LBB2_1-.Ltmp0, $4  }
0x22: {  	s13 =	simm.s32 $0x0;
	s23 =	sshrl.u32 s22, $0x2;
	[dreg:$0xc] =	wrdreg s0  }
0x23: {  	s0 =	sshrl.u32 s16, $0x2;
	s25 =	sadd.s32 s18, s4;
	s22 =	sadd.s32 s23, s1  }
0x24: {  	s23 =	sadd.s32 s0, s1;
	s26 =	sadd.s32 $0x2000, s25;
	s25 =	simm.s32 $0x148C0  }
0x25: {  	v1 =	vimm.f32 $0.0e+00;
	s0 =	simm.s32 $0x2;
	[dreg:$0xd] =	wrdreg s26;
	s26 =	simm.s32 $0x5  }
.LBB2_11:
0x26: {  	[bflag:$0x0] =	sbarrier.arrive $0xFFFF  }
0x27: {  	[tilespmem:s25], [sflag:$0x6] =	stream.linear.gather [spmem:s9], $0x2800, $0x38;
	[tilespmem:$0x1C8C0] =	vst v63  }
0x28: {  	_ =	swait.ge [sflag:s12], $0x2800  }
0x29: {  	[sflag:s12] =	ssyncset.done $0x0  }
0x2a: {  	s8 =	rddreg [dreg:$0x5];
	[sflag:s12] =	ssyncadd.s32 $0xFFFFD800  }
0x2b: {  	[hbm4b:s8+s2] =	stream.linear.scatter [tilespmem:s25], [sflag:$0x5], $0x2800, $0x38;
	[tilespmem:$0x1C8C0] =	vst v63  }
0x2c: {  	_ =	swait.ge [sflag:s26], $0x2800  }
0x2d: {  	[sflag:s26] =	ssyncset.done $0x0  }
0x2e: {  	s17 =	rddreg [dreg:$0x4];
	[sflag:s26] =	ssyncadd.s32 $0xFFFFD800  }
0x2f: {  	[tilespmem:s25], [sflag:$0x6] =	stream.linear.gather [spmem:s17], $0x2800, $0x38;
	[tilespmem:$0x1C8C0] =	vst v63  }
0x30: {  	_ =	swait.ge [sflag:s12], $0x2800  }
0x31: {  	[sflag:s12] =	ssyncset.done $0x0  }
0x32: {  	s18 =	rddreg [dreg:$0x6];
	[sflag:s12] =	ssyncadd.s32 $0xFFFFD800  }
0x33: {  	[hbm4b:s18+s2] =	stream.linear.scatter [tilespmem:s25], [sflag:$0x5], $0x2800, $0x38;
	[tilespmem:$0x1C8C0] =	vst v63  }
0x34: {  	_ =	swait.ge [sflag:s26], $0x2800  }
0x35: {  	[sflag:s26] =	ssyncset.done $0x0  }
0x36: {  	[sflag:s26] =	ssyncadd.s32 $0xFFFFD800  }
0x37: {  	[tilespmem:s25], [sflag:$0x6] =	stream.linear.gather [spmem:s10], $0x2800, $0x38;
	[tilespmem:$0x1C8C0] =	vst v63  }
0x38: {  	_ =	swait.ge [sflag:s12], $0x2800  }
0x39: {  	[sflag:s12] =	ssyncset.done $0x0  }
0x3a: {  	s24 =	smov.u32 s9;
	s9 =	rddreg [dreg:$0x7];
	[sflag:s12] =	ssyncadd.s32 $0xFFFFD800  }
0x3b: {  	[hbm4b:s9+s2] =	stream.linear.scatter [tilespmem:s25], [sflag:$0x5], $0x2800, $0x38;
	[tilespmem:$0x1C8C0] =	vst v63  }
0x3c: {  	_ =	swait.ge [sflag:s26], $0x2800  }
0x3d: {  	[sflag:s26] =	ssyncset.done $0x0  }
0x3e: {  	[sflag:s26] =	ssyncadd.s32 $0xFFFFD800  }
0x3f: {  	[tilespmem:s25], [sflag:$0x6] =	stream.linear.gather [spmem:s19], $0x2800, $0x38;
	[tilespmem:$0x1C8C0] =	vst v63  }
0x40: {  	_ =	swait.ge [sflag:s12], $0x2800  }
0x41: {  	[sflag:s12] =	ssyncset.done $0x0  }
0x42: {  	s14 =	rddreg [dreg:$0x8];
	[sflag:s12] =	ssyncadd.s32 $0xFFFFD800  }
0x43: {  	[hbm4b:s14+s2] =	stream.linear.scatter [tilespmem:s25], [sflag:$0x5], $0x2800, $0x38;
	[tilespmem:$0x1C8C0] =	vst v63  }
0x44: {  	_ =	swait.ge [sflag:s26], $0x2800  }
0x45: {  	[sflag:s26] =	ssyncset.done $0x0  }
0x46: {  	[sflag:s26] =	ssyncadd.s32 $0xFFFFD800  }
0x47: {  	[tilespmem:s25], [sflag:$0x6] =	stream.linear.gather [spmem:s20], $0x2800, $0x38;
	[tilespmem:$0x1C8C0] =	vst v63  }
0x48: {  	_ =	swait.ge [sflag:s12], $0x2800  }
0x49: {  	[sflag:s12] =	ssyncset.done $0x0  }
0x4a: {  	s15 =	rddreg [dreg:$0x9];
	[sflag:s12] =	ssyncadd.s32 $0xFFFFD800  }
0x4b: {  	[hbm4b:s15+s2] =	stream.linear.scatter [tilespmem:s25], [sflag:$0x5], $0x2800, $0x38;
	[tilespmem:$0x1C8C0] =	vst v63  }
0x4c: {  	_ =	swait.ge [sflag:s26], $0x2800  }
0x4d: {  	[sflag:s26] =	ssyncset.done $0x0  }
0x4e: {  	[sflag:s26] =	ssyncadd.s32 $0xFFFFD800  }
0x4f: {  	[tilespmem:s25], [sflag:$0x6] =	stream.linear.gather [spmem:s21], $0x2800, $0x38;
	[tilespmem:$0x1C8C0] =	vst v63  }
0x50: {  	_ =	swait.ge [sflag:s12], $0x2800  }
0x51: {  	[sflag:s12] =	ssyncset.done $0x0  }
0x52: {  	s16 =	rddreg [dreg:$0xa];
	[sflag:s12] =	ssyncadd.s32 $0xFFFFD800  }
0x53: {  	[hbm4b:s16+s2] =	stream.linear.scatter [tilespmem:s25], [sflag:$0x5], $0x2800, $0x38;
	[tilespmem:$0x1C8C0] =	vst v63  }
0x54: {  	_ =	swait.ge [sflag:s26], $0x2800  }
0x55: {  	[sflag:s26] =	ssyncset.done $0x0  }
0x56: {  	[sflag:s26] =	ssyncadd.s32 $0xFFFFD800  }
0x57: {  	[tilespmem:s25], [sflag:$0x6] =	stream.linear.gather [spmem:s22], $0x2800, $0x38;
	[tilespmem:$0x1C8C0] =	vst v63  }
0x58: {  	_ =	swait.ge [sflag:s12], $0x2800  }
0x59: {  	[sflag:s12] =	ssyncset.done $0x0  }
0x5a: {  	s17 =	rddreg [dreg:$0xb];
	[sflag:s12] =	ssyncadd.s32 $0xFFFFD800  }
0x5b: {  	[hbm4b:s17+s2] =	stream.linear.scatter [tilespmem:s25], [sflag:$0x5], $0x2800, $0x38;
	[tilespmem:$0x1C8C0] =	vst v63  }
0x5c: {  	_ =	swait.ge [sflag:s26], $0x2800  }
0x5d: {  	[sflag:s26] =	ssyncset.done $0x0  }
0x5e: {  	s8 =	simm.s32 @!p0 $0x148C0;
	s14 =	simm.s32 @!p0 $0x6;
	[sflag:s26] =	ssyncadd.s32 $0xFFFFD800  }
0x5f: {  	[tilespmem:s8], [sflag:$0x6] =	stream.linear.gather @!p0 [spmem:s23], $0x2800, $0x38;
	[tilespmem:$0x1C8C0] =	vst v63  }
0x60: {  	_ =	swait.ge @!p0 [sflag:s14], $0x2800  }
0x61: {  	[sflag:s14] =	ssyncset.done @!p0 $0x0  }
0x62: {  	s9 =	rddreg [dreg:$0xc];
	[sflag:s14] =	ssyncadd.s32 @!p0 $0xFFFFD800;
	s14 =	simm.s32 @!p0 $0x0  }
0x63: {  	[hbm4b:s9+s14] =	stream.linear.scatter @!p0 [tilespmem:s8], [sflag:$0x5], $0x2800, $0x38;
	[tilespmem:$0x1C8C0] =	vst v63  }
0x64: {  	s8 =	simm.s32 @!p0 $0x5  }
0x65: {  	_ =	swait.ge @!p0 [sflag:s8], $0x2800  }
0x66: {  	s13 =	sadd.s32 $0x1, s13;
	s18 =	rddreg [dreg:$0x3]  }
0x67: {  	p1 =	sne.s32 s13, s18  }
.Ltmp1:
0x68: {  	_ = 	snop;
	(pc) =	sbr.rel @!p1 .LBB2_12-.Ltmp1, $3  }
0x69: {  	_ =	sdelay $0x1  }
0x6a: {  	[sflag:s8] =	ssyncset.done @!p0 $0x0  }
0x6b: {  	[sflag:s8] =	ssyncadd.s32 @!p0 $0xFFFFD800  }
.LBB2_1:
0x6c: {  	s14 =	simm.s32 $0x0;
	s15 =	simm.s32 $0x200  }
.LBB2_2:
0x6d: {  	p1 =	sne.s32 s15, $0xFE00;
	[tilespmem:s14+$0x14930] =	vst v1  }
0x6e: {  	[tilespmem:s14+$0x148C0] =	vst v1  }
0x6f: {  	[tilespmem:s14+$0x148D0] =	vst v1  }
.Ltmp2:
0x70: {  	[tilespmem:s14+$0x148E0] =	vst v1;
	(pc) =	sbr.rel @p1 .LBB2_2-.Ltmp2, $4  }
0x71: {  	[tilespmem:s14+$0x148F0] =	vst v1  }
0x72: {  	[tilespmem:s14+$0x14900] =	vst v1  }
0x73: {  	[tilespmem:s14+$0x14910] =	vst v1  }
0x74: {  	[tilespmem:s14+$0x14920] =	vst v1;
	s14 =	sshra.s32 s15, $0x2;
	s15 =	sadd.s32 $0x200, s15  }
0x75: {  	[tilespmem:s14+$0x14930] =	vst v1  }
0x76: {  	[tilespmem:s14+$0x148C0] =	vst v1  }
0x77: {  	[tilespmem:s14+$0x148D0] =	vst v1  }
0x78: {  	[tilespmem:s14+$0x148E0] =	vst v1  }
0x79: {  	[tilespmem:s14+$0x148F0] =	vst v1  }
0x7a: {  	[tilespmem:s14+$0x14900] =	vst v1  }
0x7b: {  	[tilespmem:s14+$0x14910] =	vst v1  }
0x7c: {  	[tilespmem:s14+$0x14920] =	vst v1  }
0x7d: {  	[spmem:s24] =	stream.linear.scatter [tilespmem:s25], [sflag:$0x5], $0x2800, $0x38;
	[tilespmem:$0x1C8C0] =	vst v63  }
0x7e: {  	_ =	swait.ge [sflag:s26], $0x2800  }
0x7f: {  	[sflag:s26] =	ssyncset.done $0x0  }
0x80: {  	s8 =	rddreg [dreg:$0x4];
	[sflag:s26] =	ssyncadd.s32 $0xFFFFD800  }
0x81: {  	[spmem:s8] =	stream.linear.scatter [tilespmem:s25], [sflag:$0x5], $0x2800, $0x38;
	[tilespmem:$0x1C8C0] =	vst v63  }
0x82: {  	_ =	swait.ge [sflag:s26], $0x2800  }
0x83: {  	[sflag:s26] =	ssyncset.done $0x0  }
0x84: {  	[sflag:s26] =	ssyncadd.s32 $0xFFFFD800  }
0x85: {  	[spmem:s10] =	stream.linear.scatter [tilespmem:s25], [sflag:$0x5], $0x2800, $0x38;
	[tilespmem:$0x1C8C0] =	vst v63  }
0x86: {  	_ =	swait.ge [sflag:s26], $0x2800  }
0x87: {  	[sflag:s26] =	ssyncset.done $0x0  }
0x88: {  	[sflag:s26] =	ssyncadd.s32 $0xFFFFD800  }
0x89: {  	[spmem:s19] =	stream.linear.scatter [tilespmem:s25], [sflag:$0x5], $0x2800, $0x38;
	[tilespmem:$0x1C8C0] =	vst v63  }
0x8a: {  	_ =	swait.ge [sflag:s26], $0x2800  }
0x8b: {  	[sflag:s26] =	ssyncset.done $0x0  }
0x8c: {  	[sflag:s26] =	ssyncadd.s32 $0xFFFFD800  }
0x8d: {  	[spmem:s20] =	stream.linear.scatter [tilespmem:s25], [sflag:$0x5], $0x2800, $0x38;
	[tilespmem:$0x1C8C0] =	vst v63  }
0x8e: {  	_ =	swait.ge [sflag:s26], $0x2800  }
0x8f: {  	[sflag:s26] =	ssyncset.done $0x0  }
0x90: {  	[sflag:s26] =	ssyncadd.s32 $0xFFFFD800  }
0x91: {  	[spmem:s21] =	stream.linear.scatter [tilespmem:s25], [sflag:$0x5], $0x2800, $0x38;
	[tilespmem:$0x1C8C0] =	vst v63  }
0x92: {  	_ =	swait.ge [sflag:s26], $0x2800  }
0x93: {  	[sflag:s26] =	ssyncset.done $0x0  }
0x94: {  	[sflag:s26] =	ssyncadd.s32 $0xFFFFD800  }
0x95: {  	[spmem:s22] =	stream.linear.scatter [tilespmem:s25], [sflag:$0x5], $0x2800, $0x38;
	[tilespmem:$0x1C8C0] =	vst v63  }
0x96: {  	_ =	swait.ge [sflag:s26], $0x2800  }
0x97: {  	[sflag:s26] =	ssyncset.done $0x0  }
0x98: {  	s14 =	simm.s32 @!p0 $0x148C0;
	[sflag:s26] =	ssyncadd.s32 $0xFFFFD800  }
0x99: {  	[spmem:s23] =	stream.linear.scatter @!p0 [tilespmem:s14], [sflag:$0x5], $0x2800, $0x38;
	[tilespmem:$0x1C8C0] =	vst v63  }
0x9a: {  	s14 =	simm.s32 @!p0 $0x5  }
.Ltmp3:
0x9b: {  	_ =	swait.ge @!p0 [sflag:s14], $0x2800;
	(pc) =	sbr.rel .LBB2_4-.Ltmp3, $4  }
0x9c: {  	[sflag:s14] =	ssyncset.done @!p0 $0x0  }
0x9d: {  	[sflag:s14] =	ssyncadd.s32 @!p0 $0xFFFFD800  }
0x9e: {  	s9 =	smov.u32 s24;
	[bflag:$0x0] =	sbarrier.arrive $0xFFFF  }
0x9f: {  	s16 =	simm.s32 $0x0;
	s14 =	simm.s32 $0x0;
	s24 =	rddreg [dreg:$0xd]  }
.LBB2_8:
0xa0: {  	s8 =	sadd.s32 $0x13A40, s18  }
0xa1: {  	[spmem:s1] =	stream.indirect.scatter.add.f32 [tilespmem:s30], [sflag:$0x4], $0x80, s8, s31, $0xb8;
	[tilespmem:$0x1C8C0] =	vst v63  }
.LBB2_10:
0xa2: {  	s16 =	sadd.s32 $0x1, s16  }
0xa3: {  	p1 =	sne.s32 s16, $0x5  }
.Ltmp4:
0xa4: {  	_ = 	snop;
	(pc) =	sbr.rel @!p1 .LBB2_11-.Ltmp4, $4  }
0xa5: {  	_ = 	snop  }
0xa6: {  	_ =	swait.ge [sflag:s11], $0x4000  }
0xa7: {  	[sflag:s11] =	ssyncset.done $0x0  }
0xa8: {  	s24 =	sadd.s32 $0x10000, s24;
	[sflag:s11] =	ssyncadd.s32 $0xFFFFC000  }
.LBB2_4:
0xa9: {  	s15 =	sshll.u32 s16, $0xC  }
0xaa: {  	s17 =	sadd.s32 s6, s15  }
0xab: {  	s15 =	sshrl.u32 s17, $0x3  }
0xac: {  	s15 =	sadd.s32 s5, s15  }
0xad: {  	[tilespmem:s28], [sflag:$0x5] =	stream.linear.gather [hbm4b:s15+s14], $0x1000, $0x38;
	[tilespmem:$0x1C8C0] =	vst v63  }
0xae: {  	_ =	swait.ge [sflag:s26], $0x1000  }
0xaf: {  	[sflag:s26] =	ssyncset.done $0x0  }
0xb0: {  	s18 =	simm.s32 $0x0;
	[sflag:s26] =	ssyncadd.s32 $0xFFFFF000  }
0xb1: {  	v3 =	vld [tilespmem:s18+$0x138C0]  }
0xb2: {  	v4 =	vld [tilespmem:s18+$0x138D0]  }
0xb3: {  	v6 =	vld [tilespmem:s18+$0x138E0]  }
0xb4: {  	v5 =	vld [tilespmem:s18+$0x138F0]  }
0xb5: {  	v2 =	vld [tilespmem:s18+$0x13900]  }
0xb6: {  	v7 =	vsub.s32 v3, v0;
	v3 =	vld [tilespmem:s18+$0x13910]  }
0xb7: {  	s15 =	simm.s32 $0x200;
	v8 =	vsub.s32 v4, v0;
	v4 =	vld [tilespmem:s18+$0x13920];
	v7 =	vmin.u32 v7, $0x2710  }
.LBB2_5:
0xb8: {  	s8 =	sshra.s32 s15, $0x2;
	p1 =	sne.s32 s15, $0x3E00;
	[tilespmem:s18+$0x138C0] =	vst v7;
	v7 =	vmin.u32 v8, $0x2710;
	v6 =	vsub.s32 v6, v0;
	v8 =	vld [tilespmem:s18+$0x13930]  }
0xb9: {  	v9 =	vld [tilespmem:s8+$0x138C0];
	[tilespmem:s18+$0x138D0] =	vst v7;
	v6 =	vmin.u32 v6, $0x2710;
	v5 =	vsub.s32 v5, v0  }
0xba: {  	v10 =	vld [tilespmem:s8+$0x138D0];
	[tilespmem:s18+$0x138E0] =	vst v6;
	v5 =	vmin.u32 v5, $0x2710;
	v2 =	vsub.s32 v2, v0  }
.Ltmp5:
0xbb: {  	v6 =	vld [tilespmem:s8+$0x138E0];
	[tilespmem:s18+$0x138F0] =	vst v5;
	v2 =	vmin.u32 v2, $0x2710;
	v3 =	vsub.s32 v3, v0;
	(pc) =	sbr.rel @p1 .LBB2_5-.Ltmp5, $4  }
0xbc: {  	v5 =	vld [tilespmem:s8+$0x138F0];
	[tilespmem:s18+$0x13900] =	vst v2;
	v3 =	vmin.u32 v3, $0x2710;
	v4 =	vsub.s32 v4, v0  }
0xbd: {  	v2 =	vld [tilespmem:s8+$0x13900];
	[tilespmem:s18+$0x13910] =	vst v3;
	v4 =	vmin.u32 v4, $0x2710;
	v7 =	vsub.s32 v8, v0  }
0xbe: {  	v8 =	vsub.s32 v9, v0;
	v3 =	vld [tilespmem:s8+$0x13910];
	[tilespmem:s18+$0x13920] =	vst v4;
	v9 =	vmin.u32 v7, $0x2710  }
0xbf: {  	s15 =	sadd.s32 $0x200, s15;
	v7 =	vmin.u32 v8, $0x2710;
	v8 =	vsub.s32 v10, v0;
	v4 =	vld [tilespmem:s8+$0x13920];
	[tilespmem:s18+$0x13930] =	vst v9;
	s18 =	smov.u32 s8  }
0xc0: {  	[tilespmem:s18+$0x138C0] =	vst v7;
	v62 =	vmin.u32 v8, $0x2710;
	v6 =	vsub.s32 v6, v0;
	v63 =	vld [tilespmem:s18+$0x13930]  }
0xc1: {  	[tilespmem:s18+$0x138D0] =	vst v62;
	v6 =	vmin.u32 v6, $0x2710;
	v5 =	vsub.s32 v5, v0  }
0xc2: {  	[tilespmem:s18+$0x138E0] =	vst v6;
	v5 =	vmin.u32 v5, $0x2710;
	v2 =	vsub.s32 v2, v0  }
0xc3: {  	[tilespmem:s18+$0x138F0] =	vst v5;
	v2 =	vmin.u32 v2, $0x2710;
	v3 =	vsub.s32 v3, v0  }
0xc4: {  	[tilespmem:s18+$0x13900] =	vst v2;
	v2 =	vmin.u32 v3, $0x2710;
	v3 =	vsub.s32 v4, v0  }
0xc5: {  	[tilespmem:s18+$0x13910] =	vst v2;
	v2 =	vmin.u32 v3, $0x2710;
	v3 =	vsub.s32 v63, v0  }
0xc6: {  	s8 =	sshll.u32 s17, $0x4;
	[tilespmem:s18+$0x13920] =	vst v2;
	v2 =	vmin.u32 v3, $0x2710  }
0xc7: {  	s15 =	simm.s32 $0x0;
	s8 =	sadd.s32 s4, s8;
	[tilespmem:s18+$0x13930] =	vst v2  }
0xc8: {  	[tilespmem:s25], [sflag:$0x1] =	stream.linear.gather [hbm4b:s8+s15], $0x4000, $0x38;
	[tilespmem:$0x1C8C0] =	vst v63  }
0xc9: {  	_ =	swait.ge [sflag:s29], $0x4000  }
0xca: {  	[sflag:s29] =	ssyncset.done $0x0  }
0xcb: {  	s18 =	sadd.s32 $0x800, s8;
	[sflag:s29] =	ssyncadd.s32 $0xFFFFC000  }
0xcc: {  	[tilespmem:s30], [sflag:$0x2] =	stream.linear.gather [hbm4b:s18+s15], $0x4000, $0x38;
	[tilespmem:$0x1C8C0] =	vst v63  }
0xcd: {  	_ = 	snop  }
0xce: {  	[spmem:s1] =	stream.indirect.scatter.add.f32 [tilespmem:s25], [sflag:$0x3], $0x80, s28, s31, $0xb8;
	[tilespmem:$0x1C8C0] =	vst v63  }
0xcf: {  	_ =	swait.ge [sflag:s0], $0x4000  }
0xd0: {  	[sflag:s0] =	ssyncset.done $0x0  }
0xd1: {  	[sflag:s0] =	ssyncadd.s32 $0xFFFFC000  }
0xd2: {  	_ =	swait.ge [sflag:s3], $0x4000  }
0xd3: {  	[sflag:s3] =	ssyncset.done $0x0  }
0xd4: {  	s8 =	sadd.s32 $0x1000, s8;
	[sflag:s3] =	ssyncadd.s32 $0xFFFFC000  }
0xd5: {  	[tilespmem:s25], [sflag:$0x1] =	stream.linear.gather [hbm4b:s8+s15], $0x4000, $0x38;
	[tilespmem:$0x1C8C0] =	vst v63  }
0xd6: {  	s17 =	smov.u32 s24  }
0xd7: {  	[spmem:s1] =	stream.indirect.scatter.add.f32 [tilespmem:s30], [sflag:$0x4], $0x80, s7, s31, $0xb8;
	[tilespmem:$0x1C8C0] =	vst v63  }
.LBB2_7:
0xd8: {  	_ =	swait.ge [sflag:s29], $0x4000  }
0xd9: {  	[sflag:s29] =	ssyncset.done $0x0  }
0xda: {  	[sflag:s29] =	ssyncadd.s32 $0xFFFFC000  }
0xdb: {  	_ =	swait.ge [sflag:s11], $0x4000  }
0xdc: {  	[sflag:s11] =	ssyncset.done $0x0  }
0xdd: {  	s8 =	sadd.s32 $0xFFFFF800, s17;
	s18 =	sshra.s32 s15, $0x2;
	[sflag:s11] =	ssyncadd.s32 $0xFFFFC000  }
0xde: {  	[tilespmem:s30], [sflag:$0x2] =	stream.linear.gather [hbm4b:s8+s2], $0x4000, $0x38;
	[tilespmem:$0x1C8C0] =	vst v63  }
0xdf: {  	s8 =	sadd.s32 $0x139C0, s18  }
0xe0: {  	[spmem:s1] =	stream.indirect.scatter.add.f32 [tilespmem:s25], [sflag:$0x3], $0x80, s8, s31, $0xb8;
	[tilespmem:$0x1C8C0] =	vst v63  }
0xe1: {  	p1 =	sne.s32 s15, $0x3800;
	_ =	swait.ge [sflag:s0], $0x4000  }
.Ltmp6:
0xe2: {  	[sflag:s0] =	ssyncset.done $0x0;
	(pc) =	sbr.rel @!p1 .LBB2_8-.Ltmp6, $4  }
0xe3: {  	[sflag:s0] =	ssyncadd.s32 $0xFFFFC000  }
0xe4: {  	_ =	swait.ge [sflag:s3], $0x4000  }
0xe5: {  	[sflag:s3] =	ssyncset.done $0x0  }
0xe6: {  	[sflag:s3] =	ssyncadd.s32 $0xFFFFC000  }
0xe7: {  	s15 =	sadd.s32 $0x400, s15  }
0xe8: {  	p1 =	sne.s32 s15, $0x3C00  }
.Ltmp7:
0xe9: {  	_ = 	snop;
	(pc) =	sbr.rel @p1 .LBB2_7-.Ltmp7, $4  }
.Ltmp8:
0xea: {  	_ = 	snop;
	(pc) =	sbr.rel @!p1 .LBB2_10-.Ltmp8, $4  }
0xeb: {  	[tilespmem:s25], [sflag:$0x1] =	stream.linear.gather [hbm4b:s17+s2], $0x4000, $0x38;
	[tilespmem:$0x1C8C0] =	vst v63  }
0xec: {  	s8 =	sadd.s32 $0x13A40, s18;
	s17 =	sadd.s32 $0x1000, s17  }
0xed: {  	[spmem:s1] =	stream.indirect.scatter.add.f32 [tilespmem:s30], [sflag:$0x4], $0x80, s8, s31, $0xb8;
	[tilespmem:$0x1C8C0] =	vst v63  }
0xee: {  	_ = 	snop  }
.LBB2_12:
0xef: {  	_ =	sfence.sel $0x180000  }
0xf0: {  	[bflag:$0x0] =	sbarrier.arrive $0xFFFF  }
0xf1: {  	_ =	strace $0x9000004A  }
0xf2: {  	s0 =	stileid.u32;
	[bflag:$0x2] =	sbarrier.arrive $0xFFFF  }
0xf3: {  	p0 =	sne.s32 s0, $0x0;
	s0 =	rddreg [dreg:$0x2]  }
0xf4: {  	s0 =	sadd.s32 @!p0 $0x100000, s0  }
0xf5: {  	[sflag:s0] =	ssyncadd.tile.s32 @!p0 $0x1;
	_ =	shalt  }
.Lfunc_end2:
_tile_overlayer_lowered:
.L_overlay_start_2:
0xf6: {  	(tag) =	ssettag $0x2  }
0xf7: {  	s0 =	rddreg [dreg:$0x0];
	s2 =	stileid.u32  }
0xf8: {  	s1 =	rddreg [dreg:$0x1];
	p0 =	sne.s32 s2, $0x0  }
0xf9: {  	s3 =	rddreg [dreg:$0x2];
	[bflag:$0x3] =	sbarrier.arrive $0xFFFF;
	s2 =	simm.s32 @!p0 $0x1C05  }
0xfa: {  	[timem:s3], [sflag:s2] =	dma.local @!p0 [hbm:s0], s1  }
0xfb: {  	s0 =	simm.s32 @!p0 $0x5  }
0xfc: {  	_ =	swait.ge @!p0 [sflag:s0], s1  }
0xfd: {  	s1 =	ssub.s32 @!p0 $0x0, s1;
	[sflag:s0] =	ssyncset.done @!p0 $0x0  }
0xfe: {  	[sflag:s0] =	ssyncadd.s32 @!p0 s1  }
0xff: {  	[bflag:$0x3] =	sbarrier.arrive $0xFFFF  }
0x100: {  	_ =	shalt  }

// kernel: kernel.17.cloned.1.call-start
scs
__scs_entry_jumppad:
0x0: {  	(pc) =	sbr.rel $0x88, $3  }
0x1: {  	(tag) =	ssettag $0x0;
	lr =	simm.s32 $0x1  }
0x2: {  	[smem:$0x3F93] =	sst lr;
	_ =	strace $0xD0000000  }
0x3: {  	_ = 	snop  }
0x4: {  	_ = 	snop  }
0x5: {  	_ = 	snop  }
0x6: {  	_ = 	snop  }
0x7: {  	_ = 	snop  }
__scs_overlays_trampoline_lowered:
0x8: {  	[smem:$0x3FA2] =	sst s0  }
0x9: {  	[smem:$0x3FA3] =	sst s1  }
0xa: {  	[smem:$0x3FA4] =	sst s2  }
0xb: {  	[smem:$0x3FA5] =	sst s3  }
0xc: {  	[smem:$0x3FA6] =	sst s4  }
0xd: {  	[smem:$0x3FA7] =	sst s5  }
0xe: {  	[smem:$0x3FA8] =	sst s6  }
0xf: {  	[smem:$0x3FA9] =	sst s7  }
0x10: {  	[smem:$0x3FAA] =	sst s8  }
0x11: {  	[smem:$0x3FAB] =	sst s9;
	s0 =	simm.s32 @!p0 $0x0  }
0x12: {  	s1 =	sld [smem:$0x3F91];
	s0 =	simm.s32 @p0 $0x1  }
0x13: {  	[smem:$0x3FAC] =	sst s0;
	s0 =	simm.s32 @!p1 $0x0  }
0x14: {  	s2 =	sld [smem:$0x3F90];
	s0 =	simm.s32 @p1 $0x1  }
0x15: {  	[smem:$0x3FAD] =	sst s0;
	s0 =	simm.s32 @!p2 $0x0  }
0x16: {  	s3 =	sld [smem:$0x3FDB];
	s0 =	simm.s32 @p2 $0x1  }
0x17: {  	s4 =	simm.s32 $0x1BF5;
	[smem:$0x3FAF] =	sst s0  }
0x18: {  	s0 =	sld [smem:$0x3F92];
	_ =	swait.ge [sflag:s4], $0x0  }
0x19: {  	s7 =	sld [smem:$0x3F93]  }
0x1a: {  	s8 =	sadd.s32 $0xFFFFE003, lr  }
0x1b: {  	s9 =	sadd.s32 $0xFFFFFEF7, lr;
	s5 =	simm.s32 $0xFFFFFFFF;
	p2 =	slt.u32 s8, $0xFFFFF086  }
0x1c: {  	p1 =	slt.u32 s9, $0xF7A;
	s5 =	simm.s32 @!p2 $0x0  }
0x1d: {  	s5 =	simm.s32 @p1 $0x1;
	p0 =	seq.s32 s7, s2  }
0x1e: {  	s7 =	smul.u32 @!p0 $0xF7A, s2;
	p2 =	seq.s32 @!p0 s5, $0x0  }
0x1f: {  	s9 =	smul.u32 $0xF7A, s1;
	s8 =	simm.s32 @!p0 $0x1BF5;
	p2 =	por !p2, p0  }
0x20: {  	[sflag:s8] =	ssyncset.s32 @!p0 $0xFFFFF086;
	s6 =	sadd.s32 @!p0 s3, s7;
	s7 =	simm.s32 @!p0 $0x108  }
0x21: {  	s3 =	sadd.s32 s3, s9;
	s6 =	sadd.s32 @!p0 $0x88, s6;
	s7 =	simm.s32 @p2 $0x1082  }
0x22: {  	[simem:s7], [sflag:s8] =	dma.local @!p0 [hbm:s6], $0xF7A  }
0x23: {  	s9 =	sor.u32 $0xD0000000, s2;
	s6 =	simm.s32 $0x108;
	_ =	swait.ge @!p0 [sflag:s8], $0x0  }
0x24: {  	s3 =	sadd.s32 $0x88, s3;
	s6 =	simm.s32 @!p1 $0x1082;
	[sflag:s4] =	ssyncset.s32 $0xFFFFF086  }
0x25: {  	[simem:s6], [sflag:s4] =	dma.local [hbm:s3], $0xF7A  }
0x26: {  	[smem:$0x3F93] =	sst s1;
	(tag) =	ssettag s2;
	_ =	strace s9  }
0x27: {  	s1 =	sld [smem:$0x3FA3]  }
0x28: {  	s2 =	sld [smem:$0x3FA4]  }
0x29: {  	s4 =	sld [smem:$0x3FA6]  }
0x2a: {  	p0 =	seq.s32 s5, $0x0;
	s5 =	sld [smem:$0x3FA7]  }
0x2b: {  	s6 =	sld [smem:$0x3FA8]  }
0x2c: {  	s7 =	sld [smem:$0x3FA9]  }
0x2d: {  	s3 =	simm.s32 $0x108;
	s8 =	sld [smem:$0x3FAA]  }
0x2e: {  	s3 =	simm.s32 @!p0 $0x1082;
	s9 =	sld [smem:$0x3FAB]  }
0x2f: {  	lr =	sadd.s32 s0, s3;
	s0 =	sld [smem:$0x3FA2]  }
0x30: {  	s3 =	sld [smem:$0x3FA5]  }
0x31: {  	[smem:$0x3FAE] =	sst s10  }
0x32: {  	s10 =	sld [smem:$0x3FAC];
	_ =	sdelay $0x3  }
0x33: {  	p0 =	seq.s32 s10, $0x1;
	s10 =	sld [smem:$0x3FAE];
	_ =	sdelay $0x3  }
0x34: {  	[smem:$0x3FAE] =	sst s10  }
0x35: {  	s10 =	sld [smem:$0x3FAD];
	_ =	sdelay $0x3  }
0x36: {  	p1 =	seq.s32 s10, $0x1;
	s10 =	sld [smem:$0x3FAE];
	_ =	sdelay $0x3  }
0x37: {  	[smem:$0x3FAE] =	sst s10  }
0x38: {  	s10 =	sld [smem:$0x3FAF]  }
0x39: {  	_ = 	snop;
	(pc) =	sbr.ind lr, $3  }
0x3a: {  	_ = 	snop  }
0x3b: {  	_ = 	snop  }
0x3c: {  	p2 =	seq.s32 s10, $0x1;
	s10 =	sld [smem:$0x3FAE]  }
0x3d: {  	_ =	shalt  }
0x3e: {  	_ =	shalt  }
0x3f: {  	_ =	shalt  }
0x40: {  	_ =	shalt  }
0x41: {  	_ =	shalt  }
0x42: {  	_ =	shalt  }
0x43: {  	_ =	shalt  }
0x44: {  	_ =	shalt  }
0x45: {  	_ =	shalt  }
0x46: {  	_ =	shalt  }
0x47: {  	_ =	shalt  }
0x48: {  	_ =	shalt  }
0x49: {  	_ =	shalt  }
0x4a: {  	_ =	shalt  }
0x4b: {  	_ =	shalt  }
0x4c: {  	_ =	shalt  }
0x4d: {  	_ =	shalt  }
0x4e: {  	_ =	shalt  }
0x4f: {  	_ =	shalt  }
0x50: {  	_ =	shalt  }
0x51: {  	_ =	shalt  }
0x52: {  	_ =	shalt  }
0x53: {  	_ =	shalt  }
0x54: {  	_ =	shalt  }
0x55: {  	_ =	shalt  }
0x56: {  	_ =	shalt  }
0x57: {  	_ =	shalt  }
0x58: {  	_ =	shalt  }
0x59: {  	_ =	shalt  }
0x5a: {  	_ =	shalt  }
0x5b: {  	_ =	shalt  }
0x5c: {  	_ =	shalt  }
0x5d: {  	_ =	shalt  }
0x5e: {  	_ =	shalt  }
0x5f: {  	_ =	shalt  }
0x60: {  	_ =	shalt  }
0x61: {  	_ =	shalt  }
0x62: {  	_ =	shalt  }
0x63: {  	_ =	shalt  }
0x64: {  	_ =	shalt  }
0x65: {  	_ =	shalt  }
0x66: {  	_ =	shalt  }
0x67: {  	_ =	shalt  }
0x68: {  	_ =	shalt  }
0x69: {  	_ =	shalt  }
0x6a: {  	_ =	shalt  }
0x6b: {  	_ =	shalt  }
0x6c: {  	_ =	shalt  }
0x6d: {  	_ =	shalt  }
0x6e: {  	_ =	shalt  }
0x6f: {  	_ =	shalt  }
0x70: {  	_ =	shalt  }
0x71: {  	_ =	shalt  }
0x72: {  	_ =	shalt  }
0x73: {  	_ =	shalt  }
0x74: {  	_ =	shalt  }
0x75: {  	_ =	shalt  }
0x76: {  	_ =	shalt  }
0x77: {  	_ =	shalt  }
0x78: {  	_ =	shalt  }
0x79: {  	_ =	shalt  }
0x7a: {  	_ =	shalt  }
0x7b: {  	_ =	shalt  }
0x7c: {  	_ =	shalt  }
0x7d: {  	_ =	shalt  }
0x7e: {  	_ =	shalt  }
0x7f: {  	_ =	shalt  }
0x80: {  	_ =	shalt  }
0x81: {  	_ =	shalt  }
0x82: {  	_ =	shalt  }
0x83: {  	_ =	shalt  }
0x84: {  	_ =	shalt  }
0x85: {  	_ =	shalt  }
0x86: {  	_ =	shalt  }
0x87: {  	_ =	shalt  }
.Lfunc_end0:
.L_simem_size_0:
called_computation.2_lowered:
.L_overlay_start_0:
0x88: {  	s2 =	sld [smem:$0x3FD9]  }
0x89: {  	s3 =	sld [smem:$0x3FFE];
	_ =	sdelay $0x1  }
0x8a: {  	s1 =	srdreg.scid  }
0x8b: {  	s0 =	sand.u32 $0x1, s1  }
0x8c: {  	s17 =	sshll.u32 s0, $0xA;
	s2 =	sadd.s32 s3, s2  }
0x8d: {  	s2 =	sadd.s32 s2, s17  }
0x8e: {  	[smem:$0x3FBA] =	sst s2  }
0x8f: {  	_ = 	snop  }
0x90: {  	s18 =	sld [smem:$0x3FC8];
	(tm) =	ssettm $0x1  }
0x91: {  	s19 =	sld [smem:$0x3FFB];
	_ =	sdelay $0x3  }
0x92: {  	_ =	strace s19  }
0x93: {  	s2 =	sld [smem:$0x3FFC];
	_ =	sdelay $0x3  }
0x94: {  	_ =	strace s2  }
0x95: {  	s2 =	sld [smem:$0x3FFD];
	_ =	sdelay $0x3  }
0x96: {  	_ =	strace s2  }
0x97: {  	_ =	strace $0x8FFFFFFF  }
0x98: {  	s20 =	sld [smem:$0x3FDB];
	_ =	sdelay $0x1  }
0x99: {  	s4 =	simm.s32 $_scs_section_size  }
0x9a: {  	s5 =	simm.s32 $_size__tile_overlayer_lowered;
	s6 =	simm.s32 $_tile_overlayer_lowered  }
0x9b: {  	s7 =	simm.s32 $0x1BFF;
	s21 =	sshll.u32 s6, $0x1;
	s4 =	sadd.s32 s4, s20  }
0x9c: {  	s22 =	simm.s32 $0x0;
	s5 =	sshll.u32 s5, $0x1;
	s6 =	sadd.s32 s21, s4  }
0x9d: {  	[timem:s22], [sflag:s7] =	dma.local [hbm:s6], s5  }
0x9e: {  	_ =	swait.ge [sflag:s7], s5  }
0x9f: {  	s5 =	ssub.s32 $0x0, s5;
	[sflag:s7] =	ssyncset.done $0x0  }
0xa0: {  	[sflag:s7] =	ssyncadd.s32 s5;
	_ =	sdelay $0x1  }
0xa1: {  	s23 =	simm.s32 $0x1B8B  }
0xa2: {  	_ =	swait.ge [sflag:s23], $0x1  }
0xa3: {  	[sflag:s23] =	ssyncset.done $0x0  }
0xa4: {  	[sflag:s23] =	ssyncadd.s32 $0xFFFFFFFF  }
0xa5: {  	s5 =	sld [smem:$0x0]  }
0xa6: {  	s6 =	sand.u32 $0xFFFFFFFE, s1  }
0xa7: {  	p0 =	sne.s32 s1, s6  }
0xa8: {  	s6 =	sshll.u32 @p0 s6, $0xE  }
0xa9: {  	s6 =	sadd.s32 @p0 $0x11B8D, s6;
	s7 =	sshll.u32 @p0 s5, $0x11  }
0xaa: {  	s6 =	sor.u32 @p0 s7, s6  }
0xab: {  	[sflag:s6] =	ssyncadd.remote.s32 @p0 $0x1;
	_ =	sdelay $0x1  }
0xac: {  	s6 =	simm.s32 @p0 $0x1B8D  }
0xad: {  	_ =	swait.eq @p0 [sflag:s6], $0x1  }
0xae: {  	[sflag:s6] =	ssyncadd.s32 @p0 $0xFFFFFFFF  }
0xaf: {  	s7 =	sshll.u32 @!p0 s1, $0xE  }
0xb0: {  	s7 =	sor.u32 @!p0 $0x4000, s7;
	s6 =	simm.s32 @!p0 $0x1B8D  }
0xb1: {  	s5 =	sshll.u32 @!p0 s5, $0x11;
	s7 =	sadd.s32 @!p0 $0x11B8D, s7;
	_ =	swait.eq @!p0 [sflag:s6], $0x1  }
0xb2: {  	s5 =	sor.u32 @!p0 s5, s7;
	[sflag:s6] =	ssyncadd.s32 @!p0 $0xFFFFFFFF  }
0xb3: {  	s25 =	simm.s32 $0x1B8E;
	s24 =	sld [smem:$0x3FFE];
	[sflag:s5] =	ssyncadd.remote.s32 @!p0 $0x1  }
0xb4: {  	s26 =	simm.s32 $execute0_lowered;
	[smem:$0x3FD2] =	sst s25  }
0xb5: {  	s6 =	sshll.u32 s26, $0x1;
	_ =	strace $0x8000004C;
	[dreg:$0x1] =	wrdreg $0xFFFFFFFF  }
0xb6: {  	s28 =	simm.s32 $_size_execute0_lowered;
	s4 =	sadd.s32 s4, s6;
	[dreg:$0x0] =	wrdreg $0x0  }
0xb7: {  	s6 =	sshll.u32 s28, $0x1;
	[dreg:$0x2] =	wrdreg s4  }
0xb8: {  	[dreg:$0x3] =	wrdreg s6  }
0xb9: {  	[dreg:$0x4] =	wrdreg $0xC0  }
0xba: {  	_ =	task [dreg:s22], $0x5FFFF  }
0xbb: {  	[dreg:$0x1] =	wrdreg $0xFFFFFFFF  }
0xbc: {  	[dreg:$0x0] =	wrdreg $0x60  }
0xbd: {  	[dreg:$0x2] =	wrdreg s18  }
0xbe: {  	[dreg:$0x3] =	wrdreg s24  }
0xbf: {  	[dreg:$0x4] =	wrdreg $0x9  }
0xc0: {  	_ =	task.clear_ibuf [dreg:s22], $0x5FFFF;
	_ =	strace $0x9000004C  }
0xc1: {  	s29 =	simm.s32 $0x9;
	_ =	strace $0x8000004E  }
0xc2: {  	_ =	swait.ge [sflag:s29], $0x1  }
0xc3: {  	[sflag:s29] =	ssyncadd.s32 $0xFFFFFFFF  }
0xc4: {  	_ =	strace $0x9000004E  }
0xc5: {  	_ =	sfence  }
0xc6: {  	s30 =	sld [smem:$0x0];
	_ =	sdelay $0x2  }
0xc7: {  	s31 =	sshll.u32 s1, $0xD;
	s1 =	sshrl.u32 s1, $0x2  }
0xc8: {  	s4 =	sand.u32 $0x4000, s31;
	s1 =	sadd.s32 s1, s30  }
0xc9: {  	s0 =	sor.u32 s4, s0;
	s1 =	sshll.u32 s1, $0x11  }
0xca: {  	s0 =	sor.u32 s1, s0  }
0xcb: {  	s0 =	sadd.s32 $0x8F2B, s0  }
0xcc: {  	[sflag:s0] =	ssyncadd.remote.s32 $0x1  }
0xcd: {  	_ =	sfence.sel $0xFFFF  }
0xce: {  	[dreg:$0x0] =	wrdreg $0xFFFFFFFF;
	(pc) =	sbr.abs _section_cstart, $3  }
0xcf: {  	[dreg:$0x1] =	wrdreg $0xFFFFFFFF  }
0xd0: {  	_ =	task.clear_ibuf [dreg:s22], $0x2FFFF;
	_ =	strace $0x9FFFFFFF  }
0xd1: {  	(tm) =	ssettm $0x7FFFFFFF  }
tec
execute0_lowered:
.L_overlay_start_1:
0x0: {  	(tag) =	ssettag $0x1  }
0x1: {  	s2 =	rddreg [dreg:$0x0]  }
0x2: {  	s5 =	rddreg [dreg:$0x1]  }
0x3: {  	s0 =	srdreg.scid;
	s1 =	rddreg [dreg:$0x2]  }
0x4: {  	s3 =	simm.s32 $0x0;
	s15 =	simm.s32 $0x1;
	s16 =	simm.s32 $0x6800  }
0x5: {  	s17 =	simm.s32 $0x2;
	s18 =	simm.s32 $0x3;
	s7 =	sand.u32 $0x1, s0  }
0x6: {  	s19 =	simm.s32 $0x100;
	s0 =	stileid.u32;
	s4 =	smul.u32 $0x28000, s7  }
0x7: {  	s20 =	simm.s32 $0x4;
	s21 =	simm.s32 $0x2780;
	s6 =	smul.u32 $0x2800, s0  }
0x8: {  	s22 =	simm.s32 $0x0;
	[smem:$0x7FF] =	sst s3;
	s12 =	smul.u32 $0x1400000, s7  }
0x9: {  	s11 =	sadd.s32 $0x56E600, s5;
	s8 =	sshll.u32 s7, $0x4;
	s28 =	smul.u32 $0x140000, s0  }
0xa: {  	_ =	strace $0x8000004D;
	s9 =	ssub.s32 $0x2, s7;
	s30 =	smul.u32 $0x280000, s7  }
0xb: {  	s13 =	smul.u32 $0x28000, s0;
	s24 =	sor.u32 s0, s8;
	s25 =	sshrl.u32 s9, $0x1  }
0xc: {  	s4 =	sadd.s32 s6, s4;
	s8 =	smul.u32 $0x140000, s24;
	s14 =	sadd.s32 s30, s11  }
0xd: {  	s10 =	smul.u32 $0x28000, s24;
	s4 =	sshrl.u32 s4, $0x3;
	s31 =	sadd.s32 s13, s14  }
0xe: {  	s13 =	simm.s32 $0x80;
	s14 =	simm.s32 $0x2800;
	s4 =	sadd.s32 s4, s5  }
0xf: {  	s5 =	ssub.s32 s9, s25;
	s26 =	sshrl.u32 s8, $0x3;
	s29 =	sadd.s32 s11, s10  }
0x10: {  	s8 =	sadd.s32 s28, s12;
	s4 =	sadd.s32 $0xC400, s4;
	s5 =	smax.u32 s5, $0x1  }
0x11: {  	s6 =	sadd.s32 s11, s26;
	s7 =	sadd.s32 $0x800, s29;
	s12 =	sor.u32 $0x8000, s8  }
0x12: {  	s9 =	sadd.s32 $0x27800, s29;
	s8 =	sadd.s32 $0x27000, s6;
	s12 =	sshrl.u32 s12, $0x3  }
0x13: {  	s10 =	sadd.s32 s12, s11;
	s11 =	sadd.s32 $0x1800, s31;
	s12 =	simm.s32 $0x5  }
.LBB2_1:
0x14: {  	[tilespmem:s3], [sflag:$0x5] =	stream.linear.gather [hbm4b:s4+s3], $0x2800, $0x38;
	[tilespmem:$0xA800] =	vst v63  }
0x15: {  	_ =	swait.ge [sflag:s12], $0x2800  }
0x16: {  	[sflag:s12] =	ssyncset.done $0x0  }
0x17: {  	[sflag:s12] =	ssyncadd.s32 $0xFFFFD800  }
0x18: {  	[tilespmem:s14], [sflag:$0x1] =	stream.indirect.gather [hbm4b:s2+s13], $0x80, s3, s13, $0xb8;
	[tilespmem:$0xA800] =	vst v63  }
0x19: {  	_ =	swait.ge [sflag:s15], $0x4000  }
0x1a: {  	[sflag:s15] =	ssyncset.done $0x0  }
0x1b: {  	[sflag:s15] =	ssyncadd.s32 $0xFFFFC000  }
0x1c: {  	[tilespmem:s16], [sflag:$0x2] =	stream.indirect.gather [hbm4b:s2+s13], $0x80, s13, s13, $0xb8;
	[tilespmem:$0xA800] =	vst v63  }
0x1d: {  	_ = 	snop  }
0x1e: {  	[hbm4b:s6+s3] =	stream.linear.scatter [tilespmem:s14], [sflag:$0x3], $0x4000, $0x38;
	[tilespmem:$0xA800] =	vst v63  }
0x1f: {  	_ =	swait.ge [sflag:s17], $0x4000  }
0x20: {  	[sflag:s17] =	ssyncset.done $0x0  }
0x21: {  	[sflag:s17] =	ssyncadd.s32 $0xFFFFC000  }
0x22: {  	_ =	swait.ge [sflag:s18], $0x4000  }
0x23: {  	[sflag:s18] =	ssyncset.done $0x0  }
0x24: {  	[sflag:s18] =	ssyncadd.s32 $0xFFFFC000  }
0x25: {  	[tilespmem:s14], [sflag:$0x1] =	stream.indirect.gather [hbm4b:s2+s13], $0x80, s19, s13, $0xb8;
	[tilespmem:$0xA800] =	vst v63  }
0x26: {  	_ = 	snop  }
0x27: {  	[hbm4b:s7+s3] =	stream.linear.scatter [tilespmem:s16], [sflag:$0x4], $0x4000, $0x38;
	[tilespmem:$0xA800] =	vst v63  }
0x28: {  	_ =	swait.ge [sflag:s15], $0x4000  }
0x29: {  	[sflag:s15] =	ssyncset.done $0x0  }
0x2a: {  	[sflag:s15] =	ssyncadd.s32 $0xFFFFC000  }
0x2b: {  	_ =	swait.ge [sflag:s20], $0x4000  }
0x2c: {  	[sflag:s20] =	ssyncset.done $0x0  }
0x2d: {  	s23 =	simm.s32 $0x180;
	[sflag:s20] =	ssyncadd.s32 $0xFFFFC000  }
0x2e: {  	[tilespmem:s16], [sflag:$0x2] =	stream.indirect.gather [hbm4b:s2+s13], $0x80, s23, s13, $0xb8;
	[tilespmem:$0xA800] =	vst v63  }
0x2f: {  	s30 =	sadd.s32 $0x0, s10  }
0x30: {  	[hbm4b:s30+s3] =	stream.linear.scatter [tilespmem:s14], [sflag:$0x3], $0x4000, $0x38;
	[tilespmem:$0xA800] =	vst v63  }
0x31: {  	_ =	swait.ge [sflag:s17], $0x4000  }
0x32: {  	[sflag:s17] =	ssyncset.done $0x0  }
0x33: {  	[sflag:s17] =	ssyncadd.s32 $0xFFFFC000  }
0x34: {  	_ =	swait.ge [sflag:s18], $0x4000  }
0x35: {  	s31 =	simm.s32 $0x200;
	s25 =	sadd.s32 $0x0, s11;
	[sflag:s18] =	ssyncset.done $0x0  }
0x36: {  	s24 =	simm.s32 $0x300;
	s23 =	simm.s32 $0x1000;
	[sflag:s18] =	ssyncadd.s32 $0xFFFFC000  }
0x37: {  	[tilespmem:s14], [sflag:$0x1] =	stream.indirect.gather [hbm4b:s2+s13], $0x80, s31, s13, $0xb8;
	[tilespmem:$0xA800] =	vst v63  }
.LBB2_2:
0x38: {  	[hbm4b:s25+s3] =	stream.linear.scatter [tilespmem:s16], [sflag:$0x4], $0x4000, $0x38;
	[tilespmem:$0xA800] =	vst v63  }
0x39: {  	s25 =	smov.u32 s23  }
0x3a: {  	p0 =	sne.s32 s23, $0x25000;
	s23 =	sadd.s32 $0x1000, s23;
	_ =	swait.ge [sflag:s15], $0x4000  }
0x3b: {  	[sflag:s15] =	ssyncset.done $0x0  }
0x3c: {  	[sflag:s15] =	ssyncadd.s32 $0xFFFFC000  }
0x3d: {  	_ =	swait.ge [sflag:s20], $0x4000  }
0x3e: {  	[sflag:s20] =	ssyncset.done $0x0  }
0x3f: {  	s26 =	sadd.s32 $0xFFFFFF80, s24;
	[sflag:s20] =	ssyncadd.s32 $0xFFFFC000  }
0x40: {  	[tilespmem:s16], [sflag:$0x2] =	stream.indirect.gather [hbm4b:s2+s13], $0x80, s26, s13, $0xb8;
	[tilespmem:$0xA800] =	vst v63  }
0x41: {  	s26 =	sadd.s32 s25, s10  }
0x42: {  	[hbm4b:s26+s3] =	stream.linear.scatter [tilespmem:s14], [sflag:$0x3], $0x4000, $0x38;
	[tilespmem:$0xA800] =	vst v63  }
0x43: {  	_ =	swait.ge [sflag:s17], $0x4000  }
0x44: {  	[sflag:s17] =	ssyncset.done $0x0  }
0x45: {  	[sflag:s17] =	ssyncadd.s32 $0xFFFFC000  }
.Ltmp0:
0x46: {  	_ =	swait.ge [sflag:s18], $0x4000;
	(pc) =	sbr.rel @p0 .LBB2_2-.Ltmp0, $4  }
0x47: {  	[sflag:s18] =	ssyncset.done $0x0  }
0x48: {  	[sflag:s18] =	ssyncadd.s32 $0xFFFFC000  }
0x49: {  	[tilespmem:s14], [sflag:$0x1] =	stream.indirect.gather [hbm4b:s2+s13], $0x80, s24, s13, $0xb8;
	[tilespmem:$0xA800] =	vst v63  }
0x4a: {  	s25 =	sadd.s32 s25, s11;
	s24 =	sadd.s32 $0x100, s24  }
0x4b: {  	[hbm4b:s25+s3] =	stream.linear.scatter [tilespmem:s16], [sflag:$0x4], $0x4000, $0x38;
	[tilespmem:$0xA800] =	vst v63  }
0x4c: {  	_ =	swait.ge [sflag:s15], $0x4000  }
0x4d: {  	[sflag:s15] =	ssyncset.done $0x0  }
0x4e: {  	[sflag:s15] =	ssyncadd.s32 $0xFFFFC000  }
0x4f: {  	_ =	swait.ge [sflag:s20], $0x4000  }
0x50: {  	[sflag:s20] =	ssyncset.done $0x0  }
0x51: {  	[sflag:s20] =	ssyncadd.s32 $0xFFFFC000  }
0x52: {  	[tilespmem:s16], [sflag:$0x2] =	stream.indirect.gather [hbm4b:s2+s13], $0x80, s21, s13, $0xb8;
	[tilespmem:$0xA800] =	vst v63  }
0x53: {  	_ = 	snop  }
0x54: {  	[hbm4b:s8+s3] =	stream.linear.scatter [tilespmem:s14], [sflag:$0x3], $0x4000, $0x38;
	[tilespmem:$0xA800] =	vst v63  }
0x55: {  	_ =	swait.ge [sflag:s17], $0x4000  }
0x56: {  	[sflag:s17] =	ssyncset.done $0x0  }
0x57: {  	[sflag:s17] =	ssyncadd.s32 $0xFFFFC000  }
0x58: {  	s22 =	sadd.s32 $0x1, s22;
	_ =	swait.ge [sflag:s18], $0x4000  }
0x59: {  	p0 =	sne.s32 s22, s5;
	[sflag:s18] =	ssyncset.done $0x0  }
.Ltmp1:
0x5a: {  	[sflag:s18] =	ssyncadd.s32 $0xFFFFC000;
	(pc) =	sbr.rel @p0 .LBB2_1-.Ltmp1, $4  }
0x5b: {  	[hbm4b:s9+s3] =	stream.linear.scatter [tilespmem:s16], [sflag:$0x4], $0x4000, $0x38;
	[tilespmem:$0xA800] =	vst v63  }
0x5c: {  	_ =	swait.ge [sflag:s20], $0x4000  }
0x5d: {  	[sflag:s20] =	ssyncset.done $0x0  }
0x5e: {  	[sflag:s20] =	ssyncadd.s32 $0xFFFFC000  }
0x5f: {  	_ =	sfence.sel $0x180000  }
0x60: {  	[bflag:$0x0] =	sbarrier.arrive $0xFFFF  }
0x61: {  	p0 =	sne.s32 s0, $0x0;
	_ =	strace $0x9000004D  }
0x62: {  	s0 =	sadd.s32 @!p0 $0x100000, s1;
	[bflag:$0x2] =	sbarrier.arrive $0xFFFF  }
0x63: {  	[sflag:s0] =	ssyncadd.tile.s32 @!p0 $0x1;
	_ =	shalt  }
.Lfunc_end2:
_tile_overlayer_lowered:
.L_overlay_start_2:
0x64: {  	(tag) =	ssettag $0x2  }
0x65: {  	s0 =	rddreg [dreg:$0x0];
	s2 =	stileid.u32  }
0x66: {  	s1 =	rddreg [dreg:$0x1];
	p0 =	sne.s32 s2, $0x0  }
0x67: {  	s3 =	rddreg [dreg:$0x2];
	[bflag:$0x3] =	sbarrier.arrive $0xFFFF;
	s2 =	simm.s32 @!p0 $0x1C05  }
0x68: {  	[timem:s3], [sflag:s2] =	dma.local @!p0 [hbm:s0], s1  }
0x69: {  	s0 =	simm.s32 @!p0 $0x5  }
0x6a: {  	_ =	swait.ge @!p0 [sflag:s0], s1  }
0x6b: {  	s1 =	ssub.s32 @!p0 $0x0, s1;
	[sflag:s0] =	ssyncset.done @!p0 $0x0  }
0x6c: {  	[sflag:s0] =	ssyncadd.s32 @!p0 s1  }
0x6d: {  	[bflag:$0x3] =	sbarrier.arrive $0xFFFF  }
0x6e: {  	_ =	shalt  }

// kernel: kernel.20.cloned.1.call-start
scs
__scs_entry_jumppad:
0x0: {  	(pc) =	sbr.rel $0x88, $3  }
0x1: {  	(tag) =	ssettag $0x0;
	lr =	simm.s32 $0x1  }
0x2: {  	[smem:$0x3F93] =	sst lr;
	_ =	strace $0xD0000000  }
0x3: {  	_ = 	snop  }
0x4: {  	_ = 	snop  }
0x5: {  	_ = 	snop  }
0x6: {  	_ = 	snop  }
0x7: {  	_ = 	snop  }
__scs_overlays_trampoline_lowered:
0x8: {  	[smem:$0x3FA2] =	sst s0  }
0x9: {  	[smem:$0x3FA3] =	sst s1  }
0xa: {  	[smem:$0x3FA4] =	sst s2  }
0xb: {  	[smem:$0x3FA5] =	sst s3  }
0xc: {  	[smem:$0x3FA6] =	sst s4  }
0xd: {  	[smem:$0x3FA7] =	sst s5  }
0xe: {  	[smem:$0x3FA8] =	sst s6  }
0xf: {  	[smem:$0x3FA9] =	sst s7  }
0x10: {  	[smem:$0x3FAA] =	sst s8  }
0x11: {  	[smem:$0x3FAB] =	sst s9;
	s0 =	simm.s32 @!p0 $0x0  }
0x12: {  	s1 =	sld [smem:$0x3F91];
	s0 =	simm.s32 @p0 $0x1  }
0x13: {  	[smem:$0x3FAC] =	sst s0;
	s0 =	simm.s32 @!p1 $0x0  }
0x14: {  	s2 =	sld [smem:$0x3F90];
	s0 =	simm.s32 @p1 $0x1  }
0x15: {  	[smem:$0x3FAD] =	sst s0;
	s0 =	simm.s32 @!p2 $0x0  }
0x16: {  	s3 =	sld [smem:$0x3FDB];
	s0 =	simm.s32 @p2 $0x1  }
0x17: {  	s4 =	simm.s32 $0x1BF5;
	[smem:$0x3FAF] =	sst s0  }
0x18: {  	s0 =	sld [smem:$0x3F92];
	_ =	swait.ge [sflag:s4], $0x0  }
0x19: {  	s7 =	sld [smem:$0x3F93]  }
0x1a: {  	s8 =	sadd.s32 $0xFFFFE003, lr  }
0x1b: {  	s9 =	sadd.s32 $0xFFFFFEF7, lr;
	s5 =	simm.s32 $0xFFFFFFFF;
	p2 =	slt.u32 s8, $0xFFFFF086  }
0x1c: {  	p1 =	slt.u32 s9, $0xF7A;
	s5 =	simm.s32 @!p2 $0x0  }
0x1d: {  	s5 =	simm.s32 @p1 $0x1;
	p0 =	seq.s32 s7, s2  }
0x1e: {  	s7 =	smul.u32 @!p0 $0xF7A, s2;
	p2 =	seq.s32 @!p0 s5, $0x0  }
0x1f: {  	s9 =	smul.u32 $0xF7A, s1;
	s8 =	simm.s32 @!p0 $0x1BF5;
	p2 =	por !p2, p0  }
0x20: {  	[sflag:s8] =	ssyncset.s32 @!p0 $0xFFFFF086;
	s6 =	sadd.s32 @!p0 s3, s7;
	s7 =	simm.s32 @!p0 $0x108  }
0x21: {  	s3 =	sadd.s32 s3, s9;
	s6 =	sadd.s32 @!p0 $0x88, s6;
	s7 =	simm.s32 @p2 $0x1082  }
0x22: {  	[simem:s7], [sflag:s8] =	dma.local @!p0 [hbm:s6], $0xF7A  }
0x23: {  	s9 =	sor.u32 $0xD0000000, s2;
	s6 =	simm.s32 $0x108;
	_ =	swait.ge @!p0 [sflag:s8], $0x0  }
0x24: {  	s3 =	sadd.s32 $0x88, s3;
	s6 =	simm.s32 @!p1 $0x1082;
	[sflag:s4] =	ssyncset.s32 $0xFFFFF086  }
0x25: {  	[simem:s6], [sflag:s4] =	dma.local [hbm:s3], $0xF7A  }
0x26: {  	[smem:$0x3F93] =	sst s1;
	(tag) =	ssettag s2;
	_ =	strace s9  }
0x27: {  	s1 =	sld [smem:$0x3FA3]  }
0x28: {  	s2 =	sld [smem:$0x3FA4]  }
0x29: {  	s4 =	sld [smem:$0x3FA6]  }
0x2a: {  	p0 =	seq.s32 s5, $0x0;
	s5 =	sld [smem:$0x3FA7]  }
0x2b: {  	s6 =	sld [smem:$0x3FA8]  }
0x2c: {  	s7 =	sld [smem:$0x3FA9]  }
0x2d: {  	s3 =	simm.s32 $0x108;
	s8 =	sld [smem:$0x3FAA]  }
0x2e: {  	s3 =	simm.s32 @!p0 $0x1082;
	s9 =	sld [smem:$0x3FAB]  }
0x2f: {  	lr =	sadd.s32 s0, s3;
	s0 =	sld [smem:$0x3FA2]  }
0x30: {  	s3 =	sld [smem:$0x3FA5]  }
0x31: {  	[smem:$0x3FAE] =	sst s10  }
0x32: {  	s10 =	sld [smem:$0x3FAC];
	_ =	sdelay $0x3  }
0x33: {  	p0 =	seq.s32 s10, $0x1;
	s10 =	sld [smem:$0x3FAE];
	_ =	sdelay $0x3  }
0x34: {  	[smem:$0x3FAE] =	sst s10  }
0x35: {  	s10 =	sld [smem:$0x3FAD];
	_ =	sdelay $0x3  }
0x36: {  	p1 =	seq.s32 s10, $0x1;
	s10 =	sld [smem:$0x3FAE];
	_ =	sdelay $0x3  }
0x37: {  	[smem:$0x3FAE] =	sst s10  }
0x38: {  	s10 =	sld [smem:$0x3FAF]  }
0x39: {  	_ = 	snop;
	(pc) =	sbr.ind lr, $3  }
0x3a: {  	_ = 	snop  }
0x3b: {  	_ = 	snop  }
0x3c: {  	p2 =	seq.s32 s10, $0x1;
	s10 =	sld [smem:$0x3FAE]  }
0x3d: {  	_ =	shalt  }
0x3e: {  	_ =	shalt  }
0x3f: {  	_ =	shalt  }
0x40: {  	_ =	shalt  }
0x41: {  	_ =	shalt  }
0x42: {  	_ =	shalt  }
0x43: {  	_ =	shalt  }
0x44: {  	_ =	shalt  }
0x45: {  	_ =	shalt  }
0x46: {  	_ =	shalt  }
0x47: {  	_ =	shalt  }
0x48: {  	_ =	shalt  }
0x49: {  	_ =	shalt  }
0x4a: {  	_ =	shalt  }
0x4b: {  	_ =	shalt  }
0x4c: {  	_ =	shalt  }
0x4d: {  	_ =	shalt  }
0x4e: {  	_ =	shalt  }
0x4f: {  	_ =	shalt  }
0x50: {  	_ =	shalt  }
0x51: {  	_ =	shalt  }
0x52: {  	_ =	shalt  }
0x53: {  	_ =	shalt  }
0x54: {  	_ =	shalt  }
0x55: {  	_ =	shalt  }
0x56: {  	_ =	shalt  }
0x57: {  	_ =	shalt  }
0x58: {  	_ =	shalt  }
0x59: {  	_ =	shalt  }
0x5a: {  	_ =	shalt  }
0x5b: {  	_ =	shalt  }
0x5c: {  	_ =	shalt  }
0x5d: {  	_ =	shalt  }
0x5e: {  	_ =	shalt  }
0x5f: {  	_ =	shalt  }
0x60: {  	_ =	shalt  }
0x61: {  	_ =	shalt  }
0x62: {  	_ =	shalt  }
0x63: {  	_ =	shalt  }
0x64: {  	_ =	shalt  }
0x65: {  	_ =	shalt  }
0x66: {  	_ =	shalt  }
0x67: {  	_ =	shalt  }
0x68: {  	_ =	shalt  }
0x69: {  	_ =	shalt  }
0x6a: {  	_ =	shalt  }
0x6b: {  	_ =	shalt  }
0x6c: {  	_ =	shalt  }
0x6d: {  	_ =	shalt  }
0x6e: {  	_ =	shalt  }
0x6f: {  	_ =	shalt  }
0x70: {  	_ =	shalt  }
0x71: {  	_ =	shalt  }
0x72: {  	_ =	shalt  }
0x73: {  	_ =	shalt  }
0x74: {  	_ =	shalt  }
0x75: {  	_ =	shalt  }
0x76: {  	_ =	shalt  }
0x77: {  	_ =	shalt  }
0x78: {  	_ =	shalt  }
0x79: {  	_ =	shalt  }
0x7a: {  	_ =	shalt  }
0x7b: {  	_ =	shalt  }
0x7c: {  	_ =	shalt  }
0x7d: {  	_ =	shalt  }
0x7e: {  	_ =	shalt  }
0x7f: {  	_ =	shalt  }
0x80: {  	_ =	shalt  }
0x81: {  	_ =	shalt  }
0x82: {  	_ =	shalt  }
0x83: {  	_ =	shalt  }
0x84: {  	_ =	shalt  }
0x85: {  	_ =	shalt  }
0x86: {  	_ =	shalt  }
0x87: {  	_ =	shalt  }
.Lfunc_end0:
.L_simem_size_0:
called_computation.3_lowered:
.L_overlay_start_0:
0x88: {  	s2 =	sld [smem:$0x3FD9]  }
0x89: {  	s3 =	sld [smem:$0x3FFE];
	_ =	sdelay $0x1  }
0x8a: {  	s1 =	srdreg.scid  }
0x8b: {  	s0 =	sand.u32 $0x1, s1  }
0x8c: {  	s17 =	sshll.u32 s0, $0xA;
	s2 =	sadd.s32 s3, s2  }
0x8d: {  	s2 =	sadd.s32 s2, s17  }
0x8e: {  	[smem:$0x3FBA] =	sst s2  }
0x8f: {  	_ = 	snop  }
0x90: {  	(tm) =	ssettm $0x1  }
0x91: {  	s18 =	sld [smem:$0x3FFB];
	_ =	sdelay $0x3  }
0x92: {  	_ =	strace s18  }
0x93: {  	s2 =	sld [smem:$0x3FFC];
	_ =	sdelay $0x3  }
0x94: {  	_ =	strace s2  }
0x95: {  	s2 =	sld [smem:$0x3FFD];
	_ =	sdelay $0x3  }
0x96: {  	_ =	strace s2  }
0x97: {  	_ =	strace $0x8FFFFFFF  }
0x98: {  	s19 =	sld [smem:$0x3FDB];
	_ =	sdelay $0x1  }
0x99: {  	s20 =	simm.s32 $_scs_section_size  }
0x9a: {  	s4 =	simm.s32 $_size__tile_overlayer_lowered;
	s5 =	simm.s32 $_tile_overlayer_lowered  }
0x9b: {  	s6 =	simm.s32 $0x1BFF;
	s21 =	sshll.u32 s5, $0x1;
	s3 =	sadd.s32 s20, s19  }
0x9c: {  	s22 =	simm.s32 $0x0;
	s4 =	sshll.u32 s4, $0x1;
	s5 =	sadd.s32 s21, s3  }
0x9d: {  	[timem:s22], [sflag:s6] =	dma.local [hbm:s5], s4  }
0x9e: {  	_ =	swait.ge [sflag:s6], s4  }
0x9f: {  	s4 =	ssub.s32 $0x0, s4;
	[sflag:s6] =	ssyncset.done $0x0  }
0xa0: {  	[sflag:s6] =	ssyncadd.s32 s4;
	_ =	sdelay $0x1  }
0xa1: {  	s23 =	simm.s32 $0x1B8B  }
0xa2: {  	_ =	swait.ge [sflag:s23], $0x1  }
0xa3: {  	[sflag:s23] =	ssyncset.done $0x0  }
0xa4: {  	[sflag:s23] =	ssyncadd.s32 $0xFFFFFFFF  }
0xa5: {  	s4 =	sld [smem:$0x0]  }
0xa6: {  	s5 =	sand.u32 $0xFFFFFFFE, s1  }
0xa7: {  	p0 =	sne.s32 s1, s5  }
0xa8: {  	s5 =	sshll.u32 @p0 s5, $0xE  }
0xa9: {  	s5 =	sadd.s32 @p0 $0x11B8D, s5;
	s6 =	sshll.u32 @p0 s4, $0x11  }
0xaa: {  	s5 =	sor.u32 @p0 s6, s5  }
0xab: {  	[sflag:s5] =	ssyncadd.remote.s32 @p0 $0x1;
	_ =	sdelay $0x1  }
0xac: {  	s5 =	simm.s32 @p0 $0x1B8D  }
0xad: {  	_ =	swait.eq @p0 [sflag:s5], $0x1  }
0xae: {  	[sflag:s5] =	ssyncadd.s32 @p0 $0xFFFFFFFF  }
0xaf: {  	s6 =	sshll.u32 @!p0 s1, $0xE  }
0xb0: {  	s6 =	sor.u32 @!p0 $0x4000, s6;
	s5 =	simm.s32 @!p0 $0x1B8D  }
0xb1: {  	s4 =	sshll.u32 @!p0 s4, $0x11;
	s6 =	sadd.s32 @!p0 $0x11B8D, s6;
	_ =	swait.eq @!p0 [sflag:s5], $0x1  }
0xb2: {  	s4 =	sor.u32 @!p0 s4, s6;
	[sflag:s5] =	ssyncadd.s32 @!p0 $0xFFFFFFFF  }
0xb3: {  	s25 =	simm.s32 $0x1B8E;
	s24 =	sld [smem:$0x3FFE];
	[sflag:s4] =	ssyncadd.remote.s32 @!p0 $0x1  }
0xb4: {  	s26 =	simm.s32 $execute0_lowered;
	[smem:$0x3FD2] =	sst s25  }
0xb5: {  	s5 =	sshll.u32 s26, $0x1;
	_ =	strace $0x80000052;
	[dreg:$0x1] =	wrdreg $0xFFFFFFFF  }
0xb6: {  	s28 =	simm.s32 $_size_execute0_lowered;
	s3 =	sadd.s32 s3, s5;
	[dreg:$0x0] =	wrdreg $0x0  }
0xb7: {  	s5 =	sshll.u32 s28, $0x1;
	[dreg:$0x2] =	wrdreg s3  }
0xb8: {  	[dreg:$0x3] =	wrdreg s5  }
0xb9: {  	[dreg:$0x4] =	wrdreg $0xC0  }
0xba: {  	_ =	task [dreg:s22], $0x5FFFF  }
0xbb: {  	[dreg:$0x1] =	wrdreg $0xFFFFFFFF  }
0xbc: {  	[dreg:$0x0] =	wrdreg $0x60  }
0xbd: {  	[dreg:$0x2] =	wrdreg s24  }
0xbe: {  	[dreg:$0x3] =	wrdreg $0x0  }
0xbf: {  	[dreg:$0x4] =	wrdreg $0x9  }
0xc0: {  	_ =	task.clear_ibuf [dreg:s22], $0x5FFFF;
	_ =	strace $0x90000052  }
0xc1: {  	s29 =	simm.s32 $0x9;
	_ =	strace $0x80000054  }
0xc2: {  	_ =	swait.ge [sflag:s29], $0x1  }
0xc3: {  	[sflag:s29] =	ssyncadd.s32 $0xFFFFFFFF  }
0xc4: {  	_ =	strace $0x90000054  }
0xc5: {  	_ =	sfence  }
0xc6: {  	s30 =	sld [smem:$0x0];
	_ =	sdelay $0x2  }
0xc7: {  	s31 =	sshll.u32 s1, $0xD;
	s1 =	sshrl.u32 s1, $0x2  }
0xc8: {  	s4 =	sand.u32 $0x4000, s31;
	s1 =	sadd.s32 s1, s30  }
0xc9: {  	s0 =	sor.u32 s4, s0;
	s1 =	sshll.u32 s1, $0x11  }
0xca: {  	s0 =	sor.u32 s1, s0  }
0xcb: {  	s0 =	sadd.s32 $0x8F2B, s0  }
0xcc: {  	[sflag:s0] =	ssyncadd.remote.s32 $0x1  }
0xcd: {  	_ =	sfence.sel $0xFFFF  }
0xce: {  	[dreg:$0x0] =	wrdreg $0xFFFFFFFF;
	(pc) =	sbr.abs _section_cstart, $3  }
0xcf: {  	[dreg:$0x1] =	wrdreg $0xFFFFFFFF  }
0xd0: {  	_ =	task.clear_ibuf [dreg:s22], $0x2FFFF;
	_ =	strace $0x9FFFFFFF  }
0xd1: {  	(tm) =	ssettm $0x7FFFFFFF  }
tec
execute0_lowered:
.L_overlay_start_1:
0x0: {  	(tag) =	ssettag $0x1  }
0x1: {  	s0 =	rddreg [dreg:$0x0];
	s8 =	stileid.u32  }
0x2: {  	s1 =	rddreg [dreg:$0x1];
	s6 =	smul.u32 $0x5000, s8  }
0x3: {  	s3 =	srdreg.scid;
	s25 =	smul.u32 $0xA000, s8  }
0x4: {  	s2 =	simm.s32 $0x0;
	s3 =	sand.u32 $0x1, s3;
	s18 =	smul.u32 $0x50, s8  }
0x5: {  	s28 =	simm.s32 $0x138C0;
	s12 =	sor.u32 $0x10, s8;
	s11 =	smul.u32 $0x2710, s3  }
0x6: {  	s29 =	simm.s32 $0x1;
	s13 =	sor.u32 $0x20, s8;
	s26 =	smul.u32 $0xA000, s12  }
0x7: {  	s30 =	simm.s32 $0x188C0;
	s14 =	sor.u32 $0x30, s8;
	s10 =	smul.u32 $0xA000, s13  }
0x8: {  	s4 =	sadd.s32 $0x56E600, s0;
	s16 =	sor.u32 $0x40, s8;
	s15 =	smul.u32 $0xA000, s14  }
0x9: {  	s31 =	simm.s32 $0x80;
	s5 =	sadd.s32 $0x564600, s0;
	s9 =	smul.u32 $0xA000, s16  }
0xa: {  	[smem:$0x7FF] =	sst s2;
	s0 =	sadd.s32 $0xA6E600, s0;
	s12 =	smul.u32 $0x50, s12  }
0xb: {  	s17 =	sor.u32 $0x50, s8;
	s19 =	sor.u32 $0x60, s8;
	s13 =	smul.u32 $0x50, s13  }
0xc: {  	s20 =	sor.u32 $0x70, s8;
	s7 =	ssub.s32 $0x2, s3;
	s22 =	smul.u32 $0xA000, s19  }
0xd: {  	_ =	strace $0x80000053;
	s14 =	smul.u32 $0x50, s14;
	s24 =	sshrl.u32 s7, $0x1  }
0xe: {  	s16 =	smul.u32 $0x50, s16;
	p0 =	sgt.u32 s20, $0x7C;
	s3 =	ssub.s32 s7, s24  }
0xf: {  	s7 =	sshrl.u32 s25, $0x2;
	s10 =	sshrl.u32 s10, $0x2;
	s18 =	sadd.s32 s11, s18  }
0x10: {  	s12 =	sadd.s32 s11, s12;
	s13 =	sadd.s32 s11, s13;
	s25 =	smul.u32 $0x50, s19  }
0x11: {  	s21 =	sadd.s32 s11, s14;
	s23 =	sadd.s32 s11, s16;
	s16 =	smul.u32 $0xA000, s20  }
0x12: {  	s3 =	smax.u32 s3, $0x1;
	s24 =	sadd.s32 s7, s1;
	s10 =	sadd.s32 s10, s1  }
0x13: {  	s7 =	sshrl.u32 s15, $0x2;
	s15 =	smul.u32 $0xA000, s17;
	s18 =	sshll.u32 s18, $0x4  }
0x14: {  	s12 =	sshll.u32 s12, $0x4;
	s13 =	sshll.u32 s13, $0x4;
	s17 =	smul.u32 $0x50, s17  }
0x15: {  	s14 =	sshll.u32 s23, $0x4;
	[dreg:$0x3] =	wrdreg s3;
	s3 =	sshrl.u32 s26, $0x2  }
0x16: {  	s12 =	sadd.s32 s0, s12;
	s13 =	sadd.s32 s0, s13;
	s26 =	smul.u32 $0x50, s20  }
0x17: {  	s19 =	sadd.s32 s11, s25;
	s3 =	sadd.s32 s3, s1;
	[dreg:$0x6] =	wrdreg s12  }
0x18: {  	[dreg:$0x7] =	wrdreg s13;
	s13 =	sshll.u32 s21, $0x4;
	s12 =	sadd.s32 s11, s17  }
0x19: {  	s25 =	sshll.u32 s19, $0x4;
	s17 =	sshrl.u32 s15, $0x2;
	s19 =	sadd.s32 s7, s1  }
0x1a: {  	s7 =	simm.s32 $0x13940;
	[dreg:$0x4] =	wrdreg s3;
	s3 =	sshrl.u32 s9, $0x2  }
0x1b: {  	s9 =	sadd.s32 s0, s18;
	s13 =	sadd.s32 s0, s13;
	s18 =	sadd.s32 s0, s14  }
0x1c: {  	s12 =	sshll.u32 s12, $0x4;
	s21 =	sadd.s32 s11, s26;
	[dreg:$0x5] =	wrdreg s9  }
0x1d: {  	v0 =	vmov s11;
	s14 =	sadd.s32 s0, s25;
	s11 =	simm.s32 $0x4;
	[dreg:$0x8] =	wrdreg s13  }
0x1e: {  	[dreg:$0x9] =	wrdreg s18;
	s23 =	sadd.s32 s0, s12;
	s26 =	sshll.u32 s21, $0x4  }
0x1f: {  	[dreg:$0xb] =	wrdreg s14;
	s18 =	smul.u32 $0x50000, s8;
	s20 =	sadd.s32 s3, s1  }
0x20: {  	s21 =	sadd.s32 s17, s1;
	s3 =	simm.s32 $0x3;
	s12 =	simm.s32 $0x6  }
.Ltmp0:
0x21: {  	[dreg:$0xa] =	wrdreg s23;
	s0 =	sadd.s32 s0, s26;
	(pc) =	sbr.rel .LBB2_1-.Ltmp0, $4  }
0x22: {  	s13 =	simm.s32 $0x0;
	s23 =	sshrl.u32 s22, $0x2;
	[dreg:$0xc] =	wrdreg s0  }
0x23: {  	s0 =	sshrl.u32 s16, $0x2;
	s25 =	sadd.s32 s18, s4;
	s22 =	sadd.s32 s23, s1  }
0x24: {  	s23 =	sadd.s32 s0, s1;
	s26 =	sadd.s32 $0x2000, s25;
	s25 =	simm.s32 $0x148C0  }
0x25: {  	v1 =	vimm.f32 $0.0e+00;
	s0 =	simm.s32 $0x2;
	[dreg:$0xd] =	wrdreg s26;
	s26 =	simm.s32 $0x5  }
.LBB2_11:
0x26: {  	[bflag:$0x0] =	sbarrier.arrive $0xFFFF  }
0x27: {  	[tilespmem:s25], [sflag:$0x6] =	stream.linear.gather [spmem:s9], $0x2800, $0x38;
	[tilespmem:$0x1C8C0] =	vst v63  }
0x28: {  	_ =	swait.ge [sflag:s12], $0x2800  }
0x29: {  	[sflag:s12] =	ssyncset.done $0x0  }
0x2a: {  	s8 =	rddreg [dreg:$0x5];
	[sflag:s12] =	ssyncadd.s32 $0xFFFFD800  }
0x2b: {  	[hbm4b:s8+s2] =	stream.linear.scatter [tilespmem:s25], [sflag:$0x5], $0x2800, $0x38;
	[tilespmem:$0x1C8C0] =	vst v63  }
0x2c: {  	_ =	swait.ge [sflag:s26], $0x2800  }
0x2d: {  	[sflag:s26] =	ssyncset.done $0x0  }
0x2e: {  	s17 =	rddreg [dreg:$0x4];
	[sflag:s26] =	ssyncadd.s32 $0xFFFFD800  }
0x2f: {  	[tilespmem:s25], [sflag:$0x6] =	stream.linear.gather [spmem:s17], $0x2800, $0x38;
	[tilespmem:$0x1C8C0] =	vst v63  }
0x30: {  	_ =	swait.ge [sflag:s12], $0x2800  }
0x31: {  	[sflag:s12] =	ssyncset.done $0x0  }
0x32: {  	s18 =	rddreg [dreg:$0x6];
	[sflag:s12] =	ssyncadd.s32 $0xFFFFD800  }
0x33: {  	[hbm4b:s18+s2] =	stream.linear.scatter [tilespmem:s25], [sflag:$0x5], $0x2800, $0x38;
	[tilespmem:$0x1C8C0] =	vst v63  }
0x34: {  	_ =	swait.ge [sflag:s26], $0x2800  }
0x35: {  	[sflag:s26] =	ssyncset.done $0x0  }
0x36: {  	[sflag:s26] =	ssyncadd.s32 $0xFFFFD800  }
0x37: {  	[tilespmem:s25], [sflag:$0x6] =	stream.linear.gather [spmem:s10], $0x2800, $0x38;
	[tilespmem:$0x1C8C0] =	vst v63  }
0x38: {  	_ =	swait.ge [sflag:s12], $0x2800  }
0x39: {  	[sflag:s12] =	ssyncset.done $0x0  }
0x3a: {  	s24 =	smov.u32 s9;
	s9 =	rddreg [dreg:$0x7];
	[sflag:s12] =	ssyncadd.s32 $0xFFFFD800  }
0x3b: {  	[hbm4b:s9+s2] =	stream.linear.scatter [tilespmem:s25], [sflag:$0x5], $0x2800, $0x38;
	[tilespmem:$0x1C8C0] =	vst v63  }
0x3c: {  	_ =	swait.ge [sflag:s26], $0x2800  }
0x3d: {  	[sflag:s26] =	ssyncset.done $0x0  }
0x3e: {  	[sflag:s26] =	ssyncadd.s32 $0xFFFFD800  }
0x3f: {  	[tilespmem:s25], [sflag:$0x6] =	stream.linear.gather [spmem:s19], $0x2800, $0x38;
	[tilespmem:$0x1C8C0] =	vst v63  }
0x40: {  	_ =	swait.ge [sflag:s12], $0x2800  }
0x41: {  	[sflag:s12] =	ssyncset.done $0x0  }
0x42: {  	s14 =	rddreg [dreg:$0x8];
	[sflag:s12] =	ssyncadd.s32 $0xFFFFD800  }
0x43: {  	[hbm4b:s14+s2] =	stream.linear.scatter [tilespmem:s25], [sflag:$0x5], $0x2800, $0x38;
	[tilespmem:$0x1C8C0] =	vst v63  }
0x44: {  	_ =	swait.ge [sflag:s26], $0x2800  }
0x45: {  	[sflag:s26] =	ssyncset.done $0x0  }
0x46: {  	[sflag:s26] =	ssyncadd.s32 $0xFFFFD800  }
0x47: {  	[tilespmem:s25], [sflag:$0x6] =	stream.linear.gather [spmem:s20], $0x2800, $0x38;
	[tilespmem:$0x1C8C0] =	vst v63  }
0x48: {  	_ =	swait.ge [sflag:s12], $0x2800  }
0x49: {  	[sflag:s12] =	ssyncset.done $0x0  }
0x4a: {  	s15 =	rddreg [dreg:$0x9];
	[sflag:s12] =	ssyncadd.s32 $0xFFFFD800  }
0x4b: {  	[hbm4b:s15+s2] =	stream.linear.scatter [tilespmem:s25], [sflag:$0x5], $0x2800, $0x38;
	[tilespmem:$0x1C8C0] =	vst v63  }
0x4c: {  	_ =	swait.ge [sflag:s26], $0x2800  }
0x4d: {  	[sflag:s26] =	ssyncset.done $0x0  }
0x4e: {  	[sflag:s26] =	ssyncadd.s32 $0xFFFFD800  }
0x4f: {  	[tilespmem:s25], [sflag:$0x6] =	stream.linear.gather [spmem:s21], $0x2800, $0x38;
	[tilespmem:$0x1C8C0] =	vst v63  }
0x50: {  	_ =	swait.ge [sflag:s12], $0x2800  }
0x51: {  	[sflag:s12] =	ssyncset.done $0x0  }
0x52: {  	s16 =	rddreg [dreg:$0xa];
	[sflag:s12] =	ssyncadd.s32 $0xFFFFD800  }
0x53: {  	[hbm4b:s16+s2] =	stream.linear.scatter [tilespmem:s25], [sflag:$0x5], $0x2800, $0x38;
	[tilespmem:$0x1C8C0] =	vst v63  }
0x54: {  	_ =	swait.ge [sflag:s26], $0x2800  }
0x55: {  	[sflag:s26] =	ssyncset.done $0x0  }
0x56: {  	[sflag:s26] =	ssyncadd.s32 $0xFFFFD800  }
0x57: {  	[tilespmem:s25], [sflag:$0x6] =	stream.linear.gather [spmem:s22], $0x2800, $0x38;
	[tilespmem:$0x1C8C0] =	vst v63  }
0x58: {  	_ =	swait.ge [sflag:s12], $0x2800  }
0x59: {  	[sflag:s12] =	ssyncset.done $0x0  }
0x5a: {  	s17 =	rddreg [dreg:$0xb];
	[sflag:s12] =	ssyncadd.s32 $0xFFFFD800  }
0x5b: {  	[hbm4b:s17+s2] =	stream.linear.scatter [tilespmem:s25], [sflag:$0x5], $0x2800, $0x38;
	[tilespmem:$0x1C8C0] =	vst v63  }
0x5c: {  	_ =	swait.ge [sflag:s26], $0x2800  }
0x5d: {  	[sflag:s26] =	ssyncset.done $0x0  }
0x5e: {  	s8 =	simm.s32 @!p0 $0x148C0;
	s14 =	simm.s32 @!p0 $0x6;
	[sflag:s26] =	ssyncadd.s32 $0xFFFFD800  }
0x5f: {  	[tilespmem:s8], [sflag:$0x6] =	stream.linear.gather @!p0 [spmem:s23], $0x2800, $0x38;
	[tilespmem:$0x1C8C0] =	vst v63  }
0x60: {  	_ =	swait.ge @!p0 [sflag:s14], $0x2800  }
0x61: {  	[sflag:s14] =	ssyncset.done @!p0 $0x0  }
0x62: {  	s9 =	rddreg [dreg:$0xc];
	[sflag:s14] =	ssyncadd.s32 @!p0 $0xFFFFD800;
	s14 =	simm.s32 @!p0 $0x0  }
0x63: {  	[hbm4b:s9+s14] =	stream.linear.scatter @!p0 [tilespmem:s8], [sflag:$0x5], $0x2800, $0x38;
	[tilespmem:$0x1C8C0] =	vst v63  }
0x64: {  	s8 =	simm.s32 @!p0 $0x5  }
0x65: {  	_ =	swait.ge @!p0 [sflag:s8], $0x2800  }
0x66: {  	s13 =	sadd.s32 $0x1, s13;
	s18 =	rddreg [dreg:$0x3]  }
0x67: {  	p1 =	sne.s32 s13, s18  }
.Ltmp1:
0x68: {  	_ = 	snop;
	(pc) =	sbr.rel @!p1 .LBB2_12-.Ltmp1, $3  }
0x69: {  	_ =	sdelay $0x1  }
0x6a: {  	[sflag:s8] =	ssyncset.done @!p0 $0x0  }
0x6b: {  	[sflag:s8] =	ssyncadd.s32 @!p0 $0xFFFFD800  }
.LBB2_1:
0x6c: {  	s14 =	simm.s32 $0x0;
	s15 =	simm.s32 $0x200  }
.LBB2_2:
0x6d: {  	p1 =	sne.s32 s15, $0xFE00;
	[tilespmem:s14+$0x14930] =	vst v1  }
0x6e: {  	[tilespmem:s14+$0x148C0] =	vst v1  }
0x6f: {  	[tilespmem:s14+$0x148D0] =	vst v1  }
.Ltmp2:
0x70: {  	[tilespmem:s14+$0x148E0] =	vst v1;
	(pc) =	sbr.rel @p1 .LBB2_2-.Ltmp2, $4  }
0x71: {  	[tilespmem:s14+$0x148F0] =	vst v1  }
0x72: {  	[tilespmem:s14+$0x14900] =	vst v1  }
0x73: {  	[tilespmem:s14+$0x14910] =	vst v1  }
0x74: {  	[tilespmem:s14+$0x14920] =	vst v1;
	s14 =	sshra.s32 s15, $0x2;
	s15 =	sadd.s32 $0x200, s15  }
0x75: {  	[tilespmem:s14+$0x14930] =	vst v1  }
0x76: {  	[tilespmem:s14+$0x148C0] =	vst v1  }
0x77: {  	[tilespmem:s14+$0x148D0] =	vst v1  }
0x78: {  	[tilespmem:s14+$0x148E0] =	vst v1  }
0x79: {  	[tilespmem:s14+$0x148F0] =	vst v1  }
0x7a: {  	[tilespmem:s14+$0x14900] =	vst v1  }
0x7b: {  	[tilespmem:s14+$0x14910] =	vst v1  }
0x7c: {  	[tilespmem:s14+$0x14920] =	vst v1  }
0x7d: {  	[spmem:s24] =	stream.linear.scatter [tilespmem:s25], [sflag:$0x5], $0x2800, $0x38;
	[tilespmem:$0x1C8C0] =	vst v63  }
0x7e: {  	_ =	swait.ge [sflag:s26], $0x2800  }
0x7f: {  	[sflag:s26] =	ssyncset.done $0x0  }
0x80: {  	s8 =	rddreg [dreg:$0x4];
	[sflag:s26] =	ssyncadd.s32 $0xFFFFD800  }
0x81: {  	[spmem:s8] =	stream.linear.scatter [tilespmem:s25], [sflag:$0x5], $0x2800, $0x38;
	[tilespmem:$0x1C8C0] =	vst v63  }
0x82: {  	_ =	swait.ge [sflag:s26], $0x2800  }
0x83: {  	[sflag:s26] =	ssyncset.done $0x0  }
0x84: {  	[sflag:s26] =	ssyncadd.s32 $0xFFFFD800  }
0x85: {  	[spmem:s10] =	stream.linear.scatter [tilespmem:s25], [sflag:$0x5], $0x2800, $0x38;
	[tilespmem:$0x1C8C0] =	vst v63  }
0x86: {  	_ =	swait.ge [sflag:s26], $0x2800  }
0x87: {  	[sflag:s26] =	ssyncset.done $0x0  }
0x88: {  	[sflag:s26] =	ssyncadd.s32 $0xFFFFD800  }
0x89: {  	[spmem:s19] =	stream.linear.scatter [tilespmem:s25], [sflag:$0x5], $0x2800, $0x38;
	[tilespmem:$0x1C8C0] =	vst v63  }
0x8a: {  	_ =	swait.ge [sflag:s26], $0x2800  }
0x8b: {  	[sflag:s26] =	ssyncset.done $0x0  }
0x8c: {  	[sflag:s26] =	ssyncadd.s32 $0xFFFFD800  }
0x8d: {  	[spmem:s20] =	stream.linear.scatter [tilespmem:s25], [sflag:$0x5], $0x2800, $0x38;
	[tilespmem:$0x1C8C0] =	vst v63  }
0x8e: {  	_ =	swait.ge [sflag:s26], $0x2800  }
0x8f: {  	[sflag:s26] =	ssyncset.done $0x0  }
0x90: {  	[sflag:s26] =	ssyncadd.s32 $0xFFFFD800  }
0x91: {  	[spmem:s21] =	stream.linear.scatter [tilespmem:s25], [sflag:$0x5], $0x2800, $0x38;
	[tilespmem:$0x1C8C0] =	vst v63  }
0x92: {  	_ =	swait.ge [sflag:s26], $0x2800  }
0x93: {  	[sflag:s26] =	ssyncset.done $0x0  }
0x94: {  	[sflag:s26] =	ssyncadd.s32 $0xFFFFD800  }
0x95: {  	[spmem:s22] =	stream.linear.scatter [tilespmem:s25], [sflag:$0x5], $0x2800, $0x38;
	[tilespmem:$0x1C8C0] =	vst v63  }
0x96: {  	_ =	swait.ge [sflag:s26], $0x2800  }
0x97: {  	[sflag:s26] =	ssyncset.done $0x0  }
0x98: {  	s14 =	simm.s32 @!p0 $0x148C0;
	[sflag:s26] =	ssyncadd.s32 $0xFFFFD800  }
0x99: {  	[spmem:s23] =	stream.linear.scatter @!p0 [tilespmem:s14], [sflag:$0x5], $0x2800, $0x38;
	[tilespmem:$0x1C8C0] =	vst v63  }
0x9a: {  	s14 =	simm.s32 @!p0 $0x5  }
.Ltmp3:
0x9b: {  	_ =	swait.ge @!p0 [sflag:s14], $0x2800;
	(pc) =	sbr.rel .LBB2_4-.Ltmp3, $4  }
0x9c: {  	[sflag:s14] =	ssyncset.done @!p0 $0x0  }
0x9d: {  	[sflag:s14] =	ssyncadd.s32 @!p0 $0xFFFFD800  }
0x9e: {  	s9 =	smov.u32 s24;
	[bflag:$0x0] =	sbarrier.arrive $0xFFFF  }
0x9f: {  	s16 =	simm.s32 $0x0;
	s14 =	simm.s32 $0x0;
	s24 =	rddreg [dreg:$0xd]  }
.LBB2_8:
0xa0: {  	s8 =	sadd.s32 $0x13A40, s18  }
0xa1: {  	[spmem:s1] =	stream.indirect.scatter.add.f32 [tilespmem:s30], [sflag:$0x4], $0x80, s8, s31, $0xb8;
	[tilespmem:$0x1C8C0] =	vst v63  }
.LBB2_10:
0xa2: {  	s16 =	sadd.s32 $0x1, s16  }
0xa3: {  	p1 =	sne.s32 s16, $0x5  }
.Ltmp4:
0xa4: {  	_ = 	snop;
	(pc) =	sbr.rel @!p1 .LBB2_11-.Ltmp4, $4  }
0xa5: {  	_ = 	snop  }
0xa6: {  	_ =	swait.ge [sflag:s11], $0x4000  }
0xa7: {  	[sflag:s11] =	ssyncset.done $0x0  }
0xa8: {  	s24 =	sadd.s32 $0x10000, s24;
	[sflag:s11] =	ssyncadd.s32 $0xFFFFC000  }
.LBB2_4:
0xa9: {  	s15 =	sshll.u32 s16, $0xC  }
0xaa: {  	s17 =	sadd.s32 s6, s15  }
0xab: {  	s15 =	sshrl.u32 s17, $0x3  }
0xac: {  	s15 =	sadd.s32 s5, s15  }
0xad: {  	[tilespmem:s28], [sflag:$0x5] =	stream.linear.gather [hbm4b:s15+s14], $0x1000, $0x38;
	[tilespmem:$0x1C8C0] =	vst v63  }
0xae: {  	_ =	swait.ge [sflag:s26], $0x1000  }
0xaf: {  	[sflag:s26] =	ssyncset.done $0x0  }
0xb0: {  	s18 =	simm.s32 $0x0;
	[sflag:s26] =	ssyncadd.s32 $0xFFFFF000  }
0xb1: {  	v3 =	vld [tilespmem:s18+$0x138C0]  }
0xb2: {  	v4 =	vld [tilespmem:s18+$0x138D0]  }
0xb3: {  	v6 =	vld [tilespmem:s18+$0x138E0]  }
0xb4: {  	v5 =	vld [tilespmem:s18+$0x138F0]  }
0xb5: {  	v2 =	vld [tilespmem:s18+$0x13900]  }
0xb6: {  	v7 =	vsub.s32 v3, v0;
	v3 =	vld [tilespmem:s18+$0x13910]  }
0xb7: {  	s15 =	simm.s32 $0x200;
	v8 =	vsub.s32 v4, v0;
	v4 =	vld [tilespmem:s18+$0x13920];
	v7 =	vmin.u32 v7, $0x2710  }
.LBB2_5:
0xb8: {  	s8 =	sshra.s32 s15, $0x2;
	p1 =	sne.s32 s15, $0x3E00;
	[tilespmem:s18+$0x138C0] =	vst v7;
	v7 =	vmin.u32 v8, $0x2710;
	v6 =	vsub.s32 v6, v0;
	v8 =	vld [tilespmem:s18+$0x13930]  }
0xb9: {  	v9 =	vld [tilespmem:s8+$0x138C0];
	[tilespmem:s18+$0x138D0] =	vst v7;
	v6 =	vmin.u32 v6, $0x2710;
	v5 =	vsub.s32 v5, v0  }
0xba: {  	v10 =	vld [tilespmem:s8+$0x138D0];
	[tilespmem:s18+$0x138E0] =	vst v6;
	v5 =	vmin.u32 v5, $0x2710;
	v2 =	vsub.s32 v2, v0  }
.Ltmp5:
0xbb: {  	v6 =	vld [tilespmem:s8+$0x138E0];
	[tilespmem:s18+$0x138F0] =	vst v5;
	v2 =	vmin.u32 v2, $0x2710;
	v3 =	vsub.s32 v3, v0;
	(pc) =	sbr.rel @p1 .LBB2_5-.Ltmp5, $4  }
0xbc: {  	v5 =	vld [tilespmem:s8+$0x138F0];
	[tilespmem:s18+$0x13900] =	vst v2;
	v3 =	vmin.u32 v3, $0x2710;
	v4 =	vsub.s32 v4, v0  }
0xbd: {  	v2 =	vld [tilespmem:s8+$0x13900];
	[tilespmem:s18+$0x13910] =	vst v3;
	v4 =	vmin.u32 v4, $0x2710;
	v7 =	vsub.s32 v8, v0  }
0xbe: {  	v8 =	vsub.s32 v9, v0;
	v3 =	vld [tilespmem:s8+$0x13910];
	[tilespmem:s18+$0x13920] =	vst v4;
	v9 =	vmin.u32 v7, $0x2710  }
0xbf: {  	s15 =	sadd.s32 $0x200, s15;
	v7 =	vmin.u32 v8, $0x2710;
	v8 =	vsub.s32 v10, v0;
	v4 =	vld [tilespmem:s8+$0x13920];
	[tilespmem:s18+$0x13930] =	vst v9;
	s18 =	smov.u32 s8  }
0xc0: {  	[tilespmem:s18+$0x138C0] =	vst v7;
	v62 =	vmin.u32 v8, $0x2710;
	v6 =	vsub.s32 v6, v0;
	v63 =	vld [tilespmem:s18+$0x13930]  }
0xc1: {  	[tilespmem:s18+$0x138D0] =	vst v62;
	v6 =	vmin.u32 v6, $0x2710;
	v5 =	vsub.s32 v5, v0  }
0xc2: {  	[tilespmem:s18+$0x138E0] =	vst v6;
	v5 =	vmin.u32 v5, $0x2710;
	v2 =	vsub.s32 v2, v0  }
0xc3: {  	[tilespmem:s18+$0x138F0] =	vst v5;
	v2 =	vmin.u32 v2, $0x2710;
	v3 =	vsub.s32 v3, v0  }
0xc4: {  	[tilespmem:s18+$0x13900] =	vst v2;
	v2 =	vmin.u32 v3, $0x2710;
	v3 =	vsub.s32 v4, v0  }
0xc5: {  	[tilespmem:s18+$0x13910] =	vst v2;
	v2 =	vmin.u32 v3, $0x2710;
	v3 =	vsub.s32 v63, v0  }
0xc6: {  	s8 =	sshll.u32 s17, $0x4;
	[tilespmem:s18+$0x13920] =	vst v2;
	v2 =	vmin.u32 v3, $0x2710  }
0xc7: {  	s15 =	simm.s32 $0x0;
	s8 =	sadd.s32 s4, s8;
	[tilespmem:s18+$0x13930] =	vst v2  }
0xc8: {  	[tilespmem:s25], [sflag:$0x1] =	stream.linear.gather [hbm4b:s8+s15], $0x4000, $0x38;
	[tilespmem:$0x1C8C0] =	vst v63  }
0xc9: {  	_ =	swait.ge [sflag:s29], $0x4000  }
0xca: {  	[sflag:s29] =	ssyncset.done $0x0  }
0xcb: {  	s18 =	sadd.s32 $0x800, s8;
	[sflag:s29] =	ssyncadd.s32 $0xFFFFC000  }
0xcc: {  	[tilespmem:s30], [sflag:$0x2] =	stream.linear.gather [hbm4b:s18+s15], $0x4000, $0x38;
	[tilespmem:$0x1C8C0] =	vst v63  }
0xcd: {  	_ = 	snop  }
0xce: {  	[spmem:s1] =	stream.indirect.scatter.add.f32 [tilespmem:s25], [sflag:$0x3], $0x80, s28, s31, $0xb8;
	[tilespmem:$0x1C8C0] =	vst v63  }
0xcf: {  	_ =	swait.ge [sflag:s0], $0x4000  }
0xd0: {  	[sflag:s0] =	ssyncset.done $0x0  }
0xd1: {  	[sflag:s0] =	ssyncadd.s32 $0xFFFFC000  }
0xd2: {  	_ =	swait.ge [sflag:s3], $0x4000  }
0xd3: {  	[sflag:s3] =	ssyncset.done $0x0  }
0xd4: {  	s8 =	sadd.s32 $0x1000, s8;
	[sflag:s3] =	ssyncadd.s32 $0xFFFFC000  }
0xd5: {  	[tilespmem:s25], [sflag:$0x1] =	stream.linear.gather [hbm4b:s8+s15], $0x4000, $0x38;
	[tilespmem:$0x1C8C0] =	vst v63  }
0xd6: {  	s17 =	smov.u32 s24  }
0xd7: {  	[spmem:s1] =	stream.indirect.scatter.add.f32 [tilespmem:s30], [sflag:$0x4], $0x80, s7, s31, $0xb8;
	[tilespmem:$0x1C8C0] =	vst v63  }
.LBB2_7:
0xd8: {  	_ =	swait.ge [sflag:s29], $0x4000  }
0xd9: {  	[sflag:s29] =	ssyncset.done $0x0  }
0xda: {  	[sflag:s29] =	ssyncadd.s32 $0xFFFFC000  }
0xdb: {  	_ =	swait.ge [sflag:s11], $0x4000  }
0xdc: {  	[sflag:s11] =	ssyncset.done $0x0  }
0xdd: {  	s8 =	sadd.s32 $0xFFFFF800, s17;
	s18 =	sshra.s32 s15, $0x2;
	[sflag:s11] =	ssyncadd.s32 $0xFFFFC000  }
0xde: {  	[tilespmem:s30], [sflag:$0x2] =	stream.linear.gather [hbm4b:s8+s2], $0x4000, $0x38;
	[tilespmem:$0x1C8C0] =	vst v63  }
0xdf: {  	s8 =	sadd.s32 $0x139C0, s18  }
0xe0: {  	[spmem:s1] =	stream.indirect.scatter.add.f32 [tilespmem:s25], [sflag:$0x3], $0x80, s8, s31, $0xb8;
	[tilespmem:$0x1C8C0] =	vst v63  }
0xe1: {  	p1 =	sne.s32 s15, $0x3800;
	_ =	swait.ge [sflag:s0], $0x4000  }
.Ltmp6:
0xe2: {  	[sflag:s0] =	ssyncset.done $0x0;
	(pc) =	sbr.rel @!p1 .LBB2_8-.Ltmp6, $4  }
0xe3: {  	[sflag:s0] =	ssyncadd.s32 $0xFFFFC000  }
0xe4: {  	_ =	swait.ge [sflag:s3], $0x4000  }
0xe5: {  	[sflag:s3] =	ssyncset.done $0x0  }
0xe6: {  	[sflag:s3] =	ssyncadd.s32 $0xFFFFC000  }
0xe7: {  	s15 =	sadd.s32 $0x400, s15  }
0xe8: {  	p1 =	sne.s32 s15, $0x3C00  }
.Ltmp7:
0xe9: {  	_ = 	snop;
	(pc) =	sbr.rel @p1 .LBB2_7-.Ltmp7, $4  }
.Ltmp8:
0xea: {  	_ = 	snop;
	(pc) =	sbr.rel @!p1 .LBB2_10-.Ltmp8, $4  }
0xeb: {  	[tilespmem:s25], [sflag:$0x1] =	stream.linear.gather [hbm4b:s17+s2], $0x4000, $0x38;
	[tilespmem:$0x1C8C0] =	vst v63  }
0xec: {  	s8 =	sadd.s32 $0x13A40, s18;
	s17 =	sadd.s32 $0x1000, s17  }
0xed: {  	[spmem:s1] =	stream.indirect.scatter.add.f32 [tilespmem:s30], [sflag:$0x4], $0x80, s8, s31, $0xb8;
	[tilespmem:$0x1C8C0] =	vst v63  }
0xee: {  	_ = 	snop  }
.LBB2_12:
0xef: {  	_ =	sfence.sel $0x180000  }
0xf0: {  	[bflag:$0x0] =	sbarrier.arrive $0xFFFF  }
0xf1: {  	_ =	strace $0x90000053  }
0xf2: {  	s0 =	stileid.u32;
	[bflag:$0x2] =	sbarrier.arrive $0xFFFF  }
0xf3: {  	p0 =	sne.s32 s0, $0x0;
	s0 =	rddreg [dreg:$0x2]  }
0xf4: {  	s0 =	sadd.s32 @!p0 $0x100000, s0  }
0xf5: {  	[sflag:s0] =	ssyncadd.tile.s32 @!p0 $0x1;
	_ =	shalt  }
.Lfunc_end2:
_tile_overlayer_lowered:
.L_overlay_start_2:
0xf6: {  	(tag) =	ssettag $0x2  }
0xf7: {  	s0 =	rddreg [dreg:$0x0];
	s2 =	stileid.u32  }
0xf8: {  	s1 =	rddreg [dreg:$0x1];
	p0 =	sne.s32 s2, $0x0  }
0xf9: {  	s3 =	rddreg [dreg:$0x2];
	[bflag:$0x3] =	sbarrier.arrive $0xFFFF;
	s2 =	simm.s32 @!p0 $0x1C05  }
0xfa: {  	[timem:s3], [sflag:s2] =	dma.local @!p0 [hbm:s0], s1  }
0xfb: {  	s0 =	simm.s32 @!p0 $0x5  }
0xfc: {  	_ =	swait.ge @!p0 [sflag:s0], s1  }
0xfd: {  	s1 =	ssub.s32 @!p0 $0x0, s1;
	[sflag:s0] =	ssyncset.done @!p0 $0x0  }
0xfe: {  	[sflag:s0] =	ssyncadd.s32 @!p0 s1  }
0xff: {  	[bflag:$0x3] =	sbarrier.arrive $0xFFFF  }
0x100: {  	_ =	shalt  }

// kernel: kernel.23.cloned.1.call-start
scs
__scs_entry_jumppad:
0x0: {  	(pc) =	sbr.rel $0x88, $3  }
0x1: {  	(tag) =	ssettag $0x0;
	lr =	simm.s32 $0x1  }
0x2: {  	[smem:$0x3F93] =	sst lr;
	_ =	strace $0xD0000000  }
0x3: {  	_ = 	snop  }
0x4: {  	_ = 	snop  }
0x5: {  	_ = 	snop  }
0x6: {  	_ = 	snop  }
0x7: {  	_ = 	snop  }
__scs_overlays_trampoline_lowered:
0x8: {  	[smem:$0x3FA2] =	sst s0  }
0x9: {  	[smem:$0x3FA3] =	sst s1  }
0xa: {  	[smem:$0x3FA4] =	sst s2  }
0xb: {  	[smem:$0x3FA5] =	sst s3  }
0xc: {  	[smem:$0x3FA6] =	sst s4  }
0xd: {  	[smem:$0x3FA7] =	sst s5  }
0xe: {  	[smem:$0x3FA8] =	sst s6  }
0xf: {  	[smem:$0x3FA9] =	sst s7  }
0x10: {  	[smem:$0x3FAA] =	sst s8  }
0x11: {  	[smem:$0x3FAB] =	sst s9;
	s0 =	simm.s32 @!p0 $0x0  }
0x12: {  	s1 =	sld [smem:$0x3F91];
	s0 =	simm.s32 @p0 $0x1  }
0x13: {  	[smem:$0x3FAC] =	sst s0;
	s0 =	simm.s32 @!p1 $0x0  }
0x14: {  	s2 =	sld [smem:$0x3F90];
	s0 =	simm.s32 @p1 $0x1  }
0x15: {  	[smem:$0x3FAD] =	sst s0;
	s0 =	simm.s32 @!p2 $0x0  }
0x16: {  	s3 =	sld [smem:$0x3FDB];
	s0 =	simm.s32 @p2 $0x1  }
0x17: {  	s4 =	simm.s32 $0x1BF5;
	[smem:$0x3FAF] =	sst s0  }
0x18: {  	s0 =	sld [smem:$0x3F92];
	_ =	swait.ge [sflag:s4], $0x0  }
0x19: {  	s7 =	sld [smem:$0x3F93]  }
0x1a: {  	s8 =	sadd.s32 $0xFFFFE003, lr  }
0x1b: {  	s9 =	sadd.s32 $0xFFFFFEF7, lr;
	s5 =	simm.s32 $0xFFFFFFFF;
	p2 =	slt.u32 s8, $0xFFFFF086  }
0x1c: {  	p1 =	slt.u32 s9, $0xF7A;
	s5 =	simm.s32 @!p2 $0x0  }
0x1d: {  	s5 =	simm.s32 @p1 $0x1;
	p0 =	seq.s32 s7, s2  }
0x1e: {  	s7 =	smul.u32 @!p0 $0xF7A, s2;
	p2 =	seq.s32 @!p0 s5, $0x0  }
0x1f: {  	s9 =	smul.u32 $0xF7A, s1;
	s8 =	simm.s32 @!p0 $0x1BF5;
	p2 =	por !p2, p0  }
0x20: {  	[sflag:s8] =	ssyncset.s32 @!p0 $0xFFFFF086;
	s6 =	sadd.s32 @!p0 s3, s7;
	s7 =	simm.s32 @!p0 $0x108  }
0x21: {  	s3 =	sadd.s32 s3, s9;
	s6 =	sadd.s32 @!p0 $0x88, s6;
	s7 =	simm.s32 @p2 $0x1082  }
0x22: {  	[simem:s7], [sflag:s8] =	dma.local @!p0 [hbm:s6], $0xF7A  }
0x23: {  	s9 =	sor.u32 $0xD0000000, s2;
	s6 =	simm.s32 $0x108;
	_ =	swait.ge @!p0 [sflag:s8], $0x0  }
0x24: {  	s3 =	sadd.s32 $0x88, s3;
	s6 =	simm.s32 @!p1 $0x1082;
	[sflag:s4] =	ssyncset.s32 $0xFFFFF086  }
0x25: {  	[simem:s6], [sflag:s4] =	dma.local [hbm:s3], $0xF7A  }
0x26: {  	[smem:$0x3F93] =	sst s1;
	(tag) =	ssettag s2;
	_ =	strace s9  }
0x27: {  	s1 =	sld [smem:$0x3FA3]  }
0x28: {  	s2 =	sld [smem:$0x3FA4]  }
0x29: {  	s4 =	sld [smem:$0x3FA6]  }
0x2a: {  	p0 =	seq.s32 s5, $0x0;
	s5 =	sld [smem:$0x3FA7]  }
0x2b: {  	s6 =	sld [smem:$0x3FA8]  }
0x2c: {  	s7 =	sld [smem:$0x3FA9]  }
0x2d: {  	s3 =	simm.s32 $0x108;
	s8 =	sld [smem:$0x3FAA]  }
0x2e: {  	s3 =	simm.s32 @!p0 $0x1082;
	s9 =	sld [smem:$0x3FAB]  }
0x2f: {  	lr =	sadd.s32 s0, s3;
	s0 =	sld [smem:$0x3FA2]  }
0x30: {  	s3 =	sld [smem:$0x3FA5]  }
0x31: {  	[smem:$0x3FAE] =	sst s10  }
0x32: {  	s10 =	sld [smem:$0x3FAC];
	_ =	sdelay $0x3  }
0x33: {  	p0 =	seq.s32 s10, $0x1;
	s10 =	sld [smem:$0x3FAE];
	_ =	sdelay $0x3  }
0x34: {  	[smem:$0x3FAE] =	sst s10  }
0x35: {  	s10 =	sld [smem:$0x3FAD];
	_ =	sdelay $0x3  }
0x36: {  	p1 =	seq.s32 s10, $0x1;
	s10 =	sld [smem:$0x3FAE];
	_ =	sdelay $0x3  }
0x37: {  	[smem:$0x3FAE] =	sst s10  }
0x38: {  	s10 =	sld [smem:$0x3FAF]  }
0x39: {  	_ = 	snop;
	(pc) =	sbr.ind lr, $3  }
0x3a: {  	_ = 	snop  }
0x3b: {  	_ = 	snop  }
0x3c: {  	p2 =	seq.s32 s10, $0x1;
	s10 =	sld [smem:$0x3FAE]  }
0x3d: {  	_ =	shalt  }
0x3e: {  	_ =	shalt  }
0x3f: {  	_ =	shalt  }
0x40: {  	_ =	shalt  }
0x41: {  	_ =	shalt  }
0x42: {  	_ =	shalt  }
0x43: {  	_ =	shalt  }
0x44: {  	_ =	shalt  }
0x45: {  	_ =	shalt  }
0x46: {  	_ =	shalt  }
0x47: {  	_ =	shalt  }
0x48: {  	_ =	shalt  }
0x49: {  	_ =	shalt  }
0x4a: {  	_ =	shalt  }
0x4b: {  	_ =	shalt  }
0x4c: {  	_ =	shalt  }
0x4d: {  	_ =	shalt  }
0x4e: {  	_ =	shalt  }
0x4f: {  	_ =	shalt  }
0x50: {  	_ =	shalt  }
0x51: {  	_ =	shalt  }
0x52: {  	_ =	shalt  }
0x53: {  	_ =	shalt  }
0x54: {  	_ =	shalt  }
0x55: {  	_ =	shalt  }
0x56: {  	_ =	shalt  }
0x57: {  	_ =	shalt  }
0x58: {  	_ =	shalt  }
0x59: {  	_ =	shalt  }
0x5a: {  	_ =	shalt  }
0x5b: {  	_ =	shalt  }
0x5c: {  	_ =	shalt  }
0x5d: {  	_ =	shalt  }
0x5e: {  	_ =	shalt  }
0x5f: {  	_ =	shalt  }
0x60: {  	_ =	shalt  }
0x61: {  	_ =	shalt  }
0x62: {  	_ =	shalt  }
0x63: {  	_ =	shalt  }
0x64: {  	_ =	shalt  }
0x65: {  	_ =	shalt  }
0x66: {  	_ =	shalt  }
0x67: {  	_ =	shalt  }
0x68: {  	_ =	shalt  }
0x69: {  	_ =	shalt  }
0x6a: {  	_ =	shalt  }
0x6b: {  	_ =	shalt  }
0x6c: {  	_ =	shalt  }
0x6d: {  	_ =	shalt  }
0x6e: {  	_ =	shalt  }
0x6f: {  	_ =	shalt  }
0x70: {  	_ =	shalt  }
0x71: {  	_ =	shalt  }
0x72: {  	_ =	shalt  }
0x73: {  	_ =	shalt  }
0x74: {  	_ =	shalt  }
0x75: {  	_ =	shalt  }
0x76: {  	_ =	shalt  }
0x77: {  	_ =	shalt  }
0x78: {  	_ =	shalt  }
0x79: {  	_ =	shalt  }
0x7a: {  	_ =	shalt  }
0x7b: {  	_ =	shalt  }
0x7c: {  	_ =	shalt  }
0x7d: {  	_ =	shalt  }
0x7e: {  	_ =	shalt  }
0x7f: {  	_ =	shalt  }
0x80: {  	_ =	shalt  }
0x81: {  	_ =	shalt  }
0x82: {  	_ =	shalt  }
0x83: {  	_ =	shalt  }
0x84: {  	_ =	shalt  }
0x85: {  	_ =	shalt  }
0x86: {  	_ =	shalt  }
0x87: {  	_ =	shalt  }
.Lfunc_end0:
.L_simem_size_0:
called_computation.4_lowered:
.L_overlay_start_0:
0x88: {  	s2 =	sld [smem:$0x3FD9]  }
0x89: {  	s3 =	sld [smem:$0x3FFE];
	_ =	sdelay $0x1  }
0x8a: {  	s1 =	srdreg.scid  }
0x8b: {  	s0 =	sand.u32 $0x1, s1  }
0x8c: {  	s17 =	sshll.u32 s0, $0xA;
	s2 =	sadd.s32 s3, s2  }
0x8d: {  	s2 =	sadd.s32 s2, s17  }
0x8e: {  	[smem:$0x3FBA] =	sst s2  }
0x8f: {  	_ = 	snop  }
0x90: {  	(tm) =	ssettm $0x1  }
0x91: {  	s18 =	sld [smem:$0x3FFB];
	_ =	sdelay $0x3  }
0x92: {  	_ =	strace s18  }
0x93: {  	s2 =	sld [smem:$0x3FFC];
	_ =	sdelay $0x3  }
0x94: {  	_ =	strace s2  }
0x95: {  	s2 =	sld [smem:$0x3FFD];
	_ =	sdelay $0x3  }
0x96: {  	_ =	strace s2  }
0x97: {  	_ =	strace $0x8FFFFFFF  }
0x98: {  	s19 =	sld [smem:$0x3FDB];
	_ =	sdelay $0x1  }
0x99: {  	s20 =	simm.s32 $_scs_section_size  }
0x9a: {  	s4 =	simm.s32 $_size__tile_overlayer_lowered;
	s5 =	simm.s32 $_tile_overlayer_lowered  }
0x9b: {  	s6 =	simm.s32 $0x1BFF;
	s21 =	sshll.u32 s5, $0x1;
	s3 =	sadd.s32 s20, s19  }
0x9c: {  	s22 =	simm.s32 $0x0;
	s4 =	sshll.u32 s4, $0x1;
	s5 =	sadd.s32 s21, s3  }
0x9d: {  	[timem:s22], [sflag:s6] =	dma.local [hbm:s5], s4  }
0x9e: {  	_ =	swait.ge [sflag:s6], s4  }
0x9f: {  	s4 =	ssub.s32 $0x0, s4;
	[sflag:s6] =	ssyncset.done $0x0  }
0xa0: {  	[sflag:s6] =	ssyncadd.s32 s4;
	_ =	sdelay $0x1  }
0xa1: {  	s23 =	simm.s32 $0x1B8B  }
0xa2: {  	_ =	swait.ge [sflag:s23], $0x1  }
0xa3: {  	[sflag:s23] =	ssyncset.done $0x0  }
0xa4: {  	[sflag:s23] =	ssyncadd.s32 $0xFFFFFFFF  }
0xa5: {  	s4 =	sld [smem:$0x0]  }
0xa6: {  	s5 =	sand.u32 $0xFFFFFFFE, s1  }
0xa7: {  	p0 =	sne.s32 s1, s5  }
0xa8: {  	s5 =	sshll.u32 @p0 s5, $0xE  }
0xa9: {  	s5 =	sadd.s32 @p0 $0x11B8D, s5;
	s6 =	sshll.u32 @p0 s4, $0x11  }
0xaa: {  	s5 =	sor.u32 @p0 s6, s5  }
0xab: {  	[sflag:s5] =	ssyncadd.remote.s32 @p0 $0x1;
	_ =	sdelay $0x1  }
0xac: {  	s5 =	simm.s32 @p0 $0x1B8D  }
0xad: {  	_ =	swait.eq @p0 [sflag:s5], $0x1  }
0xae: {  	[sflag:s5] =	ssyncadd.s32 @p0 $0xFFFFFFFF  }
0xaf: {  	s6 =	sshll.u32 @!p0 s1, $0xE  }
0xb0: {  	s6 =	sor.u32 @!p0 $0x4000, s6;
	s5 =	simm.s32 @!p0 $0x1B8D  }
0xb1: {  	s4 =	sshll.u32 @!p0 s4, $0x11;
	s6 =	sadd.s32 @!p0 $0x11B8D, s6;
	_ =	swait.eq @!p0 [sflag:s5], $0x1  }
0xb2: {  	s4 =	sor.u32 @!p0 s4, s6;
	[sflag:s5] =	ssyncadd.s32 @!p0 $0xFFFFFFFF  }
0xb3: {  	s25 =	simm.s32 $0x1B8E;
	s24 =	sld [smem:$0x3FFE];
	[sflag:s4] =	ssyncadd.remote.s32 @!p0 $0x1  }
0xb4: {  	s26 =	simm.s32 $execute0_lowered;
	[smem:$0x3FD2] =	sst s25  }
0xb5: {  	s5 =	sshll.u32 s26, $0x1;
	_ =	strace $0x8000004F;
	[dreg:$0x1] =	wrdreg $0xFFFFFFFF  }
0xb6: {  	s28 =	simm.s32 $_size_execute0_lowered;
	s3 =	sadd.s32 s3, s5;
	[dreg:$0x0] =	wrdreg $0x0  }
0xb7: {  	s5 =	sshll.u32 s28, $0x1;
	[dreg:$0x2] =	wrdreg s3  }
0xb8: {  	[dreg:$0x3] =	wrdreg s5  }
0xb9: {  	[dreg:$0x4] =	wrdreg $0xC0  }
0xba: {  	_ =	task [dreg:s22], $0x5FFFF  }
0xbb: {  	[dreg:$0x1] =	wrdreg $0xFFFFFFFF  }
0xbc: {  	[dreg:$0x0] =	wrdreg $0x60  }
0xbd: {  	[dreg:$0x2] =	wrdreg s24  }
0xbe: {  	[dreg:$0x3] =	wrdreg $0xA  }
0xbf: {  	_ =	task.clear_ibuf [dreg:s22], $0x4FFFF;
	_ =	strace $0x9000004F  }
0xc0: {  	s29 =	simm.s32 $0xA;
	_ =	strace $0x80000051  }
0xc1: {  	_ =	swait.ge [sflag:s29], $0x1  }
0xc2: {  	[sflag:s29] =	ssyncadd.s32 $0xFFFFFFFF  }
0xc3: {  	_ =	strace $0x90000051  }
0xc4: {  	_ =	sfence  }
0xc5: {  	s30 =	sld [smem:$0x0];
	_ =	sdelay $0x2  }
0xc6: {  	s31 =	sshll.u32 s1, $0xD;
	s1 =	sshrl.u32 s1, $0x2  }
0xc7: {  	s4 =	sand.u32 $0x4000, s31;
	s1 =	sadd.s32 s1, s30  }
0xc8: {  	s0 =	sor.u32 s4, s0;
	s1 =	sshll.u32 s1, $0x11  }
0xc9: {  	s0 =	sor.u32 s1, s0  }
0xca: {  	s0 =	sadd.s32 $0x8F2B, s0  }
0xcb: {  	[sflag:s0] =	ssyncadd.remote.s32 $0x1  }
0xcc: {  	_ =	sfence.sel $0xFFFF  }
0xcd: {  	[dreg:$0x0] =	wrdreg $0xFFFFFFFF;
	(pc) =	sbr.abs _section_cstart, $3  }
0xce: {  	[dreg:$0x1] =	wrdreg $0xFFFFFFFF  }
0xcf: {  	_ =	task.clear_ibuf [dreg:s22], $0x2FFFF;
	_ =	strace $0x9FFFFFFF  }
0xd0: {  	(tm) =	ssettm $0x7FFFFFFF  }
0xd1: {  	_ =	shalt  }
tec
execute0_lowered:
.L_overlay_start_1:
0x0: {  	(tag) =	ssettag $0x1  }
0x1: {  	s0 =	srdreg.scid  }
0x2: {  	s4 =	rddreg [dreg:$0x0];
	s1 =	stileid.u32;
	s2 =	simm.s32 $0x0  }
0x3: {  	s15 =	simm.s32 $0x1;
	s16 =	simm.s32 $0x6800;
	s17 =	simm.s32 $0x2  }
0x4: {  	s18 =	simm.s32 $0x3;
	s19 =	simm.s32 $0x100;
	s5 =	smul.u32 $0x2800, s1  }
0x5: {  	s20 =	simm.s32 $0x4;
	s21 =	simm.s32 $0x2780;
	s28 =	smul.u32 $0x140000, s1  }
0x6: {  	s7 =	sand.u32 $0x1, s0;
	s0 =	rddreg [dreg:$0x1];
	s13 =	smul.u32 $0x28000, s1  }
0x7: {  	s22 =	simm.s32 $0x0;
	[smem:$0x7FF] =	sst s2;
	s3 =	smul.u32 $0x28000, s7  }
0x8: {  	s11 =	sadd.s32 $0x64600, s4;
	s6 =	sshll.u32 s7, $0x4;
	s12 =	smul.u32 $0x1400000, s7  }
0x9: {  	s9 =	ssub.s32 $0x2, s7;
	s30 =	smul.u32 $0x280000, s7;
	s6 =	sor.u32 s1, s6  }
0xa: {  	_ =	strace $0x80000050;
	s25 =	sshrl.u32 s9, $0x1;
	s8 =	smul.u32 $0x140000, s6  }
0xb: {  	s5 =	sadd.s32 s5, s3;
	s3 =	sadd.s32 $0x16400, s4;
	s10 =	smul.u32 $0x28000, s6  }
0xc: {  	s26 =	ssub.s32 s9, s25;
	s29 =	sadd.s32 s28, s12;
	s14 =	sadd.s32 s30, s11  }
0xd: {  	s5 =	sshrl.u32 s5, $0x3;
	s12 =	sor.u32 $0x8000, s29;
	s31 =	sadd.s32 s13, s14  }
0xe: {  	s13 =	simm.s32 $0x80;
	s14 =	simm.s32 $0x2800;
	s5 =	sadd.s32 s5, s4  }
0xf: {  	s8 =	sshrl.u32 s8, $0x3;
	s10 =	sadd.s32 s11, s10;
	s12 =	sshrl.u32 s12, $0x3  }
0x10: {  	s4 =	sadd.s32 $0xC400, s5;
	s5 =	smax.u32 s26, $0x1;
	s6 =	sadd.s32 s11, s8  }
0x11: {  	s7 =	sadd.s32 $0x800, s10;
	s9 =	sadd.s32 $0x27800, s10;
	s10 =	sadd.s32 s12, s11  }
0x12: {  	s11 =	sadd.s32 $0x1800, s31;
	s12 =	simm.s32 $0x5;
	s8 =	sadd.s32 $0x27000, s6  }
.LBB2_1:
0x13: {  	[tilespmem:s2], [sflag:$0x5] =	stream.linear.gather [hbm4b:s4+s2], $0x2800, $0x38;
	[tilespmem:$0xA800] =	vst v63  }
0x14: {  	_ =	swait.ge [sflag:s12], $0x2800  }
0x15: {  	[sflag:s12] =	ssyncset.done $0x0  }
0x16: {  	[sflag:s12] =	ssyncadd.s32 $0xFFFFD800  }
0x17: {  	[tilespmem:s14], [sflag:$0x1] =	stream.indirect.gather [hbm4b:s3+s13], $0x80, s2, s13, $0xb8;
	[tilespmem:$0xA800] =	vst v63  }
0x18: {  	_ =	swait.ge [sflag:s15], $0x4000  }
0x19: {  	[sflag:s15] =	ssyncset.done $0x0  }
0x1a: {  	[sflag:s15] =	ssyncadd.s32 $0xFFFFC000  }
0x1b: {  	[tilespmem:s16], [sflag:$0x2] =	stream.indirect.gather [hbm4b:s3+s13], $0x80, s13, s13, $0xb8;
	[tilespmem:$0xA800] =	vst v63  }
0x1c: {  	_ = 	snop  }
0x1d: {  	[hbm4b:s6+s2] =	stream.linear.scatter [tilespmem:s14], [sflag:$0x3], $0x4000, $0x38;
	[tilespmem:$0xA800] =	vst v63  }
0x1e: {  	_ =	swait.ge [sflag:s17], $0x4000  }
0x1f: {  	[sflag:s17] =	ssyncset.done $0x0  }
0x20: {  	[sflag:s17] =	ssyncadd.s32 $0xFFFFC000  }
0x21: {  	_ =	swait.ge [sflag:s18], $0x4000  }
0x22: {  	[sflag:s18] =	ssyncset.done $0x0  }
0x23: {  	[sflag:s18] =	ssyncadd.s32 $0xFFFFC000  }
0x24: {  	[tilespmem:s14], [sflag:$0x1] =	stream.indirect.gather [hbm4b:s3+s13], $0x80, s19, s13, $0xb8;
	[tilespmem:$0xA800] =	vst v63  }
0x25: {  	_ = 	snop  }
0x26: {  	[hbm4b:s7+s2] =	stream.linear.scatter [tilespmem:s16], [sflag:$0x4], $0x4000, $0x38;
	[tilespmem:$0xA800] =	vst v63  }
0x27: {  	_ =	swait.ge [sflag:s15], $0x4000  }
0x28: {  	[sflag:s15] =	ssyncset.done $0x0  }
0x29: {  	[sflag:s15] =	ssyncadd.s32 $0xFFFFC000  }
0x2a: {  	_ =	swait.ge [sflag:s20], $0x4000  }
0x2b: {  	[sflag:s20] =	ssyncset.done $0x0  }
0x2c: {  	s23 =	simm.s32 $0x180;
	[sflag:s20] =	ssyncadd.s32 $0xFFFFC000  }
0x2d: {  	[tilespmem:s16], [sflag:$0x2] =	stream.indirect.gather [hbm4b:s3+s13], $0x80, s23, s13, $0xb8;
	[tilespmem:$0xA800] =	vst v63  }
0x2e: {  	s30 =	sadd.s32 $0x0, s10  }
0x2f: {  	[hbm4b:s30+s2] =	stream.linear.scatter [tilespmem:s14], [sflag:$0x3], $0x4000, $0x38;
	[tilespmem:$0xA800] =	vst v63  }
0x30: {  	_ =	swait.ge [sflag:s17], $0x4000  }
0x31: {  	[sflag:s17] =	ssyncset.done $0x0  }
0x32: {  	[sflag:s17] =	ssyncadd.s32 $0xFFFFC000  }
0x33: {  	_ =	swait.ge [sflag:s18], $0x4000  }
0x34: {  	s31 =	simm.s32 $0x200;
	s25 =	sadd.s32 $0x0, s11;
	[sflag:s18] =	ssyncset.done $0x0  }
0x35: {  	s24 =	simm.s32 $0x300;
	s23 =	simm.s32 $0x1000;
	[sflag:s18] =	ssyncadd.s32 $0xFFFFC000  }
0x36: {  	[tilespmem:s14], [sflag:$0x1] =	stream.indirect.gather [hbm4b:s3+s13], $0x80, s31, s13, $0xb8;
	[tilespmem:$0xA800] =	vst v63  }
.LBB2_2:
0x37: {  	[hbm4b:s25+s2] =	stream.linear.scatter [tilespmem:s16], [sflag:$0x4], $0x4000, $0x38;
	[tilespmem:$0xA800] =	vst v63  }
0x38: {  	s25 =	smov.u32 s23  }
0x39: {  	p0 =	sne.s32 s23, $0x25000;
	s23 =	sadd.s32 $0x1000, s23;
	_ =	swait.ge [sflag:s15], $0x4000  }
0x3a: {  	[sflag:s15] =	ssyncset.done $0x0  }
0x3b: {  	[sflag:s15] =	ssyncadd.s32 $0xFFFFC000  }
0x3c: {  	_ =	swait.ge [sflag:s20], $0x4000  }
0x3d: {  	[sflag:s20] =	ssyncset.done $0x0  }
0x3e: {  	s26 =	sadd.s32 $0xFFFFFF80, s24;
	[sflag:s20] =	ssyncadd.s32 $0xFFFFC000  }
0x3f: {  	[tilespmem:s16], [sflag:$0x2] =	stream.indirect.gather [hbm4b:s3+s13], $0x80, s26, s13, $0xb8;
	[tilespmem:$0xA800] =	vst v63  }
0x40: {  	s26 =	sadd.s32 s25, s10  }
0x41: {  	[hbm4b:s26+s2] =	stream.linear.scatter [tilespmem:s14], [sflag:$0x3], $0x4000, $0x38;
	[tilespmem:$0xA800] =	vst v63  }
0x42: {  	_ =	swait.ge [sflag:s17], $0x4000  }
0x43: {  	[sflag:s17] =	ssyncset.done $0x0  }
0x44: {  	[sflag:s17] =	ssyncadd.s32 $0xFFFFC000  }
.Ltmp0:
0x45: {  	_ =	swait.ge [sflag:s18], $0x4000;
	(pc) =	sbr.rel @p0 .LBB2_2-.Ltmp0, $4  }
0x46: {  	[sflag:s18] =	ssyncset.done $0x0  }
0x47: {  	[sflag:s18] =	ssyncadd.s32 $0xFFFFC000  }
0x48: {  	[tilespmem:s14], [sflag:$0x1] =	stream.indirect.gather [hbm4b:s3+s13], $0x80, s24, s13, $0xb8;
	[tilespmem:$0xA800] =	vst v63  }
0x49: {  	s25 =	sadd.s32 s25, s11;
	s24 =	sadd.s32 $0x100, s24  }
0x4a: {  	[hbm4b:s25+s2] =	stream.linear.scatter [tilespmem:s16], [sflag:$0x4], $0x4000, $0x38;
	[tilespmem:$0xA800] =	vst v63  }
0x4b: {  	_ =	swait.ge [sflag:s15], $0x4000  }
0x4c: {  	[sflag:s15] =	ssyncset.done $0x0  }
0x4d: {  	[sflag:s15] =	ssyncadd.s32 $0xFFFFC000  }
0x4e: {  	_ =	swait.ge [sflag:s20], $0x4000  }
0x4f: {  	[sflag:s20] =	ssyncset.done $0x0  }
0x50: {  	[sflag:s20] =	ssyncadd.s32 $0xFFFFC000  }
0x51: {  	[tilespmem:s16], [sflag:$0x2] =	stream.indirect.gather [hbm4b:s3+s13], $0x80, s21, s13, $0xb8;
	[tilespmem:$0xA800] =	vst v63  }
0x52: {  	_ = 	snop  }
0x53: {  	[hbm4b:s8+s2] =	stream.linear.scatter [tilespmem:s14], [sflag:$0x3], $0x4000, $0x38;
	[tilespmem:$0xA800] =	vst v63  }
0x54: {  	_ =	swait.ge [sflag:s17], $0x4000  }
0x55: {  	[sflag:s17] =	ssyncset.done $0x0  }
0x56: {  	[sflag:s17] =	ssyncadd.s32 $0xFFFFC000  }
0x57: {  	s22 =	sadd.s32 $0x1, s22;
	_ =	swait.ge [sflag:s18], $0x4000  }
0x58: {  	p0 =	sne.s32 s22, s5;
	[sflag:s18] =	ssyncset.done $0x0  }
.Ltmp1:
0x59: {  	[sflag:s18] =	ssyncadd.s32 $0xFFFFC000;
	(pc) =	sbr.rel @p0 .LBB2_1-.Ltmp1, $4  }
0x5a: {  	[hbm4b:s9+s2] =	stream.linear.scatter [tilespmem:s16], [sflag:$0x4], $0x4000, $0x38;
	[tilespmem:$0xA800] =	vst v63  }
0x5b: {  	_ =	swait.ge [sflag:s20], $0x4000  }
0x5c: {  	[sflag:s20] =	ssyncset.done $0x0  }
0x5d: {  	[sflag:s20] =	ssyncadd.s32 $0xFFFFC000  }
0x5e: {  	_ =	sfence.sel $0x180000  }
0x5f: {  	[bflag:$0x0] =	sbarrier.arrive $0xFFFF  }
0x60: {  	p0 =	sne.s32 s1, $0x0;
	_ =	strace $0x90000050  }
0x61: {  	s0 =	sadd.s32 @!p0 $0x100000, s0;
	[bflag:$0x2] =	sbarrier.arrive $0xFFFF  }
0x62: {  	[sflag:s0] =	ssyncadd.tile.s32 @!p0 $0x1;
	_ =	shalt  }
.Lfunc_end2:
_tile_overlayer_lowered:
.L_overlay_start_2:
0x63: {  	(tag) =	ssettag $0x2  }
0x64: {  	s0 =	rddreg [dreg:$0x0];
	s2 =	stileid.u32  }
0x65: {  	s1 =	rddreg [dreg:$0x1];
	p0 =	sne.s32 s2, $0x0  }
0x66: {  	s3 =	rddreg [dreg:$0x2];
	[bflag:$0x3] =	sbarrier.arrive $0xFFFF;
	s2 =	simm.s32 @!p0 $0x1C05  }
0x67: {  	[timem:s3], [sflag:s2] =	dma.local @!p0 [hbm:s0], s1  }
0x68: {  	s0 =	simm.s32 @!p0 $0x5  }
0x69: {  	_ =	swait.ge @!p0 [sflag:s0], s1  }
0x6a: {  	s1 =	ssub.s32 @!p0 $0x0, s1;
	[sflag:s0] =	ssyncset.done @!p0 $0x0  }
0x6b: {  	[sflag:s0] =	ssyncadd.s32 @!p0 s1  }
0x6c: {  	[bflag:$0x3] =	sbarrier.arrive $0xFFFF  }
0x6d: {  	_ =	shalt  }

// kernel: kernel.26.cloned.1.call-start
scs
__scs_entry_jumppad:
0x0: {  	(pc) =	sbr.rel $0x88, $3  }
0x1: {  	(tag) =	ssettag $0x0;
	lr =	simm.s32 $0x1  }
0x2: {  	[smem:$0x3F93] =	sst lr;
	_ =	strace $0xD0000000  }
0x3: {  	_ = 	snop  }
0x4: {  	_ = 	snop  }
0x5: {  	_ = 	snop  }
0x6: {  	_ = 	snop  }
0x7: {  	_ = 	snop  }
__scs_overlays_trampoline_lowered:
0x8: {  	[smem:$0x3FA2] =	sst s0  }
0x9: {  	[smem:$0x3FA3] =	sst s1  }
0xa: {  	[smem:$0x3FA4] =	sst s2  }
0xb: {  	[smem:$0x3FA5] =	sst s3  }
0xc: {  	[smem:$0x3FA6] =	sst s4  }
0xd: {  	[smem:$0x3FA7] =	sst s5  }
0xe: {  	[smem:$0x3FA8] =	sst s6  }
0xf: {  	[smem:$0x3FA9] =	sst s7  }
0x10: {  	[smem:$0x3FAA] =	sst s8  }
0x11: {  	[smem:$0x3FAB] =	sst s9;
	s0 =	simm.s32 @!p0 $0x0  }
0x12: {  	s1 =	sld [smem:$0x3F91];
	s0 =	simm.s32 @p0 $0x1  }
0x13: {  	[smem:$0x3FAC] =	sst s0;
	s0 =	simm.s32 @!p1 $0x0  }
0x14: {  	s2 =	sld [smem:$0x3F90];
	s0 =	simm.s32 @p1 $0x1  }
0x15: {  	[smem:$0x3FAD] =	sst s0;
	s0 =	simm.s32 @!p2 $0x0  }
0x16: {  	s3 =	sld [smem:$0x3FDB];
	s0 =	simm.s32 @p2 $0x1  }
0x17: {  	s4 =	simm.s32 $0x1BF5;
	[smem:$0x3FAF] =	sst s0  }
0x18: {  	s0 =	sld [smem:$0x3F92];
	_ =	swait.ge [sflag:s4], $0x0  }
0x19: {  	s7 =	sld [smem:$0x3F93]  }
0x1a: {  	s8 =	sadd.s32 $0xFFFFE003, lr  }
0x1b: {  	s9 =	sadd.s32 $0xFFFFFEF7, lr;
	s5 =	simm.s32 $0xFFFFFFFF;
	p2 =	slt.u32 s8, $0xFFFFF086  }
0x1c: {  	p1 =	slt.u32 s9, $0xF7A;
	s5 =	simm.s32 @!p2 $0x0  }
0x1d: {  	s5 =	simm.s32 @p1 $0x1;
	p0 =	seq.s32 s7, s2  }
0x1e: {  	s7 =	smul.u32 @!p0 $0xF7A, s2;
	p2 =	seq.s32 @!p0 s5, $0x0  }
0x1f: {  	s9 =	smul.u32 $0xF7A, s1;
	s8 =	simm.s32 @!p0 $0x1BF5;
	p2 =	por !p2, p0  }
0x20: {  	[sflag:s8] =	ssyncset.s32 @!p0 $0xFFFFF086;
	s6 =	sadd.s32 @!p0 s3, s7;
	s7 =	simm.s32 @!p0 $0x108  }
0x21: {  	s3 =	sadd.s32 s3, s9;
	s6 =	sadd.s32 @!p0 $0x88, s6;
	s7 =	simm.s32 @p2 $0x1082  }
0x22: {  	[simem:s7], [sflag:s8] =	dma.local @!p0 [hbm:s6], $0xF7A  }
0x23: {  	s9 =	sor.u32 $0xD0000000, s2;
	s6 =	simm.s32 $0x108;
	_ =	swait.ge @!p0 [sflag:s8], $0x0  }
0x24: {  	s3 =	sadd.s32 $0x88, s3;
	s6 =	simm.s32 @!p1 $0x1082;
	[sflag:s4] =	ssyncset.s32 $0xFFFFF086  }
0x25: {  	[simem:s6], [sflag:s4] =	dma.local [hbm:s3], $0xF7A  }
0x26: {  	[smem:$0x3F93] =	sst s1;
	(tag) =	ssettag s2;
	_ =	strace s9  }
0x27: {  	s1 =	sld [smem:$0x3FA3]  }
0x28: {  	s2 =	sld [smem:$0x3FA4]  }
0x29: {  	s4 =	sld [smem:$0x3FA6]  }
0x2a: {  	p0 =	seq.s32 s5, $0x0;
	s5 =	sld [smem:$0x3FA7]  }
0x2b: {  	s6 =	sld [smem:$0x3FA8]  }
0x2c: {  	s7 =	sld [smem:$0x3FA9]  }
0x2d: {  	s3 =	simm.s32 $0x108;
	s8 =	sld [smem:$0x3FAA]  }
0x2e: {  	s3 =	simm.s32 @!p0 $0x1082;
	s9 =	sld [smem:$0x3FAB]  }
0x2f: {  	lr =	sadd.s32 s0, s3;
	s0 =	sld [smem:$0x3FA2]  }
0x30: {  	s3 =	sld [smem:$0x3FA5]  }
0x31: {  	[smem:$0x3FAE] =	sst s10  }
0x32: {  	s10 =	sld [smem:$0x3FAC];
	_ =	sdelay $0x3  }
0x33: {  	p0 =	seq.s32 s10, $0x1;
	s10 =	sld [smem:$0x3FAE];
	_ =	sdelay $0x3  }
0x34: {  	[smem:$0x3FAE] =	sst s10  }
0x35: {  	s10 =	sld [smem:$0x3FAD];
	_ =	sdelay $0x3  }
0x36: {  	p1 =	seq.s32 s10, $0x1;
	s10 =	sld [smem:$0x3FAE];
	_ =	sdelay $0x3  }
0x37: {  	[smem:$0x3FAE] =	sst s10  }
0x38: {  	s10 =	sld [smem:$0x3FAF]  }
0x39: {  	_ = 	snop;
	(pc) =	sbr.ind lr, $3  }
0x3a: {  	_ = 	snop  }
0x3b: {  	_ = 	snop  }
0x3c: {  	p2 =	seq.s32 s10, $0x1;
	s10 =	sld [smem:$0x3FAE]  }
0x3d: {  	_ =	shalt  }
0x3e: {  	_ =	shalt  }
0x3f: {  	_ =	shalt  }
0x40: {  	_ =	shalt  }
0x41: {  	_ =	shalt  }
0x42: {  	_ =	shalt  }
0x43: {  	_ =	shalt  }
0x44: {  	_ =	shalt  }
0x45: {  	_ =	shalt  }
0x46: {  	_ =	shalt  }
0x47: {  	_ =	shalt  }
0x48: {  	_ =	shalt  }
0x49: {  	_ =	shalt  }
0x4a: {  	_ =	shalt  }
0x4b: {  	_ =	shalt  }
0x4c: {  	_ =	shalt  }
0x4d: {  	_ =	shalt  }
0x4e: {  	_ =	shalt  }
0x4f: {  	_ =	shalt  }
0x50: {  	_ =	shalt  }
0x51: {  	_ =	shalt  }
0x52: {  	_ =	shalt  }
0x53: {  	_ =	shalt  }
0x54: {  	_ =	shalt  }
0x55: {  	_ =	shalt  }
0x56: {  	_ =	shalt  }
0x57: {  	_ =	shalt  }
0x58: {  	_ =	shalt  }
0x59: {  	_ =	shalt  }
0x5a: {  	_ =	shalt  }
0x5b: {  	_ =	shalt  }
0x5c: {  	_ =	shalt  }
0x5d: {  	_ =	shalt  }
0x5e: {  	_ =	shalt  }
0x5f: {  	_ =	shalt  }
0x60: {  	_ =	shalt  }
0x61: {  	_ =	shalt  }
0x62: {  	_ =	shalt  }
0x63: {  	_ =	shalt  }
0x64: {  	_ =	shalt  }
0x65: {  	_ =	shalt  }
0x66: {  	_ =	shalt  }
0x67: {  	_ =	shalt  }
0x68: {  	_ =	shalt  }
0x69: {  	_ =	shalt  }
0x6a: {  	_ =	shalt  }
0x6b: {  	_ =	shalt  }
0x6c: {  	_ =	shalt  }
0x6d: {  	_ =	shalt  }
0x6e: {  	_ =	shalt  }
0x6f: {  	_ =	shalt  }
0x70: {  	_ =	shalt  }
0x71: {  	_ =	shalt  }
0x72: {  	_ =	shalt  }
0x73: {  	_ =	shalt  }
0x74: {  	_ =	shalt  }
0x75: {  	_ =	shalt  }
0x76: {  	_ =	shalt  }
0x77: {  	_ =	shalt  }
0x78: {  	_ =	shalt  }
0x79: {  	_ =	shalt  }
0x7a: {  	_ =	shalt  }
0x7b: {  	_ =	shalt  }
0x7c: {  	_ =	shalt  }
0x7d: {  	_ =	shalt  }
0x7e: {  	_ =	shalt  }
0x7f: {  	_ =	shalt  }
0x80: {  	_ =	shalt  }
0x81: {  	_ =	shalt  }
0x82: {  	_ =	shalt  }
0x83: {  	_ =	shalt  }
0x84: {  	_ =	shalt  }
0x85: {  	_ =	shalt  }
0x86: {  	_ =	shalt  }
0x87: {  	_ =	shalt  }
.Lfunc_end0:
.L_simem_size_0:
called_computation.5_lowered:
.L_overlay_start_0:
0x88: {  	s2 =	sld [smem:$0x3FD9]  }
0x89: {  	s3 =	sld [smem:$0x3FFE];
	_ =	sdelay $0x1  }
0x8a: {  	s1 =	srdreg.scid  }
0x8b: {  	s0 =	sand.u32 $0x1, s1  }
0x8c: {  	s17 =	sshll.u32 s0, $0xA;
	s2 =	sadd.s32 s3, s2  }
0x8d: {  	s2 =	sadd.s32 s2, s17  }
0x8e: {  	[smem:$0x3FBA] =	sst s2  }
0x8f: {  	_ = 	snop  }
0x90: {  	(tm) =	ssettm $0x1  }
0x91: {  	s18 =	sld [smem:$0x3FFB];
	_ =	sdelay $0x3  }
0x92: {  	_ =	strace s18  }
0x93: {  	s2 =	sld [smem:$0x3FFC];
	_ =	sdelay $0x3  }
0x94: {  	_ =	strace s2  }
0x95: {  	s2 =	sld [smem:$0x3FFD];
	_ =	sdelay $0x3  }
0x96: {  	_ =	strace s2  }
0x97: {  	_ =	strace $0x8FFFFFFF  }
0x98: {  	s19 =	sld [smem:$0x3FDB];
	_ =	sdelay $0x1  }
0x99: {  	s20 =	simm.s32 $_scs_section_size  }
0x9a: {  	s4 =	simm.s32 $_size__tile_overlayer_lowered;
	s5 =	simm.s32 $_tile_overlayer_lowered  }
0x9b: {  	s6 =	simm.s32 $0x1BFF;
	s21 =	sshll.u32 s5, $0x1;
	s3 =	sadd.s32 s20, s19  }
0x9c: {  	s22 =	simm.s32 $0x0;
	s4 =	sshll.u32 s4, $0x1;
	s5 =	sadd.s32 s21, s3  }
0x9d: {  	[timem:s22], [sflag:s6] =	dma.local [hbm:s5], s4  }
0x9e: {  	_ =	swait.ge [sflag:s6], s4  }
0x9f: {  	s4 =	ssub.s32 $0x0, s4;
	[sflag:s6] =	ssyncset.done $0x0  }
0xa0: {  	[sflag:s6] =	ssyncadd.s32 s4;
	_ =	sdelay $0x1  }
0xa1: {  	s23 =	simm.s32 $0x1B8B  }
0xa2: {  	_ =	swait.ge [sflag:s23], $0x1  }
0xa3: {  	[sflag:s23] =	ssyncset.done $0x0  }
0xa4: {  	[sflag:s23] =	ssyncadd.s32 $0xFFFFFFFF  }
0xa5: {  	s4 =	sld [smem:$0x0]  }
0xa6: {  	s5 =	sand.u32 $0xFFFFFFFE, s1  }
0xa7: {  	p0 =	sne.s32 s1, s5  }
0xa8: {  	s5 =	sshll.u32 @p0 s5, $0xE  }
0xa9: {  	s5 =	sadd.s32 @p0 $0x11B8D, s5;
	s6 =	sshll.u32 @p0 s4, $0x11  }
0xaa: {  	s5 =	sor.u32 @p0 s6, s5  }
0xab: {  	[sflag:s5] =	ssyncadd.remote.s32 @p0 $0x1;
	_ =	sdelay $0x1  }
0xac: {  	s5 =	simm.s32 @p0 $0x1B8D  }
0xad: {  	_ =	swait.eq @p0 [sflag:s5], $0x1  }
0xae: {  	[sflag:s5] =	ssyncadd.s32 @p0 $0xFFFFFFFF  }
0xaf: {  	s6 =	sshll.u32 @!p0 s1, $0xE  }
0xb0: {  	s6 =	sor.u32 @!p0 $0x4000, s6;
	s5 =	simm.s32 @!p0 $0x1B8D  }
0xb1: {  	s4 =	sshll.u32 @!p0 s4, $0x11;
	s6 =	sadd.s32 @!p0 $0x11B8D, s6;
	_ =	swait.eq @!p0 [sflag:s5], $0x1  }
0xb2: {  	s4 =	sor.u32 @!p0 s4, s6;
	[sflag:s5] =	ssyncadd.s32 @!p0 $0xFFFFFFFF  }
0xb3: {  	s25 =	simm.s32 $0x1B8E;
	s24 =	sld [smem:$0x3FFE];
	[sflag:s4] =	ssyncadd.remote.s32 @!p0 $0x1  }
0xb4: {  	s26 =	simm.s32 $execute0_lowered;
	[smem:$0x3FD2] =	sst s25  }
0xb5: {  	s5 =	sshll.u32 s26, $0x1;
	_ =	strace $0x80000055;
	[dreg:$0x1] =	wrdreg $0xFFFFFFFF  }
0xb6: {  	s28 =	simm.s32 $_size_execute0_lowered;
	s3 =	sadd.s32 s3, s5;
	[dreg:$0x0] =	wrdreg $0x0  }
0xb7: {  	s5 =	sshll.u32 s28, $0x1;
	[dreg:$0x2] =	wrdreg s3  }
0xb8: {  	[dreg:$0x3] =	wrdreg s5  }
0xb9: {  	[dreg:$0x4] =	wrdreg $0xC0  }
0xba: {  	_ =	task [dreg:s22], $0x5FFFF  }
0xbb: {  	[dreg:$0x1] =	wrdreg $0xFFFFFFFF  }
0xbc: {  	[dreg:$0x0] =	wrdreg $0x60  }
0xbd: {  	[dreg:$0x2] =	wrdreg s24  }
0xbe: {  	[dreg:$0x3] =	wrdreg $0x0  }
0xbf: {  	[dreg:$0x4] =	wrdreg $0xA  }
0xc0: {  	_ =	task.clear_ibuf [dreg:s22], $0x5FFFF;
	_ =	strace $0x90000055  }
0xc1: {  	s29 =	simm.s32 $0xA;
	_ =	strace $0x80000057  }
0xc2: {  	_ =	swait.ge [sflag:s29], $0x1  }
0xc3: {  	[sflag:s29] =	ssyncadd.s32 $0xFFFFFFFF  }
0xc4: {  	_ =	strace $0x90000057  }
0xc5: {  	_ =	sfence  }
0xc6: {  	s30 =	sld [smem:$0x0];
	_ =	sdelay $0x2  }
0xc7: {  	s31 =	sshll.u32 s1, $0xD;
	s1 =	sshrl.u32 s1, $0x2  }
0xc8: {  	s4 =	sand.u32 $0x4000, s31;
	s1 =	sadd.s32 s1, s30  }
0xc9: {  	s0 =	sor.u32 s4, s0;
	s1 =	sshll.u32 s1, $0x11  }
0xca: {  	s0 =	sor.u32 s1, s0  }
0xcb: {  	s0 =	sadd.s32 $0x8F2B, s0  }
0xcc: {  	[sflag:s0] =	ssyncadd.remote.s32 $0x1  }
0xcd: {  	_ =	sfence.sel $0xFFFF  }
0xce: {  	[dreg:$0x0] =	wrdreg $0xFFFFFFFF;
	(pc) =	sbr.abs _section_cstart, $3  }
0xcf: {  	[dreg:$0x1] =	wrdreg $0xFFFFFFFF  }
0xd0: {  	_ =	task.clear_ibuf [dreg:s22], $0x2FFFF;
	_ =	strace $0x9FFFFFFF  }
0xd1: {  	(tm) =	ssettm $0x7FFFFFFF  }
tec
execute0_lowered:
.L_overlay_start_1:
0x0: {  	(tag) =	ssettag $0x1  }
0x1: {  	s0 =	rddreg [dreg:$0x0];
	s8 =	stileid.u32  }
0x2: {  	s1 =	rddreg [dreg:$0x1];
	s6 =	smul.u32 $0x5000, s8  }
0x3: {  	s3 =	srdreg.scid;
	s25 =	smul.u32 $0xA000, s8  }
0x4: {  	s2 =	simm.s32 $0x0;
	s3 =	sand.u32 $0x1, s3;
	s18 =	smul.u32 $0x50, s8  }
0x5: {  	s28 =	simm.s32 $0x138C0;
	s12 =	sor.u32 $0x10, s8;
	s11 =	smul.u32 $0x2710, s3  }
0x6: {  	s29 =	simm.s32 $0x1;
	s13 =	sor.u32 $0x20, s8;
	s26 =	smul.u32 $0xA000, s12  }
0x7: {  	s30 =	simm.s32 $0x188C0;
	s14 =	sor.u32 $0x30, s8;
	s10 =	smul.u32 $0xA000, s13  }
0x8: {  	s31 =	simm.s32 $0x80;
	s16 =	sor.u32 $0x40, s8;
	s15 =	smul.u32 $0xA000, s14  }
0x9: {  	[smem:$0x7FF] =	sst s2;
	s4 =	sadd.s32 $0x64600, s0;
	s9 =	smul.u32 $0xA000, s16  }
0xa: {  	s5 =	sadd.s32 $0x564600, s0;
	s0 =	sadd.s32 $0x2600, s0;
	s12 =	smul.u32 $0x50, s12  }
0xb: {  	s17 =	sor.u32 $0x50, s8;
	s19 =	sor.u32 $0x60, s8;
	s13 =	smul.u32 $0x50, s13  }
0xc: {  	s20 =	sor.u32 $0x70, s8;
	s7 =	ssub.s32 $0x2, s3;
	s22 =	smul.u32 $0xA000, s19  }
0xd: {  	_ =	strace $0x80000056;
	s14 =	smul.u32 $0x50, s14;
	s24 =	sshrl.u32 s7, $0x1  }
0xe: {  	s16 =	smul.u32 $0x50, s16;
	p0 =	sgt.u32 s20, $0x7C;
	s3 =	ssub.s32 s7, s24  }
0xf: {  	s7 =	sshrl.u32 s25, $0x2;
	s10 =	sshrl.u32 s10, $0x2;
	s18 =	sadd.s32 s11, s18  }
0x10: {  	s12 =	sadd.s32 s11, s12;
	s13 =	sadd.s32 s11, s13;
	s25 =	smul.u32 $0x50, s19  }
0x11: {  	s21 =	sadd.s32 s11, s14;
	s23 =	sadd.s32 s11, s16;
	s16 =	smul.u32 $0xA000, s20  }
0x12: {  	s3 =	smax.u32 s3, $0x1;
	s24 =	sadd.s32 s7, s1;
	s10 =	sadd.s32 s10, s1  }
0x13: {  	s7 =	sshrl.u32 s15, $0x2;
	s15 =	smul.u32 $0xA000, s17;
	s18 =	sshll.u32 s18, $0x4  }
0x14: {  	s12 =	sshll.u32 s12, $0x4;
	s13 =	sshll.u32 s13, $0x4;
	s17 =	smul.u32 $0x50, s17  }
0x15: {  	s14 =	sshll.u32 s23, $0x4;
	[dreg:$0x3] =	wrdreg s3;
	s3 =	sshrl.u32 s26, $0x2  }
0x16: {  	s12 =	sadd.s32 s0, s12;
	s13 =	sadd.s32 s0, s13;
	s26 =	smul.u32 $0x50, s20  }
0x17: {  	s19 =	sadd.s32 s11, s25;
	s3 =	sadd.s32 s3, s1;
	[dreg:$0x6] =	wrdreg s12  }
0x18: {  	[dreg:$0x7] =	wrdreg s13;
	s13 =	sshll.u32 s21, $0x4;
	s12 =	sadd.s32 s11, s17  }
0x19: {  	s25 =	sshll.u32 s19, $0x4;
	s17 =	sshrl.u32 s15, $0x2;
	s19 =	sadd.s32 s7, s1  }
0x1a: {  	s7 =	simm.s32 $0x13940;
	[dreg:$0x4] =	wrdreg s3;
	s3 =	sshrl.u32 s9, $0x2  }
0x1b: {  	s9 =	sadd.s32 s0, s18;
	s13 =	sadd.s32 s0, s13;
	s18 =	sadd.s32 s0, s14  }
0x1c: {  	s12 =	sshll.u32 s12, $0x4;
	s21 =	sadd.s32 s11, s26;
	[dreg:$0x5] =	wrdreg s9  }
0x1d: {  	v0 =	vmov s11;
	s14 =	sadd.s32 s0, s25;
	s11 =	simm.s32 $0x4;
	[dreg:$0x8] =	wrdreg s13  }
0x1e: {  	[dreg:$0x9] =	wrdreg s18;
	s23 =	sadd.s32 s0, s12;
	s26 =	sshll.u32 s21, $0x4  }
0x1f: {  	[dreg:$0xb] =	wrdreg s14;
	s18 =	smul.u32 $0x50000, s8;
	s20 =	sadd.s32 s3, s1  }
0x20: {  	s21 =	sadd.s32 s17, s1;
	s3 =	simm.s32 $0x3;
	s12 =	simm.s32 $0x6  }
.Ltmp0:
0x21: {  	[dreg:$0xa] =	wrdreg s23;
	s0 =	sadd.s32 s0, s26;
	(pc) =	sbr.rel .LBB2_1-.Ltmp0, $4  }
0x22: {  	s13 =	simm.s32 $0x0;
	s23 =	sshrl.u32 s22, $0x2;
	[dreg:$0xc] =	wrdreg s0  }
0x23: {  	s0 =	sshrl.u32 s16, $0x2;
	s25 =	sadd.s32 s18, s4;
	s22 =	sadd.s32 s23, s1  }
0x24: {  	s23 =	sadd.s32 s0, s1;
	s26 =	sadd.s32 $0x2000, s25;
	s25 =	simm.s32 $0x148C0  }
0x25: {  	v1 =	vimm.f32 $0.0e+00;
	s0 =	simm.s32 $0x2;
	[dreg:$0xd] =	wrdreg s26;
	s26 =	simm.s32 $0x5  }
.LBB2_11:
0x26: {  	[bflag:$0x0] =	sbarrier.arrive $0xFFFF  }
0x27: {  	[tilespmem:s25], [sflag:$0x6] =	stream.linear.gather [spmem:s9], $0x2800, $0x38;
	[tilespmem:$0x1C8C0] =	vst v63  }
0x28: {  	_ =	swait.ge [sflag:s12], $0x2800  }
0x29: {  	[sflag:s12] =	ssyncset.done $0x0  }
0x2a: {  	s8 =	rddreg [dreg:$0x5];
	[sflag:s12] =	ssyncadd.s32 $0xFFFFD800  }
0x2b: {  	[hbm4b:s8+s2] =	stream.linear.scatter [tilespmem:s25], [sflag:$0x5], $0x2800, $0x38;
	[tilespmem:$0x1C8C0] =	vst v63  }
0x2c: {  	_ =	swait.ge [sflag:s26], $0x2800  }
0x2d: {  	[sflag:s26] =	ssyncset.done $0x0  }
0x2e: {  	s17 =	rddreg [dreg:$0x4];
	[sflag:s26] =	ssyncadd.s32 $0xFFFFD800  }
0x2f: {  	[tilespmem:s25], [sflag:$0x6] =	stream.linear.gather [spmem:s17], $0x2800, $0x38;
	[tilespmem:$0x1C8C0] =	vst v63  }
0x30: {  	_ =	swait.ge [sflag:s12], $0x2800  }
0x31: {  	[sflag:s12] =	ssyncset.done $0x0  }
0x32: {  	s18 =	rddreg [dreg:$0x6];
	[sflag:s12] =	ssyncadd.s32 $0xFFFFD800  }
0x33: {  	[hbm4b:s18+s2] =	stream.linear.scatter [tilespmem:s25], [sflag:$0x5], $0x2800, $0x38;
	[tilespmem:$0x1C8C0] =	vst v63  }
0x34: {  	_ =	swait.ge [sflag:s26], $0x2800  }
0x35: {  	[sflag:s26] =	ssyncset.done $0x0  }
0x36: {  	[sflag:s26] =	ssyncadd.s32 $0xFFFFD800  }
0x37: {  	[tilespmem:s25], [sflag:$0x6] =	stream.linear.gather [spmem:s10], $0x2800, $0x38;
	[tilespmem:$0x1C8C0] =	vst v63  }
0x38: {  	_ =	swait.ge [sflag:s12], $0x2800  }
0x39: {  	[sflag:s12] =	ssyncset.done $0x0  }
0x3a: {  	s24 =	smov.u32 s9;
	s9 =	rddreg [dreg:$0x7];
	[sflag:s12] =	ssyncadd.s32 $0xFFFFD800  }
0x3b: {  	[hbm4b:s9+s2] =	stream.linear.scatter [tilespmem:s25], [sflag:$0x5], $0x2800, $0x38;
	[tilespmem:$0x1C8C0] =	vst v63  }
0x3c: {  	_ =	swait.ge [sflag:s26], $0x2800  }
0x3d: {  	[sflag:s26] =	ssyncset.done $0x0  }
0x3e: {  	[sflag:s26] =	ssyncadd.s32 $0xFFFFD800  }
0x3f: {  	[tilespmem:s25], [sflag:$0x6] =	stream.linear.gather [spmem:s19], $0x2800, $0x38;
	[tilespmem:$0x1C8C0] =	vst v63  }
0x40: {  	_ =	swait.ge [sflag:s12], $0x2800  }
0x41: {  	[sflag:s12] =	ssyncset.done $0x0  }
0x42: {  	s14 =	rddreg [dreg:$0x8];
	[sflag:s12] =	ssyncadd.s32 $0xFFFFD800  }
0x43: {  	[hbm4b:s14+s2] =	stream.linear.scatter [tilespmem:s25], [sflag:$0x5], $0x2800, $0x38;
	[tilespmem:$0x1C8C0] =	vst v63  }
0x44: {  	_ =	swait.ge [sflag:s26], $0x2800  }
0x45: {  	[sflag:s26] =	ssyncset.done $0x0  }
0x46: {  	[sflag:s26] =	ssyncadd.s32 $0xFFFFD800  }
0x47: {  	[tilespmem:s25], [sflag:$0x6] =	stream.linear.gather [spmem:s20], $0x2800, $0x38;
	[tilespmem:$0x1C8C0] =	vst v63  }
0x48: {  	_ =	swait.ge [sflag:s12], $0x2800  }
0x49: {  	[sflag:s12] =	ssyncset.done $0x0  }
0x4a: {  	s15 =	rddreg [dreg:$0x9];
	[sflag:s12] =	ssyncadd.s32 $0xFFFFD800  }
0x4b: {  	[hbm4b:s15+s2] =	stream.linear.scatter [tilespmem:s25], [sflag:$0x5], $0x2800, $0x38;
	[tilespmem:$0x1C8C0] =	vst v63  }
0x4c: {  	_ =	swait.ge [sflag:s26], $0x2800  }
0x4d: {  	[sflag:s26] =	ssyncset.done $0x0  }
0x4e: {  	[sflag:s26] =	ssyncadd.s32 $0xFFFFD800  }
0x4f: {  	[tilespmem:s25], [sflag:$0x6] =	stream.linear.gather [spmem:s21], $0x2800, $0x38;
	[tilespmem:$0x1C8C0] =	vst v63  }
0x50: {  	_ =	swait.ge [sflag:s12], $0x2800  }
0x51: {  	[sflag:s12] =	ssyncset.done $0x0  }
0x52: {  	s16 =	rddreg [dreg:$0xa];
	[sflag:s12] =	ssyncadd.s32 $0xFFFFD800  }
0x53: {  	[hbm4b:s16+s2] =	stream.linear.scatter [tilespmem:s25], [sflag:$0x5], $0x2800, $0x38;
	[tilespmem:$0x1C8C0] =	vst v63  }
0x54: {  	_ =	swait.ge [sflag:s26], $0x2800  }
0x55: {  	[sflag:s26] =	ssyncset.done $0x0  }
0x56: {  	[sflag:s26] =	ssyncadd.s32 $0xFFFFD800  }
0x57: {  	[tilespmem:s25], [sflag:$0x6] =	stream.linear.gather [spmem:s22], $0x2800, $0x38;
	[tilespmem:$0x1C8C0] =	vst v63  }
0x58: {  	_ =	swait.ge [sflag:s12], $0x2800  }
0x59: {  	[sflag:s12] =	ssyncset.done $0x0  }
0x5a: {  	s17 =	rddreg [dreg:$0xb];
	[sflag:s12] =	ssyncadd.s32 $0xFFFFD800  }
0x5b: {  	[hbm4b:s17+s2] =	stream.linear.scatter [tilespmem:s25], [sflag:$0x5], $0x2800, $0x38;
	[tilespmem:$0x1C8C0] =	vst v63  }
0x5c: {  	_ =	swait.ge [sflag:s26], $0x2800  }
0x5d: {  	[sflag:s26] =	ssyncset.done $0x0  }
0x5e: {  	s8 =	simm.s32 @!p0 $0x148C0;
	s14 =	simm.s32 @!p0 $0x6;
	[sflag:s26] =	ssyncadd.s32 $0xFFFFD800  }
0x5f: {  	[tilespmem:s8], [sflag:$0x6] =	stream.linear.gather @!p0 [spmem:s23], $0x2800, $0x38;
	[tilespmem:$0x1C8C0] =	vst v63  }
0x60: {  	_ =	swait.ge @!p0 [sflag:s14], $0x2800  }
0x61: {  	[sflag:s14] =	ssyncset.done @!p0 $0x0  }
0x62: {  	s9 =	rddreg [dreg:$0xc];
	[sflag:s14] =	ssyncadd.s32 @!p0 $0xFFFFD800;
	s14 =	simm.s32 @!p0 $0x0  }
0x63: {  	[hbm4b:s9+s14] =	stream.linear.scatter @!p0 [tilespmem:s8], [sflag:$0x5], $0x2800, $0x38;
	[tilespmem:$0x1C8C0] =	vst v63  }
0x64: {  	s8 =	simm.s32 @!p0 $0x5  }
0x65: {  	_ =	swait.ge @!p0 [sflag:s8], $0x2800  }
0x66: {  	s13 =	sadd.s32 $0x1, s13;
	s18 =	rddreg [dreg:$0x3]  }
0x67: {  	p1 =	sne.s32 s13, s18  }
.Ltmp1:
0x68: {  	_ = 	snop;
	(pc) =	sbr.rel @!p1 .LBB2_12-.Ltmp1, $3  }
0x69: {  	_ =	sdelay $0x1  }
0x6a: {  	[sflag:s8] =	ssyncset.done @!p0 $0x0  }
0x6b: {  	[sflag:s8] =	ssyncadd.s32 @!p0 $0xFFFFD800  }
.LBB2_1:
0x6c: {  	s14 =	simm.s32 $0x0;
	s15 =	simm.s32 $0x200  }
.LBB2_2:
0x6d: {  	p1 =	sne.s32 s15, $0xFE00;
	[tilespmem:s14+$0x14930] =	vst v1  }
0x6e: {  	[tilespmem:s14+$0x148C0] =	vst v1  }
0x6f: {  	[tilespmem:s14+$0x148D0] =	vst v1  }
.Ltmp2:
0x70: {  	[tilespmem:s14+$0x148E0] =	vst v1;
	(pc) =	sbr.rel @p1 .LBB2_2-.Ltmp2, $4  }
0x71: {  	[tilespmem:s14+$0x148F0] =	vst v1  }
0x72: {  	[tilespmem:s14+$0x14900] =	vst v1  }
0x73: {  	[tilespmem:s14+$0x14910] =	vst v1  }
0x74: {  	[tilespmem:s14+$0x14920] =	vst v1;
	s14 =	sshra.s32 s15, $0x2;
	s15 =	sadd.s32 $0x200, s15  }
0x75: {  	[tilespmem:s14+$0x14930] =	vst v1  }
0x76: {  	[tilespmem:s14+$0x148C0] =	vst v1  }
0x77: {  	[tilespmem:s14+$0x148D0] =	vst v1  }
0x78: {  	[tilespmem:s14+$0x148E0] =	vst v1  }
0x79: {  	[tilespmem:s14+$0x148F0] =	vst v1  }
0x7a: {  	[tilespmem:s14+$0x14900] =	vst v1  }
0x7b: {  	[tilespmem:s14+$0x14910] =	vst v1  }
0x7c: {  	[tilespmem:s14+$0x14920] =	vst v1  }
0x7d: {  	[spmem:s24] =	stream.linear.scatter [tilespmem:s25], [sflag:$0x5], $0x2800, $0x38;
	[tilespmem:$0x1C8C0] =	vst v63  }
0x7e: {  	_ =	swait.ge [sflag:s26], $0x2800  }
0x7f: {  	[sflag:s26] =	ssyncset.done $0x0  }
0x80: {  	s8 =	rddreg [dreg:$0x4];
	[sflag:s26] =	ssyncadd.s32 $0xFFFFD800  }
0x81: {  	[spmem:s8] =	stream.linear.scatter [tilespmem:s25], [sflag:$0x5], $0x2800, $0x38;
	[tilespmem:$0x1C8C0] =	vst v63  }
0x82: {  	_ =	swait.ge [sflag:s26], $0x2800  }
0x83: {  	[sflag:s26] =	ssyncset.done $0x0  }
0x84: {  	[sflag:s26] =	ssyncadd.s32 $0xFFFFD800  }
0x85: {  	[spmem:s10] =	stream.linear.scatter [tilespmem:s25], [sflag:$0x5], $0x2800, $0x38;
	[tilespmem:$0x1C8C0] =	vst v63  }
0x86: {  	_ =	swait.ge [sflag:s26], $0x2800  }
0x87: {  	[sflag:s26] =	ssyncset.done $0x0  }
0x88: {  	[sflag:s26] =	ssyncadd.s32 $0xFFFFD800  }
0x89: {  	[spmem:s19] =	stream.linear.scatter [tilespmem:s25], [sflag:$0x5], $0x2800, $0x38;
	[tilespmem:$0x1C8C0] =	vst v63  }
0x8a: {  	_ =	swait.ge [sflag:s26], $0x2800  }
0x8b: {  	[sflag:s26] =	ssyncset.done $0x0  }
0x8c: {  	[sflag:s26] =	ssyncadd.s32 $0xFFFFD800  }
0x8d: {  	[spmem:s20] =	stream.linear.scatter [tilespmem:s25], [sflag:$0x5], $0x2800, $0x38;
	[tilespmem:$0x1C8C0] =	vst v63  }
0x8e: {  	_ =	swait.ge [sflag:s26], $0x2800  }
0x8f: {  	[sflag:s26] =	ssyncset.done $0x0  }
0x90: {  	[sflag:s26] =	ssyncadd.s32 $0xFFFFD800  }
0x91: {  	[spmem:s21] =	stream.linear.scatter [tilespmem:s25], [sflag:$0x5], $0x2800, $0x38;
	[tilespmem:$0x1C8C0] =	vst v63  }
0x92: {  	_ =	swait.ge [sflag:s26], $0x2800  }
0x93: {  	[sflag:s26] =	ssyncset.done $0x0  }
0x94: {  	[sflag:s26] =	ssyncadd.s32 $0xFFFFD800  }
0x95: {  	[spmem:s22] =	stream.linear.scatter [tilespmem:s25], [sflag:$0x5], $0x2800, $0x38;
	[tilespmem:$0x1C8C0] =	vst v63  }
0x96: {  	_ =	swait.ge [sflag:s26], $0x2800  }
0x97: {  	[sflag:s26] =	ssyncset.done $0x0  }
0x98: {  	s14 =	simm.s32 @!p0 $0x148C0;
	[sflag:s26] =	ssyncadd.s32 $0xFFFFD800  }
0x99: {  	[spmem:s23] =	stream.linear.scatter @!p0 [tilespmem:s14], [sflag:$0x5], $0x2800, $0x38;
	[tilespmem:$0x1C8C0] =	vst v63  }
0x9a: {  	s14 =	simm.s32 @!p0 $0x5  }
.Ltmp3:
0x9b: {  	_ =	swait.ge @!p0 [sflag:s14], $0x2800;
	(pc) =	sbr.rel .LBB2_4-.Ltmp3, $4  }
0x9c: {  	[sflag:s14] =	ssyncset.done @!p0 $0x0  }
0x9d: {  	[sflag:s14] =	ssyncadd.s32 @!p0 $0xFFFFD800  }
0x9e: {  	s9 =	smov.u32 s24;
	[bflag:$0x0] =	sbarrier.arrive $0xFFFF  }
0x9f: {  	s16 =	simm.s32 $0x0;
	s14 =	simm.s32 $0x0;
	s24 =	rddreg [dreg:$0xd]  }
.LBB2_8:
0xa0: {  	s8 =	sadd.s32 $0x13A40, s18  }
0xa1: {  	[spmem:s1] =	stream.indirect.scatter.add.f32 [tilespmem:s30], [sflag:$0x4], $0x80, s8, s31, $0xb8;
	[tilespmem:$0x1C8C0] =	vst v63  }
.LBB2_10:
0xa2: {  	s16 =	sadd.s32 $0x1, s16  }
0xa3: {  	p1 =	sne.s32 s16, $0x5  }
.Ltmp4:
0xa4: {  	_ = 	snop;
	(pc) =	sbr.rel @!p1 .LBB2_11-.Ltmp4, $4  }
0xa5: {  	_ = 	snop  }
0xa6: {  	_ =	swait.ge [sflag:s11], $0x4000  }
0xa7: {  	[sflag:s11] =	ssyncset.done $0x0  }
0xa8: {  	s24 =	sadd.s32 $0x10000, s24;
	[sflag:s11] =	ssyncadd.s32 $0xFFFFC000  }
.LBB2_4:
0xa9: {  	s15 =	sshll.u32 s16, $0xC  }
0xaa: {  	s17 =	sadd.s32 s6, s15  }
0xab: {  	s15 =	sshrl.u32 s17, $0x3  }
0xac: {  	s15 =	sadd.s32 s5, s15  }
0xad: {  	[tilespmem:s28], [sflag:$0x5] =	stream.linear.gather [hbm4b:s15+s14], $0x1000, $0x38;
	[tilespmem:$0x1C8C0] =	vst v63  }
0xae: {  	_ =	swait.ge [sflag:s26], $0x1000  }
0xaf: {  	[sflag:s26] =	ssyncset.done $0x0  }
0xb0: {  	s18 =	simm.s32 $0x0;
	[sflag:s26] =	ssyncadd.s32 $0xFFFFF000  }
0xb1: {  	v3 =	vld [tilespmem:s18+$0x138C0]  }
0xb2: {  	v4 =	vld [tilespmem:s18+$0x138D0]  }
0xb3: {  	v6 =	vld [tilespmem:s18+$0x138E0]  }
0xb4: {  	v5 =	vld [tilespmem:s18+$0x138F0]  }
0xb5: {  	v2 =	vld [tilespmem:s18+$0x13900]  }
0xb6: {  	v7 =	vsub.s32 v3, v0;
	v3 =	vld [tilespmem:s18+$0x13910]  }
0xb7: {  	s15 =	simm.s32 $0x200;
	v8 =	vsub.s32 v4, v0;
	v4 =	vld [tilespmem:s18+$0x13920];
	v7 =	vmin.u32 v7, $0x2710  }
.LBB2_5:
0xb8: {  	s8 =	sshra.s32 s15, $0x2;
	p1 =	sne.s32 s15, $0x3E00;
	[tilespmem:s18+$0x138C0] =	vst v7;
	v7 =	vmin.u32 v8, $0x2710;
	v6 =	vsub.s32 v6, v0;
	v8 =	vld [tilespmem:s18+$0x13930]  }
0xb9: {  	v9 =	vld [tilespmem:s8+$0x138C0];
	[tilespmem:s18+$0x138D0] =	vst v7;
	v6 =	vmin.u32 v6, $0x2710;
	v5 =	vsub.s32 v5, v0  }
0xba: {  	v10 =	vld [tilespmem:s8+$0x138D0];
	[tilespmem:s18+$0x138E0] =	vst v6;
	v5 =	vmin.u32 v5, $0x2710;
	v2 =	vsub.s32 v2, v0  }
.Ltmp5:
0xbb: {  	v6 =	vld [tilespmem:s8+$0x138E0];
	[tilespmem:s18+$0x138F0] =	vst v5;
	v2 =	vmin.u32 v2, $0x2710;
	v3 =	vsub.s32 v3, v0;
	(pc) =	sbr.rel @p1 .LBB2_5-.Ltmp5, $4  }
0xbc: {  	v5 =	vld [tilespmem:s8+$0x138F0];
	[tilespmem:s18+$0x13900] =	vst v2;
	v3 =	vmin.u32 v3, $0x2710;
	v4 =	vsub.s32 v4, v0  }
0xbd: {  	v2 =	vld [tilespmem:s8+$0x13900];
	[tilespmem:s18+$0x13910] =	vst v3;
	v4 =	vmin.u32 v4, $0x2710;
	v7 =	vsub.s32 v8, v0  }
0xbe: {  	v8 =	vsub.s32 v9, v0;
	v3 =	vld [tilespmem:s8+$0x13910];
	[tilespmem:s18+$0x13920] =	vst v4;
	v9 =	vmin.u32 v7, $0x2710  }
0xbf: {  	s15 =	sadd.s32 $0x200, s15;
	v7 =	vmin.u32 v8, $0x2710;
	v8 =	vsub.s32 v10, v0;
	v4 =	vld [tilespmem:s8+$0x13920];
	[tilespmem:s18+$0x13930] =	vst v9;
	s18 =	smov.u32 s8  }
0xc0: {  	[tilespmem:s18+$0x138C0] =	vst v7;
	v62 =	vmin.u32 v8, $0x2710;
	v6 =	vsub.s32 v6, v0;
	v63 =	vld [tilespmem:s18+$0x13930]  }
0xc1: {  	[tilespmem:s18+$0x138D0] =	vst v62;
	v6 =	vmin.u32 v6, $0x2710;
	v5 =	vsub.s32 v5, v0  }
0xc2: {  	[tilespmem:s18+$0x138E0] =	vst v6;
	v5 =	vmin.u32 v5, $0x2710;
	v2 =	vsub.s32 v2, v0  }
0xc3: {  	[tilespmem:s18+$0x138F0] =	vst v5;
	v2 =	vmin.u32 v2, $0x2710;
	v3 =	vsub.s32 v3, v0  }
0xc4: {  	[tilespmem:s18+$0x13900] =	vst v2;
	v2 =	vmin.u32 v3, $0x2710;
	v3 =	vsub.s32 v4, v0  }
0xc5: {  	[tilespmem:s18+$0x13910] =	vst v2;
	v2 =	vmin.u32 v3, $0x2710;
	v3 =	vsub.s32 v63, v0  }
0xc6: {  	s8 =	sshll.u32 s17, $0x4;
	[tilespmem:s18+$0x13920] =	vst v2;
	v2 =	vmin.u32 v3, $0x2710  }
0xc7: {  	s15 =	simm.s32 $0x0;
	s8 =	sadd.s32 s4, s8;
	[tilespmem:s18+$0x13930] =	vst v2  }
0xc8: {  	[tilespmem:s25], [sflag:$0x1] =	stream.linear.gather [hbm4b:s8+s15], $0x4000, $0x38;
	[tilespmem:$0x1C8C0] =	vst v63  }
0xc9: {  	_ =	swait.ge [sflag:s29], $0x4000  }
0xca: {  	[sflag:s29] =	ssyncset.done $0x0  }
0xcb: {  	s18 =	sadd.s32 $0x800, s8;
	[sflag:s29] =	ssyncadd.s32 $0xFFFFC000  }
0xcc: {  	[tilespmem:s30], [sflag:$0x2] =	stream.linear.gather [hbm4b:s18+s15], $0x4000, $0x38;
	[tilespmem:$0x1C8C0] =	vst v63  }
0xcd: {  	_ = 	snop  }
0xce: {  	[spmem:s1] =	stream.indirect.scatter.add.f32 [tilespmem:s25], [sflag:$0x3], $0x80, s28, s31, $0xb8;
	[tilespmem:$0x1C8C0] =	vst v63  }
0xcf: {  	_ =	swait.ge [sflag:s0], $0x4000  }
0xd0: {  	[sflag:s0] =	ssyncset.done $0x0  }
0xd1: {  	[sflag:s0] =	ssyncadd.s32 $0xFFFFC000  }
0xd2: {  	_ =	swait.ge [sflag:s3], $0x4000  }
0xd3: {  	[sflag:s3] =	ssyncset.done $0x0  }
0xd4: {  	s8 =	sadd.s32 $0x1000, s8;
	[sflag:s3] =	ssyncadd.s32 $0xFFFFC000  }
0xd5: {  	[tilespmem:s25], [sflag:$0x1] =	stream.linear.gather [hbm4b:s8+s15], $0x4000, $0x38;
	[tilespmem:$0x1C8C0] =	vst v63  }
0xd6: {  	s17 =	smov.u32 s24  }
0xd7: {  	[spmem:s1] =	stream.indirect.scatter.add.f32 [tilespmem:s30], [sflag:$0x4], $0x80, s7, s31, $0xb8;
	[tilespmem:$0x1C8C0] =	vst v63  }
.LBB2_7:
0xd8: {  	_ =	swait.ge [sflag:s29], $0x4000  }
0xd9: {  	[sflag:s29] =	ssyncset.done $0x0  }
0xda: {  	[sflag:s29] =	ssyncadd.s32 $0xFFFFC000  }
0xdb: {  	_ =	swait.ge [sflag:s11], $0x4000  }
0xdc: {  	[sflag:s11] =	ssyncset.done $0x0  }
0xdd: {  	s8 =	sadd.s32 $0xFFFFF800, s17;
	s18 =	sshra.s32 s15, $0x2;
	[sflag:s11] =	ssyncadd.s32 $0xFFFFC000  }
0xde: {  	[tilespmem:s30], [sflag:$0x2] =	stream.linear.gather [hbm4b:s8+s2], $0x4000, $0x38;
	[tilespmem:$0x1C8C0] =	vst v63  }
0xdf: {  	s8 =	sadd.s32 $0x139C0, s18  }
0xe0: {  	[spmem:s1] =	stream.indirect.scatter.add.f32 [tilespmem:s25], [sflag:$0x3], $0x80, s8, s31, $0xb8;
	[tilespmem:$0x1C8C0] =	vst v63  }
0xe1: {  	p1 =	sne.s32 s15, $0x3800;
	_ =	swait.ge [sflag:s0], $0x4000  }
.Ltmp6:
0xe2: {  	[sflag:s0] =	ssyncset.done $0x0;
	(pc) =	sbr.rel @!p1 .LBB2_8-.Ltmp6, $4  }
0xe3: {  	[sflag:s0] =	ssyncadd.s32 $0xFFFFC000  }
0xe4: {  	_ =	swait.ge [sflag:s3], $0x4000  }
0xe5: {  	[sflag:s3] =	ssyncset.done $0x0  }
0xe6: {  	[sflag:s3] =	ssyncadd.s32 $0xFFFFC000  }
0xe7: {  	s15 =	sadd.s32 $0x400, s15  }
0xe8: {  	p1 =	sne.s32 s15, $0x3C00  }
.Ltmp7:
0xe9: {  	_ = 	snop;
	(pc) =	sbr.rel @p1 .LBB2_7-.Ltmp7, $4  }
.Ltmp8:
0xea: {  	_ = 	snop;
	(pc) =	sbr.rel @!p1 .LBB2_10-.Ltmp8, $4  }
0xeb: {  	[tilespmem:s25], [sflag:$0x1] =	stream.linear.gather [hbm4b:s17+s2], $0x4000, $0x38;
	[tilespmem:$0x1C8C0] =	vst v63  }
0xec: {  	s8 =	sadd.s32 $0x13A40, s18;
	s17 =	sadd.s32 $0x1000, s17  }
0xed: {  	[spmem:s1] =	stream.indirect.scatter.add.f32 [tilespmem:s30], [sflag:$0x4], $0x80, s8, s31, $0xb8;
	[tilespmem:$0x1C8C0] =	vst v63  }
0xee: {  	_ = 	snop  }
.LBB2_12:
0xef: {  	_ =	sfence.sel $0x180000  }
0xf0: {  	[bflag:$0x0] =	sbarrier.arrive $0xFFFF  }
0xf1: {  	_ =	strace $0x90000056  }
0xf2: {  	s0 =	stileid.u32;
	[bflag:$0x2] =	sbarrier.arrive $0xFFFF  }
0xf3: {  	p0 =	sne.s32 s0, $0x0;
	s0 =	rddreg [dreg:$0x2]  }
0xf4: {  	s0 =	sadd.s32 @!p0 $0x100000, s0  }
0xf5: {  	[sflag:s0] =	ssyncadd.tile.s32 @!p0 $0x1;
	_ =	shalt  }
.Lfunc_end2:
_tile_overlayer_lowered:
.L_overlay_start_2:
0xf6: {  	(tag) =	ssettag $0x2  }
0xf7: {  	s0 =	rddreg [dreg:$0x0];
	s2 =	stileid.u32  }
0xf8: {  	s1 =	rddreg [dreg:$0x1];
	p0 =	sne.s32 s2, $0x0  }
0xf9: {  	s3 =	rddreg [dreg:$0x2];
	[bflag:$0x3] =	sbarrier.arrive $0xFFFF;
	s2 =	simm.s32 @!p0 $0x1C05  }
0xfa: {  	[timem:s3], [sflag:s2] =	dma.local @!p0 [hbm:s0], s1  }
0xfb: {  	s0 =	simm.s32 @!p0 $0x5  }
0xfc: {  	_ =	swait.ge @!p0 [sflag:s0], s1  }
0xfd: {  	s1 =	ssub.s32 @!p0 $0x0, s1;
	[sflag:s0] =	ssyncset.done @!p0 $0x0  }
0xfe: {  	[sflag:s0] =	ssyncadd.s32 @!p0 s1  }
0xff: {  	[bflag:$0x3] =	sbarrier.arrive $0xFFFF  }
0x100: {  	_ =	shalt  }

</sc_bundles>
